<compile_context>
chip_gen: v7x
topology: tpu7x:2x2x1
jax: 0.10.2.dev20260603
libtpu: 0.0.44.dev20260713+nightly
codegen_flags: <defaults>
</compile_context>

<pallas_src>
import functools

import jax
import jax.numpy as jnp
from jax import lax
from jax.experimental import pallas as pl
from jax.experimental.pallas import tpu as pltpu
from jax.experimental.pallas import tpu_sc as plsc

N = 10000
F_IN = 256
H_DIM = 256
E = 160000

NC = 2
NS = 16
L = 16

NPAD = 10240
NSC = 10112
EPAD = 172032
EB = 128
ERT = EPAD // NS // EB
ERW = EPAD // (NC * NS) // EB
NT = NPAD // NS
NTS = NSC // NS
NCHUNK = 6
CW = 128


@functools.lru_cache(maxsize=1)
def _mesh():
    return plsc.VectorSubcoreMesh(core_axis_name="c", subcore_axis_name="s")


def _rsqrt16(v):
    i = lax.bitcast_convert_type(v, jnp.int32)
    y = lax.bitcast_convert_type(jnp.int32(0x5F3759DF) - (i >> 1), jnp.float32)
    for _ in range(3):
        y = y * (1.5 - 0.5 * v * y * y)
    return y


def _k1_body(col_h, w_h, roww_h, ww_h, dinv_h, ep_h,
             colv, wv, zb, degt, dinvloc, dinvfull, rowv2, wv2, epv2,
             deg_sp, dinv_sp):
    c = lax.axis_index("c")
    s = lax.axis_index("s")

    pltpu.sync_copy(col_h.at[s], colv)
    pltpu.sync_copy(w_h.at[s], wv)

    zero = jnp.zeros((L,), jnp.float32)
    for i in range(NT // L):
        zb[pl.ds(i * L, L)] = zero
    pltpu.sync_copy(zb, deg_sp.at[pl.ds(s * NT, NT)])
    plsc.subcore_barrier()

    def _deg(r, _):
        pltpu.sync_copy(wv.at[r], deg_sp.at[colv.at[r]], add=True)
        return _

    lax.fori_loop(0, ERT, _deg, None)
    plsc.subcore_barrier()

    pltpu.sync_copy(deg_sp.at[pl.ds(s * NT, NT)], degt)
    for j in range(NT // L):
        dinvloc[pl.ds(j * L, L)] = _rsqrt16(degt[pl.ds(j * L, L)])
    pltpu.sync_copy(dinvloc, dinv_sp.at[pl.ds(s * NT, NT)])

    @pl.when(c == 0)
    def _():
        pltpu.sync_copy(dinvloc, dinv_h.at[pl.ds(s * NT, NT)])

    plsc.subcore_barrier()
    pltpu.sync_copy(dinv_sp, dinvfull)

    widx = s * NC + c
    pltpu.sync_copy(roww_h.at[widx], rowv2)
    pltpu.sync_copy(ww_h.at[widx], wv2)

    def _ep(r, _):
        for k in range(EB // L):
            rows16 = rowv2[r, pl.ds(k * L, L)]
            dv = plsc.load_gather(dinvfull, [rows16])
            epv2[r, pl.ds(k * L, L)] = wv2[r, pl.ds(k * L, L)] * dv
        return _

    lax.fori_loop(0, ERW, _ep, None)
    pltpu.sync_copy(epv2, ep_h.at[widx])


def _k1(col3, w3, roww, ww):
    return pl.kernel(
        _k1_body,
        out_type=(
            jax.ShapeDtypeStruct((NPAD,), jnp.float32),
            jax.ShapeDtypeStruct((NC * NS, ERW, EB), jnp.float32),
        ),
        mesh=_mesh(),
        compiler_params=pltpu.CompilerParams(needs_layout_passes=False),
        scratch_types=[
            pltpu.VMEM((ERT, EB), jnp.int32),
            pltpu.VMEM((ERT, EB), jnp.float32),
            pltpu.VMEM((NT,), jnp.float32),
            pltpu.VMEM((NT,), jnp.float32),
            pltpu.VMEM((NT,), jnp.float32),
            pltpu.VMEM((NPAD,), jnp.float32),
            pltpu.VMEM((ERW, EB), jnp.int32),
            pltpu.VMEM((ERW, EB), jnp.float32),
            pltpu.VMEM((ERW, EB), jnp.float32),
            pltpu.VMEM_SHARED((NPAD,), jnp.float32),
            pltpu.VMEM_SHARED((NPAD,), jnp.float32),
        ],
    )(col3, w3, roww, ww)


def _k2_body(x_ref, w_ref, out_ref):
    xb = x_ref[...]
    for ci in range(NCHUNK):
        out_ref[ci] = jnp.dot(xb, w_ref[ci],
                              preferred_element_type=jnp.float32)


def _k2(x, w3c):
    bm = 1000
    return pl.pallas_call(
        _k2_body,
        grid=(N // bm,),
        in_specs=[
            pl.BlockSpec((bm, F_IN), lambda i: (i, 0)),
            pl.BlockSpec((NCHUNK, F_IN, CW), lambda i: (0, 0, 0)),
        ],
        out_specs=pl.BlockSpec((NCHUNK, bm, CW), lambda i: (0, i, 0)),
        out_shape=jax.ShapeDtypeStruct((NCHUNK, N, CW), jnp.float32),
    )(x, w3c)


SB = 256
HR = EPAD // NS // SB // 2


def _k3_body(xw_h, pc_h, ep_h, out_h,
             pcv, epv, rbuf, cbuf, gbuf, accs, sem):
    c = lax.axis_index("c")
    s = lax.axis_index("s")

    zero = jnp.zeros((L,), jnp.float32)
    npc = NCHUNK // NC
    mask = jnp.full((L,), 16383, jnp.int32)

    def run_chunk(ci, _0):
        ch = c * npc + ci

        def gz(a, _z):
            for b in range(CW // L):
                gbuf[a, pl.ds(b * L, L)] = zero
            return _z

        lax.fori_loop(0, SB, gz, None)
        base = s * NTS
        for i in range(NTS // SB):
            pltpu.sync_copy(gbuf, accs.at[pl.ds(base + i * SB, SB)])
        rem = NTS % SB
        if rem:
            pltpu.sync_copy(gbuf.at[pl.ds(0, rem)],
                            accs.at[pl.ds(base + (NTS // SB) * SB, rem)])
        plsc.subcore_barrier()

        def run_half(hf, _h):
            pltpu.sync_copy(pc_h.at[s].at[hf], pcv)
            pltpu.sync_copy(ep_h.at[s].at[hf], epv)

            def ebatch(r, _):
                for g in range(SB // L):
                    v = pcv[r, pl.ds(g * L, L)]
                    rbuf[pl.ds(g * L, L)] = v & mask
                    cbuf[pl.ds(g * L, L)] = lax.shift_right_logical(v, 14)
                pltpu.async_copy(xw_h.at[ch].at[rbuf], gbuf, sem).wait()

                def scale(g, _2):
                    ep16 = epv[r, pl.ds(g * L, L)]
                    for l in range(L):
                        sc = jnp.broadcast_to(ep16[l], (L,))
                        e = g * L + l
                        for j in range(CW // L):
                            gbuf[e, pl.ds(j * L, L)] = (
                                gbuf[e, pl.ds(j * L, L)] * sc)
                    return _2

                lax.fori_loop(0, SB // L, scale, None)
                pltpu.sync_copy(gbuf, accs.at[cbuf], add=True)
                return _

            lax.fori_loop(0, HR, ebatch, None)
            return _h

        lax.fori_loop(0, 2, run_half, None)
        plsc.subcore_barrier()
        pltpu.sync_copy(accs.at[pl.ds(s * NTS, NTS)],
                        out_h.at[ch].at[pl.ds(s * NTS, NTS)])
        return _0

    lax.fori_loop(0, npc, run_chunk, None)


def _k3(xw, pc4, ep4):
    return pl.kernel(
        _k3_body,
        out_type=jax.ShapeDtypeStruct((NCHUNK, NSC, CW), jnp.float32),
        mesh=_mesh(),
        compiler_params=pltpu.CompilerParams(needs_layout_passes=False),
        scratch_types=[
            pltpu.VMEM((HR, SB), jnp.int32),
            pltpu.VMEM((HR, SB), jnp.float32),
            pltpu.VMEM((SB,), jnp.int32),
            pltpu.VMEM((SB,), jnp.int32),
            pltpu.VMEM((SB, CW), jnp.float32),
            pltpu.VMEM_SHARED((NSC, CW), jnp.float32),
            pltpu.SemaphoreType.DMA,
        ],
    )(xw, pc4, ep4)


def _k4_body(a_ref, dinv_r, h_r,
             lza, lzb2, lra, lrb2, lha, lhb2,
             bz_r, br_r, bh_r, lzbias, lrbias, lhbias, wout_r, bout_r,
             out_l, out_h):
    dv = dinv_r[...]
    h = h_r[...]
    cpg = NCHUNK // 3
    gate = lambda g: jnp.concatenate(
        [a_ref[g * cpg + i] for i in range(cpg)], axis=1)
    cz = gate(0) * dv + bz_r[...]
    cr = gate(1) * dv + br_r[...]
    ch = gate(2) * dv + bh_r[...]

    def mm(a, b):
        return jnp.dot(a, b, preferred_element_type=jnp.float32)

    z = jax.nn.sigmoid(mm(cz, lza[...]) + mm(h, lzb2[...]) + lzbias[...])
    r = jax.nn.sigmoid(mm(cr, lra[...]) + mm(h, lrb2[...]) + lrbias[...])
    ht = jnp.tanh(mm(ch, lha[...]) + mm(h * r, lhb2[...]) + lhbias[...])
    hout = z * h + (1.0 - z) * ht
    out_h[...] = hout
    out_l[...] = mm(hout, wout_r[...]) + bout_r[...]


def _k4(accs, dinv2, h_prev, lza, lzb2, lra, lrb2, lha, lhb2,
        bz2, br2, bh2, lzb, lrb, lhb, wout, bout2):
    bm = 1000
    full = lambda shp: pl.BlockSpec(shp, lambda i: tuple(0 for _ in shp))
    return pl.pallas_call(
        _k4_body,
        grid=(N // bm,),
        in_specs=[pl.BlockSpec((NCHUNK, bm, CW), lambda i: (0, i, 0))] + [
            pl.BlockSpec((bm, 1), lambda i: (i, 0)),
            pl.BlockSpec((bm, H_DIM), lambda i: (i, 0)),
            full((H_DIM, H_DIM)), full((H_DIM, H_DIM)), full((H_DIM, H_DIM)),
            full((H_DIM, H_DIM)), full((H_DIM, H_DIM)), full((H_DIM, H_DIM)),
            full((1, H_DIM)), full((1, H_DIM)), full((1, H_DIM)),
            full((1, H_DIM)), full((1, H_DIM)), full((1, H_DIM)),
            full((H_DIM, 1)), full((1, 1)),
        ],
        out_specs=(
            pl.BlockSpec((bm, 1), lambda i: (i, 0)),
            pl.BlockSpec((bm, H_DIM), lambda i: (i, 0)),
        ),
        out_shape=(
            jax.ShapeDtypeStruct((N, 1), jnp.float32),
            jax.ShapeDtypeStruct((N, H_DIM), jnp.float32),
        ),
    )(accs, dinv2, h_prev, lza, lzb2, lra, lrb2, lha, lhb2,
      bz2, br2, bh2, lzb, lrb, lhb, wout, bout2)


def kernel(x, edge_index, edge_weight, h_prev, Wz, bz, Wr, br, Wh, bh,
           LzW, Lzb, LrW, Lrb, LhW, Lhb, Wout, bout):
    pad = EPAD - E - N
    loop = jnp.arange(N, dtype=jnp.int32)
    zpad_i = jnp.zeros((pad,), jnp.int32)
    row = jnp.concatenate([edge_index[0].astype(jnp.int32), loop, zpad_i])
    col = jnp.concatenate([edge_index[1].astype(jnp.int32), loop, zpad_i])
    w = jnp.concatenate([edge_weight, jnp.ones((N,), jnp.float32),
                         jnp.zeros((pad,), jnp.float32)])

    w3 = jnp.concatenate([Wz, Wr, Wh], axis=1)
    w3c = w3.reshape(F_IN, NCHUNK, CW).transpose(1, 0, 2)

    col3 = col.reshape(NS, ERT, EB)
    row3 = row.reshape(NS, ERT, EB)
    w3d = w.reshape(NS, ERT, EB)
    roww = row.reshape(NC * NS, ERW, EB)
    ww = w.reshape(NC * NS, ERW, EB)

    dinv, epw = _k1(col3, w3d, roww, ww)
    xw = _k2(x, w3c)
    pc4 = (col * 16384 + row).reshape(NS, 2, HR, SB)
    accs = _k3(xw, pc4, epw.reshape(NS, 2, HR, SB))

    dinv2 = dinv[:, None]
    logits2, h_t = _k4(
        accs, dinv2, h_prev,
        LzW[:H_DIM], LzW[H_DIM:], LrW[:H_DIM], LrW[H_DIM:],
        LhW[:H_DIM], LhW[H_DIM:],
        bz[None, :], br[None, :], bh[None, :],
        Lzb[None, :], Lrb[None, :], Lhb[None, :],
        Wout, bout[None, :],
    )
    return logits2.reshape(N), h_t

# --- scband reference (transcript-rebuilt; emitter-appended) ---
"""Pipeline reference for scband-temporal-gcnmodel-8229157339736 (READ-ONLY COPY).

The authoritative reference and input builder live on the scoring server;
editing this copy changes nothing except your own understanding.
"""

import jax, jax.numpy as jnp
import numpy as np

N = 10000
E = 160000
F_IN = 256
H_DIM = 256


def gcn_conv(x, edge_index, edge_weight, W, b):
    # PyG GCNConv with add_self_loops=True, symmetric normalization, edge weights
    n = x.shape[0]
    loop = jnp.arange(n)
    row = jnp.concatenate([edge_index[0], loop])
    col = jnp.concatenate([edge_index[1], loop])
    w = jnp.concatenate([edge_weight, jnp.ones((n,), x.dtype)])
    deg = jnp.zeros((n,), x.dtype).at[col].add(w)
    dinv = jnp.where(deg > 0, 1.0 / jnp.sqrt(deg), 0.0)
    norm = dinv[row] * w * dinv[col]
    xw = x @ W
    out = jnp.zeros((n, W.shape[1]), x.dtype).at[col].add(xw[row] * norm[:, None])
    return out + b


def setup_inputs(seed: int = 0):
    key = jax.random.key(seed)
    ks = jax.random.split(key, 16)

    def p(k, shape):
        return jax.random.normal(k, shape, jnp.float32) * 0.05

    inp = {}
    inp['x'] = jax.random.normal(ks[0], (N, F_IN), jnp.float32)
    inp['edge_index'] = jax.random.randint(ks[1], (2, E), 0, N)
    inp['edge_weight'] = jax.random.uniform(ks[2], (E,), jnp.float32)
    inp['h_prev'] = jax.random.normal(ks[3], (N, H_DIM), jnp.float32)
    # TGCN cell parameters: three GCNConv layers (z, r, h gates)
    inp['Wz'] = p(ks[4], (F_IN, H_DIM)); inp['bz'] = jnp.zeros((H_DIM,), jnp.float32)
    inp['Wr'] = p(ks[5], (F_IN, H_DIM)); inp['br'] = jnp.zeros((H_DIM,), jnp.float32)
    inp['Wh'] = p(ks[6], (F_IN, H_DIM)); inp['bh'] = jnp.zeros((H_DIM,), jnp.float32)
    # three gate Linear(2H -> H) layers
    inp['LzW'] = p(ks[7], (2 * H_DIM, H_DIM)); inp['Lzb'] = jnp.zeros((H_DIM,), jnp.float32)
    inp['LrW'] = p(ks[8], (2 * H_DIM, H_DIM)); inp['Lrb'] = jnp.zeros((H_DIM,), jnp.float32)
    inp['LhW'] = p(ks[9], (2 * H_DIM, H_DIM)); inp['Lhb'] = jnp.zeros((H_DIM,), jnp.float32)
    # output head Linear(H -> 1)
    inp['Wout'] = p(ks[10], (H_DIM, 1)); inp['bout'] = jnp.zeros((1,), jnp.float32)
    return inp


def reference(x, edge_index, edge_weight, h_prev, Wz, bz, Wr, br, Wh, bh, LzW, Lzb, LrW, Lrb, LhW, Lhb, Wout, bout):
    Z = jax.nn.sigmoid(jnp.concatenate([gcn_conv(x, edge_index, edge_weight, Wz, bz), h_prev], axis=1) @ LzW + Lzb)
    R = jax.nn.sigmoid(jnp.concatenate([gcn_conv(x, edge_index, edge_weight, Wr, br), h_prev], axis=1) @ LrW + Lrb)
    H_tilde = jnp.tanh(jnp.concatenate([gcn_conv(x, edge_index, edge_weight, Wh, bh), h_prev * R], axis=1) @ LhW + Lhb)
    h_t = Z * h_prev + (1.0 - Z) * H_tilde
    # dropout p=0.0 / eval mode -> identity
    logits = (h_t @ Wout + bout).squeeze(-1)
    return (logits, h_t)

if __name__ == "__main__":
    import jax
    _d = setup_inputs()
    print(jax.jit(kernel)(*tuple(_d.values())))

</pallas_src>

<mosaic_0001>
#map = affine_map<(d0, d1) -> (0, 0, 0)>
#map1 = affine_map<(d0, d1) -> (0)>
module attributes {stable_mosaic.version = 14 : i64} {
  func.func @_k1_body(%arg0: i32, %arg1: i32, %arg2: memref<16x84x128xi32, #tpu.memory_space<hbm>>, %arg3: memref<16x84x128xf32, #tpu.memory_space<hbm>>, %arg4: memref<32x42x128xi32, #tpu.memory_space<hbm>>, %arg5: memref<32x42x128xf32, #tpu.memory_space<hbm>>, %arg6: memref<10240xf32, #tpu.memory_space<hbm>>, %arg7: memref<32x42x128xf32, #tpu.memory_space<hbm>>, %arg8: memref<84x128xi32, #tpu.memory_space<vmem>>, %arg9: memref<84x128xf32, #tpu.memory_space<vmem>>, %arg10: memref<640xf32, #tpu.memory_space<vmem>>, %arg11: memref<640xf32, #tpu.memory_space<vmem>>, %arg12: memref<640xf32, #tpu.memory_space<vmem>>, %arg13: memref<10240xf32, #tpu.memory_space<vmem>>, %arg14: memref<42x128xi32, #tpu.memory_space<vmem>>, %arg15: memref<42x128xf32, #tpu.memory_space<vmem>>, %arg16: memref<42x128xf32, #tpu.memory_space<vmem>>, %arg17: memref<10240xf32, #tpu.memory_space<vmem_shared>>, %arg18: memref<10240xf32, #tpu.memory_space<vmem_shared>>) attributes {dimension_semantics = [#tpu.dimension_semantics<core_parallel>, #tpu.dimension_semantics<subcore_parallel>], iteration_bounds = array<i64: 2, 16>, scalar_prefetch = 0 : i64, scratch_operands = 11 : i64, tpu.core_type = #tpu.core_type<sc_vector_subcore>, window_params = [{transform_indices = #map}, {transform_indices = #map}, {transform_indices = #map}, {transform_indices = #map}, {transform_indices = #map1}, {transform_indices = #map}]} {
    "tpu.region"() ({
      %run_scoped3A = tpu.sem_alloc : memref<!tpu.dma_semaphore, #tpu.memory_space<semaphore_mem>>
      %dma_start3A = arith.constant 0 : i32
      %dma_start3A_1656 = arith.constant 0 : i32
      %dma_start3A_1657 = tpu.memref_slice %arg2[%arg1, %dma_start3A, %dma_start3A_1656] : memref<16x84x128xi32, #tpu.memory_space<hbm>> -> memref<1x84x128xi32, #tpu.memory_space<hbm>>
      %dma_start3A_1658 = tpu.memref_squeeze %dma_start3A_1657 : memref<1x84x128xi32, #tpu.memory_space<hbm>> -> memref<84x128xi32, #tpu.memory_space<hbm>>
      %dma_start3A_1659 = arith.constant 0 : i32
      %dma_start3A_1660 = arith.constant 0 : i32
      %dma_start3A_1661 = tpu.memref_slice %arg2[%arg1, %dma_start3A_1659, %dma_start3A_1660] : memref<16x84x128xi32, #tpu.memory_space<hbm>> -> memref<1x84x128xi32, #tpu.memory_space<hbm>>
      %dma_start3A_1662 = tpu.memref_squeeze %dma_start3A_1661 : memref<1x84x128xi32, #tpu.memory_space<hbm>> -> memref<84x128xi32, #tpu.memory_space<hbm>>
      tpu.enqueue_dma source(%dma_start3A_1662 : memref<84x128xi32, #tpu.memory_space<hbm>>) target(%arg8 : memref<84x128xi32, #tpu.memory_space<vmem>>) target_semaphore(%run_scoped3A : memref<!tpu.dma_semaphore, #tpu.memory_space<semaphore_mem>>)
      %dma_wait3A = arith.constant 0 : i32
      %dma_wait3A_1663 = arith.constant 0 : i32
      %dma_wait3A_1664 = tpu.memref_slice %arg2[%arg1, %dma_wait3A, %dma_wait3A_1663] : memref<16x84x128xi32, #tpu.memory_space<hbm>> -> memref<1x84x128xi32, #tpu.memory_space<hbm>>
      %dma_wait3A_1665 = tpu.memref_squeeze %dma_wait3A_1664 : memref<1x84x128xi32, #tpu.memory_space<hbm>> -> memref<84x128xi32, #tpu.memory_space<hbm>>
      %dma_wait3A_1666 = arith.constant 0 : i32
      %dma_wait3A_1667 = arith.constant 0 : i32
      %dma_wait3A_1668 = tpu.memref_slice %arg2[%arg1, %dma_wait3A_1666, %dma_wait3A_1667] : memref<16x84x128xi32, #tpu.memory_space<hbm>> -> memref<1x84x128xi32, #tpu.memory_space<hbm>>
      %dma_wait3A_1669 = tpu.memref_squeeze %dma_wait3A_1668 : memref<1x84x128xi32, #tpu.memory_space<hbm>> -> memref<84x128xi32, #tpu.memory_space<hbm>>
      tpu.wait_dma2 semaphore(%run_scoped3A : memref<!tpu.dma_semaphore, #tpu.memory_space<semaphore_mem>>) src(%dma_wait3A_1669 : memref<84x128xi32, #tpu.memory_space<hbm>>) dst(%arg8 : memref<84x128xi32, #tpu.memory_space<vmem>>)
      tpu.yield
    }) : () -> ()
    "tpu.region"() ({
      %run_scoped3A = tpu.sem_alloc : memref<!tpu.dma_semaphore, #tpu.memory_space<semaphore_mem>>
      %dma_start3A = arith.constant 0 : i32
      %dma_start3A_1656 = arith.constant 0 : i32
      %dma_start3A_1657 = tpu.memref_slice %arg3[%arg1, %dma_start3A, %dma_start3A_1656] : memref<16x84x128xf32, #tpu.memory_space<hbm>> -> memref<1x84x128xf32, #tpu.memory_space<hbm>>
      %dma_start3A_1658 = tpu.memref_squeeze %dma_start3A_1657 : memref<1x84x128xf32, #tpu.memory_space<hbm>> -> memref<84x128xf32, #tpu.memory_space<hbm>>
      %dma_start3A_1659 = arith.constant 0 : i32
      %dma_start3A_1660 = arith.constant 0 : i32
      %dma_start3A_1661 = tpu.memref_slice %arg3[%arg1, %dma_start3A_1659, %dma_start3A_1660] : memref<16x84x128xf32, #tpu.memory_space<hbm>> -> memref<1x84x128xf32, #tpu.memory_space<hbm>>
      %dma_start3A_1662 = tpu.memref_squeeze %dma_start3A_1661 : memref<1x84x128xf32, #tpu.memory_space<hbm>> -> memref<84x128xf32, #tpu.memory_space<hbm>>
      tpu.enqueue_dma source(%dma_start3A_1662 : memref<84x128xf32, #tpu.memory_space<hbm>>) target(%arg9 : memref<84x128xf32, #tpu.memory_space<vmem>>) target_semaphore(%run_scoped3A : memref<!tpu.dma_semaphore, #tpu.memory_space<semaphore_mem>>)
      %dma_wait3A = arith.constant 0 : i32
      %dma_wait3A_1663 = arith.constant 0 : i32
      %dma_wait3A_1664 = tpu.memref_slice %arg3[%arg1, %dma_wait3A, %dma_wait3A_1663] : memref<16x84x128xf32, #tpu.memory_space<hbm>> -> memref<1x84x128xf32, #tpu.memory_space<hbm>>
      %dma_wait3A_1665 = tpu.memref_squeeze %dma_wait3A_1664 : memref<1x84x128xf32, #tpu.memory_space<hbm>> -> memref<84x128xf32, #tpu.memory_space<hbm>>
      %dma_wait3A_1666 = arith.constant 0 : i32
      %dma_wait3A_1667 = arith.constant 0 : i32
      %dma_wait3A_1668 = tpu.memref_slice %arg3[%arg1, %dma_wait3A_1666, %dma_wait3A_1667] : memref<16x84x128xf32, #tpu.memory_space<hbm>> -> memref<1x84x128xf32, #tpu.memory_space<hbm>>
      %dma_wait3A_1669 = tpu.memref_squeeze %dma_wait3A_1668 : memref<1x84x128xf32, #tpu.memory_space<hbm>> -> memref<84x128xf32, #tpu.memory_space<hbm>>
      tpu.wait_dma2 semaphore(%run_scoped3A : memref<!tpu.dma_semaphore, #tpu.memory_space<semaphore_mem>>) src(%dma_wait3A_1669 : memref<84x128xf32, #tpu.memory_space<hbm>>) dst(%arg9 : memref<84x128xf32, #tpu.memory_space<vmem>>)
      tpu.yield
    }) : () -> ()
    %broadcast_in_dim3A = arith.constant 0.000000e+00 : f32
    %broadcast_in_dim3A_0 = vector.broadcast %broadcast_in_dim3A : f32 to vector<16xf32>
    %swap3A = arith.constant 0 : index
    %swap3A_1 = tpu.vector_load %arg10[%swap3A] {strides = array<i32>} : memref<640xf32, #tpu.memory_space<vmem>>, vector<16xf32>,
    tpu.vector_store %arg10[%swap3A], %broadcast_in_dim3A_0 {strides = array<i32>} : memref<640xf32, #tpu.memory_space<vmem>>, vector<16xf32>,
    %swap3A_2 = arith.constant 16 : index
    %swap3A_3 = tpu.vector_load %arg10[%swap3A_2] {strides = array<i32>} : memref<640xf32, #tpu.memory_space<vmem>>, vector<16xf32>,
    tpu.vector_store %arg10[%swap3A_2], %broadcast_in_dim3A_0 {strides = array<i32>} : memref<640xf32, #tpu.memory_space<vmem>>, vector<16xf32>,
    %swap3A_4 = arith.constant 32 : index
    %swap3A_5 = tpu.vector_load %arg10[%swap3A_4] {strides = array<i32>} : memref<640xf32, #tpu.memory_space<vmem>>, vector<16xf32>,
    tpu.vector_store %arg10[%swap3A_4], %broadcast_in_dim3A_0 {strides = array<i32>} : memref<640xf32, #tpu.memory_space<vmem>>, vector<16xf32>,
    %swap3A_6 = arith.constant 48 : index
    %swap3A_7 = tpu.vector_load %arg10[%swap3A_6] {strides = array<i32>} : memref<640xf32, #tpu.memory_space<vmem>>, vector<16xf32>,
    tpu.vector_store %arg10[%swap3A_6], %broadcast_in_dim3A_0 {strides = array<i32>} : memref<640xf32, #tpu.memory_space<vmem>>, vector<16xf32>,
    %swap3A_8 = arith.constant 64 : index
    %swap3A_9 = tpu.vector_load %arg10[%swap3A_8] {strides = array<i32>} : memref<640xf32, #tpu.memory_space<vmem>>, vector<16xf32>,
    tpu.vector_store %arg10[%swap3A_8], %broadcast_in_dim3A_0 {strides = array<i32>} : memref<640xf32, #tpu.memory_space<vmem>>, vector<16xf32>,
    %swap3A_10 = arith.constant 80 : index
    %swap3A_11 = tpu.vector_load %arg10[%swap3A_10] {strides = array<i32>} : memref<640xf32, #tpu.memory_space<vmem>>, vector<16xf32>,
    tpu.vector_store %arg10[%swap3A_10], %broadcast_in_dim3A_0 {strides = array<i32>} : memref<640xf32, #tpu.memory_space<vmem>>, vector<16xf32>,
    %swap3A_12 = arith.constant 96 : index
    %swap3A_13 = tpu.vector_load %arg10[%swap3A_12] {strides = array<i32>} : memref<640xf32, #tpu.memory_space<vmem>>, vector<16xf32>,
    tpu.vector_store %arg10[%swap3A_12], %broadcast_in_dim3A_0 {strides = array<i32>} : memref<640xf32, #tpu.memory_space<vmem>>, vector<16xf32>,
    %swap3A_14 = arith.constant 112 : index
    %swap3A_15 = tpu.vector_load %arg10[%swap3A_14] {strides = array<i32>} : memref<640xf32, #tpu.memory_space<vmem>>, vector<16xf32>,
    tpu.vector_store %arg10[%swap3A_14], %broadcast_in_dim3A_0 {strides = array<i32>} : memref<640xf32, #tpu.memory_space<vmem>>, vector<16xf32>,
    %swap3A_16 = arith.constant 128 : index
    %swap3A_17 = tpu.vector_load %arg10[%swap3A_16] {strides = array<i32>} : memref<640xf32, #tpu.memory_space<vmem>>, vector<16xf32>,
    tpu.vector_store %arg10[%swap3A_16], %broadcast_in_dim3A_0 {strides = array<i32>} : memref<640xf32, #tpu.memory_space<vmem>>, vector<16xf32>,
    %swap3A_18 = arith.constant 144 : index
    %swap3A_19 = tpu.vector_load %arg10[%swap3A_18] {strides = array<i32>} : memref<640xf32, #tpu.memory_space<vmem>>, vector<16xf32>,
    tpu.vector_store %arg10[%swap3A_18], %broadcast_in_dim3A_0 {strides = array<i32>} : memref<640xf32, #tpu.memory_space<vmem>>, vector<16xf32>,
    %swap3A_20 = arith.constant 160 : index
    %swap3A_21 = tpu.vector_load %arg10[%swap3A_20] {strides = array<i32>} : memref<640xf32, #tpu.memory_space<vmem>>, vector<16xf32>,
    tpu.vector_store %arg10[%swap3A_20], %broadcast_in_dim3A_0 {strides = array<i32>} : memref<640xf32, #tpu.memory_space<vmem>>, vector<16xf32>,
    %swap3A_22 = arith.constant 176 : index
    %swap3A_23 = tpu.vector_load %arg10[%swap3A_22] {strides = array<i32>} : memref<640xf32, #tpu.memory_space<vmem>>, vector<16xf32>,
    tpu.vector_store %arg10[%swap3A_22], %broadcast_in_dim3A_0 {strides = array<i32>} : memref<640xf32, #tpu.memory_space<vmem>>, vector<16xf32>,
    %swap3A_24 = arith.constant 192 : index
    %swap3A_25 = tpu.vector_load %arg10[%swap3A_24] {strides = array<i32>} : memref<640xf32, #tpu.memory_space<vmem>>, vector<16xf32>,
    tpu.vector_store %arg10[%swap3A_24], %broadcast_in_dim3A_0 {strides = array<i32>} : memref<640xf32, #tpu.memory_space<vmem>>, vector<16xf32>,
    %swap3A_26 = arith.constant 208 : index
    %swap3A_27 = tpu.vector_load %arg10[%swap3A_26] {strides = array<i32>} : memref<640xf32, #tpu.memory_space<vmem>>, vector<16xf32>,
    tpu.vector_store %arg10[%swap3A_26], %broadcast_in_dim3A_0 {strides = array<i32>} : memref<640xf32, #tpu.memory_space<vmem>>, vector<16xf32>,
    %swap3A_28 = arith.constant 224 : index
    %swap3A_29 = tpu.vector_load %arg10[%swap3A_28] {strides = array<i32>} : memref<640xf32, #tpu.memory_space<vmem>>, vector<16xf32>,
    tpu.vector_store %arg10[%swap3A_28], %broadcast_in_dim3A_0 {strides = array<i32>} : memref<640xf32, #tpu.memory_space<vmem>>, vector<16xf32>,
    %swap3A_30 = arith.constant 240 : index
    %swap3A_31 = tpu.vector_load %arg10[%swap3A_30] {strides = array<i32>} : memref<640xf32, #tpu.memory_space<vmem>>, vector<16xf32>,
    tpu.vector_store %arg10[%swap3A_30], %broadcast_in_dim3A_0 {strides = array<i32>} : memref<640xf32, #tpu.memory_space<vmem>>, vector<16xf32>,
    %swap3A_32 = arith.constant 256 : index
    %swap3A_33 = tpu.vector_load %arg10[%swap3A_32] {strides = array<i32>} : memref<640xf32, #tpu.memory_space<vmem>>, vector<16xf32>,
    tpu.vector_store %arg10[%swap3A_32], %broadcast_in_dim3A_0 {strides = array<i32>} : memref<640xf32, #tpu.memory_space<vmem>>, vector<16xf32>,
    %swap3A_34 = arith.constant 272 : index
    %swap3A_35 = tpu.vector_load %arg10[%swap3A_34] {strides = array<i32>} : memref<640xf32, #tpu.memory_space<vmem>>, vector<16xf32>,
    tpu.vector_store %arg10[%swap3A_34], %broadcast_in_dim3A_0 {strides = array<i32>} : memref<640xf32, #tpu.memory_space<vmem>>, vector<16xf32>,
    %swap3A_36 = arith.constant 288 : index
    %swap3A_37 = tpu.vector_load %arg10[%swap3A_36] {strides = array<i32>} : memref<640xf32, #tpu.memory_space<vmem>>, vector<16xf32>,
    tpu.vector_store %arg10[%swap3A_36], %broadcast_in_dim3A_0 {strides = array<i32>} : memref<640xf32, #tpu.memory_space<vmem>>, vector<16xf32>,
    %swap3A_38 = arith.constant 304 : index
    %swap3A_39 = tpu.vector_load %arg10[%swap3A_38] {strides = array<i32>} : memref<640xf32, #tpu.memory_space<vmem>>, vector<16xf32>,
    tpu.vector_store %arg10[%swap3A_38], %broadcast_in_dim3A_0 {strides = array<i32>} : memref<640xf32, #tpu.memory_space<vmem>>, vector<16xf32>,
    %swap3A_40 = arith.constant 320 : index
    %swap3A_41 = tpu.vector_load %arg10[%swap3A_40] {strides = array<i32>} : memref<640xf32, #tpu.memory_space<vmem>>, vector<16xf32>,
    tpu.vector_store %arg10[%swap3A_40], %broadcast_in_dim3A_0 {strides = array<i32>} : memref<640xf32, #tpu.memory_space<vmem>>, vector<16xf32>,
    %swap3A_42 = arith.constant 336 : index
    %swap3A_43 = tpu.vector_load %arg10[%swap3A_42] {strides = array<i32>} : memref<640xf32, #tpu.memory_space<vmem>>, vector<16xf32>,
    tpu.vector_store %arg10[%swap3A_42], %broadcast_in_dim3A_0 {strides = array<i32>} : memref<640xf32, #tpu.memory_space<vmem>>, vector<16xf32>,
    %swap3A_44 = arith.constant 352 : index
    %swap3A_45 = tpu.vector_load %arg10[%swap3A_44] {strides = array<i32>} : memref<640xf32, #tpu.memory_space<vmem>>, vector<16xf32>,
    tpu.vector_store %arg10[%swap3A_44], %broadcast_in_dim3A_0 {strides = array<i32>} : memref<640xf32, #tpu.memory_space<vmem>>, vector<16xf32>,
    %swap3A_46 = arith.constant 368 : index
    %swap3A_47 = tpu.vector_load %arg10[%swap3A_46] {strides = array<i32>} : memref<640xf32, #tpu.memory_space<vmem>>, vector<16xf32>,
    tpu.vector_store %arg10[%swap3A_46], %broadcast_in_dim3A_0 {strides = array<i32>} : memref<640xf32, #tpu.memory_space<vmem>>, vector<16xf32>,
    %swap3A_48 = arith.constant 384 : index
    %swap3A_49 = tpu.vector_load %arg10[%swap3A_48] {strides = array<i32>} : memref<640xf32, #tpu.memory_space<vmem>>, vector<16xf32>,
    tpu.vector_store %arg10[%swap3A_48], %broadcast_in_dim3A_0 {strides = array<i32>} : memref<640xf32, #tpu.memory_space<vmem>>, vector<16xf32>,
    %swap3A_50 = arith.constant 400 : index
    %swap3A_51 = tpu.vector_load %arg10[%swap3A_50] {strides = array<i32>} : memref<640xf32, #tpu.memory_space<vmem>>, vector<16xf32>,
    tpu.vector_store %arg10[%swap3A_50], %broadcast_in_dim3A_0 {strides = array<i32>} : memref<640xf32, #tpu.memory_space<vmem>>, vector<16xf32>,
    %swap3A_52 = arith.constant 416 : index
    %swap3A_53 = tpu.vector_load %arg10[%swap3A_52] {strides = array<i32>} : memref<640xf32, #tpu.memory_space<vmem>>, vector<16xf32>,
    tpu.vector_store %arg10[%swap3A_52], %broadcast_in_dim3A_0 {strides = array<i32>} : memref<640xf32, #tpu.memory_space<vmem>>, vector<16xf32>,
    %swap3A_54 = arith.constant 432 : index
    %swap3A_55 = tpu.vector_load %arg10[%swap3A_54] {strides = array<i32>} : memref<640xf32, #tpu.memory_space<vmem>>, vector<16xf32>,
    tpu.vector_store %arg10[%swap3A_54], %broadcast_in_dim3A_0 {strides = array<i32>} : memref<640xf32, #tpu.memory_space<vmem>>, vector<16xf32>,
    %swap3A_56 = arith.constant 448 : index
    %swap3A_57 = tpu.vector_load %arg10[%swap3A_56] {strides = array<i32>} : memref<640xf32, #tpu.memory_space<vmem>>, vector<16xf32>,
    tpu.vector_store %arg10[%swap3A_56], %broadcast_in_dim3A_0 {strides = array<i32>} : memref<640xf32, #tpu.memory_space<vmem>>, vector<16xf32>,
    %swap3A_58 = arith.constant 464 : index
    %swap3A_59 = tpu.vector_load %arg10[%swap3A_58] {strides = array<i32>} : memref<640xf32, #tpu.memory_space<vmem>>, vector<16xf32>,
    tpu.vector_store %arg10[%swap3A_58], %broadcast_in_dim3A_0 {strides = array<i32>} : memref<640xf32, #tpu.memory_space<vmem>>, vector<16xf32>,
    %swap3A_60 = arith.constant 480 : index
    %swap3A_61 = tpu.vector_load %arg10[%swap3A_60] {strides = array<i32>} : memref<640xf32, #tpu.memory_space<vmem>>, vector<16xf32>,
    tpu.vector_store %arg10[%swap3A_60], %broadcast_in_dim3A_0 {strides = array<i32>} : memref<640xf32, #tpu.memory_space<vmem>>, vector<16xf32>,
    %swap3A_62 = arith.constant 496 : index
    %swap3A_63 = tpu.vector_load %arg10[%swap3A_62] {strides = array<i32>} : memref<640xf32, #tpu.memory_space<vmem>>, vector<16xf32>,
    tpu.vector_store %arg10[%swap3A_62], %broadcast_in_dim3A_0 {strides = array<i32>} : memref<640xf32, #tpu.memory_space<vmem>>, vector<16xf32>,
    %swap3A_64 = arith.constant 512 : index
    %swap3A_65 = tpu.vector_load %arg10[%swap3A_64] {strides = array<i32>} : memref<640xf32, #tpu.memory_space<vmem>>, vector<16xf32>,
    tpu.vector_store %arg10[%swap3A_64], %broadcast_in_dim3A_0 {strides = array<i32>} : memref<640xf32, #tpu.memory_space<vmem>>, vector<16xf32>,
    %swap3A_66 = arith.constant 528 : index
    %swap3A_67 = tpu.vector_load %arg10[%swap3A_66] {strides = array<i32>} : memref<640xf32, #tpu.memory_space<vmem>>, vector<16xf32>,
    tpu.vector_store %arg10[%swap3A_66], %broadcast_in_dim3A_0 {strides = array<i32>} : memref<640xf32, #tpu.memory_space<vmem>>, vector<16xf32>,
    %swap3A_68 = arith.constant 544 : index
    %swap3A_69 = tpu.vector_load %arg10[%swap3A_68] {strides = array<i32>} : memref<640xf32, #tpu.memory_space<vmem>>, vector<16xf32>,
    tpu.vector_store %arg10[%swap3A_68], %broadcast_in_dim3A_0 {strides = array<i32>} : memref<640xf32, #tpu.memory_space<vmem>>, vector<16xf32>,
    %swap3A_70 = arith.constant 560 : index
    %swap3A_71 = tpu.vector_load %arg10[%swap3A_70] {strides = array<i32>} : memref<640xf32, #tpu.memory_space<vmem>>, vector<16xf32>,
    tpu.vector_store %arg10[%swap3A_70], %broadcast_in_dim3A_0 {strides = array<i32>} : memref<640xf32, #tpu.memory_space<vmem>>, vector<16xf32>,
    %swap3A_72 = arith.constant 576 : index
    %swap3A_73 = tpu.vector_load %arg10[%swap3A_72] {strides = array<i32>} : memref<640xf32, #tpu.memory_space<vmem>>, vector<16xf32>,
    tpu.vector_store %arg10[%swap3A_72], %broadcast_in_dim3A_0 {strides = array<i32>} : memref<640xf32, #tpu.memory_space<vmem>>, vector<16xf32>,
    %swap3A_74 = arith.constant 592 : index
    %swap3A_75 = tpu.vector_load %arg10[%swap3A_74] {strides = array<i32>} : memref<640xf32, #tpu.memory_space<vmem>>, vector<16xf32>,
    tpu.vector_store %arg10[%swap3A_74], %broadcast_in_dim3A_0 {strides = array<i32>} : memref<640xf32, #tpu.memory_space<vmem>>, vector<16xf32>,
    %swap3A_76 = arith.constant 608 : index
    %swap3A_77 = tpu.vector_load %arg10[%swap3A_76] {strides = array<i32>} : memref<640xf32, #tpu.memory_space<vmem>>, vector<16xf32>,
    tpu.vector_store %arg10[%swap3A_76], %broadcast_in_dim3A_0 {strides = array<i32>} : memref<640xf32, #tpu.memory_space<vmem>>, vector<16xf32>,
    %swap3A_78 = arith.constant 624 : index
    %swap3A_79 = tpu.vector_load %arg10[%swap3A_78] {strides = array<i32>} : memref<640xf32, #tpu.memory_space<vmem>>, vector<16xf32>,
    tpu.vector_store %arg10[%swap3A_78], %broadcast_in_dim3A_0 {strides = array<i32>} : memref<640xf32, #tpu.memory_space<vmem>>, vector<16xf32>,
    %mul3A = arith.constant 640 : i32
    %mul3A_80 = arith.muli %arg1, %mul3A : i32
    "tpu.region"() ({
      %run_scoped3A = tpu.sem_alloc : memref<!tpu.dma_semaphore, #tpu.memory_space<semaphore_mem>>
      %dma_start3A = tpu.memref_slice %arg17[%mul3A_80] : memref<10240xf32, #tpu.memory_space<vmem_shared>> -> memref<640xf32, #tpu.memory_space<vmem_shared>>
      %dma_start3A_1656 = tpu.memref_slice %arg17[%mul3A_80] : memref<10240xf32, #tpu.memory_space<vmem_shared>> -> memref<640xf32, #tpu.memory_space<vmem_shared>>
      tpu.enqueue_dma source(%arg10 : memref<640xf32, #tpu.memory_space<vmem>>) target(%dma_start3A_1656 : memref<640xf32, #tpu.memory_space<vmem_shared>>) target_semaphore(%run_scoped3A : memref<!tpu.dma_semaphore, #tpu.memory_space<semaphore_mem>>)
      %dma_wait3A = tpu.memref_slice %arg17[%mul3A_80] : memref<10240xf32, #tpu.memory_space<vmem_shared>> -> memref<640xf32, #tpu.memory_space<vmem_shared>>
      %dma_wait3A_1657 = tpu.memref_slice %arg17[%mul3A_80] : memref<10240xf32, #tpu.memory_space<vmem_shared>> -> memref<640xf32, #tpu.memory_space<vmem_shared>>
      tpu.wait_dma2 semaphore(%run_scoped3A : memref<!tpu.dma_semaphore, #tpu.memory_space<semaphore_mem>>) src(%arg10 : memref<640xf32, #tpu.memory_space<vmem>>) dst(%dma_wait3A_1657 : memref<640xf32, #tpu.memory_space<vmem_shared>>)
      tpu.yield
    }) : () -> ()
    %barrier3A = arith.constant 0 : index
    tpu.barrier barrier_id(%barrier3A)
    %scan3A = arith.constant 0 : i32
    %scan3A_81 = arith.constant 84 : i32
    %scan3A_82 = arith.addi %scan3A, %scan3A_81 : i32
    %scan3A_83 = arith.constant 1 : i32
    scf.for %scan3A_1656 = %scan3A to %scan3A_82 step %scan3A_83  : i32 {
      "tpu.region"() ({
        %run_scoped3A = tpu.sem_alloc : memref<!tpu.dma_semaphore, #tpu.memory_space<semaphore_mem>>
        %dma_start3A = arith.constant 0 : i32
        %dma_start3A_1657 = tpu.memref_slice %arg9[%scan3A_1656, %dma_start3A] : memref<84x128xf32, #tpu.memory_space<vmem>> -> memref<1x128xf32, #tpu.memory_space<vmem>>
        %dma_start3A_1658 = tpu.memref_squeeze %dma_start3A_1657 : memref<1x128xf32, #tpu.memory_space<vmem>> -> memref<128xf32, #tpu.memory_space<vmem>>
        %dma_start3A_1659 = arith.constant 0 : i32
        %dma_start3A_1660 = tpu.memref_slice %arg8[%scan3A_1656, %dma_start3A_1659] : memref<84x128xi32, #tpu.memory_space<vmem>> -> memref<1x128xi32, #tpu.memory_space<vmem>>
        %dma_start3A_1661 = tpu.memref_squeeze %dma_start3A_1660 : memref<1x128xi32, #tpu.memory_space<vmem>> -> memref<128xi32, #tpu.memory_space<vmem>>
        %dma_start3A_1662 = arith.constant 0 : i32
        %dma_start3A_1663 = tpu.memref_slice %arg17[%dma_start3A_1662] : memref<10240xf32, #tpu.memory_space<vmem_shared>> -> memref<10240xf32, #tpu.memory_space<vmem_shared>>
        tpu.enqueue_indirect_dma source(%dma_start3A_1658 : memref<128xf32, #tpu.memory_space<vmem>>) target(%dma_start3A_1663 : memref<10240xf32, #tpu.memory_space<vmem_shared>>) offsets(%dma_start3A_1661 : memref<128xi32, #tpu.memory_space<vmem>>) semaphore(%run_scoped3A : memref<!tpu.dma_semaphore, #tpu.memory_space<semaphore_mem>>) {add = true}
        %dma_wait3A = arith.constant 0 : i32
        %dma_wait3A_1664 = tpu.memref_slice %arg9[%scan3A_1656, %dma_wait3A] : memref<84x128xf32, #tpu.memory_space<vmem>> -> memref<1x128xf32, #tpu.memory_space<vmem>>
        %dma_wait3A_1665 = tpu.memref_squeeze %dma_wait3A_1664 : memref<1x128xf32, #tpu.memory_space<vmem>> -> memref<128xf32, #tpu.memory_space<vmem>>
        %dma_wait3A_1666 = arith.constant 0 : i32
        %dma_wait3A_1667 = tpu.memref_slice %arg8[%scan3A_1656, %dma_wait3A_1666] : memref<84x128xi32, #tpu.memory_space<vmem>> -> memref<1x128xi32, #tpu.memory_space<vmem>>
        %dma_wait3A_1668 = tpu.memref_squeeze %dma_wait3A_1667 : memref<1x128xi32, #tpu.memory_space<vmem>> -> memref<128xi32, #tpu.memory_space<vmem>>
        %dma_wait3A_1669 = arith.constant 0 : i32
        %dma_wait3A_1670 = tpu.memref_slice %arg17[%dma_wait3A_1669] : memref<10240xf32, #tpu.memory_space<vmem_shared>> -> memref<10240xf32, #tpu.memory_space<vmem_shared>>
        tpu.wait_indirect_dma semaphore(%run_scoped3A : memref<!tpu.dma_semaphore, #tpu.memory_space<semaphore_mem>>) src(%dma_wait3A_1665 : memref<128xf32, #tpu.memory_space<vmem>>) dst(%dma_wait3A_1670 : memref<10240xf32, #tpu.memory_space<vmem_shared>>)
        tpu.yield
      }) : () -> ()
    }
    %scan3A_84 = arith.constant 84 : i32
    %barrier3A_85 = arith.constant 0 : index
    tpu.barrier barrier_id(%barrier3A_85)
    %mul3A_86 = arith.constant 640 : i32
    %mul3A_87 = arith.muli %arg1, %mul3A_86 : i32
    "tpu.region"() ({
      %run_scoped3A = tpu.sem_alloc : memref<!tpu.dma_semaphore, #tpu.memory_space<semaphore_mem>>
      %dma_start3A = tpu.memref_slice %arg17[%mul3A_87] : memref<10240xf32, #tpu.memory_space<vmem_shared>> -> memref<640xf32, #tpu.memory_space<vmem_shared>>
      %dma_start3A_1656 = tpu.memref_slice %arg17[%mul3A_87] : memref<10240xf32, #tpu.memory_space<vmem_shared>> -> memref<640xf32, #tpu.memory_space<vmem_shared>>
      tpu.enqueue_dma source(%dma_start3A_1656 : memref<640xf32, #tpu.memory_space<vmem_shared>>) target(%arg11 : memref<640xf32, #tpu.memory_space<vmem>>) target_semaphore(%run_scoped3A : memref<!tpu.dma_semaphore, #tpu.memory_space<semaphore_mem>>)
      %dma_wait3A = tpu.memref_slice %arg17[%mul3A_87] : memref<10240xf32, #tpu.memory_space<vmem_shared>> -> memref<640xf32, #tpu.memory_space<vmem_shared>>
      %dma_wait3A_1657 = tpu.memref_slice %arg17[%mul3A_87] : memref<10240xf32, #tpu.memory_space<vmem_shared>> -> memref<640xf32, #tpu.memory_space<vmem_shared>>
      tpu.wait_dma2 semaphore(%run_scoped3A : memref<!tpu.dma_semaphore, #tpu.memory_space<semaphore_mem>>) src(%dma_wait3A_1657 : memref<640xf32, #tpu.memory_space<vmem_shared>>) dst(%arg11 : memref<640xf32, #tpu.memory_space<vmem>>)
      tpu.yield
    }) : () -> ()
    %get3A = arith.constant 0 : index
    %get3A_88 = tpu.vector_load %arg11[%get3A] {strides = array<i32>} : memref<640xf32, #tpu.memory_space<vmem>>, vector<16xf32>,
    %bitcast_convert_type3A = tpu.bitcast %get3A_88 : vector<16xf32> -> vector<16xi32>
    %shift_right_arithmetic3A = arith.constant 1 : i32
    %shift_right_arithmetic3A_89 = vector.broadcast %shift_right_arithmetic3A : i32 to vector<16xi32>
    %shift_right_arithmetic3A_90 = arith.shrsi %bitcast_convert_type3A, %shift_right_arithmetic3A_89 : vector<16xi32>
    %sub3A = arith.constant 1597463007 : i32
    %sub3A_91 = vector.broadcast %sub3A : i32 to vector<16xi32>
    %sub3A_92 = arith.subi %sub3A_91, %shift_right_arithmetic3A_90 : vector<16xi32>
    %bitcast_convert_type3A_93 = tpu.bitcast %sub3A_92 : vector<16xi32> -> vector<16xf32>
    %mul3A_94 = arith.constant 5.000000e-01 : f32
    %mul3A_95 = vector.broadcast %mul3A_94 : f32 to vector<16xf32>
    %mul3A_96 = arith.mulf %mul3A_95, %get3A_88 : vector<16xf32>
    %mul3A_97 = arith.mulf %mul3A_96, %bitcast_convert_type3A_93 : vector<16xf32>
    %mul3A_98 = arith.mulf %mul3A_97, %bitcast_convert_type3A_93 : vector<16xf32>
    %sub3A_99 = arith.constant 1.500000e+00 : f32
    %sub3A_100 = vector.broadcast %sub3A_99 : f32 to vector<16xf32>
    %sub3A_101 = arith.subf %sub3A_100, %mul3A_98 : vector<16xf32>
    %mul3A_102 = arith.mulf %bitcast_convert_type3A_93, %sub3A_101 : vector<16xf32>
    %mul3A_103 = arith.constant 5.000000e-01 : f32
    %mul3A_104 = vector.broadcast %mul3A_103 : f32 to vector<16xf32>
    %mul3A_105 = arith.mulf %mul3A_104, %get3A_88 : vector<16xf32>
    %mul3A_106 = arith.mulf %mul3A_105, %mul3A_102 : vector<16xf32>
    %mul3A_107 = arith.mulf %mul3A_106, %mul3A_102 : vector<16xf32>
    %sub3A_108 = arith.constant 1.500000e+00 : f32
    %sub3A_109 = vector.broadcast %sub3A_108 : f32 to vector<16xf32>
    %sub3A_110 = arith.subf %sub3A_109, %mul3A_107 : vector<16xf32>
    %mul3A_111 = arith.mulf %mul3A_102, %sub3A_110 : vector<16xf32>
    %mul3A_112 = arith.constant 5.000000e-01 : f32
    %mul3A_113 = vector.broadcast %mul3A_112 : f32 to vector<16xf32>
    %mul3A_114 = arith.mulf %mul3A_113, %get3A_88 : vector<16xf32>
    %mul3A_115 = arith.mulf %mul3A_114, %mul3A_111 : vector<16xf32>
    %mul3A_116 = arith.mulf %mul3A_115, %mul3A_111 : vector<16xf32>
    %sub3A_117 = arith.constant 1.500000e+00 : f32
    %sub3A_118 = vector.broadcast %sub3A_117 : f32 to vector<16xf32>
    %sub3A_119 = arith.subf %sub3A_118, %mul3A_116 : vector<16xf32>
    %mul3A_120 = arith.mulf %mul3A_111, %sub3A_119 : vector<16xf32>
    %swap3A_121 = arith.constant 0 : index
    %swap3A_122 = tpu.vector_load %arg12[%swap3A_121] {strides = array<i32>} : memref<640xf32, #tpu.memory_space<vmem>>, vector<16xf32>,
    tpu.vector_store %arg12[%swap3A_121], %mul3A_120 {strides = array<i32>} : memref<640xf32, #tpu.memory_space<vmem>>, vector<16xf32>,
    %get3A_123 = arith.constant 16 : index
    %get3A_124 = tpu.vector_load %arg11[%get3A_123] {strides = array<i32>} : memref<640xf32, #tpu.memory_space<vmem>>, vector<16xf32>,
    %bitcast_convert_type3A_125 = tpu.bitcast %get3A_124 : vector<16xf32> -> vector<16xi32>
    %shift_right_arithmetic3A_126 = arith.constant 1 : i32
    %shift_right_arithmetic3A_127 = vector.broadcast %shift_right_arithmetic3A_126 : i32 to vector<16xi32>
    %shift_right_arithmetic3A_128 = arith.shrsi %bitcast_convert_type3A_125, %shift_right_arithmetic3A_127 : vector<16xi32>
    %sub3A_129 = arith.constant 1597463007 : i32
    %sub3A_130 = vector.broadcast %sub3A_129 : i32 to vector<16xi32>
    %sub3A_131 = arith.subi %sub3A_130, %shift_right_arithmetic3A_128 : vector<16xi32>
    %bitcast_convert_type3A_132 = tpu.bitcast %sub3A_131 : vector<16xi32> -> vector<16xf32>
    %mul3A_133 = arith.constant 5.000000e-01 : f32
    %mul3A_134 = vector.broadcast %mul3A_133 : f32 to vector<16xf32>
    %mul3A_135 = arith.mulf %mul3A_134, %get3A_124 : vector<16xf32>
    %mul3A_136 = arith.mulf %mul3A_135, %bitcast_convert_type3A_132 : vector<16xf32>
    %mul3A_137 = arith.mulf %mul3A_136, %bitcast_convert_type3A_132 : vector<16xf32>
    %sub3A_138 = arith.constant 1.500000e+00 : f32
    %sub3A_139 = vector.broadcast %sub3A_138 : f32 to vector<16xf32>
    %sub3A_140 = arith.subf %sub3A_139, %mul3A_137 : vector<16xf32>
    %mul3A_141 = arith.mulf %bitcast_convert_type3A_132, %sub3A_140 : vector<16xf32>
    %mul3A_142 = arith.constant 5.000000e-01 : f32
    %mul3A_143 = vector.broadcast %mul3A_142 : f32 to vector<16xf32>
    %mul3A_144 = arith.mulf %mul3A_143, %get3A_124 : vector<16xf32>
    %mul3A_145 = arith.mulf %mul3A_144, %mul3A_141 : vector<16xf32>
    %mul3A_146 = arith.mulf %mul3A_145, %mul3A_141 : vector<16xf32>
    %sub3A_147 = arith.constant 1.500000e+00 : f32
    %sub3A_148 = vector.broadcast %sub3A_147 : f32 to vector<16xf32>
    %sub3A_149 = arith.subf %sub3A_148, %mul3A_146 : vector<16xf32>
    %mul3A_150 = arith.mulf %mul3A_141, %sub3A_149 : vector<16xf32>
    %mul3A_151 = arith.constant 5.000000e-01 : f32
    %mul3A_152 = vector.broadcast %mul3A_151 : f32 to vector<16xf32>
    %mul3A_153 = arith.mulf %mul3A_152, %get3A_124 : vector<16xf32>
    %mul3A_154 = arith.mulf %mul3A_153, %mul3A_150 : vector<16xf32>
    %mul3A_155 = arith.mulf %mul3A_154, %mul3A_150 : vector<16xf32>
    %sub3A_156 = arith.constant 1.500000e+00 : f32
    %sub3A_157 = vector.broadcast %sub3A_156 : f32 to vector<16xf32>
    %sub3A_158 = arith.subf %sub3A_157, %mul3A_155 : vector<16xf32>
    %mul3A_159 = arith.mulf %mul3A_150, %sub3A_158 : vector<16xf32>
    %swap3A_160 = arith.constant 16 : index
    %swap3A_161 = tpu.vector_load %arg12[%swap3A_160] {strides = array<i32>} : memref<640xf32, #tpu.memory_space<vmem>>, vector<16xf32>,
    tpu.vector_store %arg12[%swap3A_160], %mul3A_159 {strides = array<i32>} : memref<640xf32, #tpu.memory_space<vmem>>, vector<16xf32>,
    %get3A_162 = arith.constant 32 : index
    %get3A_163 = tpu.vector_load %arg11[%get3A_162] {strides = array<i32>} : memref<640xf32, #tpu.memory_space<vmem>>, vector<16xf32>,
    %bitcast_convert_type3A_164 = tpu.bitcast %get3A_163 : vector<16xf32> -> vector<16xi32>
    %shift_right_arithmetic3A_165 = arith.constant 1 : i32
    %shift_right_arithmetic3A_166 = vector.broadcast %shift_right_arithmetic3A_165 : i32 to vector<16xi32>
    %shift_right_arithmetic3A_167 = arith.shrsi %bitcast_convert_type3A_164, %shift_right_arithmetic3A_166 : vector<16xi32>
    %sub3A_168 = arith.constant 1597463007 : i32
    %sub3A_169 = vector.broadcast %sub3A_168 : i32 to vector<16xi32>
    %sub3A_170 = arith.subi %sub3A_169, %shift_right_arithmetic3A_167 : vector<16xi32>
    %bitcast_convert_type3A_171 = tpu.bitcast %sub3A_170 : vector<16xi32> -> vector<16xf32>
    %mul3A_172 = arith.constant 5.000000e-01 : f32
    %mul3A_173 = vector.broadcast %mul3A_172 : f32 to vector<16xf32>
    %mul3A_174 = arith.mulf %mul3A_173, %get3A_163 : vector<16xf32>
    %mul3A_175 = arith.mulf %mul3A_174, %bitcast_convert_type3A_171 : vector<16xf32>
    %mul3A_176 = arith.mulf %mul3A_175, %bitcast_convert_type3A_171 : vector<16xf32>
    %sub3A_177 = arith.constant 1.500000e+00 : f32
    %sub3A_178 = vector.broadcast %sub3A_177 : f32 to vector<16xf32>
    %sub3A_179 = arith.subf %sub3A_178, %mul3A_176 : vector<16xf32>
    %mul3A_180 = arith.mulf %bitcast_convert_type3A_171, %sub3A_179 : vector<16xf32>
    %mul3A_181 = arith.constant 5.000000e-01 : f32
    %mul3A_182 = vector.broadcast %mul3A_181 : f32 to vector<16xf32>
    %mul3A_183 = arith.mulf %mul3A_182, %get3A_163 : vector<16xf32>
    %mul3A_184 = arith.mulf %mul3A_183, %mul3A_180 : vector<16xf32>
    %mul3A_185 = arith.mulf %mul3A_184, %mul3A_180 : vector<16xf32>
    %sub3A_186 = arith.constant 1.500000e+00 : f32
    %sub3A_187 = vector.broadcast %sub3A_186 : f32 to vector<16xf32>
    %sub3A_188 = arith.subf %sub3A_187, %mul3A_185 : vector<16xf32>
    %mul3A_189 = arith.mulf %mul3A_180, %sub3A_188 : vector<16xf32>
    %mul3A_190 = arith.constant 5.000000e-01 : f32
    %mul3A_191 = vector.broadcast %mul3A_190 : f32 to vector<16xf32>
    %mul3A_192 = arith.mulf %mul3A_191, %get3A_163 : vector<16xf32>
    %mul3A_193 = arith.mulf %mul3A_192, %mul3A_189 : vector<16xf32>
    %mul3A_194 = arith.mulf %mul3A_193, %mul3A_189 : vector<16xf32>
    %sub3A_195 = arith.constant 1.500000e+00 : f32
    %sub3A_196 = vector.broadcast %sub3A_195 : f32 to vector<16xf32>
    %sub3A_197 = arith.subf %sub3A_196, %mul3A_194 : vector<16xf32>
    %mul3A_198 = arith.mulf %mul3A_189, %sub3A_197 : vector<16xf32>
    %swap3A_199 = arith.constant 32 : index
    %swap3A_200 = tpu.vector_load %arg12[%swap3A_199] {strides = array<i32>} : memref<640xf32, #tpu.memory_space<vmem>>, vector<16xf32>,
    tpu.vector_store %arg12[%swap3A_199], %mul3A_198 {strides = array<i32>} : memref<640xf32, #tpu.memory_space<vmem>>, vector<16xf32>,
    %get3A_201 = arith.constant 48 : index
    %get3A_202 = tpu.vector_load %arg11[%get3A_201] {strides = array<i32>} : memref<640xf32, #tpu.memory_space<vmem>>, vector<16xf32>,
    %bitcast_convert_type3A_203 = tpu.bitcast %get3A_202 : vector<16xf32> -> vector<16xi32>
    %shift_right_arithmetic3A_204 = arith.constant 1 : i32
    %shift_right_arithmetic3A_205 = vector.broadcast %shift_right_arithmetic3A_204 : i32 to vector<16xi32>
    %shift_right_arithmetic3A_206 = arith.shrsi %bitcast_convert_type3A_203, %shift_right_arithmetic3A_205 : vector<16xi32>
    %sub3A_207 = arith.constant 1597463007 : i32
    %sub3A_208 = vector.broadcast %sub3A_207 : i32 to vector<16xi32>
    %sub3A_209 = arith.subi %sub3A_208, %shift_right_arithmetic3A_206 : vector<16xi32>
    %bitcast_convert_type3A_210 = tpu.bitcast %sub3A_209 : vector<16xi32> -> vector<16xf32>
    %mul3A_211 = arith.constant 5.000000e-01 : f32
    %mul3A_212 = vector.broadcast %mul3A_211 : f32 to vector<16xf32>
    %mul3A_213 = arith.mulf %mul3A_212, %get3A_202 : vector<16xf32>
    %mul3A_214 = arith.mulf %mul3A_213, %bitcast_convert_type3A_210 : vector<16xf32>
    %mul3A_215 = arith.mulf %mul3A_214, %bitcast_convert_type3A_210 : vector<16xf32>
    %sub3A_216 = arith.constant 1.500000e+00 : f32
    %sub3A_217 = vector.broadcast %sub3A_216 : f32 to vector<16xf32>
    %sub3A_218 = arith.subf %sub3A_217, %mul3A_215 : vector<16xf32>
    %mul3A_219 = arith.mulf %bitcast_convert_type3A_210, %sub3A_218 : vector<16xf32>
    %mul3A_220 = arith.constant 5.000000e-01 : f32
    %mul3A_221 = vector.broadcast %mul3A_220 : f32 to vector<16xf32>
    %mul3A_222 = arith.mulf %mul3A_221, %get3A_202 : vector<16xf32>
    %mul3A_223 = arith.mulf %mul3A_222, %mul3A_219 : vector<16xf32>
    %mul3A_224 = arith.mulf %mul3A_223, %mul3A_219 : vector<16xf32>
    %sub3A_225 = arith.constant 1.500000e+00 : f32
    %sub3A_226 = vector.broadcast %sub3A_225 : f32 to vector<16xf32>
    %sub3A_227 = arith.subf %sub3A_226, %mul3A_224 : vector<16xf32>
    %mul3A_228 = arith.mulf %mul3A_219, %sub3A_227 : vector<16xf32>
    %mul3A_229 = arith.constant 5.000000e-01 : f32
    %mul3A_230 = vector.broadcast %mul3A_229 : f32 to vector<16xf32>
    %mul3A_231 = arith.mulf %mul3A_230, %get3A_202 : vector<16xf32>
    %mul3A_232 = arith.mulf %mul3A_231, %mul3A_228 : vector<16xf32>
    %mul3A_233 = arith.mulf %mul3A_232, %mul3A_228 : vector<16xf32>
    %sub3A_234 = arith.constant 1.500000e+00 : f32
    %sub3A_235 = vector.broadcast %sub3A_234 : f32 to vector<16xf32>
    %sub3A_236 = arith.subf %sub3A_235, %mul3A_233 : vector<16xf32>
    %mul3A_237 = arith.mulf %mul3A_228, %sub3A_236 : vector<16xf32>
    %swap3A_238 = arith.constant 48 : index
    %swap3A_239 = tpu.vector_load %arg12[%swap3A_238] {strides = array<i32>} : memref<640xf32, #tpu.memory_space<vmem>>, vector<16xf32>,
    tpu.vector_store %arg12[%swap3A_238], %mul3A_237 {strides = array<i32>} : memref<640xf32, #tpu.memory_space<vmem>>, vector<16xf32>,
    %get3A_240 = arith.constant 64 : index
    %get3A_241 = tpu.vector_load %arg11[%get3A_240] {strides = array<i32>} : memref<640xf32, #tpu.memory_space<vmem>>, vector<16xf32>,
    %bitcast_convert_type3A_242 = tpu.bitcast %get3A_241 : vector<16xf32> -> vector<16xi32>
    %shift_right_arithmetic3A_243 = arith.constant 1 : i32
    %shift_right_arithmetic3A_244 = vector.broadcast %shift_right_arithmetic3A_243 : i32 to vector<16xi32>
    %shift_right_arithmetic3A_245 = arith.shrsi %bitcast_convert_type3A_242, %shift_right_arithmetic3A_244 : vector<16xi32>
    %sub3A_246 = arith.constant 1597463007 : i32
    %sub3A_247 = vector.broadcast %sub3A_246 : i32 to vector<16xi32>
    %sub3A_248 = arith.subi %sub3A_247, %shift_right_arithmetic3A_245 : vector<16xi32>
    %bitcast_convert_type3A_249 = tpu.bitcast %sub3A_248 : vector<16xi32> -> vector<16xf32>
    %mul3A_250 = arith.constant 5.000000e-01 : f32
    %mul3A_251 = vector.broadcast %mul3A_250 : f32 to vector<16xf32>
    %mul3A_252 = arith.mulf %mul3A_251, %get3A_241 : vector<16xf32>
    %mul3A_253 = arith.mulf %mul3A_252, %bitcast_convert_type3A_249 : vector<16xf32>
    %mul3A_254 = arith.mulf %mul3A_253, %bitcast_convert_type3A_249 : vector<16xf32>
    %sub3A_255 = arith.constant 1.500000e+00 : f32
    %sub3A_256 = vector.broadcast %sub3A_255 : f32 to vector<16xf32>
    %sub3A_257 = arith.subf %sub3A_256, %mul3A_254 : vector<16xf32>
    %mul3A_258 = arith.mulf %bitcast_convert_type3A_249, %sub3A_257 : vector<16xf32>
    %mul3A_259 = arith.constant 5.000000e-01 : f32
    %mul3A_260 = vector.broadcast %mul3A_259 : f32 to vector<16xf32>
    %mul3A_261 = arith.mulf %mul3A_260, %get3A_241 : vector<16xf32>
    %mul3A_262 = arith.mulf %mul3A_261, %mul3A_258 : vector<16xf32>
    %mul3A_263 = arith.mulf %mul3A_262, %mul3A_258 : vector<16xf32>
    %sub3A_264 = arith.constant 1.500000e+00 : f32
    %sub3A_265 = vector.broadcast %sub3A_264 : f32 to vector<16xf32>
    %sub3A_266 = arith.subf %sub3A_265, %mul3A_263 : vector<16xf32>
    %mul3A_267 = arith.mulf %mul3A_258, %sub3A_266 : vector<16xf32>
    %mul3A_268 = arith.constant 5.000000e-01 : f32
    %mul3A_269 = vector.broadcast %mul3A_268 : f32 to vector<16xf32>
    %mul3A_270 = arith.mulf %mul3A_269, %get3A_241 : vector<16xf32>
    %mul3A_271 = arith.mulf %mul3A_270, %mul3A_267 : vector<16xf32>
    %mul3A_272 = arith.mulf %mul3A_271, %mul3A_267 : vector<16xf32>
    %sub3A_273 = arith.constant 1.500000e+00 : f32
    %sub3A_274 = vector.broadcast %sub3A_273 : f32 to vector<16xf32>
    %sub3A_275 = arith.subf %sub3A_274, %mul3A_272 : vector<16xf32>
    %mul3A_276 = arith.mulf %mul3A_267, %sub3A_275 : vector<16xf32>
    %swap3A_277 = arith.constant 64 : index
    %swap3A_278 = tpu.vector_load %arg12[%swap3A_277] {strides = array<i32>} : memref<640xf32, #tpu.memory_space<vmem>>, vector<16xf32>,
    tpu.vector_store %arg12[%swap3A_277], %mul3A_276 {strides = array<i32>} : memref<640xf32, #tpu.memory_space<vmem>>, vector<16xf32>,
    %get3A_279 = arith.constant 80 : index
    %get3A_280 = tpu.vector_load %arg11[%get3A_279] {strides = array<i32>} : memref<640xf32, #tpu.memory_space<vmem>>, vector<16xf32>,
    %bitcast_convert_type3A_281 = tpu.bitcast %get3A_280 : vector<16xf32> -> vector<16xi32>
    %shift_right_arithmetic3A_282 = arith.constant 1 : i32
    %shift_right_arithmetic3A_283 = vector.broadcast %shift_right_arithmetic3A_282 : i32 to vector<16xi32>
    %shift_right_arithmetic3A_284 = arith.shrsi %bitcast_convert_type3A_281, %shift_right_arithmetic3A_283 : vector<16xi32>
    %sub3A_285 = arith.constant 1597463007 : i32
    %sub3A_286 = vector.broadcast %sub3A_285 : i32 to vector<16xi32>
    %sub3A_287 = arith.subi %sub3A_286, %shift_right_arithmetic3A_284 : vector<16xi32>
    %bitcast_convert_type3A_288 = tpu.bitcast %sub3A_287 : vector<16xi32> -> vector<16xf32>
    %mul3A_289 = arith.constant 5.000000e-01 : f32
    %mul3A_290 = vector.broadcast %mul3A_289 : f32 to vector<16xf32>
    %mul3A_291 = arith.mulf %mul3A_290, %get3A_280 : vector<16xf32>
    %mul3A_292 = arith.mulf %mul3A_291, %bitcast_convert_type3A_288 : vector<16xf32>
    %mul3A_293 = arith.mulf %mul3A_292, %bitcast_convert_type3A_288 : vector<16xf32>
    %sub3A_294 = arith.constant 1.500000e+00 : f32
    %sub3A_295 = vector.broadcast %sub3A_294 : f32 to vector<16xf32>
    %sub3A_296 = arith.subf %sub3A_295, %mul3A_293 : vector<16xf32>
    %mul3A_297 = arith.mulf %bitcast_convert_type3A_288, %sub3A_296 : vector<16xf32>
    %mul3A_298 = arith.constant 5.000000e-01 : f32
    %mul3A_299 = vector.broadcast %mul3A_298 : f32 to vector<16xf32>
    %mul3A_300 = arith.mulf %mul3A_299, %get3A_280 : vector<16xf32>
    %mul3A_301 = arith.mulf %mul3A_300, %mul3A_297 : vector<16xf32>
    %mul3A_302 = arith.mulf %mul3A_301, %mul3A_297 : vector<16xf32>
    %sub3A_303 = arith.constant 1.500000e+00 : f32
    %sub3A_304 = vector.broadcast %sub3A_303 : f32 to vector<16xf32>
    %sub3A_305 = arith.subf %sub3A_304, %mul3A_302 : vector<16xf32>
    %mul3A_306 = arith.mulf %mul3A_297, %sub3A_305 : vector<16xf32>
    %mul3A_307 = arith.constant 5.000000e-01 : f32
    %mul3A_308 = vector.broadcast %mul3A_307 : f32 to vector<16xf32>
    %mul3A_309 = arith.mulf %mul3A_308, %get3A_280 : vector<16xf32>
    %mul3A_310 = arith.mulf %mul3A_309, %mul3A_306 : vector<16xf32>
    %mul3A_311 = arith.mulf %mul3A_310, %mul3A_306 : vector<16xf32>
    %sub3A_312 = arith.constant 1.500000e+00 : f32
    %sub3A_313 = vector.broadcast %sub3A_312 : f32 to vector<16xf32>
    %sub3A_314 = arith.subf %sub3A_313, %mul3A_311 : vector<16xf32>
    %mul3A_315 = arith.mulf %mul3A_306, %sub3A_314 : vector<16xf32>
    %swap3A_316 = arith.constant 80 : index
    %swap3A_317 = tpu.vector_load %arg12[%swap3A_316] {strides = array<i32>} : memref<640xf32, #tpu.memory_space<vmem>>, vector<16xf32>,
    tpu.vector_store %arg12[%swap3A_316], %mul3A_315 {strides = array<i32>} : memref<640xf32, #tpu.memory_space<vmem>>, vector<16xf32>,
    %get3A_318 = arith.constant 96 : index
    %get3A_319 = tpu.vector_load %arg11[%get3A_318] {strides = array<i32>} : memref<640xf32, #tpu.memory_space<vmem>>, vector<16xf32>,
    %bitcast_convert_type3A_320 = tpu.bitcast %get3A_319 : vector<16xf32> -> vector<16xi32>
    %shift_right_arithmetic3A_321 = arith.constant 1 : i32
    %shift_right_arithmetic3A_322 = vector.broadcast %shift_right_arithmetic3A_321 : i32 to vector<16xi32>
    %shift_right_arithmetic3A_323 = arith.shrsi %bitcast_convert_type3A_320, %shift_right_arithmetic3A_322 : vector<16xi32>
    %sub3A_324 = arith.constant 1597463007 : i32
    %sub3A_325 = vector.broadcast %sub3A_324 : i32 to vector<16xi32>
    %sub3A_326 = arith.subi %sub3A_325, %shift_right_arithmetic3A_323 : vector<16xi32>
    %bitcast_convert_type3A_327 = tpu.bitcast %sub3A_326 : vector<16xi32> -> vector<16xf32>
    %mul3A_328 = arith.constant 5.000000e-01 : f32
    %mul3A_329 = vector.broadcast %mul3A_328 : f32 to vector<16xf32>
    %mul3A_330 = arith.mulf %mul3A_329, %get3A_319 : vector<16xf32>
    %mul3A_331 = arith.mulf %mul3A_330, %bitcast_convert_type3A_327 : vector<16xf32>
    %mul3A_332 = arith.mulf %mul3A_331, %bitcast_convert_type3A_327 : vector<16xf32>
    %sub3A_333 = arith.constant 1.500000e+00 : f32
    %sub3A_334 = vector.broadcast %sub3A_333 : f32 to vector<16xf32>
    %sub3A_335 = arith.subf %sub3A_334, %mul3A_332 : vector<16xf32>
    %mul3A_336 = arith.mulf %bitcast_convert_type3A_327, %sub3A_335 : vector<16xf32>
    %mul3A_337 = arith.constant 5.000000e-01 : f32
    %mul3A_338 = vector.broadcast %mul3A_337 : f32 to vector<16xf32>
    %mul3A_339 = arith.mulf %mul3A_338, %get3A_319 : vector<16xf32>
    %mul3A_340 = arith.mulf %mul3A_339, %mul3A_336 : vector<16xf32>
    %mul3A_341 = arith.mulf %mul3A_340, %mul3A_336 : vector<16xf32>
    %sub3A_342 = arith.constant 1.500000e+00 : f32
    %sub3A_343 = vector.broadcast %sub3A_342 : f32 to vector<16xf32>
    %sub3A_344 = arith.subf %sub3A_343, %mul3A_341 : vector<16xf32>
    %mul3A_345 = arith.mulf %mul3A_336, %sub3A_344 : vector<16xf32>
    %mul3A_346 = arith.constant 5.000000e-01 : f32
    %mul3A_347 = vector.broadcast %mul3A_346 : f32 to vector<16xf32>
    %mul3A_348 = arith.mulf %mul3A_347, %get3A_319 : vector<16xf32>
    %mul3A_349 = arith.mulf %mul3A_348, %mul3A_345 : vector<16xf32>
    %mul3A_350 = arith.mulf %mul3A_349, %mul3A_345 : vector<16xf32>
    %sub3A_351 = arith.constant 1.500000e+00 : f32
    %sub3A_352 = vector.broadcast %sub3A_351 : f32 to vector<16xf32>
    %sub3A_353 = arith.subf %sub3A_352, %mul3A_350 : vector<16xf32>
    %mul3A_354 = arith.mulf %mul3A_345, %sub3A_353 : vector<16xf32>
    %swap3A_355 = arith.constant 96 : index
    %swap3A_356 = tpu.vector_load %arg12[%swap3A_355] {strides = array<i32>} : memref<640xf32, #tpu.memory_space<vmem>>, vector<16xf32>,
    tpu.vector_store %arg12[%swap3A_355], %mul3A_354 {strides = array<i32>} : memref<640xf32, #tpu.memory_space<vmem>>, vector<16xf32>,
    %get3A_357 = arith.constant 112 : index
    %get3A_358 = tpu.vector_load %arg11[%get3A_357] {strides = array<i32>} : memref<640xf32, #tpu.memory_space<vmem>>, vector<16xf32>,
    %bitcast_convert_type3A_359 = tpu.bitcast %get3A_358 : vector<16xf32> -> vector<16xi32>
    %shift_right_arithmetic3A_360 = arith.constant 1 : i32
    %shift_right_arithmetic3A_361 = vector.broadcast %shift_right_arithmetic3A_360 : i32 to vector<16xi32>
    %shift_right_arithmetic3A_362 = arith.shrsi %bitcast_convert_type3A_359, %shift_right_arithmetic3A_361 : vector<16xi32>
    %sub3A_363 = arith.constant 1597463007 : i32
    %sub3A_364 = vector.broadcast %sub3A_363 : i32 to vector<16xi32>
    %sub3A_365 = arith.subi %sub3A_364, %shift_right_arithmetic3A_362 : vector<16xi32>
    %bitcast_convert_type3A_366 = tpu.bitcast %sub3A_365 : vector<16xi32> -> vector<16xf32>
    %mul3A_367 = arith.constant 5.000000e-01 : f32
    %mul3A_368 = vector.broadcast %mul3A_367 : f32 to vector<16xf32>
    %mul3A_369 = arith.mulf %mul3A_368, %get3A_358 : vector<16xf32>
    %mul3A_370 = arith.mulf %mul3A_369, %bitcast_convert_type3A_366 : vector<16xf32>
    %mul3A_371 = arith.mulf %mul3A_370, %bitcast_convert_type3A_366 : vector<16xf32>
    %sub3A_372 = arith.constant 1.500000e+00 : f32
    %sub3A_373 = vector.broadcast %sub3A_372 : f32 to vector<16xf32>
    %sub3A_374 = arith.subf %sub3A_373, %mul3A_371 : vector<16xf32>
    %mul3A_375 = arith.mulf %bitcast_convert_type3A_366, %sub3A_374 : vector<16xf32>
    %mul3A_376 = arith.constant 5.000000e-01 : f32
    %mul3A_377 = vector.broadcast %mul3A_376 : f32 to vector<16xf32>
    %mul3A_378 = arith.mulf %mul3A_377, %get3A_358 : vector<16xf32>
    %mul3A_379 = arith.mulf %mul3A_378, %mul3A_375 : vector<16xf32>
    %mul3A_380 = arith.mulf %mul3A_379, %mul3A_375 : vector<16xf32>
    %sub3A_381 = arith.constant 1.500000e+00 : f32
    %sub3A_382 = vector.broadcast %sub3A_381 : f32 to vector<16xf32>
    %sub3A_383 = arith.subf %sub3A_382, %mul3A_380 : vector<16xf32>
    %mul3A_384 = arith.mulf %mul3A_375, %sub3A_383 : vector<16xf32>
    %mul3A_385 = arith.constant 5.000000e-01 : f32
    %mul3A_386 = vector.broadcast %mul3A_385 : f32 to vector<16xf32>
    %mul3A_387 = arith.mulf %mul3A_386, %get3A_358 : vector<16xf32>
    %mul3A_388 = arith.mulf %mul3A_387, %mul3A_384 : vector<16xf32>
    %mul3A_389 = arith.mulf %mul3A_388, %mul3A_384 : vector<16xf32>
    %sub3A_390 = arith.constant 1.500000e+00 : f32
    %sub3A_391 = vector.broadcast %sub3A_390 : f32 to vector<16xf32>
    %sub3A_392 = arith.subf %sub3A_391, %mul3A_389 : vector<16xf32>
    %mul3A_393 = arith.mulf %mul3A_384, %sub3A_392 : vector<16xf32>
    %swap3A_394 = arith.constant 112 : index
    %swap3A_395 = tpu.vector_load %arg12[%swap3A_394] {strides = array<i32>} : memref<640xf32, #tpu.memory_space<vmem>>, vector<16xf32>,
    tpu.vector_store %arg12[%swap3A_394], %mul3A_393 {strides = array<i32>} : memref<640xf32, #tpu.memory_space<vmem>>, vector<16xf32>,
    %get3A_396 = arith.constant 128 : index
    %get3A_397 = tpu.vector_load %arg11[%get3A_396] {strides = array<i32>} : memref<640xf32, #tpu.memory_space<vmem>>, vector<16xf32>,
    %bitcast_convert_type3A_398 = tpu.bitcast %get3A_397 : vector<16xf32> -> vector<16xi32>
    %shift_right_arithmetic3A_399 = arith.constant 1 : i32
    %shift_right_arithmetic3A_400 = vector.broadcast %shift_right_arithmetic3A_399 : i32 to vector<16xi32>
    %shift_right_arithmetic3A_401 = arith.shrsi %bitcast_convert_type3A_398, %shift_right_arithmetic3A_400 : vector<16xi32>
    %sub3A_402 = arith.constant 1597463007 : i32
    %sub3A_403 = vector.broadcast %sub3A_402 : i32 to vector<16xi32>
    %sub3A_404 = arith.subi %sub3A_403, %shift_right_arithmetic3A_401 : vector<16xi32>
    %bitcast_convert_type3A_405 = tpu.bitcast %sub3A_404 : vector<16xi32> -> vector<16xf32>
    %mul3A_406 = arith.constant 5.000000e-01 : f32
    %mul3A_407 = vector.broadcast %mul3A_406 : f32 to vector<16xf32>
    %mul3A_408 = arith.mulf %mul3A_407, %get3A_397 : vector<16xf32>
    %mul3A_409 = arith.mulf %mul3A_408, %bitcast_convert_type3A_405 : vector<16xf32>
    %mul3A_410 = arith.mulf %mul3A_409, %bitcast_convert_type3A_405 : vector<16xf32>
    %sub3A_411 = arith.constant 1.500000e+00 : f32
    %sub3A_412 = vector.broadcast %sub3A_411 : f32 to vector<16xf32>
    %sub3A_413 = arith.subf %sub3A_412, %mul3A_410 : vector<16xf32>
    %mul3A_414 = arith.mulf %bitcast_convert_type3A_405, %sub3A_413 : vector<16xf32>
    %mul3A_415 = arith.constant 5.000000e-01 : f32
    %mul3A_416 = vector.broadcast %mul3A_415 : f32 to vector<16xf32>
    %mul3A_417 = arith.mulf %mul3A_416, %get3A_397 : vector<16xf32>
    %mul3A_418 = arith.mulf %mul3A_417, %mul3A_414 : vector<16xf32>
    %mul3A_419 = arith.mulf %mul3A_418, %mul3A_414 : vector<16xf32>
    %sub3A_420 = arith.constant 1.500000e+00 : f32
    %sub3A_421 = vector.broadcast %sub3A_420 : f32 to vector<16xf32>
    %sub3A_422 = arith.subf %sub3A_421, %mul3A_419 : vector<16xf32>
    %mul3A_423 = arith.mulf %mul3A_414, %sub3A_422 : vector<16xf32>
    %mul3A_424 = arith.constant 5.000000e-01 : f32
    %mul3A_425 = vector.broadcast %mul3A_424 : f32 to vector<16xf32>
    %mul3A_426 = arith.mulf %mul3A_425, %get3A_397 : vector<16xf32>
    %mul3A_427 = arith.mulf %mul3A_426, %mul3A_423 : vector<16xf32>
    %mul3A_428 = arith.mulf %mul3A_427, %mul3A_423 : vector<16xf32>
    %sub3A_429 = arith.constant 1.500000e+00 : f32
    %sub3A_430 = vector.broadcast %sub3A_429 : f32 to vector<16xf32>
    %sub3A_431 = arith.subf %sub3A_430, %mul3A_428 : vector<16xf32>
    %mul3A_432 = arith.mulf %mul3A_423, %sub3A_431 : vector<16xf32>
    %swap3A_433 = arith.constant 128 : index
    %swap3A_434 = tpu.vector_load %arg12[%swap3A_433] {strides = array<i32>} : memref<640xf32, #tpu.memory_space<vmem>>, vector<16xf32>,
    tpu.vector_store %arg12[%swap3A_433], %mul3A_432 {strides = array<i32>} : memref<640xf32, #tpu.memory_space<vmem>>, vector<16xf32>,
    %get3A_435 = arith.constant 144 : index
    %get3A_436 = tpu.vector_load %arg11[%get3A_435] {strides = array<i32>} : memref<640xf32, #tpu.memory_space<vmem>>, vector<16xf32>,
    %bitcast_convert_type3A_437 = tpu.bitcast %get3A_436 : vector<16xf32> -> vector<16xi32>
    %shift_right_arithmetic3A_438 = arith.constant 1 : i32
    %shift_right_arithmetic3A_439 = vector.broadcast %shift_right_arithmetic3A_438 : i32 to vector<16xi32>
    %shift_right_arithmetic3A_440 = arith.shrsi %bitcast_convert_type3A_437, %shift_right_arithmetic3A_439 : vector<16xi32>
    %sub3A_441 = arith.constant 1597463007 : i32
    %sub3A_442 = vector.broadcast %sub3A_441 : i32 to vector<16xi32>
    %sub3A_443 = arith.subi %sub3A_442, %shift_right_arithmetic3A_440 : vector<16xi32>
    %bitcast_convert_type3A_444 = tpu.bitcast %sub3A_443 : vector<16xi32> -> vector<16xf32>
    %mul3A_445 = arith.constant 5.000000e-01 : f32
    %mul3A_446 = vector.broadcast %mul3A_445 : f32 to vector<16xf32>
    %mul3A_447 = arith.mulf %mul3A_446, %get3A_436 : vector<16xf32>
    %mul3A_448 = arith.mulf %mul3A_447, %bitcast_convert_type3A_444 : vector<16xf32>
    %mul3A_449 = arith.mulf %mul3A_448, %bitcast_convert_type3A_444 : vector<16xf32>
    %sub3A_450 = arith.constant 1.500000e+00 : f32
    %sub3A_451 = vector.broadcast %sub3A_450 : f32 to vector<16xf32>
    %sub3A_452 = arith.subf %sub3A_451, %mul3A_449 : vector<16xf32>
    %mul3A_453 = arith.mulf %bitcast_convert_type3A_444, %sub3A_452 : vector<16xf32>
    %mul3A_454 = arith.constant 5.000000e-01 : f32
    %mul3A_455 = vector.broadcast %mul3A_454 : f32 to vector<16xf32>
    %mul3A_456 = arith.mulf %mul3A_455, %get3A_436 : vector<16xf32>
    %mul3A_457 = arith.mulf %mul3A_456, %mul3A_453 : vector<16xf32>
    %mul3A_458 = arith.mulf %mul3A_457, %mul3A_453 : vector<16xf32>
    %sub3A_459 = arith.constant 1.500000e+00 : f32
    %sub3A_460 = vector.broadcast %sub3A_459 : f32 to vector<16xf32>
    %sub3A_461 = arith.subf %sub3A_460, %mul3A_458 : vector<16xf32>
    %mul3A_462 = arith.mulf %mul3A_453, %sub3A_461 : vector<16xf32>
    %mul3A_463 = arith.constant 5.000000e-01 : f32
    %mul3A_464 = vector.broadcast %mul3A_463 : f32 to vector<16xf32>
    %mul3A_465 = arith.mulf %mul3A_464, %get3A_436 : vector<16xf32>
    %mul3A_466 = arith.mulf %mul3A_465, %mul3A_462 : vector<16xf32>
    %mul3A_467 = arith.mulf %mul3A_466, %mul3A_462 : vector<16xf32>
    %sub3A_468 = arith.constant 1.500000e+00 : f32
    %sub3A_469 = vector.broadcast %sub3A_468 : f32 to vector<16xf32>
    %sub3A_470 = arith.subf %sub3A_469, %mul3A_467 : vector<16xf32>
    %mul3A_471 = arith.mulf %mul3A_462, %sub3A_470 : vector<16xf32>
    %swap3A_472 = arith.constant 144 : index
    %swap3A_473 = tpu.vector_load %arg12[%swap3A_472] {strides = array<i32>} : memref<640xf32, #tpu.memory_space<vmem>>, vector<16xf32>,
    tpu.vector_store %arg12[%swap3A_472], %mul3A_471 {strides = array<i32>} : memref<640xf32, #tpu.memory_space<vmem>>, vector<16xf32>,
    %get3A_474 = arith.constant 160 : index
    %get3A_475 = tpu.vector_load %arg11[%get3A_474] {strides = array<i32>} : memref<640xf32, #tpu.memory_space<vmem>>, vector<16xf32>,
    %bitcast_convert_type3A_476 = tpu.bitcast %get3A_475 : vector<16xf32> -> vector<16xi32>
    %shift_right_arithmetic3A_477 = arith.constant 1 : i32
    %shift_right_arithmetic3A_478 = vector.broadcast %shift_right_arithmetic3A_477 : i32 to vector<16xi32>
    %shift_right_arithmetic3A_479 = arith.shrsi %bitcast_convert_type3A_476, %shift_right_arithmetic3A_478 : vector<16xi32>
    %sub3A_480 = arith.constant 1597463007 : i32
    %sub3A_481 = vector.broadcast %sub3A_480 : i32 to vector<16xi32>
    %sub3A_482 = arith.subi %sub3A_481, %shift_right_arithmetic3A_479 : vector<16xi32>
    %bitcast_convert_type3A_483 = tpu.bitcast %sub3A_482 : vector<16xi32> -> vector<16xf32>
    %mul3A_484 = arith.constant 5.000000e-01 : f32
    %mul3A_485 = vector.broadcast %mul3A_484 : f32 to vector<16xf32>
    %mul3A_486 = arith.mulf %mul3A_485, %get3A_475 : vector<16xf32>
    %mul3A_487 = arith.mulf %mul3A_486, %bitcast_convert_type3A_483 : vector<16xf32>
    %mul3A_488 = arith.mulf %mul3A_487, %bitcast_convert_type3A_483 : vector<16xf32>
    %sub3A_489 = arith.constant 1.500000e+00 : f32
    %sub3A_490 = vector.broadcast %sub3A_489 : f32 to vector<16xf32>
    %sub3A_491 = arith.subf %sub3A_490, %mul3A_488 : vector<16xf32>
    %mul3A_492 = arith.mulf %bitcast_convert_type3A_483, %sub3A_491 : vector<16xf32>
    %mul3A_493 = arith.constant 5.000000e-01 : f32
    %mul3A_494 = vector.broadcast %mul3A_493 : f32 to vector<16xf32>
    %mul3A_495 = arith.mulf %mul3A_494, %get3A_475 : vector<16xf32>
    %mul3A_496 = arith.mulf %mul3A_495, %mul3A_492 : vector<16xf32>
    %mul3A_497 = arith.mulf %mul3A_496, %mul3A_492 : vector<16xf32>
    %sub3A_498 = arith.constant 1.500000e+00 : f32
    %sub3A_499 = vector.broadcast %sub3A_498 : f32 to vector<16xf32>
    %sub3A_500 = arith.subf %sub3A_499, %mul3A_497 : vector<16xf32>
    %mul3A_501 = arith.mulf %mul3A_492, %sub3A_500 : vector<16xf32>
    %mul3A_502 = arith.constant 5.000000e-01 : f32
    %mul3A_503 = vector.broadcast %mul3A_502 : f32 to vector<16xf32>
    %mul3A_504 = arith.mulf %mul3A_503, %get3A_475 : vector<16xf32>
    %mul3A_505 = arith.mulf %mul3A_504, %mul3A_501 : vector<16xf32>
    %mul3A_506 = arith.mulf %mul3A_505, %mul3A_501 : vector<16xf32>
    %sub3A_507 = arith.constant 1.500000e+00 : f32
    %sub3A_508 = vector.broadcast %sub3A_507 : f32 to vector<16xf32>
    %sub3A_509 = arith.subf %sub3A_508, %mul3A_506 : vector<16xf32>
    %mul3A_510 = arith.mulf %mul3A_501, %sub3A_509 : vector<16xf32>
    %swap3A_511 = arith.constant 160 : index
    %swap3A_512 = tpu.vector_load %arg12[%swap3A_511] {strides = array<i32>} : memref<640xf32, #tpu.memory_space<vmem>>, vector<16xf32>,
    tpu.vector_store %arg12[%swap3A_511], %mul3A_510 {strides = array<i32>} : memref<640xf32, #tpu.memory_space<vmem>>, vector<16xf32>,
    %get3A_513 = arith.constant 176 : index
    %get3A_514 = tpu.vector_load %arg11[%get3A_513] {strides = array<i32>} : memref<640xf32, #tpu.memory_space<vmem>>, vector<16xf32>,
    %bitcast_convert_type3A_515 = tpu.bitcast %get3A_514 : vector<16xf32> -> vector<16xi32>
    %shift_right_arithmetic3A_516 = arith.constant 1 : i32
    %shift_right_arithmetic3A_517 = vector.broadcast %shift_right_arithmetic3A_516 : i32 to vector<16xi32>
    %shift_right_arithmetic3A_518 = arith.shrsi %bitcast_convert_type3A_515, %shift_right_arithmetic3A_517 : vector<16xi32>
    %sub3A_519 = arith.constant 1597463007 : i32
    %sub3A_520 = vector.broadcast %sub3A_519 : i32 to vector<16xi32>
    %sub3A_521 = arith.subi %sub3A_520, %shift_right_arithmetic3A_518 : vector<16xi32>
    %bitcast_convert_type3A_522 = tpu.bitcast %sub3A_521 : vector<16xi32> -> vector<16xf32>
    %mul3A_523 = arith.constant 5.000000e-01 : f32
    %mul3A_524 = vector.broadcast %mul3A_523 : f32 to vector<16xf32>
    %mul3A_525 = arith.mulf %mul3A_524, %get3A_514 : vector<16xf32>
    %mul3A_526 = arith.mulf %mul3A_525, %bitcast_convert_type3A_522 : vector<16xf32>
    %mul3A_527 = arith.mulf %mul3A_526, %bitcast_convert_type3A_522 : vector<16xf32>
    %sub3A_528 = arith.constant 1.500000e+00 : f32
    %sub3A_529 = vector.broadcast %sub3A_528 : f32 to vector<16xf32>
    %sub3A_530 = arith.subf %sub3A_529, %mul3A_527 : vector<16xf32>
    %mul3A_531 = arith.mulf %bitcast_convert_type3A_522, %sub3A_530 : vector<16xf32>
    %mul3A_532 = arith.constant 5.000000e-01 : f32
    %mul3A_533 = vector.broadcast %mul3A_532 : f32 to vector<16xf32>
    %mul3A_534 = arith.mulf %mul3A_533, %get3A_514 : vector<16xf32>
    %mul3A_535 = arith.mulf %mul3A_534, %mul3A_531 : vector<16xf32>
    %mul3A_536 = arith.mulf %mul3A_535, %mul3A_531 : vector<16xf32>
    %sub3A_537 = arith.constant 1.500000e+00 : f32
    %sub3A_538 = vector.broadcast %sub3A_537 : f32 to vector<16xf32>
    %sub3A_539 = arith.subf %sub3A_538, %mul3A_536 : vector<16xf32>
    %mul3A_540 = arith.mulf %mul3A_531, %sub3A_539 : vector<16xf32>
    %mul3A_541 = arith.constant 5.000000e-01 : f32
    %mul3A_542 = vector.broadcast %mul3A_541 : f32 to vector<16xf32>
    %mul3A_543 = arith.mulf %mul3A_542, %get3A_514 : vector<16xf32>
    %mul3A_544 = arith.mulf %mul3A_543, %mul3A_540 : vector<16xf32>
    %mul3A_545 = arith.mulf %mul3A_544, %mul3A_540 : vector<16xf32>
    %sub3A_546 = arith.constant 1.500000e+00 : f32
    %sub3A_547 = vector.broadcast %sub3A_546 : f32 to vector<16xf32>
    %sub3A_548 = arith.subf %sub3A_547, %mul3A_545 : vector<16xf32>
    %mul3A_549 = arith.mulf %mul3A_540, %sub3A_548 : vector<16xf32>
    %swap3A_550 = arith.constant 176 : index
    %swap3A_551 = tpu.vector_load %arg12[%swap3A_550] {strides = array<i32>} : memref<640xf32, #tpu.memory_space<vmem>>, vector<16xf32>,
    tpu.vector_store %arg12[%swap3A_550], %mul3A_549 {strides = array<i32>} : memref<640xf32, #tpu.memory_space<vmem>>, vector<16xf32>,
    %get3A_552 = arith.constant 192 : index
    %get3A_553 = tpu.vector_load %arg11[%get3A_552] {strides = array<i32>} : memref<640xf32, #tpu.memory_space<vmem>>, vector<16xf32>,
    %bitcast_convert_type3A_554 = tpu.bitcast %get3A_553 : vector<16xf32> -> vector<16xi32>
    %shift_right_arithmetic3A_555 = arith.constant 1 : i32
    %shift_right_arithmetic3A_556 = vector.broadcast %shift_right_arithmetic3A_555 : i32 to vector<16xi32>
    %shift_right_arithmetic3A_557 = arith.shrsi %bitcast_convert_type3A_554, %shift_right_arithmetic3A_556 : vector<16xi32>
    %sub3A_558 = arith.constant 1597463007 : i32
    %sub3A_559 = vector.broadcast %sub3A_558 : i32 to vector<16xi32>
    %sub3A_560 = arith.subi %sub3A_559, %shift_right_arithmetic3A_557 : vector<16xi32>
    %bitcast_convert_type3A_561 = tpu.bitcast %sub3A_560 : vector<16xi32> -> vector<16xf32>
    %mul3A_562 = arith.constant 5.000000e-01 : f32
    %mul3A_563 = vector.broadcast %mul3A_562 : f32 to vector<16xf32>
    %mul3A_564 = arith.mulf %mul3A_563, %get3A_553 : vector<16xf32>
    %mul3A_565 = arith.mulf %mul3A_564, %bitcast_convert_type3A_561 : vector<16xf32>
    %mul3A_566 = arith.mulf %mul3A_565, %bitcast_convert_type3A_561 : vector<16xf32>
    %sub3A_567 = arith.constant 1.500000e+00 : f32
    %sub3A_568 = vector.broadcast %sub3A_567 : f32 to vector<16xf32>
    %sub3A_569 = arith.subf %sub3A_568, %mul3A_566 : vector<16xf32>
    %mul3A_570 = arith.mulf %bitcast_convert_type3A_561, %sub3A_569 : vector<16xf32>
    %mul3A_571 = arith.constant 5.000000e-01 : f32
    %mul3A_572 = vector.broadcast %mul3A_571 : f32 to vector<16xf32>
    %mul3A_573 = arith.mulf %mul3A_572, %get3A_553 : vector<16xf32>
    %mul3A_574 = arith.mulf %mul3A_573, %mul3A_570 : vector<16xf32>
    %mul3A_575 = arith.mulf %mul3A_574, %mul3A_570 : vector<16xf32>
    %sub3A_576 = arith.constant 1.500000e+00 : f32
    %sub3A_577 = vector.broadcast %sub3A_576 : f32 to vector<16xf32>
    %sub3A_578 = arith.subf %sub3A_577, %mul3A_575 : vector<16xf32>
    %mul3A_579 = arith.mulf %mul3A_570, %sub3A_578 : vector<16xf32>
    %mul3A_580 = arith.constant 5.000000e-01 : f32
    %mul3A_581 = vector.broadcast %mul3A_580 : f32 to vector<16xf32>
    %mul3A_582 = arith.mulf %mul3A_581, %get3A_553 : vector<16xf32>
    %mul3A_583 = arith.mulf %mul3A_582, %mul3A_579 : vector<16xf32>
    %mul3A_584 = arith.mulf %mul3A_583, %mul3A_579 : vector<16xf32>
    %sub3A_585 = arith.constant 1.500000e+00 : f32
    %sub3A_586 = vector.broadcast %sub3A_585 : f32 to vector<16xf32>
    %sub3A_587 = arith.subf %sub3A_586, %mul3A_584 : vector<16xf32>
    %mul3A_588 = arith.mulf %mul3A_579, %sub3A_587 : vector<16xf32>
    %swap3A_589 = arith.constant 192 : index
    %swap3A_590 = tpu.vector_load %arg12[%swap3A_589] {strides = array<i32>} : memref<640xf32, #tpu.memory_space<vmem>>, vector<16xf32>,
    tpu.vector_store %arg12[%swap3A_589], %mul3A_588 {strides = array<i32>} : memref<640xf32, #tpu.memory_space<vmem>>, vector<16xf32>,
    %get3A_591 = arith.constant 208 : index
    %get3A_592 = tpu.vector_load %arg11[%get3A_591] {strides = array<i32>} : memref<640xf32, #tpu.memory_space<vmem>>, vector<16xf32>,
    %bitcast_convert_type3A_593 = tpu.bitcast %get3A_592 : vector<16xf32> -> vector<16xi32>
    %shift_right_arithmetic3A_594 = arith.constant 1 : i32
    %shift_right_arithmetic3A_595 = vector.broadcast %shift_right_arithmetic3A_594 : i32 to vector<16xi32>
    %shift_right_arithmetic3A_596 = arith.shrsi %bitcast_convert_type3A_593, %shift_right_arithmetic3A_595 : vector<16xi32>
    %sub3A_597 = arith.constant 1597463007 : i32
    %sub3A_598 = vector.broadcast %sub3A_597 : i32 to vector<16xi32>
    %sub3A_599 = arith.subi %sub3A_598, %shift_right_arithmetic3A_596 : vector<16xi32>
    %bitcast_convert_type3A_600 = tpu.bitcast %sub3A_599 : vector<16xi32> -> vector<16xf32>
    %mul3A_601 = arith.constant 5.000000e-01 : f32
    %mul3A_602 = vector.broadcast %mul3A_601 : f32 to vector<16xf32>
    %mul3A_603 = arith.mulf %mul3A_602, %get3A_592 : vector<16xf32>
    %mul3A_604 = arith.mulf %mul3A_603, %bitcast_convert_type3A_600 : vector<16xf32>
    %mul3A_605 = arith.mulf %mul3A_604, %bitcast_convert_type3A_600 : vector<16xf32>
    %sub3A_606 = arith.constant 1.500000e+00 : f32
    %sub3A_607 = vector.broadcast %sub3A_606 : f32 to vector<16xf32>
    %sub3A_608 = arith.subf %sub3A_607, %mul3A_605 : vector<16xf32>
    %mul3A_609 = arith.mulf %bitcast_convert_type3A_600, %sub3A_608 : vector<16xf32>
    %mul3A_610 = arith.constant 5.000000e-01 : f32
    %mul3A_611 = vector.broadcast %mul3A_610 : f32 to vector<16xf32>
    %mul3A_612 = arith.mulf %mul3A_611, %get3A_592 : vector<16xf32>
    %mul3A_613 = arith.mulf %mul3A_612, %mul3A_609 : vector<16xf32>
    %mul3A_614 = arith.mulf %mul3A_613, %mul3A_609 : vector<16xf32>
    %sub3A_615 = arith.constant 1.500000e+00 : f32
    %sub3A_616 = vector.broadcast %sub3A_615 : f32 to vector<16xf32>
    %sub3A_617 = arith.subf %sub3A_616, %mul3A_614 : vector<16xf32>
    %mul3A_618 = arith.mulf %mul3A_609, %sub3A_617 : vector<16xf32>
    %mul3A_619 = arith.constant 5.000000e-01 : f32
    %mul3A_620 = vector.broadcast %mul3A_619 : f32 to vector<16xf32>
    %mul3A_621 = arith.mulf %mul3A_620, %get3A_592 : vector<16xf32>
    %mul3A_622 = arith.mulf %mul3A_621, %mul3A_618 : vector<16xf32>
    %mul3A_623 = arith.mulf %mul3A_622, %mul3A_618 : vector<16xf32>
    %sub3A_624 = arith.constant 1.500000e+00 : f32
    %sub3A_625 = vector.broadcast %sub3A_624 : f32 to vector<16xf32>
    %sub3A_626 = arith.subf %sub3A_625, %mul3A_623 : vector<16xf32>
    %mul3A_627 = arith.mulf %mul3A_618, %sub3A_626 : vector<16xf32>
    %swap3A_628 = arith.constant 208 : index
    %swap3A_629 = tpu.vector_load %arg12[%swap3A_628] {strides = array<i32>} : memref<640xf32, #tpu.memory_space<vmem>>, vector<16xf32>,
    tpu.vector_store %arg12[%swap3A_628], %mul3A_627 {strides = array<i32>} : memref<640xf32, #tpu.memory_space<vmem>>, vector<16xf32>,
    %get3A_630 = arith.constant 224 : index
    %get3A_631 = tpu.vector_load %arg11[%get3A_630] {strides = array<i32>} : memref<640xf32, #tpu.memory_space<vmem>>, vector<16xf32>,
    %bitcast_convert_type3A_632 = tpu.bitcast %get3A_631 : vector<16xf32> -> vector<16xi32>
    %shift_right_arithmetic3A_633 = arith.constant 1 : i32
    %shift_right_arithmetic3A_634 = vector.broadcast %shift_right_arithmetic3A_633 : i32 to vector<16xi32>
    %shift_right_arithmetic3A_635 = arith.shrsi %bitcast_convert_type3A_632, %shift_right_arithmetic3A_634 : vector<16xi32>
    %sub3A_636 = arith.constant 1597463007 : i32
    %sub3A_637 = vector.broadcast %sub3A_636 : i32 to vector<16xi32>
    %sub3A_638 = arith.subi %sub3A_637, %shift_right_arithmetic3A_635 : vector<16xi32>
    %bitcast_convert_type3A_639 = tpu.bitcast %sub3A_638 : vector<16xi32> -> vector<16xf32>
    %mul3A_640 = arith.constant 5.000000e-01 : f32
    %mul3A_641 = vector.broadcast %mul3A_640 : f32 to vector<16xf32>
    %mul3A_642 = arith.mulf %mul3A_641, %get3A_631 : vector<16xf32>
    %mul3A_643 = arith.mulf %mul3A_642, %bitcast_convert_type3A_639 : vector<16xf32>
    %mul3A_644 = arith.mulf %mul3A_643, %bitcast_convert_type3A_639 : vector<16xf32>
    %sub3A_645 = arith.constant 1.500000e+00 : f32
    %sub3A_646 = vector.broadcast %sub3A_645 : f32 to vector<16xf32>
    %sub3A_647 = arith.subf %sub3A_646, %mul3A_644 : vector<16xf32>
    %mul3A_648 = arith.mulf %bitcast_convert_type3A_639, %sub3A_647 : vector<16xf32>
    %mul3A_649 = arith.constant 5.000000e-01 : f32
    %mul3A_650 = vector.broadcast %mul3A_649 : f32 to vector<16xf32>
    %mul3A_651 = arith.mulf %mul3A_650, %get3A_631 : vector<16xf32>
    %mul3A_652 = arith.mulf %mul3A_651, %mul3A_648 : vector<16xf32>
    %mul3A_653 = arith.mulf %mul3A_652, %mul3A_648 : vector<16xf32>
    %sub3A_654 = arith.constant 1.500000e+00 : f32
    %sub3A_655 = vector.broadcast %sub3A_654 : f32 to vector<16xf32>
    %sub3A_656 = arith.subf %sub3A_655, %mul3A_653 : vector<16xf32>
    %mul3A_657 = arith.mulf %mul3A_648, %sub3A_656 : vector<16xf32>
    %mul3A_658 = arith.constant 5.000000e-01 : f32
    %mul3A_659 = vector.broadcast %mul3A_658 : f32 to vector<16xf32>
    %mul3A_660 = arith.mulf %mul3A_659, %get3A_631 : vector<16xf32>
    %mul3A_661 = arith.mulf %mul3A_660, %mul3A_657 : vector<16xf32>
    %mul3A_662 = arith.mulf %mul3A_661, %mul3A_657 : vector<16xf32>
    %sub3A_663 = arith.constant 1.500000e+00 : f32
    %sub3A_664 = vector.broadcast %sub3A_663 : f32 to vector<16xf32>
    %sub3A_665 = arith.subf %sub3A_664, %mul3A_662 : vector<16xf32>
    %mul3A_666 = arith.mulf %mul3A_657, %sub3A_665 : vector<16xf32>
    %swap3A_667 = arith.constant 224 : index
    %swap3A_668 = tpu.vector_load %arg12[%swap3A_667] {strides = array<i32>} : memref<640xf32, #tpu.memory_space<vmem>>, vector<16xf32>,
    tpu.vector_store %arg12[%swap3A_667], %mul3A_666 {strides = array<i32>} : memref<640xf32, #tpu.memory_space<vmem>>, vector<16xf32>,
    %get3A_669 = arith.constant 240 : index
    %get3A_670 = tpu.vector_load %arg11[%get3A_669] {strides = array<i32>} : memref<640xf32, #tpu.memory_space<vmem>>, vector<16xf32>,
    %bitcast_convert_type3A_671 = tpu.bitcast %get3A_670 : vector<16xf32> -> vector<16xi32>
    %shift_right_arithmetic3A_672 = arith.constant 1 : i32
    %shift_right_arithmetic3A_673 = vector.broadcast %shift_right_arithmetic3A_672 : i32 to vector<16xi32>
    %shift_right_arithmetic3A_674 = arith.shrsi %bitcast_convert_type3A_671, %shift_right_arithmetic3A_673 : vector<16xi32>
    %sub3A_675 = arith.constant 1597463007 : i32
    %sub3A_676 = vector.broadcast %sub3A_675 : i32 to vector<16xi32>
    %sub3A_677 = arith.subi %sub3A_676, %shift_right_arithmetic3A_674 : vector<16xi32>
    %bitcast_convert_type3A_678 = tpu.bitcast %sub3A_677 : vector<16xi32> -> vector<16xf32>
    %mul3A_679 = arith.constant 5.000000e-01 : f32
    %mul3A_680 = vector.broadcast %mul3A_679 : f32 to vector<16xf32>
    %mul3A_681 = arith.mulf %mul3A_680, %get3A_670 : vector<16xf32>
    %mul3A_682 = arith.mulf %mul3A_681, %bitcast_convert_type3A_678 : vector<16xf32>
    %mul3A_683 = arith.mulf %mul3A_682, %bitcast_convert_type3A_678 : vector<16xf32>
    %sub3A_684 = arith.constant 1.500000e+00 : f32
    %sub3A_685 = vector.broadcast %sub3A_684 : f32 to vector<16xf32>
    %sub3A_686 = arith.subf %sub3A_685, %mul3A_683 : vector<16xf32>
    %mul3A_687 = arith.mulf %bitcast_convert_type3A_678, %sub3A_686 : vector<16xf32>
    %mul3A_688 = arith.constant 5.000000e-01 : f32
    %mul3A_689 = vector.broadcast %mul3A_688 : f32 to vector<16xf32>
    %mul3A_690 = arith.mulf %mul3A_689, %get3A_670 : vector<16xf32>
    %mul3A_691 = arith.mulf %mul3A_690, %mul3A_687 : vector<16xf32>
    %mul3A_692 = arith.mulf %mul3A_691, %mul3A_687 : vector<16xf32>
    %sub3A_693 = arith.constant 1.500000e+00 : f32
    %sub3A_694 = vector.broadcast %sub3A_693 : f32 to vector<16xf32>
    %sub3A_695 = arith.subf %sub3A_694, %mul3A_692 : vector<16xf32>
    %mul3A_696 = arith.mulf %mul3A_687, %sub3A_695 : vector<16xf32>
    %mul3A_697 = arith.constant 5.000000e-01 : f32
    %mul3A_698 = vector.broadcast %mul3A_697 : f32 to vector<16xf32>
    %mul3A_699 = arith.mulf %mul3A_698, %get3A_670 : vector<16xf32>
    %mul3A_700 = arith.mulf %mul3A_699, %mul3A_696 : vector<16xf32>
    %mul3A_701 = arith.mulf %mul3A_700, %mul3A_696 : vector<16xf32>
    %sub3A_702 = arith.constant 1.500000e+00 : f32
    %sub3A_703 = vector.broadcast %sub3A_702 : f32 to vector<16xf32>
    %sub3A_704 = arith.subf %sub3A_703, %mul3A_701 : vector<16xf32>
    %mul3A_705 = arith.mulf %mul3A_696, %sub3A_704 : vector<16xf32>
    %swap3A_706 = arith.constant 240 : index
    %swap3A_707 = tpu.vector_load %arg12[%swap3A_706] {strides = array<i32>} : memref<640xf32, #tpu.memory_space<vmem>>, vector<16xf32>,
    tpu.vector_store %arg12[%swap3A_706], %mul3A_705 {strides = array<i32>} : memref<640xf32, #tpu.memory_space<vmem>>, vector<16xf32>,
    %get3A_708 = arith.constant 256 : index
    %get3A_709 = tpu.vector_load %arg11[%get3A_708] {strides = array<i32>} : memref<640xf32, #tpu.memory_space<vmem>>, vector<16xf32>,
    %bitcast_convert_type3A_710 = tpu.bitcast %get3A_709 : vector<16xf32> -> vector<16xi32>
    %shift_right_arithmetic3A_711 = arith.constant 1 : i32
    %shift_right_arithmetic3A_712 = vector.broadcast %shift_right_arithmetic3A_711 : i32 to vector<16xi32>
    %shift_right_arithmetic3A_713 = arith.shrsi %bitcast_convert_type3A_710, %shift_right_arithmetic3A_712 : vector<16xi32>
    %sub3A_714 = arith.constant 1597463007 : i32
    %sub3A_715 = vector.broadcast %sub3A_714 : i32 to vector<16xi32>
    %sub3A_716 = arith.subi %sub3A_715, %shift_right_arithmetic3A_713 : vector<16xi32>
    %bitcast_convert_type3A_717 = tpu.bitcast %sub3A_716 : vector<16xi32> -> vector<16xf32>
    %mul3A_718 = arith.constant 5.000000e-01 : f32
    %mul3A_719 = vector.broadcast %mul3A_718 : f32 to vector<16xf32>
    %mul3A_720 = arith.mulf %mul3A_719, %get3A_709 : vector<16xf32>
    %mul3A_721 = arith.mulf %mul3A_720, %bitcast_convert_type3A_717 : vector<16xf32>
    %mul3A_722 = arith.mulf %mul3A_721, %bitcast_convert_type3A_717 : vector<16xf32>
    %sub3A_723 = arith.constant 1.500000e+00 : f32
    %sub3A_724 = vector.broadcast %sub3A_723 : f32 to vector<16xf32>
    %sub3A_725 = arith.subf %sub3A_724, %mul3A_722 : vector<16xf32>
    %mul3A_726 = arith.mulf %bitcast_convert_type3A_717, %sub3A_725 : vector<16xf32>
    %mul3A_727 = arith.constant 5.000000e-01 : f32
    %mul3A_728 = vector.broadcast %mul3A_727 : f32 to vector<16xf32>
    %mul3A_729 = arith.mulf %mul3A_728, %get3A_709 : vector<16xf32>
    %mul3A_730 = arith.mulf %mul3A_729, %mul3A_726 : vector<16xf32>
    %mul3A_731 = arith.mulf %mul3A_730, %mul3A_726 : vector<16xf32>
    %sub3A_732 = arith.constant 1.500000e+00 : f32
    %sub3A_733 = vector.broadcast %sub3A_732 : f32 to vector<16xf32>
    %sub3A_734 = arith.subf %sub3A_733, %mul3A_731 : vector<16xf32>
    %mul3A_735 = arith.mulf %mul3A_726, %sub3A_734 : vector<16xf32>
    %mul3A_736 = arith.constant 5.000000e-01 : f32
    %mul3A_737 = vector.broadcast %mul3A_736 : f32 to vector<16xf32>
    %mul3A_738 = arith.mulf %mul3A_737, %get3A_709 : vector<16xf32>
    %mul3A_739 = arith.mulf %mul3A_738, %mul3A_735 : vector<16xf32>
    %mul3A_740 = arith.mulf %mul3A_739, %mul3A_735 : vector<16xf32>
    %sub3A_741 = arith.constant 1.500000e+00 : f32
    %sub3A_742 = vector.broadcast %sub3A_741 : f32 to vector<16xf32>
    %sub3A_743 = arith.subf %sub3A_742, %mul3A_740 : vector<16xf32>
    %mul3A_744 = arith.mulf %mul3A_735, %sub3A_743 : vector<16xf32>
    %swap3A_745 = arith.constant 256 : index
    %swap3A_746 = tpu.vector_load %arg12[%swap3A_745] {strides = array<i32>} : memref<640xf32, #tpu.memory_space<vmem>>, vector<16xf32>,
    tpu.vector_store %arg12[%swap3A_745], %mul3A_744 {strides = array<i32>} : memref<640xf32, #tpu.memory_space<vmem>>, vector<16xf32>,
    %get3A_747 = arith.constant 272 : index
    %get3A_748 = tpu.vector_load %arg11[%get3A_747] {strides = array<i32>} : memref<640xf32, #tpu.memory_space<vmem>>, vector<16xf32>,
    %bitcast_convert_type3A_749 = tpu.bitcast %get3A_748 : vector<16xf32> -> vector<16xi32>
    %shift_right_arithmetic3A_750 = arith.constant 1 : i32
    %shift_right_arithmetic3A_751 = vector.broadcast %shift_right_arithmetic3A_750 : i32 to vector<16xi32>
    %shift_right_arithmetic3A_752 = arith.shrsi %bitcast_convert_type3A_749, %shift_right_arithmetic3A_751 : vector<16xi32>
    %sub3A_753 = arith.constant 1597463007 : i32
    %sub3A_754 = vector.broadcast %sub3A_753 : i32 to vector<16xi32>
    %sub3A_755 = arith.subi %sub3A_754, %shift_right_arithmetic3A_752 : vector<16xi32>
    %bitcast_convert_type3A_756 = tpu.bitcast %sub3A_755 : vector<16xi32> -> vector<16xf32>
    %mul3A_757 = arith.constant 5.000000e-01 : f32
    %mul3A_758 = vector.broadcast %mul3A_757 : f32 to vector<16xf32>
    %mul3A_759 = arith.mulf %mul3A_758, %get3A_748 : vector<16xf32>
    %mul3A_760 = arith.mulf %mul3A_759, %bitcast_convert_type3A_756 : vector<16xf32>
    %mul3A_761 = arith.mulf %mul3A_760, %bitcast_convert_type3A_756 : vector<16xf32>
    %sub3A_762 = arith.constant 1.500000e+00 : f32
    %sub3A_763 = vector.broadcast %sub3A_762 : f32 to vector<16xf32>
    %sub3A_764 = arith.subf %sub3A_763, %mul3A_761 : vector<16xf32>
    %mul3A_765 = arith.mulf %bitcast_convert_type3A_756, %sub3A_764 : vector<16xf32>
    %mul3A_766 = arith.constant 5.000000e-01 : f32
    %mul3A_767 = vector.broadcast %mul3A_766 : f32 to vector<16xf32>
    %mul3A_768 = arith.mulf %mul3A_767, %get3A_748 : vector<16xf32>
    %mul3A_769 = arith.mulf %mul3A_768, %mul3A_765 : vector<16xf32>
    %mul3A_770 = arith.mulf %mul3A_769, %mul3A_765 : vector<16xf32>
    %sub3A_771 = arith.constant 1.500000e+00 : f32
    %sub3A_772 = vector.broadcast %sub3A_771 : f32 to vector<16xf32>
    %sub3A_773 = arith.subf %sub3A_772, %mul3A_770 : vector<16xf32>
    %mul3A_774 = arith.mulf %mul3A_765, %sub3A_773 : vector<16xf32>
    %mul3A_775 = arith.constant 5.000000e-01 : f32
    %mul3A_776 = vector.broadcast %mul3A_775 : f32 to vector<16xf32>
    %mul3A_777 = arith.mulf %mul3A_776, %get3A_748 : vector<16xf32>
    %mul3A_778 = arith.mulf %mul3A_777, %mul3A_774 : vector<16xf32>
    %mul3A_779 = arith.mulf %mul3A_778, %mul3A_774 : vector<16xf32>
    %sub3A_780 = arith.constant 1.500000e+00 : f32
    %sub3A_781 = vector.broadcast %sub3A_780 : f32 to vector<16xf32>
    %sub3A_782 = arith.subf %sub3A_781, %mul3A_779 : vector<16xf32>
    %mul3A_783 = arith.mulf %mul3A_774, %sub3A_782 : vector<16xf32>
    %swap3A_784 = arith.constant 272 : index
    %swap3A_785 = tpu.vector_load %arg12[%swap3A_784] {strides = array<i32>} : memref<640xf32, #tpu.memory_space<vmem>>, vector<16xf32>,
    tpu.vector_store %arg12[%swap3A_784], %mul3A_783 {strides = array<i32>} : memref<640xf32, #tpu.memory_space<vmem>>, vector<16xf32>,
    %get3A_786 = arith.constant 288 : index
    %get3A_787 = tpu.vector_load %arg11[%get3A_786] {strides = array<i32>} : memref<640xf32, #tpu.memory_space<vmem>>, vector<16xf32>,
    %bitcast_convert_type3A_788 = tpu.bitcast %get3A_787 : vector<16xf32> -> vector<16xi32>
    %shift_right_arithmetic3A_789 = arith.constant 1 : i32
    %shift_right_arithmetic3A_790 = vector.broadcast %shift_right_arithmetic3A_789 : i32 to vector<16xi32>
    %shift_right_arithmetic3A_791 = arith.shrsi %bitcast_convert_type3A_788, %shift_right_arithmetic3A_790 : vector<16xi32>
    %sub3A_792 = arith.constant 1597463007 : i32
    %sub3A_793 = vector.broadcast %sub3A_792 : i32 to vector<16xi32>
    %sub3A_794 = arith.subi %sub3A_793, %shift_right_arithmetic3A_791 : vector<16xi32>
    %bitcast_convert_type3A_795 = tpu.bitcast %sub3A_794 : vector<16xi32> -> vector<16xf32>
    %mul3A_796 = arith.constant 5.000000e-01 : f32
    %mul3A_797 = vector.broadcast %mul3A_796 : f32 to vector<16xf32>
    %mul3A_798 = arith.mulf %mul3A_797, %get3A_787 : vector<16xf32>
    %mul3A_799 = arith.mulf %mul3A_798, %bitcast_convert_type3A_795 : vector<16xf32>
    %mul3A_800 = arith.mulf %mul3A_799, %bitcast_convert_type3A_795 : vector<16xf32>
    %sub3A_801 = arith.constant 1.500000e+00 : f32
    %sub3A_802 = vector.broadcast %sub3A_801 : f32 to vector<16xf32>
    %sub3A_803 = arith.subf %sub3A_802, %mul3A_800 : vector<16xf32>
    %mul3A_804 = arith.mulf %bitcast_convert_type3A_795, %sub3A_803 : vector<16xf32>
    %mul3A_805 = arith.constant 5.000000e-01 : f32
    %mul3A_806 = vector.broadcast %mul3A_805 : f32 to vector<16xf32>
    %mul3A_807 = arith.mulf %mul3A_806, %get3A_787 : vector<16xf32>
    %mul3A_808 = arith.mulf %mul3A_807, %mul3A_804 : vector<16xf32>
    %mul3A_809 = arith.mulf %mul3A_808, %mul3A_804 : vector<16xf32>
    %sub3A_810 = arith.constant 1.500000e+00 : f32
    %sub3A_811 = vector.broadcast %sub3A_810 : f32 to vector<16xf32>
    %sub3A_812 = arith.subf %sub3A_811, %mul3A_809 : vector<16xf32>
    %mul3A_813 = arith.mulf %mul3A_804, %sub3A_812 : vector<16xf32>
    %mul3A_814 = arith.constant 5.000000e-01 : f32
    %mul3A_815 = vector.broadcast %mul3A_814 : f32 to vector<16xf32>
    %mul3A_816 = arith.mulf %mul3A_815, %get3A_787 : vector<16xf32>
    %mul3A_817 = arith.mulf %mul3A_816, %mul3A_813 : vector<16xf32>
    %mul3A_818 = arith.mulf %mul3A_817, %mul3A_813 : vector<16xf32>
    %sub3A_819 = arith.constant 1.500000e+00 : f32
    %sub3A_820 = vector.broadcast %sub3A_819 : f32 to vector<16xf32>
    %sub3A_821 = arith.subf %sub3A_820, %mul3A_818 : vector<16xf32>
    %mul3A_822 = arith.mulf %mul3A_813, %sub3A_821 : vector<16xf32>
    %swap3A_823 = arith.constant 288 : index
    %swap3A_824 = tpu.vector_load %arg12[%swap3A_823] {strides = array<i32>} : memref<640xf32, #tpu.memory_space<vmem>>, vector<16xf32>,
    tpu.vector_store %arg12[%swap3A_823], %mul3A_822 {strides = array<i32>} : memref<640xf32, #tpu.memory_space<vmem>>, vector<16xf32>,
    %get3A_825 = arith.constant 304 : index
    %get3A_826 = tpu.vector_load %arg11[%get3A_825] {strides = array<i32>} : memref<640xf32, #tpu.memory_space<vmem>>, vector<16xf32>,
    %bitcast_convert_type3A_827 = tpu.bitcast %get3A_826 : vector<16xf32> -> vector<16xi32>
    %shift_right_arithmetic3A_828 = arith.constant 1 : i32
    %shift_right_arithmetic3A_829 = vector.broadcast %shift_right_arithmetic3A_828 : i32 to vector<16xi32>
    %shift_right_arithmetic3A_830 = arith.shrsi %bitcast_convert_type3A_827, %shift_right_arithmetic3A_829 : vector<16xi32>
    %sub3A_831 = arith.constant 1597463007 : i32
    %sub3A_832 = vector.broadcast %sub3A_831 : i32 to vector<16xi32>
    %sub3A_833 = arith.subi %sub3A_832, %shift_right_arithmetic3A_830 : vector<16xi32>
    %bitcast_convert_type3A_834 = tpu.bitcast %sub3A_833 : vector<16xi32> -> vector<16xf32>
    %mul3A_835 = arith.constant 5.000000e-01 : f32
    %mul3A_836 = vector.broadcast %mul3A_835 : f32 to vector<16xf32>
    %mul3A_837 = arith.mulf %mul3A_836, %get3A_826 : vector<16xf32>
    %mul3A_838 = arith.mulf %mul3A_837, %bitcast_convert_type3A_834 : vector<16xf32>
    %mul3A_839 = arith.mulf %mul3A_838, %bitcast_convert_type3A_834 : vector<16xf32>
    %sub3A_840 = arith.constant 1.500000e+00 : f32
    %sub3A_841 = vector.broadcast %sub3A_840 : f32 to vector<16xf32>
    %sub3A_842 = arith.subf %sub3A_841, %mul3A_839 : vector<16xf32>
    %mul3A_843 = arith.mulf %bitcast_convert_type3A_834, %sub3A_842 : vector<16xf32>
    %mul3A_844 = arith.constant 5.000000e-01 : f32
    %mul3A_845 = vector.broadcast %mul3A_844 : f32 to vector<16xf32>
    %mul3A_846 = arith.mulf %mul3A_845, %get3A_826 : vector<16xf32>
    %mul3A_847 = arith.mulf %mul3A_846, %mul3A_843 : vector<16xf32>
    %mul3A_848 = arith.mulf %mul3A_847, %mul3A_843 : vector<16xf32>
    %sub3A_849 = arith.constant 1.500000e+00 : f32
    %sub3A_850 = vector.broadcast %sub3A_849 : f32 to vector<16xf32>
    %sub3A_851 = arith.subf %sub3A_850, %mul3A_848 : vector<16xf32>
    %mul3A_852 = arith.mulf %mul3A_843, %sub3A_851 : vector<16xf32>
    %mul3A_853 = arith.constant 5.000000e-01 : f32
    %mul3A_854 = vector.broadcast %mul3A_853 : f32 to vector<16xf32>
    %mul3A_855 = arith.mulf %mul3A_854, %get3A_826 : vector<16xf32>
    %mul3A_856 = arith.mulf %mul3A_855, %mul3A_852 : vector<16xf32>
    %mul3A_857 = arith.mulf %mul3A_856, %mul3A_852 : vector<16xf32>
    %sub3A_858 = arith.constant 1.500000e+00 : f32
    %sub3A_859 = vector.broadcast %sub3A_858 : f32 to vector<16xf32>
    %sub3A_860 = arith.subf %sub3A_859, %mul3A_857 : vector<16xf32>
    %mul3A_861 = arith.mulf %mul3A_852, %sub3A_860 : vector<16xf32>
    %swap3A_862 = arith.constant 304 : index
    %swap3A_863 = tpu.vector_load %arg12[%swap3A_862] {strides = array<i32>} : memref<640xf32, #tpu.memory_space<vmem>>, vector<16xf32>,
    tpu.vector_store %arg12[%swap3A_862], %mul3A_861 {strides = array<i32>} : memref<640xf32, #tpu.memory_space<vmem>>, vector<16xf32>,
    %get3A_864 = arith.constant 320 : index
    %get3A_865 = tpu.vector_load %arg11[%get3A_864] {strides = array<i32>} : memref<640xf32, #tpu.memory_space<vmem>>, vector<16xf32>,
    %bitcast_convert_type3A_866 = tpu.bitcast %get3A_865 : vector<16xf32> -> vector<16xi32>
    %shift_right_arithmetic3A_867 = arith.constant 1 : i32
    %shift_right_arithmetic3A_868 = vector.broadcast %shift_right_arithmetic3A_867 : i32 to vector<16xi32>
    %shift_right_arithmetic3A_869 = arith.shrsi %bitcast_convert_type3A_866, %shift_right_arithmetic3A_868 : vector<16xi32>
    %sub3A_870 = arith.constant 1597463007 : i32
    %sub3A_871 = vector.broadcast %sub3A_870 : i32 to vector<16xi32>
    %sub3A_872 = arith.subi %sub3A_871, %shift_right_arithmetic3A_869 : vector<16xi32>
    %bitcast_convert_type3A_873 = tpu.bitcast %sub3A_872 : vector<16xi32> -> vector<16xf32>
    %mul3A_874 = arith.constant 5.000000e-01 : f32
    %mul3A_875 = vector.broadcast %mul3A_874 : f32 to vector<16xf32>
    %mul3A_876 = arith.mulf %mul3A_875, %get3A_865 : vector<16xf32>
    %mul3A_877 = arith.mulf %mul3A_876, %bitcast_convert_type3A_873 : vector<16xf32>
    %mul3A_878 = arith.mulf %mul3A_877, %bitcast_convert_type3A_873 : vector<16xf32>
    %sub3A_879 = arith.constant 1.500000e+00 : f32
    %sub3A_880 = vector.broadcast %sub3A_879 : f32 to vector<16xf32>
    %sub3A_881 = arith.subf %sub3A_880, %mul3A_878 : vector<16xf32>
    %mul3A_882 = arith.mulf %bitcast_convert_type3A_873, %sub3A_881 : vector<16xf32>
    %mul3A_883 = arith.constant 5.000000e-01 : f32
    %mul3A_884 = vector.broadcast %mul3A_883 : f32 to vector<16xf32>
    %mul3A_885 = arith.mulf %mul3A_884, %get3A_865 : vector<16xf32>
    %mul3A_886 = arith.mulf %mul3A_885, %mul3A_882 : vector<16xf32>
    %mul3A_887 = arith.mulf %mul3A_886, %mul3A_882 : vector<16xf32>
    %sub3A_888 = arith.constant 1.500000e+00 : f32
    %sub3A_889 = vector.broadcast %sub3A_888 : f32 to vector<16xf32>
    %sub3A_890 = arith.subf %sub3A_889, %mul3A_887 : vector<16xf32>
    %mul3A_891 = arith.mulf %mul3A_882, %sub3A_890 : vector<16xf32>
    %mul3A_892 = arith.constant 5.000000e-01 : f32
    %mul3A_893 = vector.broadcast %mul3A_892 : f32 to vector<16xf32>
    %mul3A_894 = arith.mulf %mul3A_893, %get3A_865 : vector<16xf32>
    %mul3A_895 = arith.mulf %mul3A_894, %mul3A_891 : vector<16xf32>
    %mul3A_896 = arith.mulf %mul3A_895, %mul3A_891 : vector<16xf32>
    %sub3A_897 = arith.constant 1.500000e+00 : f32
    %sub3A_898 = vector.broadcast %sub3A_897 : f32 to vector<16xf32>
    %sub3A_899 = arith.subf %sub3A_898, %mul3A_896 : vector<16xf32>
    %mul3A_900 = arith.mulf %mul3A_891, %sub3A_899 : vector<16xf32>
    %swap3A_901 = arith.constant 320 : index
    %swap3A_902 = tpu.vector_load %arg12[%swap3A_901] {strides = array<i32>} : memref<640xf32, #tpu.memory_space<vmem>>, vector<16xf32>,
    tpu.vector_store %arg12[%swap3A_901], %mul3A_900 {strides = array<i32>} : memref<640xf32, #tpu.memory_space<vmem>>, vector<16xf32>,
    %get3A_903 = arith.constant 336 : index
    %get3A_904 = tpu.vector_load %arg11[%get3A_903] {strides = array<i32>} : memref<640xf32, #tpu.memory_space<vmem>>, vector<16xf32>,
    %bitcast_convert_type3A_905 = tpu.bitcast %get3A_904 : vector<16xf32> -> vector<16xi32>
    %shift_right_arithmetic3A_906 = arith.constant 1 : i32
    %shift_right_arithmetic3A_907 = vector.broadcast %shift_right_arithmetic3A_906 : i32 to vector<16xi32>
    %shift_right_arithmetic3A_908 = arith.shrsi %bitcast_convert_type3A_905, %shift_right_arithmetic3A_907 : vector<16xi32>
    %sub3A_909 = arith.constant 1597463007 : i32
    %sub3A_910 = vector.broadcast %sub3A_909 : i32 to vector<16xi32>
    %sub3A_911 = arith.subi %sub3A_910, %shift_right_arithmetic3A_908 : vector<16xi32>
    %bitcast_convert_type3A_912 = tpu.bitcast %sub3A_911 : vector<16xi32> -> vector<16xf32>
    %mul3A_913 = arith.constant 5.000000e-01 : f32
    %mul3A_914 = vector.broadcast %mul3A_913 : f32 to vector<16xf32>
    %mul3A_915 = arith.mulf %mul3A_914, %get3A_904 : vector<16xf32>
    %mul3A_916 = arith.mulf %mul3A_915, %bitcast_convert_type3A_912 : vector<16xf32>
    %mul3A_917 = arith.mulf %mul3A_916, %bitcast_convert_type3A_912 : vector<16xf32>
    %sub3A_918 = arith.constant 1.500000e+00 : f32
    %sub3A_919 = vector.broadcast %sub3A_918 : f32 to vector<16xf32>
    %sub3A_920 = arith.subf %sub3A_919, %mul3A_917 : vector<16xf32>
    %mul3A_921 = arith.mulf %bitcast_convert_type3A_912, %sub3A_920 : vector<16xf32>
    %mul3A_922 = arith.constant 5.000000e-01 : f32
    %mul3A_923 = vector.broadcast %mul3A_922 : f32 to vector<16xf32>
    %mul3A_924 = arith.mulf %mul3A_923, %get3A_904 : vector<16xf32>
    %mul3A_925 = arith.mulf %mul3A_924, %mul3A_921 : vector<16xf32>
    %mul3A_926 = arith.mulf %mul3A_925, %mul3A_921 : vector<16xf32>
    %sub3A_927 = arith.constant 1.500000e+00 : f32
    %sub3A_928 = vector.broadcast %sub3A_927 : f32 to vector<16xf32>
    %sub3A_929 = arith.subf %sub3A_928, %mul3A_926 : vector<16xf32>
    %mul3A_930 = arith.mulf %mul3A_921, %sub3A_929 : vector<16xf32>
    %mul3A_931 = arith.constant 5.000000e-01 : f32
    %mul3A_932 = vector.broadcast %mul3A_931 : f32 to vector<16xf32>
    %mul3A_933 = arith.mulf %mul3A_932, %get3A_904 : vector<16xf32>
    %mul3A_934 = arith.mulf %mul3A_933, %mul3A_930 : vector<16xf32>
    %mul3A_935 = arith.mulf %mul3A_934, %mul3A_930 : vector<16xf32>
    %sub3A_936 = arith.constant 1.500000e+00 : f32
    %sub3A_937 = vector.broadcast %sub3A_936 : f32 to vector<16xf32>
    %sub3A_938 = arith.subf %sub3A_937, %mul3A_935 : vector<16xf32>
    %mul3A_939 = arith.mulf %mul3A_930, %sub3A_938 : vector<16xf32>
    %swap3A_940 = arith.constant 336 : index
    %swap3A_941 = tpu.vector_load %arg12[%swap3A_940] {strides = array<i32>} : memref<640xf32, #tpu.memory_space<vmem>>, vector<16xf32>,
    tpu.vector_store %arg12[%swap3A_940], %mul3A_939 {strides = array<i32>} : memref<640xf32, #tpu.memory_space<vmem>>, vector<16xf32>,
    %get3A_942 = arith.constant 352 : index
    %get3A_943 = tpu.vector_load %arg11[%get3A_942] {strides = array<i32>} : memref<640xf32, #tpu.memory_space<vmem>>, vector<16xf32>,
    %bitcast_convert_type3A_944 = tpu.bitcast %get3A_943 : vector<16xf32> -> vector<16xi32>
    %shift_right_arithmetic3A_945 = arith.constant 1 : i32
    %shift_right_arithmetic3A_946 = vector.broadcast %shift_right_arithmetic3A_945 : i32 to vector<16xi32>
    %shift_right_arithmetic3A_947 = arith.shrsi %bitcast_convert_type3A_944, %shift_right_arithmetic3A_946 : vector<16xi32>
    %sub3A_948 = arith.constant 1597463007 : i32
    %sub3A_949 = vector.broadcast %sub3A_948 : i32 to vector<16xi32>
    %sub3A_950 = arith.subi %sub3A_949, %shift_right_arithmetic3A_947 : vector<16xi32>
    %bitcast_convert_type3A_951 = tpu.bitcast %sub3A_950 : vector<16xi32> -> vector<16xf32>
    %mul3A_952 = arith.constant 5.000000e-01 : f32
    %mul3A_953 = vector.broadcast %mul3A_952 : f32 to vector<16xf32>
    %mul3A_954 = arith.mulf %mul3A_953, %get3A_943 : vector<16xf32>
    %mul3A_955 = arith.mulf %mul3A_954, %bitcast_convert_type3A_951 : vector<16xf32>
    %mul3A_956 = arith.mulf %mul3A_955, %bitcast_convert_type3A_951 : vector<16xf32>
    %sub3A_957 = arith.constant 1.500000e+00 : f32
    %sub3A_958 = vector.broadcast %sub3A_957 : f32 to vector<16xf32>
    %sub3A_959 = arith.subf %sub3A_958, %mul3A_956 : vector<16xf32>
    %mul3A_960 = arith.mulf %bitcast_convert_type3A_951, %sub3A_959 : vector<16xf32>
    %mul3A_961 = arith.constant 5.000000e-01 : f32
    %mul3A_962 = vector.broadcast %mul3A_961 : f32 to vector<16xf32>
    %mul3A_963 = arith.mulf %mul3A_962, %get3A_943 : vector<16xf32>
    %mul3A_964 = arith.mulf %mul3A_963, %mul3A_960 : vector<16xf32>
    %mul3A_965 = arith.mulf %mul3A_964, %mul3A_960 : vector<16xf32>
    %sub3A_966 = arith.constant 1.500000e+00 : f32
    %sub3A_967 = vector.broadcast %sub3A_966 : f32 to vector<16xf32>
    %sub3A_968 = arith.subf %sub3A_967, %mul3A_965 : vector<16xf32>
    %mul3A_969 = arith.mulf %mul3A_960, %sub3A_968 : vector<16xf32>
    %mul3A_970 = arith.constant 5.000000e-01 : f32
    %mul3A_971 = vector.broadcast %mul3A_970 : f32 to vector<16xf32>
    %mul3A_972 = arith.mulf %mul3A_971, %get3A_943 : vector<16xf32>
    %mul3A_973 = arith.mulf %mul3A_972, %mul3A_969 : vector<16xf32>
    %mul3A_974 = arith.mulf %mul3A_973, %mul3A_969 : vector<16xf32>
    %sub3A_975 = arith.constant 1.500000e+00 : f32
    %sub3A_976 = vector.broadcast %sub3A_975 : f32 to vector<16xf32>
    %sub3A_977 = arith.subf %sub3A_976, %mul3A_974 : vector<16xf32>
    %mul3A_978 = arith.mulf %mul3A_969, %sub3A_977 : vector<16xf32>
    %swap3A_979 = arith.constant 352 : index
    %swap3A_980 = tpu.vector_load %arg12[%swap3A_979] {strides = array<i32>} : memref<640xf32, #tpu.memory_space<vmem>>, vector<16xf32>,
    tpu.vector_store %arg12[%swap3A_979], %mul3A_978 {strides = array<i32>} : memref<640xf32, #tpu.memory_space<vmem>>, vector<16xf32>,
    %get3A_981 = arith.constant 368 : index
    %get3A_982 = tpu.vector_load %arg11[%get3A_981] {strides = array<i32>} : memref<640xf32, #tpu.memory_space<vmem>>, vector<16xf32>,
    %bitcast_convert_type3A_983 = tpu.bitcast %get3A_982 : vector<16xf32> -> vector<16xi32>
    %shift_right_arithmetic3A_984 = arith.constant 1 : i32
    %shift_right_arithmetic3A_985 = vector.broadcast %shift_right_arithmetic3A_984 : i32 to vector<16xi32>
    %shift_right_arithmetic3A_986 = arith.shrsi %bitcast_convert_type3A_983, %shift_right_arithmetic3A_985 : vector<16xi32>
    %sub3A_987 = arith.constant 1597463007 : i32
    %sub3A_988 = vector.broadcast %sub3A_987 : i32 to vector<16xi32>
    %sub3A_989 = arith.subi %sub3A_988, %shift_right_arithmetic3A_986 : vector<16xi32>
    %bitcast_convert_type3A_990 = tpu.bitcast %sub3A_989 : vector<16xi32> -> vector<16xf32>
    %mul3A_991 = arith.constant 5.000000e-01 : f32
    %mul3A_992 = vector.broadcast %mul3A_991 : f32 to vector<16xf32>
    %mul3A_993 = arith.mulf %mul3A_992, %get3A_982 : vector<16xf32>
    %mul3A_994 = arith.mulf %mul3A_993, %bitcast_convert_type3A_990 : vector<16xf32>
    %mul3A_995 = arith.mulf %mul3A_994, %bitcast_convert_type3A_990 : vector<16xf32>
    %sub3A_996 = arith.constant 1.500000e+00 : f32
    %sub3A_997 = vector.broadcast %sub3A_996 : f32 to vector<16xf32>
    %sub3A_998 = arith.subf %sub3A_997, %mul3A_995 : vector<16xf32>
    %mul3A_999 = arith.mulf %bitcast_convert_type3A_990, %sub3A_998 : vector<16xf32>
    %mul3A_1000 = arith.constant 5.000000e-01 : f32
    %mul3A_1001 = vector.broadcast %mul3A_1000 : f32 to vector<16xf32>
    %mul3A_1002 = arith.mulf %mul3A_1001, %get3A_982 : vector<16xf32>
    %mul3A_1003 = arith.mulf %mul3A_1002, %mul3A_999 : vector<16xf32>
    %mul3A_1004 = arith.mulf %mul3A_1003, %mul3A_999 : vector<16xf32>
    %sub3A_1005 = arith.constant 1.500000e+00 : f32
    %sub3A_1006 = vector.broadcast %sub3A_1005 : f32 to vector<16xf32>
    %sub3A_1007 = arith.subf %sub3A_1006, %mul3A_1004 : vector<16xf32>
    %mul3A_1008 = arith.mulf %mul3A_999, %sub3A_1007 : vector<16xf32>
    %mul3A_1009 = arith.constant 5.000000e-01 : f32
    %mul3A_1010 = vector.broadcast %mul3A_1009 : f32 to vector<16xf32>
    %mul3A_1011 = arith.mulf %mul3A_1010, %get3A_982 : vector<16xf32>
    %mul3A_1012 = arith.mulf %mul3A_1011, %mul3A_1008 : vector<16xf32>
    %mul3A_1013 = arith.mulf %mul3A_1012, %mul3A_1008 : vector<16xf32>
    %sub3A_1014 = arith.constant 1.500000e+00 : f32
    %sub3A_1015 = vector.broadcast %sub3A_1014 : f32 to vector<16xf32>
    %sub3A_1016 = arith.subf %sub3A_1015, %mul3A_1013 : vector<16xf32>
    %mul3A_1017 = arith.mulf %mul3A_1008, %sub3A_1016 : vector<16xf32>
    %swap3A_1018 = arith.constant 368 : index
    %swap3A_1019 = tpu.vector_load %arg12[%swap3A_1018] {strides = array<i32>} : memref<640xf32, #tpu.memory_space<vmem>>, vector<16xf32>,
    tpu.vector_store %arg12[%swap3A_1018], %mul3A_1017 {strides = array<i32>} : memref<640xf32, #tpu.memory_space<vmem>>, vector<16xf32>,
    %get3A_1020 = arith.constant 384 : index
    %get3A_1021 = tpu.vector_load %arg11[%get3A_1020] {strides = array<i32>} : memref<640xf32, #tpu.memory_space<vmem>>, vector<16xf32>,
    %bitcast_convert_type3A_1022 = tpu.bitcast %get3A_1021 : vector<16xf32> -> vector<16xi32>
    %shift_right_arithmetic3A_1023 = arith.constant 1 : i32
    %shift_right_arithmetic3A_1024 = vector.broadcast %shift_right_arithmetic3A_1023 : i32 to vector<16xi32>
    %shift_right_arithmetic3A_1025 = arith.shrsi %bitcast_convert_type3A_1022, %shift_right_arithmetic3A_1024 : vector<16xi32>
    %sub3A_1026 = arith.constant 1597463007 : i32
    %sub3A_1027 = vector.broadcast %sub3A_1026 : i32 to vector<16xi32>
    %sub3A_1028 = arith.subi %sub3A_1027, %shift_right_arithmetic3A_1025 : vector<16xi32>
    %bitcast_convert_type3A_1029 = tpu.bitcast %sub3A_1028 : vector<16xi32> -> vector<16xf32>
    %mul3A_1030 = arith.constant 5.000000e-01 : f32
    %mul3A_1031 = vector.broadcast %mul3A_1030 : f32 to vector<16xf32>
    %mul3A_1032 = arith.mulf %mul3A_1031, %get3A_1021 : vector<16xf32>
    %mul3A_1033 = arith.mulf %mul3A_1032, %bitcast_convert_type3A_1029 : vector<16xf32>
    %mul3A_1034 = arith.mulf %mul3A_1033, %bitcast_convert_type3A_1029 : vector<16xf32>
    %sub3A_1035 = arith.constant 1.500000e+00 : f32
    %sub3A_1036 = vector.broadcast %sub3A_1035 : f32 to vector<16xf32>
    %sub3A_1037 = arith.subf %sub3A_1036, %mul3A_1034 : vector<16xf32>
    %mul3A_1038 = arith.mulf %bitcast_convert_type3A_1029, %sub3A_1037 : vector<16xf32>
    %mul3A_1039 = arith.constant 5.000000e-01 : f32
    %mul3A_1040 = vector.broadcast %mul3A_1039 : f32 to vector<16xf32>
    %mul3A_1041 = arith.mulf %mul3A_1040, %get3A_1021 : vector<16xf32>
    %mul3A_1042 = arith.mulf %mul3A_1041, %mul3A_1038 : vector<16xf32>
    %mul3A_1043 = arith.mulf %mul3A_1042, %mul3A_1038 : vector<16xf32>
    %sub3A_1044 = arith.constant 1.500000e+00 : f32
    %sub3A_1045 = vector.broadcast %sub3A_1044 : f32 to vector<16xf32>
    %sub3A_1046 = arith.subf %sub3A_1045, %mul3A_1043 : vector<16xf32>
    %mul3A_1047 = arith.mulf %mul3A_1038, %sub3A_1046 : vector<16xf32>
    %mul3A_1048 = arith.constant 5.000000e-01 : f32
    %mul3A_1049 = vector.broadcast %mul3A_1048 : f32 to vector<16xf32>
    %mul3A_1050 = arith.mulf %mul3A_1049, %get3A_1021 : vector<16xf32>
    %mul3A_1051 = arith.mulf %mul3A_1050, %mul3A_1047 : vector<16xf32>
    %mul3A_1052 = arith.mulf %mul3A_1051, %mul3A_1047 : vector<16xf32>
    %sub3A_1053 = arith.constant 1.500000e+00 : f32
    %sub3A_1054 = vector.broadcast %sub3A_1053 : f32 to vector<16xf32>
    %sub3A_1055 = arith.subf %sub3A_1054, %mul3A_1052 : vector<16xf32>
    %mul3A_1056 = arith.mulf %mul3A_1047, %sub3A_1055 : vector<16xf32>
    %swap3A_1057 = arith.constant 384 : index
    %swap3A_1058 = tpu.vector_load %arg12[%swap3A_1057] {strides = array<i32>} : memref<640xf32, #tpu.memory_space<vmem>>, vector<16xf32>,
    tpu.vector_store %arg12[%swap3A_1057], %mul3A_1056 {strides = array<i32>} : memref<640xf32, #tpu.memory_space<vmem>>, vector<16xf32>,
    %get3A_1059 = arith.constant 400 : index
    %get3A_1060 = tpu.vector_load %arg11[%get3A_1059] {strides = array<i32>} : memref<640xf32, #tpu.memory_space<vmem>>, vector<16xf32>,
    %bitcast_convert_type3A_1061 = tpu.bitcast %get3A_1060 : vector<16xf32> -> vector<16xi32>
    %shift_right_arithmetic3A_1062 = arith.constant 1 : i32
    %shift_right_arithmetic3A_1063 = vector.broadcast %shift_right_arithmetic3A_1062 : i32 to vector<16xi32>
    %shift_right_arithmetic3A_1064 = arith.shrsi %bitcast_convert_type3A_1061, %shift_right_arithmetic3A_1063 : vector<16xi32>
    %sub3A_1065 = arith.constant 1597463007 : i32
    %sub3A_1066 = vector.broadcast %sub3A_1065 : i32 to vector<16xi32>
    %sub3A_1067 = arith.subi %sub3A_1066, %shift_right_arithmetic3A_1064 : vector<16xi32>
    %bitcast_convert_type3A_1068 = tpu.bitcast %sub3A_1067 : vector<16xi32> -> vector<16xf32>
    %mul3A_1069 = arith.constant 5.000000e-01 : f32
    %mul3A_1070 = vector.broadcast %mul3A_1069 : f32 to vector<16xf32>
    %mul3A_1071 = arith.mulf %mul3A_1070, %get3A_1060 : vector<16xf32>
    %mul3A_1072 = arith.mulf %mul3A_1071, %bitcast_convert_type3A_1068 : vector<16xf32>
    %mul3A_1073 = arith.mulf %mul3A_1072, %bitcast_convert_type3A_1068 : vector<16xf32>
    %sub3A_1074 = arith.constant 1.500000e+00 : f32
    %sub3A_1075 = vector.broadcast %sub3A_1074 : f32 to vector<16xf32>
    %sub3A_1076 = arith.subf %sub3A_1075, %mul3A_1073 : vector<16xf32>
    %mul3A_1077 = arith.mulf %bitcast_convert_type3A_1068, %sub3A_1076 : vector<16xf32>
    %mul3A_1078 = arith.constant 5.000000e-01 : f32
    %mul3A_1079 = vector.broadcast %mul3A_1078 : f32 to vector<16xf32>
    %mul3A_1080 = arith.mulf %mul3A_1079, %get3A_1060 : vector<16xf32>
    %mul3A_1081 = arith.mulf %mul3A_1080, %mul3A_1077 : vector<16xf32>
    %mul3A_1082 = arith.mulf %mul3A_1081, %mul3A_1077 : vector<16xf32>
    %sub3A_1083 = arith.constant 1.500000e+00 : f32
    %sub3A_1084 = vector.broadcast %sub3A_1083 : f32 to vector<16xf32>
    %sub3A_1085 = arith.subf %sub3A_1084, %mul3A_1082 : vector<16xf32>
    %mul3A_1086 = arith.mulf %mul3A_1077, %sub3A_1085 : vector<16xf32>
    %mul3A_1087 = arith.constant 5.000000e-01 : f32
    %mul3A_1088 = vector.broadcast %mul3A_1087 : f32 to vector<16xf32>
    %mul3A_1089 = arith.mulf %mul3A_1088, %get3A_1060 : vector<16xf32>
    %mul3A_1090 = arith.mulf %mul3A_1089, %mul3A_1086 : vector<16xf32>
    %mul3A_1091 = arith.mulf %mul3A_1090, %mul3A_1086 : vector<16xf32>
    %sub3A_1092 = arith.constant 1.500000e+00 : f32
    %sub3A_1093 = vector.broadcast %sub3A_1092 : f32 to vector<16xf32>
    %sub3A_1094 = arith.subf %sub3A_1093, %mul3A_1091 : vector<16xf32>
    %mul3A_1095 = arith.mulf %mul3A_1086, %sub3A_1094 : vector<16xf32>
    %swap3A_1096 = arith.constant 400 : index
    %swap3A_1097 = tpu.vector_load %arg12[%swap3A_1096] {strides = array<i32>} : memref<640xf32, #tpu.memory_space<vmem>>, vector<16xf32>,
    tpu.vector_store %arg12[%swap3A_1096], %mul3A_1095 {strides = array<i32>} : memref<640xf32, #tpu.memory_space<vmem>>, vector<16xf32>,
    %get3A_1098 = arith.constant 416 : index
    %get3A_1099 = tpu.vector_load %arg11[%get3A_1098] {strides = array<i32>} : memref<640xf32, #tpu.memory_space<vmem>>, vector<16xf32>,
    %bitcast_convert_type3A_1100 = tpu.bitcast %get3A_1099 : vector<16xf32> -> vector<16xi32>
    %shift_right_arithmetic3A_1101 = arith.constant 1 : i32
    %shift_right_arithmetic3A_1102 = vector.broadcast %shift_right_arithmetic3A_1101 : i32 to vector<16xi32>
    %shift_right_arithmetic3A_1103 = arith.shrsi %bitcast_convert_type3A_1100, %shift_right_arithmetic3A_1102 : vector<16xi32>
    %sub3A_1104 = arith.constant 1597463007 : i32
    %sub3A_1105 = vector.broadcast %sub3A_1104 : i32 to vector<16xi32>
    %sub3A_1106 = arith.subi %sub3A_1105, %shift_right_arithmetic3A_1103 : vector<16xi32>
    %bitcast_convert_type3A_1107 = tpu.bitcast %sub3A_1106 : vector<16xi32> -> vector<16xf32>
    %mul3A_1108 = arith.constant 5.000000e-01 : f32
    %mul3A_1109 = vector.broadcast %mul3A_1108 : f32 to vector<16xf32>
    %mul3A_1110 = arith.mulf %mul3A_1109, %get3A_1099 : vector<16xf32>
    %mul3A_1111 = arith.mulf %mul3A_1110, %bitcast_convert_type3A_1107 : vector<16xf32>
    %mul3A_1112 = arith.mulf %mul3A_1111, %bitcast_convert_type3A_1107 : vector<16xf32>
    %sub3A_1113 = arith.constant 1.500000e+00 : f32
    %sub3A_1114 = vector.broadcast %sub3A_1113 : f32 to vector<16xf32>
    %sub3A_1115 = arith.subf %sub3A_1114, %mul3A_1112 : vector<16xf32>
    %mul3A_1116 = arith.mulf %bitcast_convert_type3A_1107, %sub3A_1115 : vector<16xf32>
    %mul3A_1117 = arith.constant 5.000000e-01 : f32
    %mul3A_1118 = vector.broadcast %mul3A_1117 : f32 to vector<16xf32>
    %mul3A_1119 = arith.mulf %mul3A_1118, %get3A_1099 : vector<16xf32>
    %mul3A_1120 = arith.mulf %mul3A_1119, %mul3A_1116 : vector<16xf32>
    %mul3A_1121 = arith.mulf %mul3A_1120, %mul3A_1116 : vector<16xf32>
    %sub3A_1122 = arith.constant 1.500000e+00 : f32
    %sub3A_1123 = vector.broadcast %sub3A_1122 : f32 to vector<16xf32>
    %sub3A_1124 = arith.subf %sub3A_1123, %mul3A_1121 : vector<16xf32>
    %mul3A_1125 = arith.mulf %mul3A_1116, %sub3A_1124 : vector<16xf32>
    %mul3A_1126 = arith.constant 5.000000e-01 : f32
    %mul3A_1127 = vector.broadcast %mul3A_1126 : f32 to vector<16xf32>
    %mul3A_1128 = arith.mulf %mul3A_1127, %get3A_1099 : vector<16xf32>
    %mul3A_1129 = arith.mulf %mul3A_1128, %mul3A_1125 : vector<16xf32>
    %mul3A_1130 = arith.mulf %mul3A_1129, %mul3A_1125 : vector<16xf32>
    %sub3A_1131 = arith.constant 1.500000e+00 : f32
    %sub3A_1132 = vector.broadcast %sub3A_1131 : f32 to vector<16xf32>
    %sub3A_1133 = arith.subf %sub3A_1132, %mul3A_1130 : vector<16xf32>
    %mul3A_1134 = arith.mulf %mul3A_1125, %sub3A_1133 : vector<16xf32>
    %swap3A_1135 = arith.constant 416 : index
    %swap3A_1136 = tpu.vector_load %arg12[%swap3A_1135] {strides = array<i32>} : memref<640xf32, #tpu.memory_space<vmem>>, vector<16xf32>,
    tpu.vector_store %arg12[%swap3A_1135], %mul3A_1134 {strides = array<i32>} : memref<640xf32, #tpu.memory_space<vmem>>, vector<16xf32>,
    %get3A_1137 = arith.constant 432 : index
    %get3A_1138 = tpu.vector_load %arg11[%get3A_1137] {strides = array<i32>} : memref<640xf32, #tpu.memory_space<vmem>>, vector<16xf32>,
    %bitcast_convert_type3A_1139 = tpu.bitcast %get3A_1138 : vector<16xf32> -> vector<16xi32>
    %shift_right_arithmetic3A_1140 = arith.constant 1 : i32
    %shift_right_arithmetic3A_1141 = vector.broadcast %shift_right_arithmetic3A_1140 : i32 to vector<16xi32>
    %shift_right_arithmetic3A_1142 = arith.shrsi %bitcast_convert_type3A_1139, %shift_right_arithmetic3A_1141 : vector<16xi32>
    %sub3A_1143 = arith.constant 1597463007 : i32
    %sub3A_1144 = vector.broadcast %sub3A_1143 : i32 to vector<16xi32>
    %sub3A_1145 = arith.subi %sub3A_1144, %shift_right_arithmetic3A_1142 : vector<16xi32>
    %bitcast_convert_type3A_1146 = tpu.bitcast %sub3A_1145 : vector<16xi32> -> vector<16xf32>
    %mul3A_1147 = arith.constant 5.000000e-01 : f32
    %mul3A_1148 = vector.broadcast %mul3A_1147 : f32 to vector<16xf32>
    %mul3A_1149 = arith.mulf %mul3A_1148, %get3A_1138 : vector<16xf32>
    %mul3A_1150 = arith.mulf %mul3A_1149, %bitcast_convert_type3A_1146 : vector<16xf32>
    %mul3A_1151 = arith.mulf %mul3A_1150, %bitcast_convert_type3A_1146 : vector<16xf32>
    %sub3A_1152 = arith.constant 1.500000e+00 : f32
    %sub3A_1153 = vector.broadcast %sub3A_1152 : f32 to vector<16xf32>
    %sub3A_1154 = arith.subf %sub3A_1153, %mul3A_1151 : vector<16xf32>
    %mul3A_1155 = arith.mulf %bitcast_convert_type3A_1146, %sub3A_1154 : vector<16xf32>
    %mul3A_1156 = arith.constant 5.000000e-01 : f32
    %mul3A_1157 = vector.broadcast %mul3A_1156 : f32 to vector<16xf32>
    %mul3A_1158 = arith.mulf %mul3A_1157, %get3A_1138 : vector<16xf32>
    %mul3A_1159 = arith.mulf %mul3A_1158, %mul3A_1155 : vector<16xf32>
    %mul3A_1160 = arith.mulf %mul3A_1159, %mul3A_1155 : vector<16xf32>
    %sub3A_1161 = arith.constant 1.500000e+00 : f32
    %sub3A_1162 = vector.broadcast %sub3A_1161 : f32 to vector<16xf32>
    %sub3A_1163 = arith.subf %sub3A_1162, %mul3A_1160 : vector<16xf32>
    %mul3A_1164 = arith.mulf %mul3A_1155, %sub3A_1163 : vector<16xf32>
    %mul3A_1165 = arith.constant 5.000000e-01 : f32
    %mul3A_1166 = vector.broadcast %mul3A_1165 : f32 to vector<16xf32>
    %mul3A_1167 = arith.mulf %mul3A_1166, %get3A_1138 : vector<16xf32>
    %mul3A_1168 = arith.mulf %mul3A_1167, %mul3A_1164 : vector<16xf32>
    %mul3A_1169 = arith.mulf %mul3A_1168, %mul3A_1164 : vector<16xf32>
    %sub3A_1170 = arith.constant 1.500000e+00 : f32
    %sub3A_1171 = vector.broadcast %sub3A_1170 : f32 to vector<16xf32>
    %sub3A_1172 = arith.subf %sub3A_1171, %mul3A_1169 : vector<16xf32>
    %mul3A_1173 = arith.mulf %mul3A_1164, %sub3A_1172 : vector<16xf32>
    %swap3A_1174 = arith.constant 432 : index
    %swap3A_1175 = tpu.vector_load %arg12[%swap3A_1174] {strides = array<i32>} : memref<640xf32, #tpu.memory_space<vmem>>, vector<16xf32>,
    tpu.vector_store %arg12[%swap3A_1174], %mul3A_1173 {strides = array<i32>} : memref<640xf32, #tpu.memory_space<vmem>>, vector<16xf32>,
    %get3A_1176 = arith.constant 448 : index
    %get3A_1177 = tpu.vector_load %arg11[%get3A_1176] {strides = array<i32>} : memref<640xf32, #tpu.memory_space<vmem>>, vector<16xf32>,
    %bitcast_convert_type3A_1178 = tpu.bitcast %get3A_1177 : vector<16xf32> -> vector<16xi32>
    %shift_right_arithmetic3A_1179 = arith.constant 1 : i32
    %shift_right_arithmetic3A_1180 = vector.broadcast %shift_right_arithmetic3A_1179 : i32 to vector<16xi32>
    %shift_right_arithmetic3A_1181 = arith.shrsi %bitcast_convert_type3A_1178, %shift_right_arithmetic3A_1180 : vector<16xi32>
    %sub3A_1182 = arith.constant 1597463007 : i32
    %sub3A_1183 = vector.broadcast %sub3A_1182 : i32 to vector<16xi32>
    %sub3A_1184 = arith.subi %sub3A_1183, %shift_right_arithmetic3A_1181 : vector<16xi32>
    %bitcast_convert_type3A_1185 = tpu.bitcast %sub3A_1184 : vector<16xi32> -> vector<16xf32>
    %mul3A_1186 = arith.constant 5.000000e-01 : f32
    %mul3A_1187 = vector.broadcast %mul3A_1186 : f32 to vector<16xf32>
    %mul3A_1188 = arith.mulf %mul3A_1187, %get3A_1177 : vector<16xf32>
    %mul3A_1189 = arith.mulf %mul3A_1188, %bitcast_convert_type3A_1185 : vector<16xf32>
    %mul3A_1190 = arith.mulf %mul3A_1189, %bitcast_convert_type3A_1185 : vector<16xf32>
    %sub3A_1191 = arith.constant 1.500000e+00 : f32
    %sub3A_1192 = vector.broadcast %sub3A_1191 : f32 to vector<16xf32>
    %sub3A_1193 = arith.subf %sub3A_1192, %mul3A_1190 : vector<16xf32>
    %mul3A_1194 = arith.mulf %bitcast_convert_type3A_1185, %sub3A_1193 : vector<16xf32>
    %mul3A_1195 = arith.constant 5.000000e-01 : f32
    %mul3A_1196 = vector.broadcast %mul3A_1195 : f32 to vector<16xf32>
    %mul3A_1197 = arith.mulf %mul3A_1196, %get3A_1177 : vector<16xf32>
    %mul3A_1198 = arith.mulf %mul3A_1197, %mul3A_1194 : vector<16xf32>
    %mul3A_1199 = arith.mulf %mul3A_1198, %mul3A_1194 : vector<16xf32>
    %sub3A_1200 = arith.constant 1.500000e+00 : f32
    %sub3A_1201 = vector.broadcast %sub3A_1200 : f32 to vector<16xf32>
    %sub3A_1202 = arith.subf %sub3A_1201, %mul3A_1199 : vector<16xf32>
    %mul3A_1203 = arith.mulf %mul3A_1194, %sub3A_1202 : vector<16xf32>
    %mul3A_1204 = arith.constant 5.000000e-01 : f32
    %mul3A_1205 = vector.broadcast %mul3A_1204 : f32 to vector<16xf32>
    %mul3A_1206 = arith.mulf %mul3A_1205, %get3A_1177 : vector<16xf32>
    %mul3A_1207 = arith.mulf %mul3A_1206, %mul3A_1203 : vector<16xf32>
    %mul3A_1208 = arith.mulf %mul3A_1207, %mul3A_1203 : vector<16xf32>
    %sub3A_1209 = arith.constant 1.500000e+00 : f32
    %sub3A_1210 = vector.broadcast %sub3A_1209 : f32 to vector<16xf32>
    %sub3A_1211 = arith.subf %sub3A_1210, %mul3A_1208 : vector<16xf32>
    %mul3A_1212 = arith.mulf %mul3A_1203, %sub3A_1211 : vector<16xf32>
    %swap3A_1213 = arith.constant 448 : index
    %swap3A_1214 = tpu.vector_load %arg12[%swap3A_1213] {strides = array<i32>} : memref<640xf32, #tpu.memory_space<vmem>>, vector<16xf32>,
    tpu.vector_store %arg12[%swap3A_1213], %mul3A_1212 {strides = array<i32>} : memref<640xf32, #tpu.memory_space<vmem>>, vector<16xf32>,
    %get3A_1215 = arith.constant 464 : index
    %get3A_1216 = tpu.vector_load %arg11[%get3A_1215] {strides = array<i32>} : memref<640xf32, #tpu.memory_space<vmem>>, vector<16xf32>,
    %bitcast_convert_type3A_1217 = tpu.bitcast %get3A_1216 : vector<16xf32> -> vector<16xi32>
    %shift_right_arithmetic3A_1218 = arith.constant 1 : i32
    %shift_right_arithmetic3A_1219 = vector.broadcast %shift_right_arithmetic3A_1218 : i32 to vector<16xi32>
    %shift_right_arithmetic3A_1220 = arith.shrsi %bitcast_convert_type3A_1217, %shift_right_arithmetic3A_1219 : vector<16xi32>
    %sub3A_1221 = arith.constant 1597463007 : i32
    %sub3A_1222 = vector.broadcast %sub3A_1221 : i32 to vector<16xi32>
    %sub3A_1223 = arith.subi %sub3A_1222, %shift_right_arithmetic3A_1220 : vector<16xi32>
    %bitcast_convert_type3A_1224 = tpu.bitcast %sub3A_1223 : vector<16xi32> -> vector<16xf32>
    %mul3A_1225 = arith.constant 5.000000e-01 : f32
    %mul3A_1226 = vector.broadcast %mul3A_1225 : f32 to vector<16xf32>
    %mul3A_1227 = arith.mulf %mul3A_1226, %get3A_1216 : vector<16xf32>
    %mul3A_1228 = arith.mulf %mul3A_1227, %bitcast_convert_type3A_1224 : vector<16xf32>
    %mul3A_1229 = arith.mulf %mul3A_1228, %bitcast_convert_type3A_1224 : vector<16xf32>
    %sub3A_1230 = arith.constant 1.500000e+00 : f32
    %sub3A_1231 = vector.broadcast %sub3A_1230 : f32 to vector<16xf32>
    %sub3A_1232 = arith.subf %sub3A_1231, %mul3A_1229 : vector<16xf32>
    %mul3A_1233 = arith.mulf %bitcast_convert_type3A_1224, %sub3A_1232 : vector<16xf32>
    %mul3A_1234 = arith.constant 5.000000e-01 : f32
    %mul3A_1235 = vector.broadcast %mul3A_1234 : f32 to vector<16xf32>
    %mul3A_1236 = arith.mulf %mul3A_1235, %get3A_1216 : vector<16xf32>
    %mul3A_1237 = arith.mulf %mul3A_1236, %mul3A_1233 : vector<16xf32>
    %mul3A_1238 = arith.mulf %mul3A_1237, %mul3A_1233 : vector<16xf32>
    %sub3A_1239 = arith.constant 1.500000e+00 : f32
    %sub3A_1240 = vector.broadcast %sub3A_1239 : f32 to vector<16xf32>
    %sub3A_1241 = arith.subf %sub3A_1240, %mul3A_1238 : vector<16xf32>
    %mul3A_1242 = arith.mulf %mul3A_1233, %sub3A_1241 : vector<16xf32>
    %mul3A_1243 = arith.constant 5.000000e-01 : f32
    %mul3A_1244 = vector.broadcast %mul3A_1243 : f32 to vector<16xf32>
    %mul3A_1245 = arith.mulf %mul3A_1244, %get3A_1216 : vector<16xf32>
    %mul3A_1246 = arith.mulf %mul3A_1245, %mul3A_1242 : vector<16xf32>
    %mul3A_1247 = arith.mulf %mul3A_1246, %mul3A_1242 : vector<16xf32>
    %sub3A_1248 = arith.constant 1.500000e+00 : f32
    %sub3A_1249 = vector.broadcast %sub3A_1248 : f32 to vector<16xf32>
    %sub3A_1250 = arith.subf %sub3A_1249, %mul3A_1247 : vector<16xf32>
    %mul3A_1251 = arith.mulf %mul3A_1242, %sub3A_1250 : vector<16xf32>
    %swap3A_1252 = arith.constant 464 : index
    %swap3A_1253 = tpu.vector_load %arg12[%swap3A_1252] {strides = array<i32>} : memref<640xf32, #tpu.memory_space<vmem>>, vector<16xf32>,
    tpu.vector_store %arg12[%swap3A_1252], %mul3A_1251 {strides = array<i32>} : memref<640xf32, #tpu.memory_space<vmem>>, vector<16xf32>,
    %get3A_1254 = arith.constant 480 : index
    %get3A_1255 = tpu.vector_load %arg11[%get3A_1254] {strides = array<i32>} : memref<640xf32, #tpu.memory_space<vmem>>, vector<16xf32>,
    %bitcast_convert_type3A_1256 = tpu.bitcast %get3A_1255 : vector<16xf32> -> vector<16xi32>
    %shift_right_arithmetic3A_1257 = arith.constant 1 : i32
    %shift_right_arithmetic3A_1258 = vector.broadcast %shift_right_arithmetic3A_1257 : i32 to vector<16xi32>
    %shift_right_arithmetic3A_1259 = arith.shrsi %bitcast_convert_type3A_1256, %shift_right_arithmetic3A_1258 : vector<16xi32>
    %sub3A_1260 = arith.constant 1597463007 : i32
    %sub3A_1261 = vector.broadcast %sub3A_1260 : i32 to vector<16xi32>
    %sub3A_1262 = arith.subi %sub3A_1261, %shift_right_arithmetic3A_1259 : vector<16xi32>
    %bitcast_convert_type3A_1263 = tpu.bitcast %sub3A_1262 : vector<16xi32> -> vector<16xf32>
    %mul3A_1264 = arith.constant 5.000000e-01 : f32
    %mul3A_1265 = vector.broadcast %mul3A_1264 : f32 to vector<16xf32>
    %mul3A_1266 = arith.mulf %mul3A_1265, %get3A_1255 : vector<16xf32>
    %mul3A_1267 = arith.mulf %mul3A_1266, %bitcast_convert_type3A_1263 : vector<16xf32>
    %mul3A_1268 = arith.mulf %mul3A_1267, %bitcast_convert_type3A_1263 : vector<16xf32>
    %sub3A_1269 = arith.constant 1.500000e+00 : f32
    %sub3A_1270 = vector.broadcast %sub3A_1269 : f32 to vector<16xf32>
    %sub3A_1271 = arith.subf %sub3A_1270, %mul3A_1268 : vector<16xf32>
    %mul3A_1272 = arith.mulf %bitcast_convert_type3A_1263, %sub3A_1271 : vector<16xf32>
    %mul3A_1273 = arith.constant 5.000000e-01 : f32
    %mul3A_1274 = vector.broadcast %mul3A_1273 : f32 to vector<16xf32>
    %mul3A_1275 = arith.mulf %mul3A_1274, %get3A_1255 : vector<16xf32>
    %mul3A_1276 = arith.mulf %mul3A_1275, %mul3A_1272 : vector<16xf32>
    %mul3A_1277 = arith.mulf %mul3A_1276, %mul3A_1272 : vector<16xf32>
    %sub3A_1278 = arith.constant 1.500000e+00 : f32
    %sub3A_1279 = vector.broadcast %sub3A_1278 : f32 to vector<16xf32>
    %sub3A_1280 = arith.subf %sub3A_1279, %mul3A_1277 : vector<16xf32>
    %mul3A_1281 = arith.mulf %mul3A_1272, %sub3A_1280 : vector<16xf32>
    %mul3A_1282 = arith.constant 5.000000e-01 : f32
    %mul3A_1283 = vector.broadcast %mul3A_1282 : f32 to vector<16xf32>
    %mul3A_1284 = arith.mulf %mul3A_1283, %get3A_1255 : vector<16xf32>
    %mul3A_1285 = arith.mulf %mul3A_1284, %mul3A_1281 : vector<16xf32>
    %mul3A_1286 = arith.mulf %mul3A_1285, %mul3A_1281 : vector<16xf32>
    %sub3A_1287 = arith.constant 1.500000e+00 : f32
    %sub3A_1288 = vector.broadcast %sub3A_1287 : f32 to vector<16xf32>
    %sub3A_1289 = arith.subf %sub3A_1288, %mul3A_1286 : vector<16xf32>
    %mul3A_1290 = arith.mulf %mul3A_1281, %sub3A_1289 : vector<16xf32>
    %swap3A_1291 = arith.constant 480 : index
    %swap3A_1292 = tpu.vector_load %arg12[%swap3A_1291] {strides = array<i32>} : memref<640xf32, #tpu.memory_space<vmem>>, vector<16xf32>,
    tpu.vector_store %arg12[%swap3A_1291], %mul3A_1290 {strides = array<i32>} : memref<640xf32, #tpu.memory_space<vmem>>, vector<16xf32>,
    %get3A_1293 = arith.constant 496 : index
    %get3A_1294 = tpu.vector_load %arg11[%get3A_1293] {strides = array<i32>} : memref<640xf32, #tpu.memory_space<vmem>>, vector<16xf32>,
    %bitcast_convert_type3A_1295 = tpu.bitcast %get3A_1294 : vector<16xf32> -> vector<16xi32>
    %shift_right_arithmetic3A_1296 = arith.constant 1 : i32
    %shift_right_arithmetic3A_1297 = vector.broadcast %shift_right_arithmetic3A_1296 : i32 to vector<16xi32>
    %shift_right_arithmetic3A_1298 = arith.shrsi %bitcast_convert_type3A_1295, %shift_right_arithmetic3A_1297 : vector<16xi32>
    %sub3A_1299 = arith.constant 1597463007 : i32
    %sub3A_1300 = vector.broadcast %sub3A_1299 : i32 to vector<16xi32>
    %sub3A_1301 = arith.subi %sub3A_1300, %shift_right_arithmetic3A_1298 : vector<16xi32>
    %bitcast_convert_type3A_1302 = tpu.bitcast %sub3A_1301 : vector<16xi32> -> vector<16xf32>
    %mul3A_1303 = arith.constant 5.000000e-01 : f32
    %mul3A_1304 = vector.broadcast %mul3A_1303 : f32 to vector<16xf32>
    %mul3A_1305 = arith.mulf %mul3A_1304, %get3A_1294 : vector<16xf32>
    %mul3A_1306 = arith.mulf %mul3A_1305, %bitcast_convert_type3A_1302 : vector<16xf32>
    %mul3A_1307 = arith.mulf %mul3A_1306, %bitcast_convert_type3A_1302 : vector<16xf32>
    %sub3A_1308 = arith.constant 1.500000e+00 : f32
    %sub3A_1309 = vector.broadcast %sub3A_1308 : f32 to vector<16xf32>
    %sub3A_1310 = arith.subf %sub3A_1309, %mul3A_1307 : vector<16xf32>
    %mul3A_1311 = arith.mulf %bitcast_convert_type3A_1302, %sub3A_1310 : vector<16xf32>
    %mul3A_1312 = arith.constant 5.000000e-01 : f32
    %mul3A_1313 = vector.broadcast %mul3A_1312 : f32 to vector<16xf32>
    %mul3A_1314 = arith.mulf %mul3A_1313, %get3A_1294 : vector<16xf32>
    %mul3A_1315 = arith.mulf %mul3A_1314, %mul3A_1311 : vector<16xf32>
    %mul3A_1316 = arith.mulf %mul3A_1315, %mul3A_1311 : vector<16xf32>
    %sub3A_1317 = arith.constant 1.500000e+00 : f32
    %sub3A_1318 = vector.broadcast %sub3A_1317 : f32 to vector<16xf32>
    %sub3A_1319 = arith.subf %sub3A_1318, %mul3A_1316 : vector<16xf32>
    %mul3A_1320 = arith.mulf %mul3A_1311, %sub3A_1319 : vector<16xf32>
    %mul3A_1321 = arith.constant 5.000000e-01 : f32
    %mul3A_1322 = vector.broadcast %mul3A_1321 : f32 to vector<16xf32>
    %mul3A_1323 = arith.mulf %mul3A_1322, %get3A_1294 : vector<16xf32>
    %mul3A_1324 = arith.mulf %mul3A_1323, %mul3A_1320 : vector<16xf32>
    %mul3A_1325 = arith.mulf %mul3A_1324, %mul3A_1320 : vector<16xf32>
    %sub3A_1326 = arith.constant 1.500000e+00 : f32
    %sub3A_1327 = vector.broadcast %sub3A_1326 : f32 to vector<16xf32>
    %sub3A_1328 = arith.subf %sub3A_1327, %mul3A_1325 : vector<16xf32>
    %mul3A_1329 = arith.mulf %mul3A_1320, %sub3A_1328 : vector<16xf32>
    %swap3A_1330 = arith.constant 496 : index
    %swap3A_1331 = tpu.vector_load %arg12[%swap3A_1330] {strides = array<i32>} : memref<640xf32, #tpu.memory_space<vmem>>, vector<16xf32>,
    tpu.vector_store %arg12[%swap3A_1330], %mul3A_1329 {strides = array<i32>} : memref<640xf32, #tpu.memory_space<vmem>>, vector<16xf32>,
    %get3A_1332 = arith.constant 512 : index
    %get3A_1333 = tpu.vector_load %arg11[%get3A_1332] {strides = array<i32>} : memref<640xf32, #tpu.memory_space<vmem>>, vector<16xf32>,
    %bitcast_convert_type3A_1334 = tpu.bitcast %get3A_1333 : vector<16xf32> -> vector<16xi32>
    %shift_right_arithmetic3A_1335 = arith.constant 1 : i32
    %shift_right_arithmetic3A_1336 = vector.broadcast %shift_right_arithmetic3A_1335 : i32 to vector<16xi32>
    %shift_right_arithmetic3A_1337 = arith.shrsi %bitcast_convert_type3A_1334, %shift_right_arithmetic3A_1336 : vector<16xi32>
    %sub3A_1338 = arith.constant 1597463007 : i32
    %sub3A_1339 = vector.broadcast %sub3A_1338 : i32 to vector<16xi32>
    %sub3A_1340 = arith.subi %sub3A_1339, %shift_right_arithmetic3A_1337 : vector<16xi32>
    %bitcast_convert_type3A_1341 = tpu.bitcast %sub3A_1340 : vector<16xi32> -> vector<16xf32>
    %mul3A_1342 = arith.constant 5.000000e-01 : f32
    %mul3A_1343 = vector.broadcast %mul3A_1342 : f32 to vector<16xf32>
    %mul3A_1344 = arith.mulf %mul3A_1343, %get3A_1333 : vector<16xf32>
    %mul3A_1345 = arith.mulf %mul3A_1344, %bitcast_convert_type3A_1341 : vector<16xf32>
    %mul3A_1346 = arith.mulf %mul3A_1345, %bitcast_convert_type3A_1341 : vector<16xf32>
    %sub3A_1347 = arith.constant 1.500000e+00 : f32
    %sub3A_1348 = vector.broadcast %sub3A_1347 : f32 to vector<16xf32>
    %sub3A_1349 = arith.subf %sub3A_1348, %mul3A_1346 : vector<16xf32>
    %mul3A_1350 = arith.mulf %bitcast_convert_type3A_1341, %sub3A_1349 : vector<16xf32>
    %mul3A_1351 = arith.constant 5.000000e-01 : f32
    %mul3A_1352 = vector.broadcast %mul3A_1351 : f32 to vector<16xf32>
    %mul3A_1353 = arith.mulf %mul3A_1352, %get3A_1333 : vector<16xf32>
    %mul3A_1354 = arith.mulf %mul3A_1353, %mul3A_1350 : vector<16xf32>
    %mul3A_1355 = arith.mulf %mul3A_1354, %mul3A_1350 : vector<16xf32>
    %sub3A_1356 = arith.constant 1.500000e+00 : f32
    %sub3A_1357 = vector.broadcast %sub3A_1356 : f32 to vector<16xf32>
    %sub3A_1358 = arith.subf %sub3A_1357, %mul3A_1355 : vector<16xf32>
    %mul3A_1359 = arith.mulf %mul3A_1350, %sub3A_1358 : vector<16xf32>
    %mul3A_1360 = arith.constant 5.000000e-01 : f32
    %mul3A_1361 = vector.broadcast %mul3A_1360 : f32 to vector<16xf32>
    %mul3A_1362 = arith.mulf %mul3A_1361, %get3A_1333 : vector<16xf32>
    %mul3A_1363 = arith.mulf %mul3A_1362, %mul3A_1359 : vector<16xf32>
    %mul3A_1364 = arith.mulf %mul3A_1363, %mul3A_1359 : vector<16xf32>
    %sub3A_1365 = arith.constant 1.500000e+00 : f32
    %sub3A_1366 = vector.broadcast %sub3A_1365 : f32 to vector<16xf32>
    %sub3A_1367 = arith.subf %sub3A_1366, %mul3A_1364 : vector<16xf32>
    %mul3A_1368 = arith.mulf %mul3A_1359, %sub3A_1367 : vector<16xf32>
    %swap3A_1369 = arith.constant 512 : index
    %swap3A_1370 = tpu.vector_load %arg12[%swap3A_1369] {strides = array<i32>} : memref<640xf32, #tpu.memory_space<vmem>>, vector<16xf32>,
    tpu.vector_store %arg12[%swap3A_1369], %mul3A_1368 {strides = array<i32>} : memref<640xf32, #tpu.memory_space<vmem>>, vector<16xf32>,
    %get3A_1371 = arith.constant 528 : index
    %get3A_1372 = tpu.vector_load %arg11[%get3A_1371] {strides = array<i32>} : memref<640xf32, #tpu.memory_space<vmem>>, vector<16xf32>,
    %bitcast_convert_type3A_1373 = tpu.bitcast %get3A_1372 : vector<16xf32> -> vector<16xi32>
    %shift_right_arithmetic3A_1374 = arith.constant 1 : i32
    %shift_right_arithmetic3A_1375 = vector.broadcast %shift_right_arithmetic3A_1374 : i32 to vector<16xi32>
    %shift_right_arithmetic3A_1376 = arith.shrsi %bitcast_convert_type3A_1373, %shift_right_arithmetic3A_1375 : vector<16xi32>
    %sub3A_1377 = arith.constant 1597463007 : i32
    %sub3A_1378 = vector.broadcast %sub3A_1377 : i32 to vector<16xi32>
    %sub3A_1379 = arith.subi %sub3A_1378, %shift_right_arithmetic3A_1376 : vector<16xi32>
    %bitcast_convert_type3A_1380 = tpu.bitcast %sub3A_1379 : vector<16xi32> -> vector<16xf32>
    %mul3A_1381 = arith.constant 5.000000e-01 : f32
    %mul3A_1382 = vector.broadcast %mul3A_1381 : f32 to vector<16xf32>
    %mul3A_1383 = arith.mulf %mul3A_1382, %get3A_1372 : vector<16xf32>
    %mul3A_1384 = arith.mulf %mul3A_1383, %bitcast_convert_type3A_1380 : vector<16xf32>
    %mul3A_1385 = arith.mulf %mul3A_1384, %bitcast_convert_type3A_1380 : vector<16xf32>
    %sub3A_1386 = arith.constant 1.500000e+00 : f32
    %sub3A_1387 = vector.broadcast %sub3A_1386 : f32 to vector<16xf32>
    %sub3A_1388 = arith.subf %sub3A_1387, %mul3A_1385 : vector<16xf32>
    %mul3A_1389 = arith.mulf %bitcast_convert_type3A_1380, %sub3A_1388 : vector<16xf32>
    %mul3A_1390 = arith.constant 5.000000e-01 : f32
    %mul3A_1391 = vector.broadcast %mul3A_1390 : f32 to vector<16xf32>
    %mul3A_1392 = arith.mulf %mul3A_1391, %get3A_1372 : vector<16xf32>
    %mul3A_1393 = arith.mulf %mul3A_1392, %mul3A_1389 : vector<16xf32>
    %mul3A_1394 = arith.mulf %mul3A_1393, %mul3A_1389 : vector<16xf32>
    %sub3A_1395 = arith.constant 1.500000e+00 : f32
    %sub3A_1396 = vector.broadcast %sub3A_1395 : f32 to vector<16xf32>
    %sub3A_1397 = arith.subf %sub3A_1396, %mul3A_1394 : vector<16xf32>
    %mul3A_1398 = arith.mulf %mul3A_1389, %sub3A_1397 : vector<16xf32>
    %mul3A_1399 = arith.constant 5.000000e-01 : f32
    %mul3A_1400 = vector.broadcast %mul3A_1399 : f32 to vector<16xf32>
    %mul3A_1401 = arith.mulf %mul3A_1400, %get3A_1372 : vector<16xf32>
    %mul3A_1402 = arith.mulf %mul3A_1401, %mul3A_1398 : vector<16xf32>
    %mul3A_1403 = arith.mulf %mul3A_1402, %mul3A_1398 : vector<16xf32>
    %sub3A_1404 = arith.constant 1.500000e+00 : f32
    %sub3A_1405 = vector.broadcast %sub3A_1404 : f32 to vector<16xf32>
    %sub3A_1406 = arith.subf %sub3A_1405, %mul3A_1403 : vector<16xf32>
    %mul3A_1407 = arith.mulf %mul3A_1398, %sub3A_1406 : vector<16xf32>
    %swap3A_1408 = arith.constant 528 : index
    %swap3A_1409 = tpu.vector_load %arg12[%swap3A_1408] {strides = array<i32>} : memref<640xf32, #tpu.memory_space<vmem>>, vector<16xf32>,
    tpu.vector_store %arg12[%swap3A_1408], %mul3A_1407 {strides = array<i32>} : memref<640xf32, #tpu.memory_space<vmem>>, vector<16xf32>,
    %get3A_1410 = arith.constant 544 : index
    %get3A_1411 = tpu.vector_load %arg11[%get3A_1410] {strides = array<i32>} : memref<640xf32, #tpu.memory_space<vmem>>, vector<16xf32>,
    %bitcast_convert_type3A_1412 = tpu.bitcast %get3A_1411 : vector<16xf32> -> vector<16xi32>
    %shift_right_arithmetic3A_1413 = arith.constant 1 : i32
    %shift_right_arithmetic3A_1414 = vector.broadcast %shift_right_arithmetic3A_1413 : i32 to vector<16xi32>
    %shift_right_arithmetic3A_1415 = arith.shrsi %bitcast_convert_type3A_1412, %shift_right_arithmetic3A_1414 : vector<16xi32>
    %sub3A_1416 = arith.constant 1597463007 : i32
    %sub3A_1417 = vector.broadcast %sub3A_1416 : i32 to vector<16xi32>
    %sub3A_1418 = arith.subi %sub3A_1417, %shift_right_arithmetic3A_1415 : vector<16xi32>
    %bitcast_convert_type3A_1419 = tpu.bitcast %sub3A_1418 : vector<16xi32> -> vector<16xf32>
    %mul3A_1420 = arith.constant 5.000000e-01 : f32
    %mul3A_1421 = vector.broadcast %mul3A_1420 : f32 to vector<16xf32>
    %mul3A_1422 = arith.mulf %mul3A_1421, %get3A_1411 : vector<16xf32>
    %mul3A_1423 = arith.mulf %mul3A_1422, %bitcast_convert_type3A_1419 : vector<16xf32>
    %mul3A_1424 = arith.mulf %mul3A_1423, %bitcast_convert_type3A_1419 : vector<16xf32>
    %sub3A_1425 = arith.constant 1.500000e+00 : f32
    %sub3A_1426 = vector.broadcast %sub3A_1425 : f32 to vector<16xf32>
    %sub3A_1427 = arith.subf %sub3A_1426, %mul3A_1424 : vector<16xf32>
    %mul3A_1428 = arith.mulf %bitcast_convert_type3A_1419, %sub3A_1427 : vector<16xf32>
    %mul3A_1429 = arith.constant 5.000000e-01 : f32
    %mul3A_1430 = vector.broadcast %mul3A_1429 : f32 to vector<16xf32>
    %mul3A_1431 = arith.mulf %mul3A_1430, %get3A_1411 : vector<16xf32>
    %mul3A_1432 = arith.mulf %mul3A_1431, %mul3A_1428 : vector<16xf32>
    %mul3A_1433 = arith.mulf %mul3A_1432, %mul3A_1428 : vector<16xf32>
    %sub3A_1434 = arith.constant 1.500000e+00 : f32
    %sub3A_1435 = vector.broadcast %sub3A_1434 : f32 to vector<16xf32>
    %sub3A_1436 = arith.subf %sub3A_1435, %mul3A_1433 : vector<16xf32>
    %mul3A_1437 = arith.mulf %mul3A_1428, %sub3A_1436 : vector<16xf32>
    %mul3A_1438 = arith.constant 5.000000e-01 : f32
    %mul3A_1439 = vector.broadcast %mul3A_1438 : f32 to vector<16xf32>
    %mul3A_1440 = arith.mulf %mul3A_1439, %get3A_1411 : vector<16xf32>
    %mul3A_1441 = arith.mulf %mul3A_1440, %mul3A_1437 : vector<16xf32>
    %mul3A_1442 = arith.mulf %mul3A_1441, %mul3A_1437 : vector<16xf32>
    %sub3A_1443 = arith.constant 1.500000e+00 : f32
    %sub3A_1444 = vector.broadcast %sub3A_1443 : f32 to vector<16xf32>
    %sub3A_1445 = arith.subf %sub3A_1444, %mul3A_1442 : vector<16xf32>
    %mul3A_1446 = arith.mulf %mul3A_1437, %sub3A_1445 : vector<16xf32>
    %swap3A_1447 = arith.constant 544 : index
    %swap3A_1448 = tpu.vector_load %arg12[%swap3A_1447] {strides = array<i32>} : memref<640xf32, #tpu.memory_space<vmem>>, vector<16xf32>,
    tpu.vector_store %arg12[%swap3A_1447], %mul3A_1446 {strides = array<i32>} : memref<640xf32, #tpu.memory_space<vmem>>, vector<16xf32>,
    %get3A_1449 = arith.constant 560 : index
    %get3A_1450 = tpu.vector_load %arg11[%get3A_1449] {strides = array<i32>} : memref<640xf32, #tpu.memory_space<vmem>>, vector<16xf32>,
    %bitcast_convert_type3A_1451 = tpu.bitcast %get3A_1450 : vector<16xf32> -> vector<16xi32>
    %shift_right_arithmetic3A_1452 = arith.constant 1 : i32
    %shift_right_arithmetic3A_1453 = vector.broadcast %shift_right_arithmetic3A_1452 : i32 to vector<16xi32>
    %shift_right_arithmetic3A_1454 = arith.shrsi %bitcast_convert_type3A_1451, %shift_right_arithmetic3A_1453 : vector<16xi32>
    %sub3A_1455 = arith.constant 1597463007 : i32
    %sub3A_1456 = vector.broadcast %sub3A_1455 : i32 to vector<16xi32>
    %sub3A_1457 = arith.subi %sub3A_1456, %shift_right_arithmetic3A_1454 : vector<16xi32>
    %bitcast_convert_type3A_1458 = tpu.bitcast %sub3A_1457 : vector<16xi32> -> vector<16xf32>
    %mul3A_1459 = arith.constant 5.000000e-01 : f32
    %mul3A_1460 = vector.broadcast %mul3A_1459 : f32 to vector<16xf32>
    %mul3A_1461 = arith.mulf %mul3A_1460, %get3A_1450 : vector<16xf32>
    %mul3A_1462 = arith.mulf %mul3A_1461, %bitcast_convert_type3A_1458 : vector<16xf32>
    %mul3A_1463 = arith.mulf %mul3A_1462, %bitcast_convert_type3A_1458 : vector<16xf32>
    %sub3A_1464 = arith.constant 1.500000e+00 : f32
    %sub3A_1465 = vector.broadcast %sub3A_1464 : f32 to vector<16xf32>
    %sub3A_1466 = arith.subf %sub3A_1465, %mul3A_1463 : vector<16xf32>
    %mul3A_1467 = arith.mulf %bitcast_convert_type3A_1458, %sub3A_1466 : vector<16xf32>
    %mul3A_1468 = arith.constant 5.000000e-01 : f32
    %mul3A_1469 = vector.broadcast %mul3A_1468 : f32 to vector<16xf32>
    %mul3A_1470 = arith.mulf %mul3A_1469, %get3A_1450 : vector<16xf32>
    %mul3A_1471 = arith.mulf %mul3A_1470, %mul3A_1467 : vector<16xf32>
    %mul3A_1472 = arith.mulf %mul3A_1471, %mul3A_1467 : vector<16xf32>
    %sub3A_1473 = arith.constant 1.500000e+00 : f32
    %sub3A_1474 = vector.broadcast %sub3A_1473 : f32 to vector<16xf32>
    %sub3A_1475 = arith.subf %sub3A_1474, %mul3A_1472 : vector<16xf32>
    %mul3A_1476 = arith.mulf %mul3A_1467, %sub3A_1475 : vector<16xf32>
    %mul3A_1477 = arith.constant 5.000000e-01 : f32
    %mul3A_1478 = vector.broadcast %mul3A_1477 : f32 to vector<16xf32>
    %mul3A_1479 = arith.mulf %mul3A_1478, %get3A_1450 : vector<16xf32>
    %mul3A_1480 = arith.mulf %mul3A_1479, %mul3A_1476 : vector<16xf32>
    %mul3A_1481 = arith.mulf %mul3A_1480, %mul3A_1476 : vector<16xf32>
    %sub3A_1482 = arith.constant 1.500000e+00 : f32
    %sub3A_1483 = vector.broadcast %sub3A_1482 : f32 to vector<16xf32>
    %sub3A_1484 = arith.subf %sub3A_1483, %mul3A_1481 : vector<16xf32>
    %mul3A_1485 = arith.mulf %mul3A_1476, %sub3A_1484 : vector<16xf32>
    %swap3A_1486 = arith.constant 560 : index
    %swap3A_1487 = tpu.vector_load %arg12[%swap3A_1486] {strides = array<i32>} : memref<640xf32, #tpu.memory_space<vmem>>, vector<16xf32>,
    tpu.vector_store %arg12[%swap3A_1486], %mul3A_1485 {strides = array<i32>} : memref<640xf32, #tpu.memory_space<vmem>>, vector<16xf32>,
    %get3A_1488 = arith.constant 576 : index
    %get3A_1489 = tpu.vector_load %arg11[%get3A_1488] {strides = array<i32>} : memref<640xf32, #tpu.memory_space<vmem>>, vector<16xf32>,
    %bitcast_convert_type3A_1490 = tpu.bitcast %get3A_1489 : vector<16xf32> -> vector<16xi32>
    %shift_right_arithmetic3A_1491 = arith.constant 1 : i32
    %shift_right_arithmetic3A_1492 = vector.broadcast %shift_right_arithmetic3A_1491 : i32 to vector<16xi32>
    %shift_right_arithmetic3A_1493 = arith.shrsi %bitcast_convert_type3A_1490, %shift_right_arithmetic3A_1492 : vector<16xi32>
    %sub3A_1494 = arith.constant 1597463007 : i32
    %sub3A_1495 = vector.broadcast %sub3A_1494 : i32 to vector<16xi32>
    %sub3A_1496 = arith.subi %sub3A_1495, %shift_right_arithmetic3A_1493 : vector<16xi32>
    %bitcast_convert_type3A_1497 = tpu.bitcast %sub3A_1496 : vector<16xi32> -> vector<16xf32>
    %mul3A_1498 = arith.constant 5.000000e-01 : f32
    %mul3A_1499 = vector.broadcast %mul3A_1498 : f32 to vector<16xf32>
    %mul3A_1500 = arith.mulf %mul3A_1499, %get3A_1489 : vector<16xf32>
    %mul3A_1501 = arith.mulf %mul3A_1500, %bitcast_convert_type3A_1497 : vector<16xf32>
    %mul3A_1502 = arith.mulf %mul3A_1501, %bitcast_convert_type3A_1497 : vector<16xf32>
    %sub3A_1503 = arith.constant 1.500000e+00 : f32
    %sub3A_1504 = vector.broadcast %sub3A_1503 : f32 to vector<16xf32>
    %sub3A_1505 = arith.subf %sub3A_1504, %mul3A_1502 : vector<16xf32>
    %mul3A_1506 = arith.mulf %bitcast_convert_type3A_1497, %sub3A_1505 : vector<16xf32>
    %mul3A_1507 = arith.constant 5.000000e-01 : f32
    %mul3A_1508 = vector.broadcast %mul3A_1507 : f32 to vector<16xf32>
    %mul3A_1509 = arith.mulf %mul3A_1508, %get3A_1489 : vector<16xf32>
    %mul3A_1510 = arith.mulf %mul3A_1509, %mul3A_1506 : vector<16xf32>
    %mul3A_1511 = arith.mulf %mul3A_1510, %mul3A_1506 : vector<16xf32>
    %sub3A_1512 = arith.constant 1.500000e+00 : f32
    %sub3A_1513 = vector.broadcast %sub3A_1512 : f32 to vector<16xf32>
    %sub3A_1514 = arith.subf %sub3A_1513, %mul3A_1511 : vector<16xf32>
    %mul3A_1515 = arith.mulf %mul3A_1506, %sub3A_1514 : vector<16xf32>
    %mul3A_1516 = arith.constant 5.000000e-01 : f32
    %mul3A_1517 = vector.broadcast %mul3A_1516 : f32 to vector<16xf32>
    %mul3A_1518 = arith.mulf %mul3A_1517, %get3A_1489 : vector<16xf32>
    %mul3A_1519 = arith.mulf %mul3A_1518, %mul3A_1515 : vector<16xf32>
    %mul3A_1520 = arith.mulf %mul3A_1519, %mul3A_1515 : vector<16xf32>
    %sub3A_1521 = arith.constant 1.500000e+00 : f32
    %sub3A_1522 = vector.broadcast %sub3A_1521 : f32 to vector<16xf32>
    %sub3A_1523 = arith.subf %sub3A_1522, %mul3A_1520 : vector<16xf32>
    %mul3A_1524 = arith.mulf %mul3A_1515, %sub3A_1523 : vector<16xf32>
    %swap3A_1525 = arith.constant 576 : index
    %swap3A_1526 = tpu.vector_load %arg12[%swap3A_1525] {strides = array<i32>} : memref<640xf32, #tpu.memory_space<vmem>>, vector<16xf32>,
    tpu.vector_store %arg12[%swap3A_1525], %mul3A_1524 {strides = array<i32>} : memref<640xf32, #tpu.memory_space<vmem>>, vector<16xf32>,
    %get3A_1527 = arith.constant 592 : index
    %get3A_1528 = tpu.vector_load %arg11[%get3A_1527] {strides = array<i32>} : memref<640xf32, #tpu.memory_space<vmem>>, vector<16xf32>,
    %bitcast_convert_type3A_1529 = tpu.bitcast %get3A_1528 : vector<16xf32> -> vector<16xi32>
    %shift_right_arithmetic3A_1530 = arith.constant 1 : i32
    %shift_right_arithmetic3A_1531 = vector.broadcast %shift_right_arithmetic3A_1530 : i32 to vector<16xi32>
    %shift_right_arithmetic3A_1532 = arith.shrsi %bitcast_convert_type3A_1529, %shift_right_arithmetic3A_1531 : vector<16xi32>
    %sub3A_1533 = arith.constant 1597463007 : i32
    %sub3A_1534 = vector.broadcast %sub3A_1533 : i32 to vector<16xi32>
    %sub3A_1535 = arith.subi %sub3A_1534, %shift_right_arithmetic3A_1532 : vector<16xi32>
    %bitcast_convert_type3A_1536 = tpu.bitcast %sub3A_1535 : vector<16xi32> -> vector<16xf32>
    %mul3A_1537 = arith.constant 5.000000e-01 : f32
    %mul3A_1538 = vector.broadcast %mul3A_1537 : f32 to vector<16xf32>
    %mul3A_1539 = arith.mulf %mul3A_1538, %get3A_1528 : vector<16xf32>
    %mul3A_1540 = arith.mulf %mul3A_1539, %bitcast_convert_type3A_1536 : vector<16xf32>
    %mul3A_1541 = arith.mulf %mul3A_1540, %bitcast_convert_type3A_1536 : vector<16xf32>
    %sub3A_1542 = arith.constant 1.500000e+00 : f32
    %sub3A_1543 = vector.broadcast %sub3A_1542 : f32 to vector<16xf32>
    %sub3A_1544 = arith.subf %sub3A_1543, %mul3A_1541 : vector<16xf32>
    %mul3A_1545 = arith.mulf %bitcast_convert_type3A_1536, %sub3A_1544 : vector<16xf32>
    %mul3A_1546 = arith.constant 5.000000e-01 : f32
    %mul3A_1547 = vector.broadcast %mul3A_1546 : f32 to vector<16xf32>
    %mul3A_1548 = arith.mulf %mul3A_1547, %get3A_1528 : vector<16xf32>
    %mul3A_1549 = arith.mulf %mul3A_1548, %mul3A_1545 : vector<16xf32>
    %mul3A_1550 = arith.mulf %mul3A_1549, %mul3A_1545 : vector<16xf32>
    %sub3A_1551 = arith.constant 1.500000e+00 : f32
    %sub3A_1552 = vector.broadcast %sub3A_1551 : f32 to vector<16xf32>
    %sub3A_1553 = arith.subf %sub3A_1552, %mul3A_1550 : vector<16xf32>
    %mul3A_1554 = arith.mulf %mul3A_1545, %sub3A_1553 : vector<16xf32>
    %mul3A_1555 = arith.constant 5.000000e-01 : f32
    %mul3A_1556 = vector.broadcast %mul3A_1555 : f32 to vector<16xf32>
    %mul3A_1557 = arith.mulf %mul3A_1556, %get3A_1528 : vector<16xf32>
    %mul3A_1558 = arith.mulf %mul3A_1557, %mul3A_1554 : vector<16xf32>
    %mul3A_1559 = arith.mulf %mul3A_1558, %mul3A_1554 : vector<16xf32>
    %sub3A_1560 = arith.constant 1.500000e+00 : f32
    %sub3A_1561 = vector.broadcast %sub3A_1560 : f32 to vector<16xf32>
    %sub3A_1562 = arith.subf %sub3A_1561, %mul3A_1559 : vector<16xf32>
    %mul3A_1563 = arith.mulf %mul3A_1554, %sub3A_1562 : vector<16xf32>
    %swap3A_1564 = arith.constant 592 : index
    %swap3A_1565 = tpu.vector_load %arg12[%swap3A_1564] {strides = array<i32>} : memref<640xf32, #tpu.memory_space<vmem>>, vector<16xf32>,
    tpu.vector_store %arg12[%swap3A_1564], %mul3A_1563 {strides = array<i32>} : memref<640xf32, #tpu.memory_space<vmem>>, vector<16xf32>,
    %get3A_1566 = arith.constant 608 : index
    %get3A_1567 = tpu.vector_load %arg11[%get3A_1566] {strides = array<i32>} : memref<640xf32, #tpu.memory_space<vmem>>, vector<16xf32>,
    %bitcast_convert_type3A_1568 = tpu.bitcast %get3A_1567 : vector<16xf32> -> vector<16xi32>
    %shift_right_arithmetic3A_1569 = arith.constant 1 : i32
    %shift_right_arithmetic3A_1570 = vector.broadcast %shift_right_arithmetic3A_1569 : i32 to vector<16xi32>
    %shift_right_arithmetic3A_1571 = arith.shrsi %bitcast_convert_type3A_1568, %shift_right_arithmetic3A_1570 : vector<16xi32>
    %sub3A_1572 = arith.constant 1597463007 : i32
    %sub3A_1573 = vector.broadcast %sub3A_1572 : i32 to vector<16xi32>
    %sub3A_1574 = arith.subi %sub3A_1573, %shift_right_arithmetic3A_1571 : vector<16xi32>
    %bitcast_convert_type3A_1575 = tpu.bitcast %sub3A_1574 : vector<16xi32> -> vector<16xf32>
    %mul3A_1576 = arith.constant 5.000000e-01 : f32
    %mul3A_1577 = vector.broadcast %mul3A_1576 : f32 to vector<16xf32>
    %mul3A_1578 = arith.mulf %mul3A_1577, %get3A_1567 : vector<16xf32>
    %mul3A_1579 = arith.mulf %mul3A_1578, %bitcast_convert_type3A_1575 : vector<16xf32>
    %mul3A_1580 = arith.mulf %mul3A_1579, %bitcast_convert_type3A_1575 : vector<16xf32>
    %sub3A_1581 = arith.constant 1.500000e+00 : f32
    %sub3A_1582 = vector.broadcast %sub3A_1581 : f32 to vector<16xf32>
    %sub3A_1583 = arith.subf %sub3A_1582, %mul3A_1580 : vector<16xf32>
    %mul3A_1584 = arith.mulf %bitcast_convert_type3A_1575, %sub3A_1583 : vector<16xf32>
    %mul3A_1585 = arith.constant 5.000000e-01 : f32
    %mul3A_1586 = vector.broadcast %mul3A_1585 : f32 to vector<16xf32>
    %mul3A_1587 = arith.mulf %mul3A_1586, %get3A_1567 : vector<16xf32>
    %mul3A_1588 = arith.mulf %mul3A_1587, %mul3A_1584 : vector<16xf32>
    %mul3A_1589 = arith.mulf %mul3A_1588, %mul3A_1584 : vector<16xf32>
    %sub3A_1590 = arith.constant 1.500000e+00 : f32
    %sub3A_1591 = vector.broadcast %sub3A_1590 : f32 to vector<16xf32>
    %sub3A_1592 = arith.subf %sub3A_1591, %mul3A_1589 : vector<16xf32>
    %mul3A_1593 = arith.mulf %mul3A_1584, %sub3A_1592 : vector<16xf32>
    %mul3A_1594 = arith.constant 5.000000e-01 : f32
    %mul3A_1595 = vector.broadcast %mul3A_1594 : f32 to vector<16xf32>
    %mul3A_1596 = arith.mulf %mul3A_1595, %get3A_1567 : vector<16xf32>
    %mul3A_1597 = arith.mulf %mul3A_1596, %mul3A_1593 : vector<16xf32>
    %mul3A_1598 = arith.mulf %mul3A_1597, %mul3A_1593 : vector<16xf32>
    %sub3A_1599 = arith.constant 1.500000e+00 : f32
    %sub3A_1600 = vector.broadcast %sub3A_1599 : f32 to vector<16xf32>
    %sub3A_1601 = arith.subf %sub3A_1600, %mul3A_1598 : vector<16xf32>
    %mul3A_1602 = arith.mulf %mul3A_1593, %sub3A_1601 : vector<16xf32>
    %swap3A_1603 = arith.constant 608 : index
    %swap3A_1604 = tpu.vector_load %arg12[%swap3A_1603] {strides = array<i32>} : memref<640xf32, #tpu.memory_space<vmem>>, vector<16xf32>,
    tpu.vector_store %arg12[%swap3A_1603], %mul3A_1602 {strides = array<i32>} : memref<640xf32, #tpu.memory_space<vmem>>, vector<16xf32>,
    %get3A_1605 = arith.constant 624 : index
    %get3A_1606 = tpu.vector_load %arg11[%get3A_1605] {strides = array<i32>} : memref<640xf32, #tpu.memory_space<vmem>>, vector<16xf32>,
    %bitcast_convert_type3A_1607 = tpu.bitcast %get3A_1606 : vector<16xf32> -> vector<16xi32>
    %shift_right_arithmetic3A_1608 = arith.constant 1 : i32
    %shift_right_arithmetic3A_1609 = vector.broadcast %shift_right_arithmetic3A_1608 : i32 to vector<16xi32>
    %shift_right_arithmetic3A_1610 = arith.shrsi %bitcast_convert_type3A_1607, %shift_right_arithmetic3A_1609 : vector<16xi32>
    %sub3A_1611 = arith.constant 1597463007 : i32
    %sub3A_1612 = vector.broadcast %sub3A_1611 : i32 to vector<16xi32>
    %sub3A_1613 = arith.subi %sub3A_1612, %shift_right_arithmetic3A_1610 : vector<16xi32>
    %bitcast_convert_type3A_1614 = tpu.bitcast %sub3A_1613 : vector<16xi32> -> vector<16xf32>
    %mul3A_1615 = arith.constant 5.000000e-01 : f32
    %mul3A_1616 = vector.broadcast %mul3A_1615 : f32 to vector<16xf32>
    %mul3A_1617 = arith.mulf %mul3A_1616, %get3A_1606 : vector<16xf32>
    %mul3A_1618 = arith.mulf %mul3A_1617, %bitcast_convert_type3A_1614 : vector<16xf32>
    %mul3A_1619 = arith.mulf %mul3A_1618, %bitcast_convert_type3A_1614 : vector<16xf32>
    %sub3A_1620 = arith.constant 1.500000e+00 : f32
    %sub3A_1621 = vector.broadcast %sub3A_1620 : f32 to vector<16xf32>
    %sub3A_1622 = arith.subf %sub3A_1621, %mul3A_1619 : vector<16xf32>
    %mul3A_1623 = arith.mulf %bitcast_convert_type3A_1614, %sub3A_1622 : vector<16xf32>
    %mul3A_1624 = arith.constant 5.000000e-01 : f32
    %mul3A_1625 = vector.broadcast %mul3A_1624 : f32 to vector<16xf32>
    %mul3A_1626 = arith.mulf %mul3A_1625, %get3A_1606 : vector<16xf32>
    %mul3A_1627 = arith.mulf %mul3A_1626, %mul3A_1623 : vector<16xf32>
    %mul3A_1628 = arith.mulf %mul3A_1627, %mul3A_1623 : vector<16xf32>
    %sub3A_1629 = arith.constant 1.500000e+00 : f32
    %sub3A_1630 = vector.broadcast %sub3A_1629 : f32 to vector<16xf32>
    %sub3A_1631 = arith.subf %sub3A_1630, %mul3A_1628 : vector<16xf32>
    %mul3A_1632 = arith.mulf %mul3A_1623, %sub3A_1631 : vector<16xf32>
    %mul3A_1633 = arith.constant 5.000000e-01 : f32
    %mul3A_1634 = vector.broadcast %mul3A_1633 : f32 to vector<16xf32>
    %mul3A_1635 = arith.mulf %mul3A_1634, %get3A_1606 : vector<16xf32>
    %mul3A_1636 = arith.mulf %mul3A_1635, %mul3A_1632 : vector<16xf32>
    %mul3A_1637 = arith.mulf %mul3A_1636, %mul3A_1632 : vector<16xf32>
    %sub3A_1638 = arith.constant 1.500000e+00 : f32
    %sub3A_1639 = vector.broadcast %sub3A_1638 : f32 to vector<16xf32>
    %sub3A_1640 = arith.subf %sub3A_1639, %mul3A_1637 : vector<16xf32>
    %mul3A_1641 = arith.mulf %mul3A_1632, %sub3A_1640 : vector<16xf32>
    %swap3A_1642 = arith.constant 624 : index
    %swap3A_1643 = tpu.vector_load %arg12[%swap3A_1642] {strides = array<i32>} : memref<640xf32, #tpu.memory_space<vmem>>, vector<16xf32>,
    tpu.vector_store %arg12[%swap3A_1642], %mul3A_1641 {strides = array<i32>} : memref<640xf32, #tpu.memory_space<vmem>>, vector<16xf32>,
    %mul3A_1644 = arith.constant 640 : i32
    %mul3A_1645 = arith.muli %arg1, %mul3A_1644 : i32
    "tpu.region"() ({
      %run_scoped3A = tpu.sem_alloc : memref<!tpu.dma_semaphore, #tpu.memory_space<semaphore_mem>>
      %dma_start3A = tpu.memref_slice %arg18[%mul3A_1645] : memref<10240xf32, #tpu.memory_space<vmem_shared>> -> memref<640xf32, #tpu.memory_space<vmem_shared>>
      %dma_start3A_1656 = tpu.memref_slice %arg18[%mul3A_1645] : memref<10240xf32, #tpu.memory_space<vmem_shared>> -> memref<640xf32, #tpu.memory_space<vmem_shared>>
      tpu.enqueue_dma source(%arg12 : memref<640xf32, #tpu.memory_space<vmem>>) target(%dma_start3A_1656 : memref<640xf32, #tpu.memory_space<vmem_shared>>) target_semaphore(%run_scoped3A : memref<!tpu.dma_semaphore, #tpu.memory_space<semaphore_mem>>)
      %dma_wait3A = tpu.memref_slice %arg18[%mul3A_1645] : memref<10240xf32, #tpu.memory_space<vmem_shared>> -> memref<640xf32, #tpu.memory_space<vmem_shared>>
      %dma_wait3A_1657 = tpu.memref_slice %arg18[%mul3A_1645] : memref<10240xf32, #tpu.memory_space<vmem_shared>> -> memref<640xf32, #tpu.memory_space<vmem_shared>>
      tpu.wait_dma2 semaphore(%run_scoped3A : memref<!tpu.dma_semaphore, #tpu.memory_space<semaphore_mem>>) src(%arg12 : memref<640xf32, #tpu.memory_space<vmem>>) dst(%dma_wait3A_1657 : memref<640xf32, #tpu.memory_space<vmem_shared>>)
      tpu.yield
    }) : () -> ()
    %eq3A = arith.constant 0 : i32
    %eq3A_1646 = arith.cmpi eq, %arg0, %eq3A : i32
    %convert_element_type3A = arith.extui %eq3A_1646 : i1 to i32
    %cond3A = arith.constant 0 : i32
    %cond3A_1647 = arith.cmpi ne, %convert_element_type3A, %cond3A : i32
    scf.if %cond3A_1647 {
      %mul3A_1656 = arith.constant 640 : i32
      %mul3A_1657 = arith.muli %arg1, %mul3A_1656 : i32
      "tpu.region"() ({
        %run_scoped3A = tpu.sem_alloc : memref<!tpu.dma_semaphore, #tpu.memory_space<semaphore_mem>>
        %dma_start3A = tpu.memref_slice %arg6[%mul3A_1657] : memref<10240xf32, #tpu.memory_space<hbm>> -> memref<640xf32, #tpu.memory_space<hbm>>
        %dma_start3A_1658 = tpu.memref_slice %arg6[%mul3A_1657] : memref<10240xf32, #tpu.memory_space<hbm>> -> memref<640xf32, #tpu.memory_space<hbm>>
        tpu.enqueue_dma source(%arg12 : memref<640xf32, #tpu.memory_space<vmem>>) target(%dma_start3A_1658 : memref<640xf32, #tpu.memory_space<hbm>>) target_semaphore(%run_scoped3A : memref<!tpu.dma_semaphore, #tpu.memory_space<semaphore_mem>>)
        %dma_wait3A = tpu.memref_slice %arg6[%mul3A_1657] : memref<10240xf32, #tpu.memory_space<hbm>> -> memref<640xf32, #tpu.memory_space<hbm>>
        %dma_wait3A_1659 = tpu.memref_slice %arg6[%mul3A_1657] : memref<10240xf32, #tpu.memory_space<hbm>> -> memref<640xf32, #tpu.memory_space<hbm>>
        tpu.wait_dma2 semaphore(%run_scoped3A : memref<!tpu.dma_semaphore, #tpu.memory_space<semaphore_mem>>) src(%arg12 : memref<640xf32, #tpu.memory_space<vmem>>) dst(%dma_wait3A_1659 : memref<640xf32, #tpu.memory_space<hbm>>)
        tpu.yield
      }) : () -> ()
    } else {
    }
    %barrier3A_1648 = arith.constant 0 : index
    tpu.barrier barrier_id(%barrier3A_1648)
    "tpu.region"() ({
      %run_scoped3A = tpu.sem_alloc : memref<!tpu.dma_semaphore, #tpu.memory_space<semaphore_mem>>
      tpu.enqueue_dma source(%arg18 : memref<10240xf32, #tpu.memory_space<vmem_shared>>) target(%arg13 : memref<10240xf32, #tpu.memory_space<vmem>>) target_semaphore(%run_scoped3A : memref<!tpu.dma_semaphore, #tpu.memory_space<semaphore_mem>>)
      tpu.wait_dma2 semaphore(%run_scoped3A : memref<!tpu.dma_semaphore, #tpu.memory_space<semaphore_mem>>) src(%arg18 : memref<10240xf32, #tpu.memory_space<vmem_shared>>) dst(%arg13 : memref<10240xf32, #tpu.memory_space<vmem>>)
      tpu.yield
    }) : () -> ()
    %mul3A_1649 = arith.constant 2 : i32
    %mul3A_1650 = arith.muli %arg1, %mul3A_1649 : i32
    %add3A = arith.addi %mul3A_1650, %arg0 : i32
    "tpu.region"() ({
      %run_scoped3A = tpu.sem_alloc : memref<!tpu.dma_semaphore, #tpu.memory_space<semaphore_mem>>
      %dma_start3A = arith.constant 0 : i32
      %dma_start3A_1656 = arith.constant 0 : i32
      %dma_start3A_1657 = tpu.memref_slice %arg4[%add3A, %dma_start3A, %dma_start3A_1656] : memref<32x42x128xi32, #tpu.memory_space<hbm>> -> memref<1x42x128xi32, #tpu.memory_space<hbm>>
      %dma_start3A_1658 = tpu.memref_squeeze %dma_start3A_1657 : memref<1x42x128xi32, #tpu.memory_space<hbm>> -> memref<42x128xi32, #tpu.memory_space<hbm>>
      %dma_start3A_1659 = arith.constant 0 : i32
      %dma_start3A_1660 = arith.constant 0 : i32
      %dma_start3A_1661 = tpu.memref_slice %arg4[%add3A, %dma_start3A_1659, %dma_start3A_1660] : memref<32x42x128xi32, #tpu.memory_space<hbm>> -> memref<1x42x128xi32, #tpu.memory_space<hbm>>
      %dma_start3A_1662 = tpu.memref_squeeze %dma_start3A_1661 : memref<1x42x128xi32, #tpu.memory_space<hbm>> -> memref<42x128xi32, #tpu.memory_space<hbm>>
      tpu.enqueue_dma source(%dma_start3A_1662 : memref<42x128xi32, #tpu.memory_space<hbm>>) target(%arg14 : memref<42x128xi32, #tpu.memory_space<vmem>>) target_semaphore(%run_scoped3A : memref<!tpu.dma_semaphore, #tpu.memory_space<semaphore_mem>>)
      %dma_wait3A = arith.constant 0 : i32
      %dma_wait3A_1663 = arith.constant 0 : i32
      %dma_wait3A_1664 = tpu.memref_slice %arg4[%add3A, %dma_wait3A, %dma_wait3A_1663] : memref<32x42x128xi32, #tpu.memory_space<hbm>> -> memref<1x42x128xi32, #tpu.memory_space<hbm>>
      %dma_wait3A_1665 = tpu.memref_squeeze %dma_wait3A_1664 : memref<1x42x128xi32, #tpu.memory_space<hbm>> -> memref<42x128xi32, #tpu.memory_space<hbm>>
      %dma_wait3A_1666 = arith.constant 0 : i32
      %dma_wait3A_1667 = arith.constant 0 : i32
      %dma_wait3A_1668 = tpu.memref_slice %arg4[%add3A, %dma_wait3A_1666, %dma_wait3A_1667] : memref<32x42x128xi32, #tpu.memory_space<hbm>> -> memref<1x42x128xi32, #tpu.memory_space<hbm>>
      %dma_wait3A_1669 = tpu.memref_squeeze %dma_wait3A_1668 : memref<1x42x128xi32, #tpu.memory_space<hbm>> -> memref<42x128xi32, #tpu.memory_space<hbm>>
      tpu.wait_dma2 semaphore(%run_scoped3A : memref<!tpu.dma_semaphore, #tpu.memory_space<semaphore_mem>>) src(%dma_wait3A_1669 : memref<42x128xi32, #tpu.memory_space<hbm>>) dst(%arg14 : memref<42x128xi32, #tpu.memory_space<vmem>>)
      tpu.yield
    }) : () -> ()
    "tpu.region"() ({
      %run_scoped3A = tpu.sem_alloc : memref<!tpu.dma_semaphore, #tpu.memory_space<semaphore_mem>>
      %dma_start3A = arith.constant 0 : i32
      %dma_start3A_1656 = arith.constant 0 : i32
      %dma_start3A_1657 = tpu.memref_slice %arg5[%add3A, %dma_start3A, %dma_start3A_1656] : memref<32x42x128xf32, #tpu.memory_space<hbm>> -> memref<1x42x128xf32, #tpu.memory_space<hbm>>
      %dma_start3A_1658 = tpu.memref_squeeze %dma_start3A_1657 : memref<1x42x128xf32, #tpu.memory_space<hbm>> -> memref<42x128xf32, #tpu.memory_space<hbm>>
      %dma_start3A_1659 = arith.constant 0 : i32
      %dma_start3A_1660 = arith.constant 0 : i32
      %dma_start3A_1661 = tpu.memref_slice %arg5[%add3A, %dma_start3A_1659, %dma_start3A_1660] : memref<32x42x128xf32, #tpu.memory_space<hbm>> -> memref<1x42x128xf32, #tpu.memory_space<hbm>>
      %dma_start3A_1662 = tpu.memref_squeeze %dma_start3A_1661 : memref<1x42x128xf32, #tpu.memory_space<hbm>> -> memref<42x128xf32, #tpu.memory_space<hbm>>
      tpu.enqueue_dma source(%dma_start3A_1662 : memref<42x128xf32, #tpu.memory_space<hbm>>) target(%arg15 : memref<42x128xf32, #tpu.memory_space<vmem>>) target_semaphore(%run_scoped3A : memref<!tpu.dma_semaphore, #tpu.memory_space<semaphore_mem>>)
      %dma_wait3A = arith.constant 0 : i32
      %dma_wait3A_1663 = arith.constant 0 : i32
      %dma_wait3A_1664 = tpu.memref_slice %arg5[%add3A, %dma_wait3A, %dma_wait3A_1663] : memref<32x42x128xf32, #tpu.memory_space<hbm>> -> memref<1x42x128xf32, #tpu.memory_space<hbm>>
      %dma_wait3A_1665 = tpu.memref_squeeze %dma_wait3A_1664 : memref<1x42x128xf32, #tpu.memory_space<hbm>> -> memref<42x128xf32, #tpu.memory_space<hbm>>
      %dma_wait3A_1666 = arith.constant 0 : i32
      %dma_wait3A_1667 = arith.constant 0 : i32
      %dma_wait3A_1668 = tpu.memref_slice %arg5[%add3A, %dma_wait3A_1666, %dma_wait3A_1667] : memref<32x42x128xf32, #tpu.memory_space<hbm>> -> memref<1x42x128xf32, #tpu.memory_space<hbm>>
      %dma_wait3A_1669 = tpu.memref_squeeze %dma_wait3A_1668 : memref<1x42x128xf32, #tpu.memory_space<hbm>> -> memref<42x128xf32, #tpu.memory_space<hbm>>
      tpu.wait_dma2 semaphore(%run_scoped3A : memref<!tpu.dma_semaphore, #tpu.memory_space<semaphore_mem>>) src(%dma_wait3A_1669 : memref<42x128xf32, #tpu.memory_space<hbm>>) dst(%arg15 : memref<42x128xf32, #tpu.memory_space<vmem>>)
      tpu.yield
    }) : () -> ()
    %scan3A_1651 = arith.constant 0 : i32
    %scan3A_1652 = arith.constant 42 : i32
    %scan3A_1653 = arith.addi %scan3A_1651, %scan3A_1652 : i32
    %scan3A_1654 = arith.constant 1 : i32
    scf.for %scan3A_1656 = %scan3A_1651 to %scan3A_1653 step %scan3A_1654  : i32 {
      %get3A_1657 = arith.index_cast %scan3A_1656 : i32 to index
      %get3A_1658 = arith.constant 0 : index
      %get3A_1659 = tpu.vector_load %arg14[%get3A_1657, %get3A_1658] {strides = array<i32>} : memref<42x128xi32, #tpu.memory_space<vmem>>, vector<16xi32>,
      %gather3A = tpu.vector_load_idx %arg13[%get3A_1659] : memref<10240xf32, #tpu.memory_space<vmem>>[vector<16xi32>], vector<16xf32>,
      %get3A_1660 = arith.index_cast %scan3A_1656 : i32 to index
      %get3A_1661 = arith.constant 0 : index
      %get3A_1662 = tpu.vector_load %arg15[%get3A_1660, %get3A_1661] {strides = array<i32>} : memref<42x128xf32, #tpu.memory_space<vmem>>, vector<16xf32>,
      %mul3A_1663 = arith.mulf %get3A_1662, %gather3A : vector<16xf32>
      %swap3A_1664 = arith.index_cast %scan3A_1656 : i32 to index
      %swap3A_1665 = arith.constant 0 : index
      %swap3A_1666 = tpu.vector_load %arg16[%swap3A_1664, %swap3A_1665] {strides = array<i32>} : memref<42x128xf32, #tpu.memory_space<vmem>>, vector<16xf32>,
      tpu.vector_store %arg16[%swap3A_1664, %swap3A_1665], %mul3A_1663 {strides = array<i32>} : memref<42x128xf32, #tpu.memory_space<vmem>>, vector<16xf32>,
      %get3A_1667 = arith.index_cast %scan3A_1656 : i32 to index
      %get3A_1668 = arith.constant 16 : index
      %get3A_1669 = tpu.vector_load %arg14[%get3A_1667, %get3A_1668] {strides = array<i32>} : memref<42x128xi32, #tpu.memory_space<vmem>>, vector<16xi32>,
      %gather3A_1670 = tpu.vector_load_idx %arg13[%get3A_1669] : memref<10240xf32, #tpu.memory_space<vmem>>[vector<16xi32>], vector<16xf32>,
      %get3A_1671 = arith.index_cast %scan3A_1656 : i32 to index
      %get3A_1672 = arith.constant 16 : index
      %get3A_1673 = tpu.vector_load %arg15[%get3A_1671, %get3A_1672] {strides = array<i32>} : memref<42x128xf32, #tpu.memory_space<vmem>>, vector<16xf32>,
      %mul3A_1674 = arith.mulf %get3A_1673, %gather3A_1670 : vector<16xf32>
      %swap3A_1675 = arith.index_cast %scan3A_1656 : i32 to index
      %swap3A_1676 = arith.constant 16 : index
      %swap3A_1677 = tpu.vector_load %arg16[%swap3A_1675, %swap3A_1676] {strides = array<i32>} : memref<42x128xf32, #tpu.memory_space<vmem>>, vector<16xf32>,
      tpu.vector_store %arg16[%swap3A_1675, %swap3A_1676], %mul3A_1674 {strides = array<i32>} : memref<42x128xf32, #tpu.memory_space<vmem>>, vector<16xf32>,
      %get3A_1678 = arith.index_cast %scan3A_1656 : i32 to index
      %get3A_1679 = arith.constant 32 : index
      %get3A_1680 = tpu.vector_load %arg14[%get3A_1678, %get3A_1679] {strides = array<i32>} : memref<42x128xi32, #tpu.memory_space<vmem>>, vector<16xi32>,
      %gather3A_1681 = tpu.vector_load_idx %arg13[%get3A_1680] : memref<10240xf32, #tpu.memory_space<vmem>>[vector<16xi32>], vector<16xf32>,
      %get3A_1682 = arith.index_cast %scan3A_1656 : i32 to index
      %get3A_1683 = arith.constant 32 : index
      %get3A_1684 = tpu.vector_load %arg15[%get3A_1682, %get3A_1683] {strides = array<i32>} : memref<42x128xf32, #tpu.memory_space<vmem>>, vector<16xf32>,
      %mul3A_1685 = arith.mulf %get3A_1684, %gather3A_1681 : vector<16xf32>
      %swap3A_1686 = arith.index_cast %scan3A_1656 : i32 to index
      %swap3A_1687 = arith.constant 32 : index
      %swap3A_1688 = tpu.vector_load %arg16[%swap3A_1686, %swap3A_1687] {strides = array<i32>} : memref<42x128xf32, #tpu.memory_space<vmem>>, vector<16xf32>,
      tpu.vector_store %arg16[%swap3A_1686, %swap3A_1687], %mul3A_1685 {strides = array<i32>} : memref<42x128xf32, #tpu.memory_space<vmem>>, vector<16xf32>,
      %get3A_1689 = arith.index_cast %scan3A_1656 : i32 to index
      %get3A_1690 = arith.constant 48 : index
      %get3A_1691 = tpu.vector_load %arg14[%get3A_1689, %get3A_1690] {strides = array<i32>} : memref<42x128xi32, #tpu.memory_space<vmem>>, vector<16xi32>,
      %gather3A_1692 = tpu.vector_load_idx %arg13[%get3A_1691] : memref<10240xf32, #tpu.memory_space<vmem>>[vector<16xi32>], vector<16xf32>,
      %get3A_1693 = arith.index_cast %scan3A_1656 : i32 to index
      %get3A_1694 = arith.constant 48 : index
      %get3A_1695 = tpu.vector_load %arg15[%get3A_1693, %get3A_1694] {strides = array<i32>} : memref<42x128xf32, #tpu.memory_space<vmem>>, vector<16xf32>,
      %mul3A_1696 = arith.mulf %get3A_1695, %gather3A_1692 : vector<16xf32>
      %swap3A_1697 = arith.index_cast %scan3A_1656 : i32 to index
      %swap3A_1698 = arith.constant 48 : index
      %swap3A_1699 = tpu.vector_load %arg16[%swap3A_1697, %swap3A_1698] {strides = array<i32>} : memref<42x128xf32, #tpu.memory_space<vmem>>, vector<16xf32>,
      tpu.vector_store %arg16[%swap3A_1697, %swap3A_1698], %mul3A_1696 {strides = array<i32>} : memref<42x128xf32, #tpu.memory_space<vmem>>, vector<16xf32>,
      %get3A_1700 = arith.index_cast %scan3A_1656 : i32 to index
      %get3A_1701 = arith.constant 64 : index
      %get3A_1702 = tpu.vector_load %arg14[%get3A_1700, %get3A_1701] {strides = array<i32>} : memref<42x128xi32, #tpu.memory_space<vmem>>, vector<16xi32>,
      %gather3A_1703 = tpu.vector_load_idx %arg13[%get3A_1702] : memref<10240xf32, #tpu.memory_space<vmem>>[vector<16xi32>], vector<16xf32>,
      %get3A_1704 = arith.index_cast %scan3A_1656 : i32 to index
      %get3A_1705 = arith.constant 64 : index
      %get3A_1706 = tpu.vector_load %arg15[%get3A_1704, %get3A_1705] {strides = array<i32>} : memref<42x128xf32, #tpu.memory_space<vmem>>, vector<16xf32>,
      %mul3A_1707 = arith.mulf %get3A_1706, %gather3A_1703 : vector<16xf32>
      %swap3A_1708 = arith.index_cast %scan3A_1656 : i32 to index
      %swap3A_1709 = arith.constant 64 : index
      %swap3A_1710 = tpu.vector_load %arg16[%swap3A_1708, %swap3A_1709] {strides = array<i32>} : memref<42x128xf32, #tpu.memory_space<vmem>>, vector<16xf32>,
      tpu.vector_store %arg16[%swap3A_1708, %swap3A_1709], %mul3A_1707 {strides = array<i32>} : memref<42x128xf32, #tpu.memory_space<vmem>>, vector<16xf32>,
      %get3A_1711 = arith.index_cast %scan3A_1656 : i32 to index
      %get3A_1712 = arith.constant 80 : index
      %get3A_1713 = tpu.vector_load %arg14[%get3A_1711, %get3A_1712] {strides = array<i32>} : memref<42x128xi32, #tpu.memory_space<vmem>>, vector<16xi32>,
      %gather3A_1714 = tpu.vector_load_idx %arg13[%get3A_1713] : memref<10240xf32, #tpu.memory_space<vmem>>[vector<16xi32>], vector<16xf32>,
      %get3A_1715 = arith.index_cast %scan3A_1656 : i32 to index
      %get3A_1716 = arith.constant 80 : index
      %get3A_1717 = tpu.vector_load %arg15[%get3A_1715, %get3A_1716] {strides = array<i32>} : memref<42x128xf32, #tpu.memory_space<vmem>>, vector<16xf32>,
      %mul3A_1718 = arith.mulf %get3A_1717, %gather3A_1714 : vector<16xf32>
      %swap3A_1719 = arith.index_cast %scan3A_1656 : i32 to index
      %swap3A_1720 = arith.constant 80 : index
      %swap3A_1721 = tpu.vector_load %arg16[%swap3A_1719, %swap3A_1720] {strides = array<i32>} : memref<42x128xf32, #tpu.memory_space<vmem>>, vector<16xf32>,
      tpu.vector_store %arg16[%swap3A_1719, %swap3A_1720], %mul3A_1718 {strides = array<i32>} : memref<42x128xf32, #tpu.memory_space<vmem>>, vector<16xf32>,
      %get3A_1722 = arith.index_cast %scan3A_1656 : i32 to index
      %get3A_1723 = arith.constant 96 : index
      %get3A_1724 = tpu.vector_load %arg14[%get3A_1722, %get3A_1723] {strides = array<i32>} : memref<42x128xi32, #tpu.memory_space<vmem>>, vector<16xi32>,
      %gather3A_1725 = tpu.vector_load_idx %arg13[%get3A_1724] : memref<10240xf32, #tpu.memory_space<vmem>>[vector<16xi32>], vector<16xf32>,
      %get3A_1726 = arith.index_cast %scan3A_1656 : i32 to index
      %get3A_1727 = arith.constant 96 : index
      %get3A_1728 = tpu.vector_load %arg15[%get3A_1726, %get3A_1727] {strides = array<i32>} : memref<42x128xf32, #tpu.memory_space<vmem>>, vector<16xf32>,
      %mul3A_1729 = arith.mulf %get3A_1728, %gather3A_1725 : vector<16xf32>
      %swap3A_1730 = arith.index_cast %scan3A_1656 : i32 to index
      %swap3A_1731 = arith.constant 96 : index
      %swap3A_1732 = tpu.vector_load %arg16[%swap3A_1730, %swap3A_1731] {strides = array<i32>} : memref<42x128xf32, #tpu.memory_space<vmem>>, vector<16xf32>,
      tpu.vector_store %arg16[%swap3A_1730, %swap3A_1731], %mul3A_1729 {strides = array<i32>} : memref<42x128xf32, #tpu.memory_space<vmem>>, vector<16xf32>,
      %get3A_1733 = arith.index_cast %scan3A_1656 : i32 to index
      %get3A_1734 = arith.constant 112 : index
      %get3A_1735 = tpu.vector_load %arg14[%get3A_1733, %get3A_1734] {strides = array<i32>} : memref<42x128xi32, #tpu.memory_space<vmem>>, vector<16xi32>,
      %gather3A_1736 = tpu.vector_load_idx %arg13[%get3A_1735] : memref<10240xf32, #tpu.memory_space<vmem>>[vector<16xi32>], vector<16xf32>,
      %get3A_1737 = arith.index_cast %scan3A_1656 : i32 to index
      %get3A_1738 = arith.constant 112 : index
      %get3A_1739 = tpu.vector_load %arg15[%get3A_1737, %get3A_1738] {strides = array<i32>} : memref<42x128xf32, #tpu.memory_space<vmem>>, vector<16xf32>,
      %mul3A_1740 = arith.mulf %get3A_1739, %gather3A_1736 : vector<16xf32>
      %swap3A_1741 = arith.index_cast %scan3A_1656 : i32 to index
      %swap3A_1742 = arith.constant 112 : index
      %swap3A_1743 = tpu.vector_load %arg16[%swap3A_1741, %swap3A_1742] {strides = array<i32>} : memref<42x128xf32, #tpu.memory_space<vmem>>, vector<16xf32>,
      tpu.vector_store %arg16[%swap3A_1741, %swap3A_1742], %mul3A_1740 {strides = array<i32>} : memref<42x128xf32, #tpu.memory_space<vmem>>, vector<16xf32>,
    }
    %scan3A_1655 = arith.constant 42 : i32
    "tpu.region"() ({
      %run_scoped3A = tpu.sem_alloc : memref<!tpu.dma_semaphore, #tpu.memory_space<semaphore_mem>>
      %dma_start3A = arith.constant 0 : i32
      %dma_start3A_1656 = arith.constant 0 : i32
      %dma_start3A_1657 = tpu.memref_slice %arg7[%add3A, %dma_start3A, %dma_start3A_1656] : memref<32x42x128xf32, #tpu.memory_space<hbm>> -> memref<1x42x128xf32, #tpu.memory_space<hbm>>
      %dma_start3A_1658 = tpu.memref_squeeze %dma_start3A_1657 : memref<1x42x128xf32, #tpu.memory_space<hbm>> -> memref<42x128xf32, #tpu.memory_space<hbm>>
      %dma_start3A_1659 = arith.constant 0 : i32
      %dma_start3A_1660 = arith.constant 0 : i32
      %dma_start3A_1661 = tpu.memref_slice %arg7[%add3A, %dma_start3A_1659, %dma_start3A_1660] : memref<32x42x128xf32, #tpu.memory_space<hbm>> -> memref<1x42x128xf32, #tpu.memory_space<hbm>>
      %dma_start3A_1662 = tpu.memref_squeeze %dma_start3A_1661 : memref<1x42x128xf32, #tpu.memory_space<hbm>> -> memref<42x128xf32, #tpu.memory_space<hbm>>
      tpu.enqueue_dma source(%arg16 : memref<42x128xf32, #tpu.memory_space<vmem>>) target(%dma_start3A_1662 : memref<42x128xf32, #tpu.memory_space<hbm>>) target_semaphore(%run_scoped3A : memref<!tpu.dma_semaphore, #tpu.memory_space<semaphore_mem>>)
      %dma_wait3A = arith.constant 0 : i32
      %dma_wait3A_1663 = arith.constant 0 : i32
      %dma_wait3A_1664 = tpu.memref_slice %arg7[%add3A, %dma_wait3A, %dma_wait3A_1663] : memref<32x42x128xf32, #tpu.memory_space<hbm>> -> memref<1x42x128xf32, #tpu.memory_space<hbm>>
      %dma_wait3A_1665 = tpu.memref_squeeze %dma_wait3A_1664 : memref<1x42x128xf32, #tpu.memory_space<hbm>> -> memref<42x128xf32, #tpu.memory_space<hbm>>
      %dma_wait3A_1666 = arith.constant 0 : i32
      %dma_wait3A_1667 = arith.constant 0 : i32
      %dma_wait3A_1668 = tpu.memref_slice %arg7[%add3A, %dma_wait3A_1666, %dma_wait3A_1667] : memref<32x42x128xf32, #tpu.memory_space<hbm>> -> memref<1x42x128xf32, #tpu.memory_space<hbm>>
      %dma_wait3A_1669 = tpu.memref_squeeze %dma_wait3A_1668 : memref<1x42x128xf32, #tpu.memory_space<hbm>> -> memref<42x128xf32, #tpu.memory_space<hbm>>
      tpu.wait_dma2 semaphore(%run_scoped3A : memref<!tpu.dma_semaphore, #tpu.memory_space<semaphore_mem>>) src(%arg16 : memref<42x128xf32, #tpu.memory_space<vmem>>) dst(%dma_wait3A_1669 : memref<42x128xf32, #tpu.memory_space<hbm>>)
      tpu.yield
    }) : () -> ()
    return
  }
}

#map = affine_map<(d0, d1) -> (0, 0, 0)>
#map1 = affine_map<(d0, d1) -> (0, 0, 0, 0)>
module attributes {stable_mosaic.version = 14 : i64} {
  func.func @_k3_body(%arg0: i32, %arg1: i32, %arg2: memref<6x10000x128xf32, #tpu.memory_space<hbm>>, %arg3: memref<16x2x21x256xi32, #tpu.memory_space<hbm>>, %arg4: memref<16x2x21x256xf32, #tpu.memory_space<hbm>>, %arg5: memref<6x10112x128xf32, #tpu.memory_space<hbm>>, %arg6: memref<21x256xi32, #tpu.memory_space<vmem>>, %arg7: memref<21x256xf32, #tpu.memory_space<vmem>>, %arg8: memref<256xi32, #tpu.memory_space<vmem>>, %arg9: memref<256xi32, #tpu.memory_space<vmem>>, %arg10: memref<256x128xf32, #tpu.memory_space<vmem>>, %arg11: memref<10112x128xf32, #tpu.memory_space<vmem_shared>>, %arg12: memref<!tpu.dma_semaphore, #tpu.memory_space<semaphore_mem>>) attributes {dimension_semantics = [#tpu.dimension_semantics<core_parallel>, #tpu.dimension_semantics<subcore_parallel>], iteration_bounds = array<i64: 2, 16>, scalar_prefetch = 0 : i64, scratch_operands = 7 : i64, tpu.core_type = #tpu.core_type<sc_vector_subcore>, window_params = [{transform_indices = #map}, {transform_indices = #map1}, {transform_indices = #map1}, {transform_indices = #map}]} {
    %broadcast_in_dim3A = arith.constant 0.000000e+00 : f32
    %broadcast_in_dim3A_0 = vector.broadcast %broadcast_in_dim3A : f32 to vector<16xf32>
    %broadcast_in_dim3A_1 = arith.constant 16383 : i32
    %broadcast_in_dim3A_2 = vector.broadcast %broadcast_in_dim3A_1 : i32 to vector<16xi32>
    %scan3A = arith.constant 0 : i32
    %scan3A_3 = arith.constant 3 : i32
    %scan3A_4 = arith.addi %scan3A, %scan3A_3 : i32
    %scan3A_5 = arith.constant 1 : i32
    scf.for %scan3A_7 = %scan3A to %scan3A_4 step %scan3A_5  : i32 {
      %mul3A = arith.constant 3 : i32
      %mul3A_8 = arith.muli %arg0, %mul3A : i32
      %add3A = arith.addi %mul3A_8, %scan3A_7 : i32
      %scan3A_9 = arith.constant 0 : i32
      %scan3A_10 = arith.constant 256 : i32
      %scan3A_11 = arith.addi %scan3A_9, %scan3A_10 : i32
      %scan3A_12 = arith.constant 1 : i32
      scf.for %scan3A_32 = %scan3A_9 to %scan3A_11 step %scan3A_12  : i32 {
        %swap3A = arith.index_cast %scan3A_32 : i32 to index
        %swap3A_33 = arith.constant 0 : index
        %swap3A_34 = tpu.vector_load %arg10[%swap3A, %swap3A_33] {strides = array<i32>} : memref<256x128xf32, #tpu.memory_space<vmem>>, vector<16xf32>,
        tpu.vector_store %arg10[%swap3A, %swap3A_33], %broadcast_in_dim3A_0 {strides = array<i32>} : memref<256x128xf32, #tpu.memory_space<vmem>>, vector<16xf32>,
        %swap3A_35 = arith.index_cast %scan3A_32 : i32 to index
        %swap3A_36 = arith.constant 16 : index
        %swap3A_37 = tpu.vector_load %arg10[%swap3A_35, %swap3A_36] {strides = array<i32>} : memref<256x128xf32, #tpu.memory_space<vmem>>, vector<16xf32>,
        tpu.vector_store %arg10[%swap3A_35, %swap3A_36], %broadcast_in_dim3A_0 {strides = array<i32>} : memref<256x128xf32, #tpu.memory_space<vmem>>, vector<16xf32>,
        %swap3A_38 = arith.index_cast %scan3A_32 : i32 to index
        %swap3A_39 = arith.constant 32 : index
        %swap3A_40 = tpu.vector_load %arg10[%swap3A_38, %swap3A_39] {strides = array<i32>} : memref<256x128xf32, #tpu.memory_space<vmem>>, vector<16xf32>,
        tpu.vector_store %arg10[%swap3A_38, %swap3A_39], %broadcast_in_dim3A_0 {strides = array<i32>} : memref<256x128xf32, #tpu.memory_space<vmem>>, vector<16xf32>,
        %swap3A_41 = arith.index_cast %scan3A_32 : i32 to index
        %swap3A_42 = arith.constant 48 : index
        %swap3A_43 = tpu.vector_load %arg10[%swap3A_41, %swap3A_42] {strides = array<i32>} : memref<256x128xf32, #tpu.memory_space<vmem>>, vector<16xf32>,
        tpu.vector_store %arg10[%swap3A_41, %swap3A_42], %broadcast_in_dim3A_0 {strides = array<i32>} : memref<256x128xf32, #tpu.memory_space<vmem>>, vector<16xf32>,
        %swap3A_44 = arith.index_cast %scan3A_32 : i32 to index
        %swap3A_45 = arith.constant 64 : index
        %swap3A_46 = tpu.vector_load %arg10[%swap3A_44, %swap3A_45] {strides = array<i32>} : memref<256x128xf32, #tpu.memory_space<vmem>>, vector<16xf32>,
        tpu.vector_store %arg10[%swap3A_44, %swap3A_45], %broadcast_in_dim3A_0 {strides = array<i32>} : memref<256x128xf32, #tpu.memory_space<vmem>>, vector<16xf32>,
        %swap3A_47 = arith.index_cast %scan3A_32 : i32 to index
        %swap3A_48 = arith.constant 80 : index
        %swap3A_49 = tpu.vector_load %arg10[%swap3A_47, %swap3A_48] {strides = array<i32>} : memref<256x128xf32, #tpu.memory_space<vmem>>, vector<16xf32>,
        tpu.vector_store %arg10[%swap3A_47, %swap3A_48], %broadcast_in_dim3A_0 {strides = array<i32>} : memref<256x128xf32, #tpu.memory_space<vmem>>, vector<16xf32>,
        %swap3A_50 = arith.index_cast %scan3A_32 : i32 to index
        %swap3A_51 = arith.constant 96 : index
        %swap3A_52 = tpu.vector_load %arg10[%swap3A_50, %swap3A_51] {strides = array<i32>} : memref<256x128xf32, #tpu.memory_space<vmem>>, vector<16xf32>,
        tpu.vector_store %arg10[%swap3A_50, %swap3A_51], %broadcast_in_dim3A_0 {strides = array<i32>} : memref<256x128xf32, #tpu.memory_space<vmem>>, vector<16xf32>,
        %swap3A_53 = arith.index_cast %scan3A_32 : i32 to index
        %swap3A_54 = arith.constant 112 : index
        %swap3A_55 = tpu.vector_load %arg10[%swap3A_53, %swap3A_54] {strides = array<i32>} : memref<256x128xf32, #tpu.memory_space<vmem>>, vector<16xf32>,
        tpu.vector_store %arg10[%swap3A_53, %swap3A_54], %broadcast_in_dim3A_0 {strides = array<i32>} : memref<256x128xf32, #tpu.memory_space<vmem>>, vector<16xf32>,
      }
      %scan3A_13 = arith.constant 256 : i32
      %mul3A_14 = arith.constant 632 : i32
      %mul3A_15 = arith.muli %arg1, %mul3A_14 : i32
      %add3A_16 = arith.constant 0 : i32
      %add3A_17 = arith.addi %mul3A_15, %add3A_16 : i32
      "tpu.region"() ({
        %run_scoped3A = tpu.sem_alloc : memref<!tpu.dma_semaphore, #tpu.memory_space<semaphore_mem>>
        %dma_start3A = arith.constant 0 : i32
        %dma_start3A_32 = tpu.memref_slice %arg11[%add3A_17, %dma_start3A] : memref<10112x128xf32, #tpu.memory_space<vmem_shared>> -> memref<256x128xf32, #tpu.memory_space<vmem_shared>>
        %dma_start3A_33 = arith.constant 0 : i32
        %dma_start3A_34 = tpu.memref_slice %arg11[%add3A_17, %dma_start3A_33] : memref<10112x128xf32, #tpu.memory_space<vmem_shared>> -> memref<256x128xf32, #tpu.memory_space<vmem_shared>>
        tpu.enqueue_dma source(%arg10 : memref<256x128xf32, #tpu.memory_space<vmem>>) target(%dma_start3A_34 : memref<256x128xf32, #tpu.memory_space<vmem_shared>>) target_semaphore(%run_scoped3A : memref<!tpu.dma_semaphore, #tpu.memory_space<semaphore_mem>>)
        %dma_wait3A = arith.constant 0 : i32
        %dma_wait3A_35 = tpu.memref_slice %arg11[%add3A_17, %dma_wait3A] : memref<10112x128xf32, #tpu.memory_space<vmem_shared>> -> memref<256x128xf32, #tpu.memory_space<vmem_shared>>
        %dma_wait3A_36 = arith.constant 0 : i32
        %dma_wait3A_37 = tpu.memref_slice %arg11[%add3A_17, %dma_wait3A_36] : memref<10112x128xf32, #tpu.memory_space<vmem_shared>> -> memref<256x128xf32, #tpu.memory_space<vmem_shared>>
        tpu.wait_dma2 semaphore(%run_scoped3A : memref<!tpu.dma_semaphore, #tpu.memory_space<semaphore_mem>>) src(%arg10 : memref<256x128xf32, #tpu.memory_space<vmem>>) dst(%dma_wait3A_37 : memref<256x128xf32, #tpu.memory_space<vmem_shared>>)
        tpu.yield
      }) : () -> ()
      %add3A_18 = arith.constant 256 : i32
      %add3A_19 = arith.addi %mul3A_15, %add3A_18 : i32
      "tpu.region"() ({
        %run_scoped3A = tpu.sem_alloc : memref<!tpu.dma_semaphore, #tpu.memory_space<semaphore_mem>>
        %dma_start3A = arith.constant 0 : i32
        %dma_start3A_32 = tpu.memref_slice %arg11[%add3A_19, %dma_start3A] : memref<10112x128xf32, #tpu.memory_space<vmem_shared>> -> memref<256x128xf32, #tpu.memory_space<vmem_shared>>
        %dma_start3A_33 = arith.constant 0 : i32
        %dma_start3A_34 = tpu.memref_slice %arg11[%add3A_19, %dma_start3A_33] : memref<10112x128xf32, #tpu.memory_space<vmem_shared>> -> memref<256x128xf32, #tpu.memory_space<vmem_shared>>
        tpu.enqueue_dma source(%arg10 : memref<256x128xf32, #tpu.memory_space<vmem>>) target(%dma_start3A_34 : memref<256x128xf32, #tpu.memory_space<vmem_shared>>) target_semaphore(%run_scoped3A : memref<!tpu.dma_semaphore, #tpu.memory_space<semaphore_mem>>)
        %dma_wait3A = arith.constant 0 : i32
        %dma_wait3A_35 = tpu.memref_slice %arg11[%add3A_19, %dma_wait3A] : memref<10112x128xf32, #tpu.memory_space<vmem_shared>> -> memref<256x128xf32, #tpu.memory_space<vmem_shared>>
        %dma_wait3A_36 = arith.constant 0 : i32
        %dma_wait3A_37 = tpu.memref_slice %arg11[%add3A_19, %dma_wait3A_36] : memref<10112x128xf32, #tpu.memory_space<vmem_shared>> -> memref<256x128xf32, #tpu.memory_space<vmem_shared>>
        tpu.wait_dma2 semaphore(%run_scoped3A : memref<!tpu.dma_semaphore, #tpu.memory_space<semaphore_mem>>) src(%arg10 : memref<256x128xf32, #tpu.memory_space<vmem>>) dst(%dma_wait3A_37 : memref<256x128xf32, #tpu.memory_space<vmem_shared>>)
        tpu.yield
      }) : () -> ()
      %add3A_20 = arith.constant 512 : i32
      %add3A_21 = arith.addi %mul3A_15, %add3A_20 : i32
      "tpu.region"() ({
        %run_scoped3A = tpu.sem_alloc : memref<!tpu.dma_semaphore, #tpu.memory_space<semaphore_mem>>
        %dma_start3A = arith.constant 0 : i32
        %dma_start3A_32 = arith.constant 0 : i32
        %dma_start3A_33 = tpu.memref_slice %arg10[%dma_start3A, %dma_start3A_32] : memref<256x128xf32, #tpu.memory_space<vmem>> -> memref<120x128xf32, #tpu.memory_space<vmem>>
        %dma_start3A_34 = arith.constant 0 : i32
        %dma_start3A_35 = tpu.memref_slice %arg11[%add3A_21, %dma_start3A_34] : memref<10112x128xf32, #tpu.memory_space<vmem_shared>> -> memref<120x128xf32, #tpu.memory_space<vmem_shared>>
        %dma_start3A_36 = arith.constant 0 : i32
        %dma_start3A_37 = tpu.memref_slice %arg11[%add3A_21, %dma_start3A_36] : memref<10112x128xf32, #tpu.memory_space<vmem_shared>> -> memref<120x128xf32, #tpu.memory_space<vmem_shared>>
        %dma_start3A_38 = arith.constant 0 : i32
        %dma_start3A_39 = arith.constant 0 : i32
        %dma_start3A_40 = tpu.memref_slice %arg10[%dma_start3A_38, %dma_start3A_39] : memref<256x128xf32, #tpu.memory_space<vmem>> -> memref<120x128xf32, #tpu.memory_space<vmem>>
        tpu.enqueue_dma source(%dma_start3A_40 : memref<120x128xf32, #tpu.memory_space<vmem>>) target(%dma_start3A_37 : memref<120x128xf32, #tpu.memory_space<vmem_shared>>) target_semaphore(%run_scoped3A : memref<!tpu.dma_semaphore, #tpu.memory_space<semaphore_mem>>)
        %dma_wait3A = arith.constant 0 : i32
        %dma_wait3A_41 = arith.constant 0 : i32
        %dma_wait3A_42 = tpu.memref_slice %arg10[%dma_wait3A, %dma_wait3A_41] : memref<256x128xf32, #tpu.memory_space<vmem>> -> memref<120x128xf32, #tpu.memory_space<vmem>>
        %dma_wait3A_43 = arith.constant 0 : i32
        %dma_wait3A_44 = tpu.memref_slice %arg11[%add3A_21, %dma_wait3A_43] : memref<10112x128xf32, #tpu.memory_space<vmem_shared>> -> memref<120x128xf32, #tpu.memory_space<vmem_shared>>
        %dma_wait3A_45 = arith.constant 0 : i32
        %dma_wait3A_46 = tpu.memref_slice %arg11[%add3A_21, %dma_wait3A_45] : memref<10112x128xf32, #tpu.memory_space<vmem_shared>> -> memref<120x128xf32, #tpu.memory_space<vmem_shared>>
        %dma_wait3A_47 = arith.constant 0 : i32
        %dma_wait3A_48 = arith.constant 0 : i32
        %dma_wait3A_49 = tpu.memref_slice %arg10[%dma_wait3A_47, %dma_wait3A_48] : memref<256x128xf32, #tpu.memory_space<vmem>> -> memref<120x128xf32, #tpu.memory_space<vmem>>
        tpu.wait_dma2 semaphore(%run_scoped3A : memref<!tpu.dma_semaphore, #tpu.memory_space<semaphore_mem>>) src(%dma_wait3A_49 : memref<120x128xf32, #tpu.memory_space<vmem>>) dst(%dma_wait3A_46 : memref<120x128xf32, #tpu.memory_space<vmem_shared>>)
        tpu.yield
      }) : () -> ()
      %barrier3A = arith.constant 0 : index
      tpu.barrier barrier_id(%barrier3A)
      %scan3A_22 = arith.constant 0 : i32
      %scan3A_23 = arith.constant 2 : i32
      %scan3A_24 = arith.addi %scan3A_22, %scan3A_23 : i32
      %scan3A_25 = arith.constant 1 : i32
      scf.for %scan3A_32 = %scan3A_22 to %scan3A_24 step %scan3A_25  : i32 {
        "tpu.region"() ({
          %run_scoped3A = tpu.sem_alloc : memref<!tpu.dma_semaphore, #tpu.memory_space<semaphore_mem>>
          %dma_start3A = arith.constant 0 : i32
          %dma_start3A_38 = arith.constant 0 : i32
          %dma_start3A_39 = arith.constant 0 : i32
          %dma_start3A_40 = tpu.memref_slice %arg3[%arg1, %dma_start3A, %dma_start3A_38, %dma_start3A_39] : memref<16x2x21x256xi32, #tpu.memory_space<hbm>> -> memref<1x2x21x256xi32, #tpu.memory_space<hbm>>
          %dma_start3A_41 = tpu.memref_squeeze %dma_start3A_40 : memref<1x2x21x256xi32, #tpu.memory_space<hbm>> -> memref<2x21x256xi32, #tpu.memory_space<hbm>>
          %dma_start3A_42 = arith.constant 0 : i32
          %dma_start3A_43 = arith.constant 0 : i32
          %dma_start3A_44 = tpu.memref_slice %dma_start3A_41[%scan3A_32, %dma_start3A_42, %dma_start3A_43] : memref<2x21x256xi32, #tpu.memory_space<hbm>> -> memref<1x21x256xi32, #tpu.memory_space<hbm>>
          %dma_start3A_45 = tpu.memref_squeeze %dma_start3A_44 : memref<1x21x256xi32, #tpu.memory_space<hbm>> -> memref<21x256xi32, #tpu.memory_space<hbm>>
          %dma_start3A_46 = arith.constant 0 : i32
          %dma_start3A_47 = arith.constant 0 : i32
          %dma_start3A_48 = arith.constant 0 : i32
          %dma_start3A_49 = tpu.memref_slice %arg3[%arg1, %dma_start3A_46, %dma_start3A_47, %dma_start3A_48] : memref<16x2x21x256xi32, #tpu.memory_space<hbm>> -> memref<1x2x21x256xi32, #tpu.memory_space<hbm>>
          %dma_start3A_50 = tpu.memref_squeeze %dma_start3A_49 : memref<1x2x21x256xi32, #tpu.memory_space<hbm>> -> memref<2x21x256xi32, #tpu.memory_space<hbm>>
          %dma_start3A_51 = arith.constant 0 : i32
          %dma_start3A_52 = arith.constant 0 : i32
          %dma_start3A_53 = tpu.memref_slice %dma_start3A_50[%scan3A_32, %dma_start3A_51, %dma_start3A_52] : memref<2x21x256xi32, #tpu.memory_space<hbm>> -> memref<1x21x256xi32, #tpu.memory_space<hbm>>
          %dma_start3A_54 = tpu.memref_squeeze %dma_start3A_53 : memref<1x21x256xi32, #tpu.memory_space<hbm>> -> memref<21x256xi32, #tpu.memory_space<hbm>>
          tpu.enqueue_dma source(%dma_start3A_54 : memref<21x256xi32, #tpu.memory_space<hbm>>) target(%arg6 : memref<21x256xi32, #tpu.memory_space<vmem>>) target_semaphore(%run_scoped3A : memref<!tpu.dma_semaphore, #tpu.memory_space<semaphore_mem>>)
          %dma_wait3A = arith.constant 0 : i32
          %dma_wait3A_55 = arith.constant 0 : i32
          %dma_wait3A_56 = arith.constant 0 : i32
          %dma_wait3A_57 = tpu.memref_slice %arg3[%arg1, %dma_wait3A, %dma_wait3A_55, %dma_wait3A_56] : memref<16x2x21x256xi32, #tpu.memory_space<hbm>> -> memref<1x2x21x256xi32, #tpu.memory_space<hbm>>
          %dma_wait3A_58 = tpu.memref_squeeze %dma_wait3A_57 : memref<1x2x21x256xi32, #tpu.memory_space<hbm>> -> memref<2x21x256xi32, #tpu.memory_space<hbm>>
          %dma_wait3A_59 = arith.constant 0 : i32
          %dma_wait3A_60 = arith.constant 0 : i32
          %dma_wait3A_61 = tpu.memref_slice %dma_wait3A_58[%scan3A_32, %dma_wait3A_59, %dma_wait3A_60] : memref<2x21x256xi32, #tpu.memory_space<hbm>> -> memref<1x21x256xi32, #tpu.memory_space<hbm>>
          %dma_wait3A_62 = tpu.memref_squeeze %dma_wait3A_61 : memref<1x21x256xi32, #tpu.memory_space<hbm>> -> memref<21x256xi32, #tpu.memory_space<hbm>>
          %dma_wait3A_63 = arith.constant 0 : i32
          %dma_wait3A_64 = arith.constant 0 : i32
          %dma_wait3A_65 = arith.constant 0 : i32
          %dma_wait3A_66 = tpu.memref_slice %arg3[%arg1, %dma_wait3A_63, %dma_wait3A_64, %dma_wait3A_65] : memref<16x2x21x256xi32, #tpu.memory_space<hbm>> -> memref<1x2x21x256xi32, #tpu.memory_space<hbm>>
          %dma_wait3A_67 = tpu.memref_squeeze %dma_wait3A_66 : memref<1x2x21x256xi32, #tpu.memory_space<hbm>> -> memref<2x21x256xi32, #tpu.memory_space<hbm>>
          %dma_wait3A_68 = arith.constant 0 : i32
          %dma_wait3A_69 = arith.constant 0 : i32
          %dma_wait3A_70 = tpu.memref_slice %dma_wait3A_67[%scan3A_32, %dma_wait3A_68, %dma_wait3A_69] : memref<2x21x256xi32, #tpu.memory_space<hbm>> -> memref<1x21x256xi32, #tpu.memory_space<hbm>>
          %dma_wait3A_71 = tpu.memref_squeeze %dma_wait3A_70 : memref<1x21x256xi32, #tpu.memory_space<hbm>> -> memref<21x256xi32, #tpu.memory_space<hbm>>
          tpu.wait_dma2 semaphore(%run_scoped3A : memref<!tpu.dma_semaphore, #tpu.memory_space<semaphore_mem>>) src(%dma_wait3A_71 : memref<21x256xi32, #tpu.memory_space<hbm>>) dst(%arg6 : memref<21x256xi32, #tpu.memory_space<vmem>>)
          tpu.yield
        }) : () -> ()
        "tpu.region"() ({
          %run_scoped3A = tpu.sem_alloc : memref<!tpu.dma_semaphore, #tpu.memory_space<semaphore_mem>>
          %dma_start3A = arith.constant 0 : i32
          %dma_start3A_38 = arith.constant 0 : i32
          %dma_start3A_39 = arith.constant 0 : i32
          %dma_start3A_40 = tpu.memref_slice %arg4[%arg1, %dma_start3A, %dma_start3A_38, %dma_start3A_39] : memref<16x2x21x256xf32, #tpu.memory_space<hbm>> -> memref<1x2x21x256xf32, #tpu.memory_space<hbm>>
          %dma_start3A_41 = tpu.memref_squeeze %dma_start3A_40 : memref<1x2x21x256xf32, #tpu.memory_space<hbm>> -> memref<2x21x256xf32, #tpu.memory_space<hbm>>
          %dma_start3A_42 = arith.constant 0 : i32
          %dma_start3A_43 = arith.constant 0 : i32
          %dma_start3A_44 = tpu.memref_slice %dma_start3A_41[%scan3A_32, %dma_start3A_42, %dma_start3A_43] : memref<2x21x256xf32, #tpu.memory_space<hbm>> -> memref<1x21x256xf32, #tpu.memory_space<hbm>>
          %dma_start3A_45 = tpu.memref_squeeze %dma_start3A_44 : memref<1x21x256xf32, #tpu.memory_space<hbm>> -> memref<21x256xf32, #tpu.memory_space<hbm>>
          %dma_start3A_46 = arith.constant 0 : i32
          %dma_start3A_47 = arith.constant 0 : i32
          %dma_start3A_48 = arith.constant 0 : i32
          %dma_start3A_49 = tpu.memref_slice %arg4[%arg1, %dma_start3A_46, %dma_start3A_47, %dma_start3A_48] : memref<16x2x21x256xf32, #tpu.memory_space<hbm>> -> memref<1x2x21x256xf32, #tpu.memory_space<hbm>>
          %dma_start3A_50 = tpu.memref_squeeze %dma_start3A_49 : memref<1x2x21x256xf32, #tpu.memory_space<hbm>> -> memref<2x21x256xf32, #tpu.memory_space<hbm>>
          %dma_start3A_51 = arith.constant 0 : i32
          %dma_start3A_52 = arith.constant 0 : i32
          %dma_start3A_53 = tpu.memref_slice %dma_start3A_50[%scan3A_32, %dma_start3A_51, %dma_start3A_52] : memref<2x21x256xf32, #tpu.memory_space<hbm>> -> memref<1x21x256xf32, #tpu.memory_space<hbm>>
          %dma_start3A_54 = tpu.memref_squeeze %dma_start3A_53 : memref<1x21x256xf32, #tpu.memory_space<hbm>> -> memref<21x256xf32, #tpu.memory_space<hbm>>
          tpu.enqueue_dma source(%dma_start3A_54 : memref<21x256xf32, #tpu.memory_space<hbm>>) target(%arg7 : memref<21x256xf32, #tpu.memory_space<vmem>>) target_semaphore(%run_scoped3A : memref<!tpu.dma_semaphore, #tpu.memory_space<semaphore_mem>>)
          %dma_wait3A = arith.constant 0 : i32
          %dma_wait3A_55 = arith.constant 0 : i32
          %dma_wait3A_56 = arith.constant 0 : i32
          %dma_wait3A_57 = tpu.memref_slice %arg4[%arg1, %dma_wait3A, %dma_wait3A_55, %dma_wait3A_56] : memref<16x2x21x256xf32, #tpu.memory_space<hbm>> -> memref<1x2x21x256xf32, #tpu.memory_space<hbm>>
          %dma_wait3A_58 = tpu.memref_squeeze %dma_wait3A_57 : memref<1x2x21x256xf32, #tpu.memory_space<hbm>> -> memref<2x21x256xf32, #tpu.memory_space<hbm>>
          %dma_wait3A_59 = arith.constant 0 : i32
          %dma_wait3A_60 = arith.constant 0 : i32
          %dma_wait3A_61 = tpu.memref_slice %dma_wait3A_58[%scan3A_32, %dma_wait3A_59, %dma_wait3A_60] : memref<2x21x256xf32, #tpu.memory_space<hbm>> -> memref<1x21x256xf32, #tpu.memory_space<hbm>>
          %dma_wait3A_62 = tpu.memref_squeeze %dma_wait3A_61 : memref<1x21x256xf32, #tpu.memory_space<hbm>> -> memref<21x256xf32, #tpu.memory_space<hbm>>
          %dma_wait3A_63 = arith.constant 0 : i32
          %dma_wait3A_64 = arith.constant 0 : i32
          %dma_wait3A_65 = arith.constant 0 : i32
          %dma_wait3A_66 = tpu.memref_slice %arg4[%arg1, %dma_wait3A_63, %dma_wait3A_64, %dma_wait3A_65] : memref<16x2x21x256xf32, #tpu.memory_space<hbm>> -> memref<1x2x21x256xf32, #tpu.memory_space<hbm>>
          %dma_wait3A_67 = tpu.memref_squeeze %dma_wait3A_66 : memref<1x2x21x256xf32, #tpu.memory_space<hbm>> -> memref<2x21x256xf32, #tpu.memory_space<hbm>>
          %dma_wait3A_68 = arith.constant 0 : i32
          %dma_wait3A_69 = arith.constant 0 : i32
          %dma_wait3A_70 = tpu.memref_slice %dma_wait3A_67[%scan3A_32, %dma_wait3A_68, %dma_wait3A_69] : memref<2x21x256xf32, #tpu.memory_space<hbm>> -> memref<1x21x256xf32, #tpu.memory_space<hbm>>
          %dma_wait3A_71 = tpu.memref_squeeze %dma_wait3A_70 : memref<1x21x256xf32, #tpu.memory_space<hbm>> -> memref<21x256xf32, #tpu.memory_space<hbm>>
          tpu.wait_dma2 semaphore(%run_scoped3A : memref<!tpu.dma_semaphore, #tpu.memory_space<semaphore_mem>>) src(%dma_wait3A_71 : memref<21x256xf32, #tpu.memory_space<hbm>>) dst(%arg7 : memref<21x256xf32, #tpu.memory_space<vmem>>)
          tpu.yield
        }) : () -> ()
        %scan3A_33 = arith.constant 0 : i32
        %scan3A_34 = arith.constant 21 : i32
        %scan3A_35 = arith.addi %scan3A_33, %scan3A_34 : i32
        %scan3A_36 = arith.constant 1 : i32
        scf.for %scan3A_38 = %scan3A_33 to %scan3A_35 step %scan3A_36  : i32 {
          %get3A = arith.index_cast %scan3A_38 : i32 to index
          %get3A_39 = arith.constant 0 : index
          %get3A_40 = tpu.vector_load %arg6[%get3A, %get3A_39] {strides = array<i32>} : memref<21x256xi32, #tpu.memory_space<vmem>>, vector<16xi32>,
          %and3A = arith.andi %get3A_40, %broadcast_in_dim3A_2 : vector<16xi32>
          %swap3A = arith.constant 0 : index
          %swap3A_41 = tpu.vector_load %arg8[%swap3A] {strides = array<i32>} : memref<256xi32, #tpu.memory_space<vmem>>, vector<16xi32>,
          tpu.vector_store %arg8[%swap3A], %and3A {strides = array<i32>} : memref<256xi32, #tpu.memory_space<vmem>>, vector<16xi32>,
          %shift_right_logical3A = arith.constant 14 : i32
          %shift_right_logical3A_42 = vector.broadcast %shift_right_logical3A : i32 to vector<16xi32>
          %shift_right_logical3A_43 = arith.shrui %get3A_40, %shift_right_logical3A_42 : vector<16xi32>
          %swap3A_44 = arith.constant 0 : index
          %swap3A_45 = tpu.vector_load %arg9[%swap3A_44] {strides = array<i32>} : memref<256xi32, #tpu.memory_space<vmem>>, vector<16xi32>,
          tpu.vector_store %arg9[%swap3A_44], %shift_right_logical3A_43 {strides = array<i32>} : memref<256xi32, #tpu.memory_space<vmem>>, vector<16xi32>,
          %get3A_46 = arith.index_cast %scan3A_38 : i32 to index
          %get3A_47 = arith.constant 16 : index
          %get3A_48 = tpu.vector_load %arg6[%get3A_46, %get3A_47] {strides = array<i32>} : memref<21x256xi32, #tpu.memory_space<vmem>>, vector<16xi32>,
          %and3A_49 = arith.andi %get3A_48, %broadcast_in_dim3A_2 : vector<16xi32>
          %swap3A_50 = arith.constant 16 : index
          %swap3A_51 = tpu.vector_load %arg8[%swap3A_50] {strides = array<i32>} : memref<256xi32, #tpu.memory_space<vmem>>, vector<16xi32>,
          tpu.vector_store %arg8[%swap3A_50], %and3A_49 {strides = array<i32>} : memref<256xi32, #tpu.memory_space<vmem>>, vector<16xi32>,
          %shift_right_logical3A_52 = arith.constant 14 : i32
          %shift_right_logical3A_53 = vector.broadcast %shift_right_logical3A_52 : i32 to vector<16xi32>
          %shift_right_logical3A_54 = arith.shrui %get3A_48, %shift_right_logical3A_53 : vector<16xi32>
          %swap3A_55 = arith.constant 16 : index
          %swap3A_56 = tpu.vector_load %arg9[%swap3A_55] {strides = array<i32>} : memref<256xi32, #tpu.memory_space<vmem>>, vector<16xi32>,
          tpu.vector_store %arg9[%swap3A_55], %shift_right_logical3A_54 {strides = array<i32>} : memref<256xi32, #tpu.memory_space<vmem>>, vector<16xi32>,
          %get3A_57 = arith.index_cast %scan3A_38 : i32 to index
          %get3A_58 = arith.constant 32 : index
          %get3A_59 = tpu.vector_load %arg6[%get3A_57, %get3A_58] {strides = array<i32>} : memref<21x256xi32, #tpu.memory_space<vmem>>, vector<16xi32>,
          %and3A_60 = arith.andi %get3A_59, %broadcast_in_dim3A_2 : vector<16xi32>
          %swap3A_61 = arith.constant 32 : index
          %swap3A_62 = tpu.vector_load %arg8[%swap3A_61] {strides = array<i32>} : memref<256xi32, #tpu.memory_space<vmem>>, vector<16xi32>,
          tpu.vector_store %arg8[%swap3A_61], %and3A_60 {strides = array<i32>} : memref<256xi32, #tpu.memory_space<vmem>>, vector<16xi32>,
          %shift_right_logical3A_63 = arith.constant 14 : i32
          %shift_right_logical3A_64 = vector.broadcast %shift_right_logical3A_63 : i32 to vector<16xi32>
          %shift_right_logical3A_65 = arith.shrui %get3A_59, %shift_right_logical3A_64 : vector<16xi32>
          %swap3A_66 = arith.constant 32 : index
          %swap3A_67 = tpu.vector_load %arg9[%swap3A_66] {strides = array<i32>} : memref<256xi32, #tpu.memory_space<vmem>>, vector<16xi32>,
          tpu.vector_store %arg9[%swap3A_66], %shift_right_logical3A_65 {strides = array<i32>} : memref<256xi32, #tpu.memory_space<vmem>>, vector<16xi32>,
          %get3A_68 = arith.index_cast %scan3A_38 : i32 to index
          %get3A_69 = arith.constant 48 : index
          %get3A_70 = tpu.vector_load %arg6[%get3A_68, %get3A_69] {strides = array<i32>} : memref<21x256xi32, #tpu.memory_space<vmem>>, vector<16xi32>,
          %and3A_71 = arith.andi %get3A_70, %broadcast_in_dim3A_2 : vector<16xi32>
          %swap3A_72 = arith.constant 48 : index
          %swap3A_73 = tpu.vector_load %arg8[%swap3A_72] {strides = array<i32>} : memref<256xi32, #tpu.memory_space<vmem>>, vector<16xi32>,
          tpu.vector_store %arg8[%swap3A_72], %and3A_71 {strides = array<i32>} : memref<256xi32, #tpu.memory_space<vmem>>, vector<16xi32>,
          %shift_right_logical3A_74 = arith.constant 14 : i32
          %shift_right_logical3A_75 = vector.broadcast %shift_right_logical3A_74 : i32 to vector<16xi32>
          %shift_right_logical3A_76 = arith.shrui %get3A_70, %shift_right_logical3A_75 : vector<16xi32>
          %swap3A_77 = arith.constant 48 : index
          %swap3A_78 = tpu.vector_load %arg9[%swap3A_77] {strides = array<i32>} : memref<256xi32, #tpu.memory_space<vmem>>, vector<16xi32>,
          tpu.vector_store %arg9[%swap3A_77], %shift_right_logical3A_76 {strides = array<i32>} : memref<256xi32, #tpu.memory_space<vmem>>, vector<16xi32>,
          %get3A_79 = arith.index_cast %scan3A_38 : i32 to index
          %get3A_80 = arith.constant 64 : index
          %get3A_81 = tpu.vector_load %arg6[%get3A_79, %get3A_80] {strides = array<i32>} : memref<21x256xi32, #tpu.memory_space<vmem>>, vector<16xi32>,
          %and3A_82 = arith.andi %get3A_81, %broadcast_in_dim3A_2 : vector<16xi32>
          %swap3A_83 = arith.constant 64 : index
          %swap3A_84 = tpu.vector_load %arg8[%swap3A_83] {strides = array<i32>} : memref<256xi32, #tpu.memory_space<vmem>>, vector<16xi32>,
          tpu.vector_store %arg8[%swap3A_83], %and3A_82 {strides = array<i32>} : memref<256xi32, #tpu.memory_space<vmem>>, vector<16xi32>,
          %shift_right_logical3A_85 = arith.constant 14 : i32
          %shift_right_logical3A_86 = vector.broadcast %shift_right_logical3A_85 : i32 to vector<16xi32>
          %shift_right_logical3A_87 = arith.shrui %get3A_81, %shift_right_logical3A_86 : vector<16xi32>
          %swap3A_88 = arith.constant 64 : index
          %swap3A_89 = tpu.vector_load %arg9[%swap3A_88] {strides = array<i32>} : memref<256xi32, #tpu.memory_space<vmem>>, vector<16xi32>,
          tpu.vector_store %arg9[%swap3A_88], %shift_right_logical3A_87 {strides = array<i32>} : memref<256xi32, #tpu.memory_space<vmem>>, vector<16xi32>,
          %get3A_90 = arith.index_cast %scan3A_38 : i32 to index
          %get3A_91 = arith.constant 80 : index
          %get3A_92 = tpu.vector_load %arg6[%get3A_90, %get3A_91] {strides = array<i32>} : memref<21x256xi32, #tpu.memory_space<vmem>>, vector<16xi32>,
          %and3A_93 = arith.andi %get3A_92, %broadcast_in_dim3A_2 : vector<16xi32>
          %swap3A_94 = arith.constant 80 : index
          %swap3A_95 = tpu.vector_load %arg8[%swap3A_94] {strides = array<i32>} : memref<256xi32, #tpu.memory_space<vmem>>, vector<16xi32>,
          tpu.vector_store %arg8[%swap3A_94], %and3A_93 {strides = array<i32>} : memref<256xi32, #tpu.memory_space<vmem>>, vector<16xi32>,
          %shift_right_logical3A_96 = arith.constant 14 : i32
          %shift_right_logical3A_97 = vector.broadcast %shift_right_logical3A_96 : i32 to vector<16xi32>
          %shift_right_logical3A_98 = arith.shrui %get3A_92, %shift_right_logical3A_97 : vector<16xi32>
          %swap3A_99 = arith.constant 80 : index
          %swap3A_100 = tpu.vector_load %arg9[%swap3A_99] {strides = array<i32>} : memref<256xi32, #tpu.memory_space<vmem>>, vector<16xi32>,
          tpu.vector_store %arg9[%swap3A_99], %shift_right_logical3A_98 {strides = array<i32>} : memref<256xi32, #tpu.memory_space<vmem>>, vector<16xi32>,
          %get3A_101 = arith.index_cast %scan3A_38 : i32 to index
          %get3A_102 = arith.constant 96 : index
          %get3A_103 = tpu.vector_load %arg6[%get3A_101, %get3A_102] {strides = array<i32>} : memref<21x256xi32, #tpu.memory_space<vmem>>, vector<16xi32>,
          %and3A_104 = arith.andi %get3A_103, %broadcast_in_dim3A_2 : vector<16xi32>
          %swap3A_105 = arith.constant 96 : index
          %swap3A_106 = tpu.vector_load %arg8[%swap3A_105] {strides = array<i32>} : memref<256xi32, #tpu.memory_space<vmem>>, vector<16xi32>,
          tpu.vector_store %arg8[%swap3A_105], %and3A_104 {strides = array<i32>} : memref<256xi32, #tpu.memory_space<vmem>>, vector<16xi32>,
          %shift_right_logical3A_107 = arith.constant 14 : i32
          %shift_right_logical3A_108 = vector.broadcast %shift_right_logical3A_107 : i32 to vector<16xi32>
          %shift_right_logical3A_109 = arith.shrui %get3A_103, %shift_right_logical3A_108 : vector<16xi32>
          %swap3A_110 = arith.constant 96 : index
          %swap3A_111 = tpu.vector_load %arg9[%swap3A_110] {strides = array<i32>} : memref<256xi32, #tpu.memory_space<vmem>>, vector<16xi32>,
          tpu.vector_store %arg9[%swap3A_110], %shift_right_logical3A_109 {strides = array<i32>} : memref<256xi32, #tpu.memory_space<vmem>>, vector<16xi32>,
          %get3A_112 = arith.index_cast %scan3A_38 : i32 to index
          %get3A_113 = arith.constant 112 : index
          %get3A_114 = tpu.vector_load %arg6[%get3A_112, %get3A_113] {strides = array<i32>} : memref<21x256xi32, #tpu.memory_space<vmem>>, vector<16xi32>,
          %and3A_115 = arith.andi %get3A_114, %broadcast_in_dim3A_2 : vector<16xi32>
          %swap3A_116 = arith.constant 112 : index
          %swap3A_117 = tpu.vector_load %arg8[%swap3A_116] {strides = array<i32>} : memref<256xi32, #tpu.memory_space<vmem>>, vector<16xi32>,
          tpu.vector_store %arg8[%swap3A_116], %and3A_115 {strides = array<i32>} : memref<256xi32, #tpu.memory_space<vmem>>, vector<16xi32>,
          %shift_right_logical3A_118 = arith.constant 14 : i32
          %shift_right_logical3A_119 = vector.broadcast %shift_right_logical3A_118 : i32 to vector<16xi32>
          %shift_right_logical3A_120 = arith.shrui %get3A_114, %shift_right_logical3A_119 : vector<16xi32>
          %swap3A_121 = arith.constant 112 : index
          %swap3A_122 = tpu.vector_load %arg9[%swap3A_121] {strides = array<i32>} : memref<256xi32, #tpu.memory_space<vmem>>, vector<16xi32>,
          tpu.vector_store %arg9[%swap3A_121], %shift_right_logical3A_120 {strides = array<i32>} : memref<256xi32, #tpu.memory_space<vmem>>, vector<16xi32>,
          %get3A_123 = arith.index_cast %scan3A_38 : i32 to index
          %get3A_124 = arith.constant 128 : index
          %get3A_125 = tpu.vector_load %arg6[%get3A_123, %get3A_124] {strides = array<i32>} : memref<21x256xi32, #tpu.memory_space<vmem>>, vector<16xi32>,
          %and3A_126 = arith.andi %get3A_125, %broadcast_in_dim3A_2 : vector<16xi32>
          %swap3A_127 = arith.constant 128 : index
          %swap3A_128 = tpu.vector_load %arg8[%swap3A_127] {strides = array<i32>} : memref<256xi32, #tpu.memory_space<vmem>>, vector<16xi32>,
          tpu.vector_store %arg8[%swap3A_127], %and3A_126 {strides = array<i32>} : memref<256xi32, #tpu.memory_space<vmem>>, vector<16xi32>,
          %shift_right_logical3A_129 = arith.constant 14 : i32
          %shift_right_logical3A_130 = vector.broadcast %shift_right_logical3A_129 : i32 to vector<16xi32>
          %shift_right_logical3A_131 = arith.shrui %get3A_125, %shift_right_logical3A_130 : vector<16xi32>
          %swap3A_132 = arith.constant 128 : index
          %swap3A_133 = tpu.vector_load %arg9[%swap3A_132] {strides = array<i32>} : memref<256xi32, #tpu.memory_space<vmem>>, vector<16xi32>,
          tpu.vector_store %arg9[%swap3A_132], %shift_right_logical3A_131 {strides = array<i32>} : memref<256xi32, #tpu.memory_space<vmem>>, vector<16xi32>,
          %get3A_134 = arith.index_cast %scan3A_38 : i32 to index
          %get3A_135 = arith.constant 144 : index
          %get3A_136 = tpu.vector_load %arg6[%get3A_134, %get3A_135] {strides = array<i32>} : memref<21x256xi32, #tpu.memory_space<vmem>>, vector<16xi32>,
          %and3A_137 = arith.andi %get3A_136, %broadcast_in_dim3A_2 : vector<16xi32>
          %swap3A_138 = arith.constant 144 : index
          %swap3A_139 = tpu.vector_load %arg8[%swap3A_138] {strides = array<i32>} : memref<256xi32, #tpu.memory_space<vmem>>, vector<16xi32>,
          tpu.vector_store %arg8[%swap3A_138], %and3A_137 {strides = array<i32>} : memref<256xi32, #tpu.memory_space<vmem>>, vector<16xi32>,
          %shift_right_logical3A_140 = arith.constant 14 : i32
          %shift_right_logical3A_141 = vector.broadcast %shift_right_logical3A_140 : i32 to vector<16xi32>
          %shift_right_logical3A_142 = arith.shrui %get3A_136, %shift_right_logical3A_141 : vector<16xi32>
          %swap3A_143 = arith.constant 144 : index
          %swap3A_144 = tpu.vector_load %arg9[%swap3A_143] {strides = array<i32>} : memref<256xi32, #tpu.memory_space<vmem>>, vector<16xi32>,
          tpu.vector_store %arg9[%swap3A_143], %shift_right_logical3A_142 {strides = array<i32>} : memref<256xi32, #tpu.memory_space<vmem>>, vector<16xi32>,
          %get3A_145 = arith.index_cast %scan3A_38 : i32 to index
          %get3A_146 = arith.constant 160 : index
          %get3A_147 = tpu.vector_load %arg6[%get3A_145, %get3A_146] {strides = array<i32>} : memref<21x256xi32, #tpu.memory_space<vmem>>, vector<16xi32>,
          %and3A_148 = arith.andi %get3A_147, %broadcast_in_dim3A_2 : vector<16xi32>
          %swap3A_149 = arith.constant 160 : index
          %swap3A_150 = tpu.vector_load %arg8[%swap3A_149] {strides = array<i32>} : memref<256xi32, #tpu.memory_space<vmem>>, vector<16xi32>,
          tpu.vector_store %arg8[%swap3A_149], %and3A_148 {strides = array<i32>} : memref<256xi32, #tpu.memory_space<vmem>>, vector<16xi32>,
          %shift_right_logical3A_151 = arith.constant 14 : i32
          %shift_right_logical3A_152 = vector.broadcast %shift_right_logical3A_151 : i32 to vector<16xi32>
          %shift_right_logical3A_153 = arith.shrui %get3A_147, %shift_right_logical3A_152 : vector<16xi32>
          %swap3A_154 = arith.constant 160 : index
          %swap3A_155 = tpu.vector_load %arg9[%swap3A_154] {strides = array<i32>} : memref<256xi32, #tpu.memory_space<vmem>>, vector<16xi32>,
          tpu.vector_store %arg9[%swap3A_154], %shift_right_logical3A_153 {strides = array<i32>} : memref<256xi32, #tpu.memory_space<vmem>>, vector<16xi32>,
          %get3A_156 = arith.index_cast %scan3A_38 : i32 to index
          %get3A_157 = arith.constant 176 : index
          %get3A_158 = tpu.vector_load %arg6[%get3A_156, %get3A_157] {strides = array<i32>} : memref<21x256xi32, #tpu.memory_space<vmem>>, vector<16xi32>,
          %and3A_159 = arith.andi %get3A_158, %broadcast_in_dim3A_2 : vector<16xi32>
          %swap3A_160 = arith.constant 176 : index
          %swap3A_161 = tpu.vector_load %arg8[%swap3A_160] {strides = array<i32>} : memref<256xi32, #tpu.memory_space<vmem>>, vector<16xi32>,
          tpu.vector_store %arg8[%swap3A_160], %and3A_159 {strides = array<i32>} : memref<256xi32, #tpu.memory_space<vmem>>, vector<16xi32>,
          %shift_right_logical3A_162 = arith.constant 14 : i32
          %shift_right_logical3A_163 = vector.broadcast %shift_right_logical3A_162 : i32 to vector<16xi32>
          %shift_right_logical3A_164 = arith.shrui %get3A_158, %shift_right_logical3A_163 : vector<16xi32>
          %swap3A_165 = arith.constant 176 : index
          %swap3A_166 = tpu.vector_load %arg9[%swap3A_165] {strides = array<i32>} : memref<256xi32, #tpu.memory_space<vmem>>, vector<16xi32>,
          tpu.vector_store %arg9[%swap3A_165], %shift_right_logical3A_164 {strides = array<i32>} : memref<256xi32, #tpu.memory_space<vmem>>, vector<16xi32>,
          %get3A_167 = arith.index_cast %scan3A_38 : i32 to index
          %get3A_168 = arith.constant 192 : index
          %get3A_169 = tpu.vector_load %arg6[%get3A_167, %get3A_168] {strides = array<i32>} : memref<21x256xi32, #tpu.memory_space<vmem>>, vector<16xi32>,
          %and3A_170 = arith.andi %get3A_169, %broadcast_in_dim3A_2 : vector<16xi32>
          %swap3A_171 = arith.constant 192 : index
          %swap3A_172 = tpu.vector_load %arg8[%swap3A_171] {strides = array<i32>} : memref<256xi32, #tpu.memory_space<vmem>>, vector<16xi32>,
          tpu.vector_store %arg8[%swap3A_171], %and3A_170 {strides = array<i32>} : memref<256xi32, #tpu.memory_space<vmem>>, vector<16xi32>,
          %shift_right_logical3A_173 = arith.constant 14 : i32
          %shift_right_logical3A_174 = vector.broadcast %shift_right_logical3A_173 : i32 to vector<16xi32>
          %shift_right_logical3A_175 = arith.shrui %get3A_169, %shift_right_logical3A_174 : vector<16xi32>
          %swap3A_176 = arith.constant 192 : index
          %swap3A_177 = tpu.vector_load %arg9[%swap3A_176] {strides = array<i32>} : memref<256xi32, #tpu.memory_space<vmem>>, vector<16xi32>,
          tpu.vector_store %arg9[%swap3A_176], %shift_right_logical3A_175 {strides = array<i32>} : memref<256xi32, #tpu.memory_space<vmem>>, vector<16xi32>,
          %get3A_178 = arith.index_cast %scan3A_38 : i32 to index
          %get3A_179 = arith.constant 208 : index
          %get3A_180 = tpu.vector_load %arg6[%get3A_178, %get3A_179] {strides = array<i32>} : memref<21x256xi32, #tpu.memory_space<vmem>>, vector<16xi32>,
          %and3A_181 = arith.andi %get3A_180, %broadcast_in_dim3A_2 : vector<16xi32>
          %swap3A_182 = arith.constant 208 : index
          %swap3A_183 = tpu.vector_load %arg8[%swap3A_182] {strides = array<i32>} : memref<256xi32, #tpu.memory_space<vmem>>, vector<16xi32>,
          tpu.vector_store %arg8[%swap3A_182], %and3A_181 {strides = array<i32>} : memref<256xi32, #tpu.memory_space<vmem>>, vector<16xi32>,
          %shift_right_logical3A_184 = arith.constant 14 : i32
          %shift_right_logical3A_185 = vector.broadcast %shift_right_logical3A_184 : i32 to vector<16xi32>
          %shift_right_logical3A_186 = arith.shrui %get3A_180, %shift_right_logical3A_185 : vector<16xi32>
          %swap3A_187 = arith.constant 208 : index
          %swap3A_188 = tpu.vector_load %arg9[%swap3A_187] {strides = array<i32>} : memref<256xi32, #tpu.memory_space<vmem>>, vector<16xi32>,
          tpu.vector_store %arg9[%swap3A_187], %shift_right_logical3A_186 {strides = array<i32>} : memref<256xi32, #tpu.memory_space<vmem>>, vector<16xi32>,
          %get3A_189 = arith.index_cast %scan3A_38 : i32 to index
          %get3A_190 = arith.constant 224 : index
          %get3A_191 = tpu.vector_load %arg6[%get3A_189, %get3A_190] {strides = array<i32>} : memref<21x256xi32, #tpu.memory_space<vmem>>, vector<16xi32>,
          %and3A_192 = arith.andi %get3A_191, %broadcast_in_dim3A_2 : vector<16xi32>
          %swap3A_193 = arith.constant 224 : index
          %swap3A_194 = tpu.vector_load %arg8[%swap3A_193] {strides = array<i32>} : memref<256xi32, #tpu.memory_space<vmem>>, vector<16xi32>,
          tpu.vector_store %arg8[%swap3A_193], %and3A_192 {strides = array<i32>} : memref<256xi32, #tpu.memory_space<vmem>>, vector<16xi32>,
          %shift_right_logical3A_195 = arith.constant 14 : i32
          %shift_right_logical3A_196 = vector.broadcast %shift_right_logical3A_195 : i32 to vector<16xi32>
          %shift_right_logical3A_197 = arith.shrui %get3A_191, %shift_right_logical3A_196 : vector<16xi32>
          %swap3A_198 = arith.constant 224 : index
          %swap3A_199 = tpu.vector_load %arg9[%swap3A_198] {strides = array<i32>} : memref<256xi32, #tpu.memory_space<vmem>>, vector<16xi32>,
          tpu.vector_store %arg9[%swap3A_198], %shift_right_logical3A_197 {strides = array<i32>} : memref<256xi32, #tpu.memory_space<vmem>>, vector<16xi32>,
          %get3A_200 = arith.index_cast %scan3A_38 : i32 to index
          %get3A_201 = arith.constant 240 : index
          %get3A_202 = tpu.vector_load %arg6[%get3A_200, %get3A_201] {strides = array<i32>} : memref<21x256xi32, #tpu.memory_space<vmem>>, vector<16xi32>,
          %and3A_203 = arith.andi %get3A_202, %broadcast_in_dim3A_2 : vector<16xi32>
          %swap3A_204 = arith.constant 240 : index
          %swap3A_205 = tpu.vector_load %arg8[%swap3A_204] {strides = array<i32>} : memref<256xi32, #tpu.memory_space<vmem>>, vector<16xi32>,
          tpu.vector_store %arg8[%swap3A_204], %and3A_203 {strides = array<i32>} : memref<256xi32, #tpu.memory_space<vmem>>, vector<16xi32>,
          %shift_right_logical3A_206 = arith.constant 14 : i32
          %shift_right_logical3A_207 = vector.broadcast %shift_right_logical3A_206 : i32 to vector<16xi32>
          %shift_right_logical3A_208 = arith.shrui %get3A_202, %shift_right_logical3A_207 : vector<16xi32>
          %swap3A_209 = arith.constant 240 : index
          %swap3A_210 = tpu.vector_load %arg9[%swap3A_209] {strides = array<i32>} : memref<256xi32, #tpu.memory_space<vmem>>, vector<16xi32>,
          tpu.vector_store %arg9[%swap3A_209], %shift_right_logical3A_208 {strides = array<i32>} : memref<256xi32, #tpu.memory_space<vmem>>, vector<16xi32>,
          %dma_start3A = arith.constant 0 : i32
          %dma_start3A_211 = arith.constant 0 : i32
          %dma_start3A_212 = tpu.memref_slice %arg2[%add3A, %dma_start3A, %dma_start3A_211] : memref<6x10000x128xf32, #tpu.memory_space<hbm>> -> memref<1x10000x128xf32, #tpu.memory_space<hbm>>
          %dma_start3A_213 = tpu.memref_squeeze %dma_start3A_212 : memref<1x10000x128xf32, #tpu.memory_space<hbm>> -> memref<10000x128xf32, #tpu.memory_space<hbm>>
          %dma_start3A_214 = arith.constant 0 : i32
          %dma_start3A_215 = arith.constant 0 : i32
          %dma_start3A_216 = tpu.memref_slice %dma_start3A_213[%dma_start3A_214, %dma_start3A_215] : memref<10000x128xf32, #tpu.memory_space<hbm>> -> memref<10000x128xf32, #tpu.memory_space<hbm>>
          tpu.enqueue_indirect_dma source(%dma_start3A_216 : memref<10000x128xf32, #tpu.memory_space<hbm>>) target(%arg10 : memref<256x128xf32, #tpu.memory_space<vmem>>) offsets(%arg8 : memref<256xi32, #tpu.memory_space<vmem>>) semaphore(%arg12 : memref<!tpu.dma_semaphore, #tpu.memory_space<semaphore_mem>>)
          %dma_wait3A = arith.constant 0 : i32
          %dma_wait3A_217 = arith.constant 0 : i32
          %dma_wait3A_218 = tpu.memref_slice %arg2[%add3A, %dma_wait3A, %dma_wait3A_217] : memref<6x10000x128xf32, #tpu.memory_space<hbm>> -> memref<1x10000x128xf32, #tpu.memory_space<hbm>>
          %dma_wait3A_219 = tpu.memref_squeeze %dma_wait3A_218 : memref<1x10000x128xf32, #tpu.memory_space<hbm>> -> memref<10000x128xf32, #tpu.memory_space<hbm>>
          %dma_wait3A_220 = arith.constant 0 : i32
          %dma_wait3A_221 = arith.constant 0 : i32
          %dma_wait3A_222 = tpu.memref_slice %dma_wait3A_219[%dma_wait3A_220, %dma_wait3A_221] : memref<10000x128xf32, #tpu.memory_space<hbm>> -> memref<10000x128xf32, #tpu.memory_space<hbm>>
          tpu.wait_indirect_dma semaphore(%arg12 : memref<!tpu.dma_semaphore, #tpu.memory_space<semaphore_mem>>) src(%dma_wait3A_222 : memref<10000x128xf32, #tpu.memory_space<hbm>>) dst(%arg10 : memref<256x128xf32, #tpu.memory_space<vmem>>)
          %scan3A_223 = arith.constant 0 : i32
          %scan3A_224 = arith.constant 16 : i32
          %scan3A_225 = arith.addi %scan3A_223, %scan3A_224 : i32
          %scan3A_226 = arith.constant 1 : i32
          scf.for %scan3A_228 = %scan3A_223 to %scan3A_225 step %scan3A_226  : i32 {
            %mul3A_229 = arith.constant 16 : i32
            %mul3A_230 = arith.muli %scan3A_228, %mul3A_229 : i32
            %get3A_231 = arith.index_cast %scan3A_38 : i32 to index
            %get3A_232 = arith.index_cast %mul3A_230 : i32 to index
            %get3A_233 = tpu.vector_load %arg7[%get3A_231, %get3A_232] {strides = array<i32>} : memref<21x256xf32, #tpu.memory_space<vmem>>, vector<16xf32>,
            %slice3A = vector.extract_strided_slice %get3A_233 {offsets = [0], sizes = [1], strides = [1]} : vector<16xf32> to vector<1xf32>
            %squeeze3A = vector.extract %slice3A[0] : f32 from vector<1xf32>
            %broadcast_in_dim3A_234 = vector.broadcast %squeeze3A : f32 to vector<16xf32>
            %mul3A_235 = arith.constant 16 : i32
            %mul3A_236 = arith.muli %scan3A_228, %mul3A_235 : i32
            %add3A_237 = arith.constant 0 : i32
            %add3A_238 = arith.addi %mul3A_236, %add3A_237 : i32
            %get3A_239 = arith.index_cast %add3A_238 : i32 to index
            %get3A_240 = arith.constant 0 : index
            %get3A_241 = tpu.vector_load %arg10[%get3A_239, %get3A_240] {strides = array<i32>} : memref<256x128xf32, #tpu.memory_space<vmem>>, vector<16xf32>,
            %mul3A_242 = arith.mulf %get3A_241, %broadcast_in_dim3A_234 : vector<16xf32>
            %swap3A_243 = arith.index_cast %add3A_238 : i32 to index
            %swap3A_244 = arith.constant 0 : index
            %swap3A_245 = tpu.vector_load %arg10[%swap3A_243, %swap3A_244] {strides = array<i32>} : memref<256x128xf32, #tpu.memory_space<vmem>>, vector<16xf32>,
            tpu.vector_store %arg10[%swap3A_243, %swap3A_244], %mul3A_242 {strides = array<i32>} : memref<256x128xf32, #tpu.memory_space<vmem>>, vector<16xf32>,
            %get3A_246 = arith.index_cast %add3A_238 : i32 to index
            %get3A_247 = arith.constant 16 : index
            %get3A_248 = tpu.vector_load %arg10[%get3A_246, %get3A_247] {strides = array<i32>} : memref<256x128xf32, #tpu.memory_space<vmem>>, vector<16xf32>,
            %mul3A_249 = arith.mulf %get3A_248, %broadcast_in_dim3A_234 : vector<16xf32>
            %swap3A_250 = arith.index_cast %add3A_238 : i32 to index
            %swap3A_251 = arith.constant 16 : index
            %swap3A_252 = tpu.vector_load %arg10[%swap3A_250, %swap3A_251] {strides = array<i32>} : memref<256x128xf32, #tpu.memory_space<vmem>>, vector<16xf32>,
            tpu.vector_store %arg10[%swap3A_250, %swap3A_251], %mul3A_249 {strides = array<i32>} : memref<256x128xf32, #tpu.memory_space<vmem>>, vector<16xf32>,
            %get3A_253 = arith.index_cast %add3A_238 : i32 to index
            %get3A_254 = arith.constant 32 : index
            %get3A_255 = tpu.vector_load %arg10[%get3A_253, %get3A_254] {strides = array<i32>} : memref<256x128xf32, #tpu.memory_space<vmem>>, vector<16xf32>,
            %mul3A_256 = arith.mulf %get3A_255, %broadcast_in_dim3A_234 : vector<16xf32>
            %swap3A_257 = arith.index_cast %add3A_238 : i32 to index
            %swap3A_258 = arith.constant 32 : index
            %swap3A_259 = tpu.vector_load %arg10[%swap3A_257, %swap3A_258] {strides = array<i32>} : memref<256x128xf32, #tpu.memory_space<vmem>>, vector<16xf32>,
            tpu.vector_store %arg10[%swap3A_257, %swap3A_258], %mul3A_256 {strides = array<i32>} : memref<256x128xf32, #tpu.memory_space<vmem>>, vector<16xf32>,
            %get3A_260 = arith.index_cast %add3A_238 : i32 to index
            %get3A_261 = arith.constant 48 : index
            %get3A_262 = tpu.vector_load %arg10[%get3A_260, %get3A_261] {strides = array<i32>} : memref<256x128xf32, #tpu.memory_space<vmem>>, vector<16xf32>,
            %mul3A_263 = arith.mulf %get3A_262, %broadcast_in_dim3A_234 : vector<16xf32>
            %swap3A_264 = arith.index_cast %add3A_238 : i32 to index
            %swap3A_265 = arith.constant 48 : index
            %swap3A_266 = tpu.vector_load %arg10[%swap3A_264, %swap3A_265] {strides = array<i32>} : memref<256x128xf32, #tpu.memory_space<vmem>>, vector<16xf32>,
            tpu.vector_store %arg10[%swap3A_264, %swap3A_265], %mul3A_263 {strides = array<i32>} : memref<256x128xf32, #tpu.memory_space<vmem>>, vector<16xf32>,
            %get3A_267 = arith.index_cast %add3A_238 : i32 to index
            %get3A_268 = arith.constant 64 : index
            %get3A_269 = tpu.vector_load %arg10[%get3A_267, %get3A_268] {strides = array<i32>} : memref<256x128xf32, #tpu.memory_space<vmem>>, vector<16xf32>,
            %mul3A_270 = arith.mulf %get3A_269, %broadcast_in_dim3A_234 : vector<16xf32>
            %swap3A_271 = arith.index_cast %add3A_238 : i32 to index
            %swap3A_272 = arith.constant 64 : index
            %swap3A_273 = tpu.vector_load %arg10[%swap3A_271, %swap3A_272] {strides = array<i32>} : memref<256x128xf32, #tpu.memory_space<vmem>>, vector<16xf32>,
            tpu.vector_store %arg10[%swap3A_271, %swap3A_272], %mul3A_270 {strides = array<i32>} : memref<256x128xf32, #tpu.memory_space<vmem>>, vector<16xf32>,
            %get3A_274 = arith.index_cast %add3A_238 : i32 to index
            %get3A_275 = arith.constant 80 : index
            %get3A_276 = tpu.vector_load %arg10[%get3A_274, %get3A_275] {strides = array<i32>} : memref<256x128xf32, #tpu.memory_space<vmem>>, vector<16xf32>,
            %mul3A_277 = arith.mulf %get3A_276, %broadcast_in_dim3A_234 : vector<16xf32>
            %swap3A_278 = arith.index_cast %add3A_238 : i32 to index
            %swap3A_279 = arith.constant 80 : index
            %swap3A_280 = tpu.vector_load %arg10[%swap3A_278, %swap3A_279] {strides = array<i32>} : memref<256x128xf32, #tpu.memory_space<vmem>>, vector<16xf32>,
            tpu.vector_store %arg10[%swap3A_278, %swap3A_279], %mul3A_277 {strides = array<i32>} : memref<256x128xf32, #tpu.memory_space<vmem>>, vector<16xf32>,
            %get3A_281 = arith.index_cast %add3A_238 : i32 to index
            %get3A_282 = arith.constant 96 : index
            %get3A_283 = tpu.vector_load %arg10[%get3A_281, %get3A_282] {strides = array<i32>} : memref<256x128xf32, #tpu.memory_space<vmem>>, vector<16xf32>,
            %mul3A_284 = arith.mulf %get3A_283, %broadcast_in_dim3A_234 : vector<16xf32>
            %swap3A_285 = arith.index_cast %add3A_238 : i32 to index
            %swap3A_286 = arith.constant 96 : index
            %swap3A_287 = tpu.vector_load %arg10[%swap3A_285, %swap3A_286] {strides = array<i32>} : memref<256x128xf32, #tpu.memory_space<vmem>>, vector<16xf32>,
            tpu.vector_store %arg10[%swap3A_285, %swap3A_286], %mul3A_284 {strides = array<i32>} : memref<256x128xf32, #tpu.memory_space<vmem>>, vector<16xf32>,
            %get3A_288 = arith.index_cast %add3A_238 : i32 to index
            %get3A_289 = arith.constant 112 : index
            %get3A_290 = tpu.vector_load %arg10[%get3A_288, %get3A_289] {strides = array<i32>} : memref<256x128xf32, #tpu.memory_space<vmem>>, vector<16xf32>,
            %mul3A_291 = arith.mulf %get3A_290, %broadcast_in_dim3A_234 : vector<16xf32>
            %swap3A_292 = arith.index_cast %add3A_238 : i32 to index
            %swap3A_293 = arith.constant 112 : index
            %swap3A_294 = tpu.vector_load %arg10[%swap3A_292, %swap3A_293] {strides = array<i32>} : memref<256x128xf32, #tpu.memory_space<vmem>>, vector<16xf32>,
            tpu.vector_store %arg10[%swap3A_292, %swap3A_293], %mul3A_291 {strides = array<i32>} : memref<256x128xf32, #tpu.memory_space<vmem>>, vector<16xf32>,
            %slice3A_295 = vector.extract_strided_slice %get3A_233 {offsets = [1], sizes = [1], strides = [1]} : vector<16xf32> to vector<1xf32>
            %squeeze3A_296 = vector.extract %slice3A_295[0] : f32 from vector<1xf32>
            %broadcast_in_dim3A_297 = vector.broadcast %squeeze3A_296 : f32 to vector<16xf32>
            %mul3A_298 = arith.constant 16 : i32
            %mul3A_299 = arith.muli %scan3A_228, %mul3A_298 : i32
            %add3A_300 = arith.constant 1 : i32
            %add3A_301 = arith.addi %mul3A_299, %add3A_300 : i32
            %get3A_302 = arith.index_cast %add3A_301 : i32 to index
            %get3A_303 = arith.constant 0 : index
            %get3A_304 = tpu.vector_load %arg10[%get3A_302, %get3A_303] {strides = array<i32>} : memref<256x128xf32, #tpu.memory_space<vmem>>, vector<16xf32>,
            %mul3A_305 = arith.mulf %get3A_304, %broadcast_in_dim3A_297 : vector<16xf32>
            %swap3A_306 = arith.index_cast %add3A_301 : i32 to index
            %swap3A_307 = arith.constant 0 : index
            %swap3A_308 = tpu.vector_load %arg10[%swap3A_306, %swap3A_307] {strides = array<i32>} : memref<256x128xf32, #tpu.memory_space<vmem>>, vector<16xf32>,
            tpu.vector_store %arg10[%swap3A_306, %swap3A_307], %mul3A_305 {strides = array<i32>} : memref<256x128xf32, #tpu.memory_space<vmem>>, vector<16xf32>,
            %get3A_309 = arith.index_cast %add3A_301 : i32 to index
            %get3A_310 = arith.constant 16 : index
            %get3A_311 = tpu.vector_load %arg10[%get3A_309, %get3A_310] {strides = array<i32>} : memref<256x128xf32, #tpu.memory_space<vmem>>, vector<16xf32>,
            %mul3A_312 = arith.mulf %get3A_311, %broadcast_in_dim3A_297 : vector<16xf32>
            %swap3A_313 = arith.index_cast %add3A_301 : i32 to index
            %swap3A_314 = arith.constant 16 : index
            %swap3A_315 = tpu.vector_load %arg10[%swap3A_313, %swap3A_314] {strides = array<i32>} : memref<256x128xf32, #tpu.memory_space<vmem>>, vector<16xf32>,
            tpu.vector_store %arg10[%swap3A_313, %swap3A_314], %mul3A_312 {strides = array<i32>} : memref<256x128xf32, #tpu.memory_space<vmem>>, vector<16xf32>,
            %get3A_316 = arith.index_cast %add3A_301 : i32 to index
            %get3A_317 = arith.constant 32 : index
            %get3A_318 = tpu.vector_load %arg10[%get3A_316, %get3A_317] {strides = array<i32>} : memref<256x128xf32, #tpu.memory_space<vmem>>, vector<16xf32>,
            %mul3A_319 = arith.mulf %get3A_318, %broadcast_in_dim3A_297 : vector<16xf32>
            %swap3A_320 = arith.index_cast %add3A_301 : i32 to index
            %swap3A_321 = arith.constant 32 : index
            %swap3A_322 = tpu.vector_load %arg10[%swap3A_320, %swap3A_321] {strides = array<i32>} : memref<256x128xf32, #tpu.memory_space<vmem>>, vector<16xf32>,
            tpu.vector_store %arg10[%swap3A_320, %swap3A_321], %mul3A_319 {strides = array<i32>} : memref<256x128xf32, #tpu.memory_space<vmem>>, vector<16xf32>,
            %get3A_323 = arith.index_cast %add3A_301 : i32 to index
            %get3A_324 = arith.constant 48 : index
            %get3A_325 = tpu.vector_load %arg10[%get3A_323, %get3A_324] {strides = array<i32>} : memref<256x128xf32, #tpu.memory_space<vmem>>, vector<16xf32>,
            %mul3A_326 = arith.mulf %get3A_325, %broadcast_in_dim3A_297 : vector<16xf32>
            %swap3A_327 = arith.index_cast %add3A_301 : i32 to index
            %swap3A_328 = arith.constant 48 : index
            %swap3A_329 = tpu.vector_load %arg10[%swap3A_327, %swap3A_328] {strides = array<i32>} : memref<256x128xf32, #tpu.memory_space<vmem>>, vector<16xf32>,
            tpu.vector_store %arg10[%swap3A_327, %swap3A_328], %mul3A_326 {strides = array<i32>} : memref<256x128xf32, #tpu.memory_space<vmem>>, vector<16xf32>,
            %get3A_330 = arith.index_cast %add3A_301 : i32 to index
            %get3A_331 = arith.constant 64 : index
            %get3A_332 = tpu.vector_load %arg10[%get3A_330, %get3A_331] {strides = array<i32>} : memref<256x128xf32, #tpu.memory_space<vmem>>, vector<16xf32>,
            %mul3A_333 = arith.mulf %get3A_332, %broadcast_in_dim3A_297 : vector<16xf32>
            %swap3A_334 = arith.index_cast %add3A_301 : i32 to index
            %swap3A_335 = arith.constant 64 : index
            %swap3A_336 = tpu.vector_load %arg10[%swap3A_334, %swap3A_335] {strides = array<i32>} : memref<256x128xf32, #tpu.memory_space<vmem>>, vector<16xf32>,
            tpu.vector_store %arg10[%swap3A_334, %swap3A_335], %mul3A_333 {strides = array<i32>} : memref<256x128xf32, #tpu.memory_space<vmem>>, vector<16xf32>,
            %get3A_337 = arith.index_cast %add3A_301 : i32 to index
            %get3A_338 = arith.constant 80 : index
            %get3A_339 = tpu.vector_load %arg10[%get3A_337, %get3A_338] {strides = array<i32>} : memref<256x128xf32, #tpu.memory_space<vmem>>, vector<16xf32>,
            %mul3A_340 = arith.mulf %get3A_339, %broadcast_in_dim3A_297 : vector<16xf32>
            %swap3A_341 = arith.index_cast %add3A_301 : i32 to index
            %swap3A_342 = arith.constant 80 : index
            %swap3A_343 = tpu.vector_load %arg10[%swap3A_341, %swap3A_342] {strides = array<i32>} : memref<256x128xf32, #tpu.memory_space<vmem>>, vector<16xf32>,
            tpu.vector_store %arg10[%swap3A_341, %swap3A_342], %mul3A_340 {strides = array<i32>} : memref<256x128xf32, #tpu.memory_space<vmem>>, vector<16xf32>,
            %get3A_344 = arith.index_cast %add3A_301 : i32 to index
            %get3A_345 = arith.constant 96 : index
            %get3A_346 = tpu.vector_load %arg10[%get3A_344, %get3A_345] {strides = array<i32>} : memref<256x128xf32, #tpu.memory_space<vmem>>, vector<16xf32>,
            %mul3A_347 = arith.mulf %get3A_346, %broadcast_in_dim3A_297 : vector<16xf32>
            %swap3A_348 = arith.index_cast %add3A_301 : i32 to index
            %swap3A_349 = arith.constant 96 : index
            %swap3A_350 = tpu.vector_load %arg10[%swap3A_348, %swap3A_349] {strides = array<i32>} : memref<256x128xf32, #tpu.memory_space<vmem>>, vector<16xf32>,
            tpu.vector_store %arg10[%swap3A_348, %swap3A_349], %mul3A_347 {strides = array<i32>} : memref<256x128xf32, #tpu.memory_space<vmem>>, vector<16xf32>,
            %get3A_351 = arith.index_cast %add3A_301 : i32 to index
            %get3A_352 = arith.constant 112 : index
            %get3A_353 = tpu.vector_load %arg10[%get3A_351, %get3A_352] {strides = array<i32>} : memref<256x128xf32, #tpu.memory_space<vmem>>, vector<16xf32>,
            %mul3A_354 = arith.mulf %get3A_353, %broadcast_in_dim3A_297 : vector<16xf32>
            %swap3A_355 = arith.index_cast %add3A_301 : i32 to index
            %swap3A_356 = arith.constant 112 : index
            %swap3A_357 = tpu.vector_load %arg10[%swap3A_355, %swap3A_356] {strides = array<i32>} : memref<256x128xf32, #tpu.memory_space<vmem>>, vector<16xf32>,
            tpu.vector_store %arg10[%swap3A_355, %swap3A_356], %mul3A_354 {strides = array<i32>} : memref<256x128xf32, #tpu.memory_space<vmem>>, vector<16xf32>,
            %slice3A_358 = vector.extract_strided_slice %get3A_233 {offsets = [2], sizes = [1], strides = [1]} : vector<16xf32> to vector<1xf32>
            %squeeze3A_359 = vector.extract %slice3A_358[0] : f32 from vector<1xf32>
            %broadcast_in_dim3A_360 = vector.broadcast %squeeze3A_359 : f32 to vector<16xf32>
            %mul3A_361 = arith.constant 16 : i32
            %mul3A_362 = arith.muli %scan3A_228, %mul3A_361 : i32
            %add3A_363 = arith.constant 2 : i32
            %add3A_364 = arith.addi %mul3A_362, %add3A_363 : i32
            %get3A_365 = arith.index_cast %add3A_364 : i32 to index
            %get3A_366 = arith.constant 0 : index
            %get3A_367 = tpu.vector_load %arg10[%get3A_365, %get3A_366] {strides = array<i32>} : memref<256x128xf32, #tpu.memory_space<vmem>>, vector<16xf32>,
            %mul3A_368 = arith.mulf %get3A_367, %broadcast_in_dim3A_360 : vector<16xf32>
            %swap3A_369 = arith.index_cast %add3A_364 : i32 to index
            %swap3A_370 = arith.constant 0 : index
            %swap3A_371 = tpu.vector_load %arg10[%swap3A_369, %swap3A_370] {strides = array<i32>} : memref<256x128xf32, #tpu.memory_space<vmem>>, vector<16xf32>,
            tpu.vector_store %arg10[%swap3A_369, %swap3A_370], %mul3A_368 {strides = array<i32>} : memref<256x128xf32, #tpu.memory_space<vmem>>, vector<16xf32>,
            %get3A_372 = arith.index_cast %add3A_364 : i32 to index
            %get3A_373 = arith.constant 16 : index
            %get3A_374 = tpu.vector_load %arg10[%get3A_372, %get3A_373] {strides = array<i32>} : memref<256x128xf32, #tpu.memory_space<vmem>>, vector<16xf32>,
            %mul3A_375 = arith.mulf %get3A_374, %broadcast_in_dim3A_360 : vector<16xf32>
            %swap3A_376 = arith.index_cast %add3A_364 : i32 to index
            %swap3A_377 = arith.constant 16 : index
            %swap3A_378 = tpu.vector_load %arg10[%swap3A_376, %swap3A_377] {strides = array<i32>} : memref<256x128xf32, #tpu.memory_space<vmem>>, vector<16xf32>,
            tpu.vector_store %arg10[%swap3A_376, %swap3A_377], %mul3A_375 {strides = array<i32>} : memref<256x128xf32, #tpu.memory_space<vmem>>, vector<16xf32>,
            %get3A_379 = arith.index_cast %add3A_364 : i32 to index
            %get3A_380 = arith.constant 32 : index
            %get3A_381 = tpu.vector_load %arg10[%get3A_379, %get3A_380] {strides = array<i32>} : memref<256x128xf32, #tpu.memory_space<vmem>>, vector<16xf32>,
            %mul3A_382 = arith.mulf %get3A_381, %broadcast_in_dim3A_360 : vector<16xf32>
            %swap3A_383 = arith.index_cast %add3A_364 : i32 to index
            %swap3A_384 = arith.constant 32 : index
            %swap3A_385 = tpu.vector_load %arg10[%swap3A_383, %swap3A_384] {strides = array<i32>} : memref<256x128xf32, #tpu.memory_space<vmem>>, vector<16xf32>,
            tpu.vector_store %arg10[%swap3A_383, %swap3A_384], %mul3A_382 {strides = array<i32>} : memref<256x128xf32, #tpu.memory_space<vmem>>, vector<16xf32>,
            %get3A_386 = arith.index_cast %add3A_364 : i32 to index
            %get3A_387 = arith.constant 48 : index
            %get3A_388 = tpu.vector_load %arg10[%get3A_386, %get3A_387] {strides = array<i32>} : memref<256x128xf32, #tpu.memory_space<vmem>>, vector<16xf32>,
            %mul3A_389 = arith.mulf %get3A_388, %broadcast_in_dim3A_360 : vector<16xf32>
            %swap3A_390 = arith.index_cast %add3A_364 : i32 to index
            %swap3A_391 = arith.constant 48 : index
            %swap3A_392 = tpu.vector_load %arg10[%swap3A_390, %swap3A_391] {strides = array<i32>} : memref<256x128xf32, #tpu.memory_space<vmem>>, vector<16xf32>,
            tpu.vector_store %arg10[%swap3A_390, %swap3A_391], %mul3A_389 {strides = array<i32>} : memref<256x128xf32, #tpu.memory_space<vmem>>, vector<16xf32>,
            %get3A_393 = arith.index_cast %add3A_364 : i32 to index
            %get3A_394 = arith.constant 64 : index
            %get3A_395 = tpu.vector_load %arg10[%get3A_393, %get3A_394] {strides = array<i32>} : memref<256x128xf32, #tpu.memory_space<vmem>>, vector<16xf32>,
            %mul3A_396 = arith.mulf %get3A_395, %broadcast_in_dim3A_360 : vector<16xf32>
            %swap3A_397 = arith.index_cast %add3A_364 : i32 to index
            %swap3A_398 = arith.constant 64 : index
            %swap3A_399 = tpu.vector_load %arg10[%swap3A_397, %swap3A_398] {strides = array<i32>} : memref<256x128xf32, #tpu.memory_space<vmem>>, vector<16xf32>,
            tpu.vector_store %arg10[%swap3A_397, %swap3A_398], %mul3A_396 {strides = array<i32>} : memref<256x128xf32, #tpu.memory_space<vmem>>, vector<16xf32>,
            %get3A_400 = arith.index_cast %add3A_364 : i32 to index
            %get3A_401 = arith.constant 80 : index
            %get3A_402 = tpu.vector_load %arg10[%get3A_400, %get3A_401] {strides = array<i32>} : memref<256x128xf32, #tpu.memory_space<vmem>>, vector<16xf32>,
            %mul3A_403 = arith.mulf %get3A_402, %broadcast_in_dim3A_360 : vector<16xf32>
            %swap3A_404 = arith.index_cast %add3A_364 : i32 to index
            %swap3A_405 = arith.constant 80 : index
            %swap3A_406 = tpu.vector_load %arg10[%swap3A_404, %swap3A_405] {strides = array<i32>} : memref<256x128xf32, #tpu.memory_space<vmem>>, vector<16xf32>,
            tpu.vector_store %arg10[%swap3A_404, %swap3A_405], %mul3A_403 {strides = array<i32>} : memref<256x128xf32, #tpu.memory_space<vmem>>, vector<16xf32>,
            %get3A_407 = arith.index_cast %add3A_364 : i32 to index
            %get3A_408 = arith.constant 96 : index
            %get3A_409 = tpu.vector_load %arg10[%get3A_407, %get3A_408] {strides = array<i32>} : memref<256x128xf32, #tpu.memory_space<vmem>>, vector<16xf32>,
            %mul3A_410 = arith.mulf %get3A_409, %broadcast_in_dim3A_360 : vector<16xf32>
            %swap3A_411 = arith.index_cast %add3A_364 : i32 to index
            %swap3A_412 = arith.constant 96 : index
            %swap3A_413 = tpu.vector_load %arg10[%swap3A_411, %swap3A_412] {strides = array<i32>} : memref<256x128xf32, #tpu.memory_space<vmem>>, vector<16xf32>,
            tpu.vector_store %arg10[%swap3A_411, %swap3A_412], %mul3A_410 {strides = array<i32>} : memref<256x128xf32, #tpu.memory_space<vmem>>, vector<16xf32>,
            %get3A_414 = arith.index_cast %add3A_364 : i32 to index
            %get3A_415 = arith.constant 112 : index
            %get3A_416 = tpu.vector_load %arg10[%get3A_414, %get3A_415] {strides = array<i32>} : memref<256x128xf32, #tpu.memory_space<vmem>>, vector<16xf32>,
            %mul3A_417 = arith.mulf %get3A_416, %broadcast_in_dim3A_360 : vector<16xf32>
            %swap3A_418 = arith.index_cast %add3A_364 : i32 to index
            %swap3A_419 = arith.constant 112 : index
            %swap3A_420 = tpu.vector_load %arg10[%swap3A_418, %swap3A_419] {strides = array<i32>} : memref<256x128xf32, #tpu.memory_space<vmem>>, vector<16xf32>,
            tpu.vector_store %arg10[%swap3A_418, %swap3A_419], %mul3A_417 {strides = array<i32>} : memref<256x128xf32, #tpu.memory_space<vmem>>, vector<16xf32>,
            %slice3A_421 = vector.extract_strided_slice %get3A_233 {offsets = [3], sizes = [1], strides = [1]} : vector<16xf32> to vector<1xf32>
            %squeeze3A_422 = vector.extract %slice3A_421[0] : f32 from vector<1xf32>
            %broadcast_in_dim3A_423 = vector.broadcast %squeeze3A_422 : f32 to vector<16xf32>
            %mul3A_424 = arith.constant 16 : i32
            %mul3A_425 = arith.muli %scan3A_228, %mul3A_424 : i32
            %add3A_426 = arith.constant 3 : i32
            %add3A_427 = arith.addi %mul3A_425, %add3A_426 : i32
            %get3A_428 = arith.index_cast %add3A_427 : i32 to index
            %get3A_429 = arith.constant 0 : index
            %get3A_430 = tpu.vector_load %arg10[%get3A_428, %get3A_429] {strides = array<i32>} : memref<256x128xf32, #tpu.memory_space<vmem>>, vector<16xf32>,
            %mul3A_431 = arith.mulf %get3A_430, %broadcast_in_dim3A_423 : vector<16xf32>
            %swap3A_432 = arith.index_cast %add3A_427 : i32 to index
            %swap3A_433 = arith.constant 0 : index
            %swap3A_434 = tpu.vector_load %arg10[%swap3A_432, %swap3A_433] {strides = array<i32>} : memref<256x128xf32, #tpu.memory_space<vmem>>, vector<16xf32>,
            tpu.vector_store %arg10[%swap3A_432, %swap3A_433], %mul3A_431 {strides = array<i32>} : memref<256x128xf32, #tpu.memory_space<vmem>>, vector<16xf32>,
            %get3A_435 = arith.index_cast %add3A_427 : i32 to index
            %get3A_436 = arith.constant 16 : index
            %get3A_437 = tpu.vector_load %arg10[%get3A_435, %get3A_436] {strides = array<i32>} : memref<256x128xf32, #tpu.memory_space<vmem>>, vector<16xf32>,
            %mul3A_438 = arith.mulf %get3A_437, %broadcast_in_dim3A_423 : vector<16xf32>
            %swap3A_439 = arith.index_cast %add3A_427 : i32 to index
            %swap3A_440 = arith.constant 16 : index
            %swap3A_441 = tpu.vector_load %arg10[%swap3A_439, %swap3A_440] {strides = array<i32>} : memref<256x128xf32, #tpu.memory_space<vmem>>, vector<16xf32>,
            tpu.vector_store %arg10[%swap3A_439, %swap3A_440], %mul3A_438 {strides = array<i32>} : memref<256x128xf32, #tpu.memory_space<vmem>>, vector<16xf32>,
            %get3A_442 = arith.index_cast %add3A_427 : i32 to index
            %get3A_443 = arith.constant 32 : index
            %get3A_444 = tpu.vector_load %arg10[%get3A_442, %get3A_443] {strides = array<i32>} : memref<256x128xf32, #tpu.memory_space<vmem>>, vector<16xf32>,
            %mul3A_445 = arith.mulf %get3A_444, %broadcast_in_dim3A_423 : vector<16xf32>
            %swap3A_446 = arith.index_cast %add3A_427 : i32 to index
            %swap3A_447 = arith.constant 32 : index
            %swap3A_448 = tpu.vector_load %arg10[%swap3A_446, %swap3A_447] {strides = array<i32>} : memref<256x128xf32, #tpu.memory_space<vmem>>, vector<16xf32>,
            tpu.vector_store %arg10[%swap3A_446, %swap3A_447], %mul3A_445 {strides = array<i32>} : memref<256x128xf32, #tpu.memory_space<vmem>>, vector<16xf32>,
            %get3A_449 = arith.index_cast %add3A_427 : i32 to index
            %get3A_450 = arith.constant 48 : index
            %get3A_451 = tpu.vector_load %arg10[%get3A_449, %get3A_450] {strides = array<i32>} : memref<256x128xf32, #tpu.memory_space<vmem>>, vector<16xf32>,
            %mul3A_452 = arith.mulf %get3A_451, %broadcast_in_dim3A_423 : vector<16xf32>
            %swap3A_453 = arith.index_cast %add3A_427 : i32 to index
            %swap3A_454 = arith.constant 48 : index
            %swap3A_455 = tpu.vector_load %arg10[%swap3A_453, %swap3A_454] {strides = array<i32>} : memref<256x128xf32, #tpu.memory_space<vmem>>, vector<16xf32>,
            tpu.vector_store %arg10[%swap3A_453, %swap3A_454], %mul3A_452 {strides = array<i32>} : memref<256x128xf32, #tpu.memory_space<vmem>>, vector<16xf32>,
            %get3A_456 = arith.index_cast %add3A_427 : i32 to index
            %get3A_457 = arith.constant 64 : index
            %get3A_458 = tpu.vector_load %arg10[%get3A_456, %get3A_457] {strides = array<i32>} : memref<256x128xf32, #tpu.memory_space<vmem>>, vector<16xf32>,
            %mul3A_459 = arith.mulf %get3A_458, %broadcast_in_dim3A_423 : vector<16xf32>
            %swap3A_460 = arith.index_cast %add3A_427 : i32 to index
            %swap3A_461 = arith.constant 64 : index
            %swap3A_462 = tpu.vector_load %arg10[%swap3A_460, %swap3A_461] {strides = array<i32>} : memref<256x128xf32, #tpu.memory_space<vmem>>, vector<16xf32>,
            tpu.vector_store %arg10[%swap3A_460, %swap3A_461], %mul3A_459 {strides = array<i32>} : memref<256x128xf32, #tpu.memory_space<vmem>>, vector<16xf32>,
            %get3A_463 = arith.index_cast %add3A_427 : i32 to index
            %get3A_464 = arith.constant 80 : index
            %get3A_465 = tpu.vector_load %arg10[%get3A_463, %get3A_464] {strides = array<i32>} : memref<256x128xf32, #tpu.memory_space<vmem>>, vector<16xf32>,
            %mul3A_466 = arith.mulf %get3A_465, %broadcast_in_dim3A_423 : vector<16xf32>
            %swap3A_467 = arith.index_cast %add3A_427 : i32 to index
            %swap3A_468 = arith.constant 80 : index
            %swap3A_469 = tpu.vector_load %arg10[%swap3A_467, %swap3A_468] {strides = array<i32>} : memref<256x128xf32, #tpu.memory_space<vmem>>, vector<16xf32>,
            tpu.vector_store %arg10[%swap3A_467, %swap3A_468], %mul3A_466 {strides = array<i32>} : memref<256x128xf32, #tpu.memory_space<vmem>>, vector<16xf32>,
            %get3A_470 = arith.index_cast %add3A_427 : i32 to index
            %get3A_471 = arith.constant 96 : index
            %get3A_472 = tpu.vector_load %arg10[%get3A_470, %get3A_471] {strides = array<i32>} : memref<256x128xf32, #tpu.memory_space<vmem>>, vector<16xf32>,
            %mul3A_473 = arith.mulf %get3A_472, %broadcast_in_dim3A_423 : vector<16xf32>
            %swap3A_474 = arith.index_cast %add3A_427 : i32 to index
            %swap3A_475 = arith.constant 96 : index
            %swap3A_476 = tpu.vector_load %arg10[%swap3A_474, %swap3A_475] {strides = array<i32>} : memref<256x128xf32, #tpu.memory_space<vmem>>, vector<16xf32>,
            tpu.vector_store %arg10[%swap3A_474, %swap3A_475], %mul3A_473 {strides = array<i32>} : memref<256x128xf32, #tpu.memory_space<vmem>>, vector<16xf32>,
            %get3A_477 = arith.index_cast %add3A_427 : i32 to index
            %get3A_478 = arith.constant 112 : index
            %get3A_479 = tpu.vector_load %arg10[%get3A_477, %get3A_478] {strides = array<i32>} : memref<256x128xf32, #tpu.memory_space<vmem>>, vector<16xf32>,
            %mul3A_480 = arith.mulf %get3A_479, %broadcast_in_dim3A_423 : vector<16xf32>
            %swap3A_481 = arith.index_cast %add3A_427 : i32 to index
            %swap3A_482 = arith.constant 112 : index
            %swap3A_483 = tpu.vector_load %arg10[%swap3A_481, %swap3A_482] {strides = array<i32>} : memref<256x128xf32, #tpu.memory_space<vmem>>, vector<16xf32>,
            tpu.vector_store %arg10[%swap3A_481, %swap3A_482], %mul3A_480 {strides = array<i32>} : memref<256x128xf32, #tpu.memory_space<vmem>>, vector<16xf32>,
            %slice3A_484 = vector.extract_strided_slice %get3A_233 {offsets = [4], sizes = [1], strides = [1]} : vector<16xf32> to vector<1xf32>
            %squeeze3A_485 = vector.extract %slice3A_484[0] : f32 from vector<1xf32>
            %broadcast_in_dim3A_486 = vector.broadcast %squeeze3A_485 : f32 to vector<16xf32>
            %mul3A_487 = arith.constant 16 : i32
            %mul3A_488 = arith.muli %scan3A_228, %mul3A_487 : i32
            %add3A_489 = arith.constant 4 : i32
            %add3A_490 = arith.addi %mul3A_488, %add3A_489 : i32
            %get3A_491 = arith.index_cast %add3A_490 : i32 to index
            %get3A_492 = arith.constant 0 : index
            %get3A_493 = tpu.vector_load %arg10[%get3A_491, %get3A_492] {strides = array<i32>} : memref<256x128xf32, #tpu.memory_space<vmem>>, vector<16xf32>,
            %mul3A_494 = arith.mulf %get3A_493, %broadcast_in_dim3A_486 : vector<16xf32>
            %swap3A_495 = arith.index_cast %add3A_490 : i32 to index
            %swap3A_496 = arith.constant 0 : index
            %swap3A_497 = tpu.vector_load %arg10[%swap3A_495, %swap3A_496] {strides = array<i32>} : memref<256x128xf32, #tpu.memory_space<vmem>>, vector<16xf32>,
            tpu.vector_store %arg10[%swap3A_495, %swap3A_496], %mul3A_494 {strides = array<i32>} : memref<256x128xf32, #tpu.memory_space<vmem>>, vector<16xf32>,
            %get3A_498 = arith.index_cast %add3A_490 : i32 to index
            %get3A_499 = arith.constant 16 : index
            %get3A_500 = tpu.vector_load %arg10[%get3A_498, %get3A_499] {strides = array<i32>} : memref<256x128xf32, #tpu.memory_space<vmem>>, vector<16xf32>,
            %mul3A_501 = arith.mulf %get3A_500, %broadcast_in_dim3A_486 : vector<16xf32>
            %swap3A_502 = arith.index_cast %add3A_490 : i32 to index
            %swap3A_503 = arith.constant 16 : index
            %swap3A_504 = tpu.vector_load %arg10[%swap3A_502, %swap3A_503] {strides = array<i32>} : memref<256x128xf32, #tpu.memory_space<vmem>>, vector<16xf32>,
            tpu.vector_store %arg10[%swap3A_502, %swap3A_503], %mul3A_501 {strides = array<i32>} : memref<256x128xf32, #tpu.memory_space<vmem>>, vector<16xf32>,
            %get3A_505 = arith.index_cast %add3A_490 : i32 to index
            %get3A_506 = arith.constant 32 : index
            %get3A_507 = tpu.vector_load %arg10[%get3A_505, %get3A_506] {strides = array<i32>} : memref<256x128xf32, #tpu.memory_space<vmem>>, vector<16xf32>,
            %mul3A_508 = arith.mulf %get3A_507, %broadcast_in_dim3A_486 : vector<16xf32>
            %swap3A_509 = arith.index_cast %add3A_490 : i32 to index
            %swap3A_510 = arith.constant 32 : index
            %swap3A_511 = tpu.vector_load %arg10[%swap3A_509, %swap3A_510] {strides = array<i32>} : memref<256x128xf32, #tpu.memory_space<vmem>>, vector<16xf32>,
            tpu.vector_store %arg10[%swap3A_509, %swap3A_510], %mul3A_508 {strides = array<i32>} : memref<256x128xf32, #tpu.memory_space<vmem>>, vector<16xf32>,
            %get3A_512 = arith.index_cast %add3A_490 : i32 to index
            %get3A_513 = arith.constant 48 : index
            %get3A_514 = tpu.vector_load %arg10[%get3A_512, %get3A_513] {strides = array<i32>} : memref<256x128xf32, #tpu.memory_space<vmem>>, vector<16xf32>,
            %mul3A_515 = arith.mulf %get3A_514, %broadcast_in_dim3A_486 : vector<16xf32>
            %swap3A_516 = arith.index_cast %add3A_490 : i32 to index
            %swap3A_517 = arith.constant 48 : index
            %swap3A_518 = tpu.vector_load %arg10[%swap3A_516, %swap3A_517] {strides = array<i32>} : memref<256x128xf32, #tpu.memory_space<vmem>>, vector<16xf32>,
            tpu.vector_store %arg10[%swap3A_516, %swap3A_517], %mul3A_515 {strides = array<i32>} : memref<256x128xf32, #tpu.memory_space<vmem>>, vector<16xf32>,
            %get3A_519 = arith.index_cast %add3A_490 : i32 to index
            %get3A_520 = arith.constant 64 : index
            %get3A_521 = tpu.vector_load %arg10[%get3A_519, %get3A_520] {strides = array<i32>} : memref<256x128xf32, #tpu.memory_space<vmem>>, vector<16xf32>,
            %mul3A_522 = arith.mulf %get3A_521, %broadcast_in_dim3A_486 : vector<16xf32>
            %swap3A_523 = arith.index_cast %add3A_490 : i32 to index
            %swap3A_524 = arith.constant 64 : index
            %swap3A_525 = tpu.vector_load %arg10[%swap3A_523, %swap3A_524] {strides = array<i32>} : memref<256x128xf32, #tpu.memory_space<vmem>>, vector<16xf32>,
            tpu.vector_store %arg10[%swap3A_523, %swap3A_524], %mul3A_522 {strides = array<i32>} : memref<256x128xf32, #tpu.memory_space<vmem>>, vector<16xf32>,
            %get3A_526 = arith.index_cast %add3A_490 : i32 to index
            %get3A_527 = arith.constant 80 : index
            %get3A_528 = tpu.vector_load %arg10[%get3A_526, %get3A_527] {strides = array<i32>} : memref<256x128xf32, #tpu.memory_space<vmem>>, vector<16xf32>,
            %mul3A_529 = arith.mulf %get3A_528, %broadcast_in_dim3A_486 : vector<16xf32>
            %swap3A_530 = arith.index_cast %add3A_490 : i32 to index
            %swap3A_531 = arith.constant 80 : index
            %swap3A_532 = tpu.vector_load %arg10[%swap3A_530, %swap3A_531] {strides = array<i32>} : memref<256x128xf32, #tpu.memory_space<vmem>>, vector<16xf32>,
            tpu.vector_store %arg10[%swap3A_530, %swap3A_531], %mul3A_529 {strides = array<i32>} : memref<256x128xf32, #tpu.memory_space<vmem>>, vector<16xf32>,
            %get3A_533 = arith.index_cast %add3A_490 : i32 to index
            %get3A_534 = arith.constant 96 : index
            %get3A_535 = tpu.vector_load %arg10[%get3A_533, %get3A_534] {strides = array<i32>} : memref<256x128xf32, #tpu.memory_space<vmem>>, vector<16xf32>,
            %mul3A_536 = arith.mulf %get3A_535, %broadcast_in_dim3A_486 : vector<16xf32>
            %swap3A_537 = arith.index_cast %add3A_490 : i32 to index
            %swap3A_538 = arith.constant 96 : index
            %swap3A_539 = tpu.vector_load %arg10[%swap3A_537, %swap3A_538] {strides = array<i32>} : memref<256x128xf32, #tpu.memory_space<vmem>>, vector<16xf32>,
            tpu.vector_store %arg10[%swap3A_537, %swap3A_538], %mul3A_536 {strides = array<i32>} : memref<256x128xf32, #tpu.memory_space<vmem>>, vector<16xf32>,
            %get3A_540 = arith.index_cast %add3A_490 : i32 to index
            %get3A_541 = arith.constant 112 : index
            %get3A_542 = tpu.vector_load %arg10[%get3A_540, %get3A_541] {strides = array<i32>} : memref<256x128xf32, #tpu.memory_space<vmem>>, vector<16xf32>,
            %mul3A_543 = arith.mulf %get3A_542, %broadcast_in_dim3A_486 : vector<16xf32>
            %swap3A_544 = arith.index_cast %add3A_490 : i32 to index
            %swap3A_545 = arith.constant 112 : index
            %swap3A_546 = tpu.vector_load %arg10[%swap3A_544, %swap3A_545] {strides = array<i32>} : memref<256x128xf32, #tpu.memory_space<vmem>>, vector<16xf32>,
            tpu.vector_store %arg10[%swap3A_544, %swap3A_545], %mul3A_543 {strides = array<i32>} : memref<256x128xf32, #tpu.memory_space<vmem>>, vector<16xf32>,
            %slice3A_547 = vector.extract_strided_slice %get3A_233 {offsets = [5], sizes = [1], strides = [1]} : vector<16xf32> to vector<1xf32>
            %squeeze3A_548 = vector.extract %slice3A_547[0] : f32 from vector<1xf32>
            %broadcast_in_dim3A_549 = vector.broadcast %squeeze3A_548 : f32 to vector<16xf32>
            %mul3A_550 = arith.constant 16 : i32
            %mul3A_551 = arith.muli %scan3A_228, %mul3A_550 : i32
            %add3A_552 = arith.constant 5 : i32
            %add3A_553 = arith.addi %mul3A_551, %add3A_552 : i32
            %get3A_554 = arith.index_cast %add3A_553 : i32 to index
            %get3A_555 = arith.constant 0 : index
            %get3A_556 = tpu.vector_load %arg10[%get3A_554, %get3A_555] {strides = array<i32>} : memref<256x128xf32, #tpu.memory_space<vmem>>, vector<16xf32>,
            %mul3A_557 = arith.mulf %get3A_556, %broadcast_in_dim3A_549 : vector<16xf32>
            %swap3A_558 = arith.index_cast %add3A_553 : i32 to index
            %swap3A_559 = arith.constant 0 : index
            %swap3A_560 = tpu.vector_load %arg10[%swap3A_558, %swap3A_559] {strides = array<i32>} : memref<256x128xf32, #tpu.memory_space<vmem>>, vector<16xf32>,
            tpu.vector_store %arg10[%swap3A_558, %swap3A_559], %mul3A_557 {strides = array<i32>} : memref<256x128xf32, #tpu.memory_space<vmem>>, vector<16xf32>,
            %get3A_561 = arith.index_cast %add3A_553 : i32 to index
            %get3A_562 = arith.constant 16 : index
            %get3A_563 = tpu.vector_load %arg10[%get3A_561, %get3A_562] {strides = array<i32>} : memref<256x128xf32, #tpu.memory_space<vmem>>, vector<16xf32>,
            %mul3A_564 = arith.mulf %get3A_563, %broadcast_in_dim3A_549 : vector<16xf32>
            %swap3A_565 = arith.index_cast %add3A_553 : i32 to index
            %swap3A_566 = arith.constant 16 : index
            %swap3A_567 = tpu.vector_load %arg10[%swap3A_565, %swap3A_566] {strides = array<i32>} : memref<256x128xf32, #tpu.memory_space<vmem>>, vector<16xf32>,
            tpu.vector_store %arg10[%swap3A_565, %swap3A_566], %mul3A_564 {strides = array<i32>} : memref<256x128xf32, #tpu.memory_space<vmem>>, vector<16xf32>,
            %get3A_568 = arith.index_cast %add3A_553 : i32 to index
            %get3A_569 = arith.constant 32 : index
            %get3A_570 = tpu.vector_load %arg10[%get3A_568, %get3A_569] {strides = array<i32>} : memref<256x128xf32, #tpu.memory_space<vmem>>, vector<16xf32>,
            %mul3A_571 = arith.mulf %get3A_570, %broadcast_in_dim3A_549 : vector<16xf32>
            %swap3A_572 = arith.index_cast %add3A_553 : i32 to index
            %swap3A_573 = arith.constant 32 : index
            %swap3A_574 = tpu.vector_load %arg10[%swap3A_572, %swap3A_573] {strides = array<i32>} : memref<256x128xf32, #tpu.memory_space<vmem>>, vector<16xf32>,
            tpu.vector_store %arg10[%swap3A_572, %swap3A_573], %mul3A_571 {strides = array<i32>} : memref<256x128xf32, #tpu.memory_space<vmem>>, vector<16xf32>,
            %get3A_575 = arith.index_cast %add3A_553 : i32 to index
            %get3A_576 = arith.constant 48 : index
            %get3A_577 = tpu.vector_load %arg10[%get3A_575, %get3A_576] {strides = array<i32>} : memref<256x128xf32, #tpu.memory_space<vmem>>, vector<16xf32>,
            %mul3A_578 = arith.mulf %get3A_577, %broadcast_in_dim3A_549 : vector<16xf32>
            %swap3A_579 = arith.index_cast %add3A_553 : i32 to index
            %swap3A_580 = arith.constant 48 : index
            %swap3A_581 = tpu.vector_load %arg10[%swap3A_579, %swap3A_580] {strides = array<i32>} : memref<256x128xf32, #tpu.memory_space<vmem>>, vector<16xf32>,
            tpu.vector_store %arg10[%swap3A_579, %swap3A_580], %mul3A_578 {strides = array<i32>} : memref<256x128xf32, #tpu.memory_space<vmem>>, vector<16xf32>,
            %get3A_582 = arith.index_cast %add3A_553 : i32 to index
            %get3A_583 = arith.constant 64 : index
            %get3A_584 = tpu.vector_load %arg10[%get3A_582, %get3A_583] {strides = array<i32>} : memref<256x128xf32, #tpu.memory_space<vmem>>, vector<16xf32>,
            %mul3A_585 = arith.mulf %get3A_584, %broadcast_in_dim3A_549 : vector<16xf32>
            %swap3A_586 = arith.index_cast %add3A_553 : i32 to index
            %swap3A_587 = arith.constant 64 : index
            %swap3A_588 = tpu.vector_load %arg10[%swap3A_586, %swap3A_587] {strides = array<i32>} : memref<256x128xf32, #tpu.memory_space<vmem>>, vector<16xf32>,
            tpu.vector_store %arg10[%swap3A_586, %swap3A_587], %mul3A_585 {strides = array<i32>} : memref<256x128xf32, #tpu.memory_space<vmem>>, vector<16xf32>,
            %get3A_589 = arith.index_cast %add3A_553 : i32 to index
            %get3A_590 = arith.constant 80 : index
            %get3A_591 = tpu.vector_load %arg10[%get3A_589, %get3A_590] {strides = array<i32>} : memref<256x128xf32, #tpu.memory_space<vmem>>, vector<16xf32>,
            %mul3A_592 = arith.mulf %get3A_591, %broadcast_in_dim3A_549 : vector<16xf32>
            %swap3A_593 = arith.index_cast %add3A_553 : i32 to index
            %swap3A_594 = arith.constant 80 : index
            %swap3A_595 = tpu.vector_load %arg10[%swap3A_593, %swap3A_594] {strides = array<i32>} : memref<256x128xf32, #tpu.memory_space<vmem>>, vector<16xf32>,
            tpu.vector_store %arg10[%swap3A_593, %swap3A_594], %mul3A_592 {strides = array<i32>} : memref<256x128xf32, #tpu.memory_space<vmem>>, vector<16xf32>,
            %get3A_596 = arith.index_cast %add3A_553 : i32 to index
            %get3A_597 = arith.constant 96 : index
            %get3A_598 = tpu.vector_load %arg10[%get3A_596, %get3A_597] {strides = array<i32>} : memref<256x128xf32, #tpu.memory_space<vmem>>, vector<16xf32>,
            %mul3A_599 = arith.mulf %get3A_598, %broadcast_in_dim3A_549 : vector<16xf32>
            %swap3A_600 = arith.index_cast %add3A_553 : i32 to index
            %swap3A_601 = arith.constant 96 : index
            %swap3A_602 = tpu.vector_load %arg10[%swap3A_600, %swap3A_601] {strides = array<i32>} : memref<256x128xf32, #tpu.memory_space<vmem>>, vector<16xf32>,
            tpu.vector_store %arg10[%swap3A_600, %swap3A_601], %mul3A_599 {strides = array<i32>} : memref<256x128xf32, #tpu.memory_space<vmem>>, vector<16xf32>,
            %get3A_603 = arith.index_cast %add3A_553 : i32 to index
            %get3A_604 = arith.constant 112 : index
            %get3A_605 = tpu.vector_load %arg10[%get3A_603, %get3A_604] {strides = array<i32>} : memref<256x128xf32, #tpu.memory_space<vmem>>, vector<16xf32>,
            %mul3A_606 = arith.mulf %get3A_605, %broadcast_in_dim3A_549 : vector<16xf32>
            %swap3A_607 = arith.index_cast %add3A_553 : i32 to index
            %swap3A_608 = arith.constant 112 : index
            %swap3A_609 = tpu.vector_load %arg10[%swap3A_607, %swap3A_608] {strides = array<i32>} : memref<256x128xf32, #tpu.memory_space<vmem>>, vector<16xf32>,
            tpu.vector_store %arg10[%swap3A_607, %swap3A_608], %mul3A_606 {strides = array<i32>} : memref<256x128xf32, #tpu.memory_space<vmem>>, vector<16xf32>,
            %slice3A_610 = vector.extract_strided_slice %get3A_233 {offsets = [6], sizes = [1], strides = [1]} : vector<16xf32> to vector<1xf32>
            %squeeze3A_611 = vector.extract %slice3A_610[0] : f32 from vector<1xf32>
            %broadcast_in_dim3A_612 = vector.broadcast %squeeze3A_611 : f32 to vector<16xf32>
            %mul3A_613 = arith.constant 16 : i32
            %mul3A_614 = arith.muli %scan3A_228, %mul3A_613 : i32
            %add3A_615 = arith.constant 6 : i32
            %add3A_616 = arith.addi %mul3A_614, %add3A_615 : i32
            %get3A_617 = arith.index_cast %add3A_616 : i32 to index
            %get3A_618 = arith.constant 0 : index
            %get3A_619 = tpu.vector_load %arg10[%get3A_617, %get3A_618] {strides = array<i32>} : memref<256x128xf32, #tpu.memory_space<vmem>>, vector<16xf32>,
            %mul3A_620 = arith.mulf %get3A_619, %broadcast_in_dim3A_612 : vector<16xf32>
            %swap3A_621 = arith.index_cast %add3A_616 : i32 to index
            %swap3A_622 = arith.constant 0 : index
            %swap3A_623 = tpu.vector_load %arg10[%swap3A_621, %swap3A_622] {strides = array<i32>} : memref<256x128xf32, #tpu.memory_space<vmem>>, vector<16xf32>,
            tpu.vector_store %arg10[%swap3A_621, %swap3A_622], %mul3A_620 {strides = array<i32>} : memref<256x128xf32, #tpu.memory_space<vmem>>, vector<16xf32>,
            %get3A_624 = arith.index_cast %add3A_616 : i32 to index
            %get3A_625 = arith.constant 16 : index
            %get3A_626 = tpu.vector_load %arg10[%get3A_624, %get3A_625] {strides = array<i32>} : memref<256x128xf32, #tpu.memory_space<vmem>>, vector<16xf32>,
            %mul3A_627 = arith.mulf %get3A_626, %broadcast_in_dim3A_612 : vector<16xf32>
            %swap3A_628 = arith.index_cast %add3A_616 : i32 to index
            %swap3A_629 = arith.constant 16 : index
            %swap3A_630 = tpu.vector_load %arg10[%swap3A_628, %swap3A_629] {strides = array<i32>} : memref<256x128xf32, #tpu.memory_space<vmem>>, vector<16xf32>,
            tpu.vector_store %arg10[%swap3A_628, %swap3A_629], %mul3A_627 {strides = array<i32>} : memref<256x128xf32, #tpu.memory_space<vmem>>, vector<16xf32>,
            %get3A_631 = arith.index_cast %add3A_616 : i32 to index
            %get3A_632 = arith.constant 32 : index
            %get3A_633 = tpu.vector_load %arg10[%get3A_631, %get3A_632] {strides = array<i32>} : memref<256x128xf32, #tpu.memory_space<vmem>>, vector<16xf32>,
            %mul3A_634 = arith.mulf %get3A_633, %broadcast_in_dim3A_612 : vector<16xf32>
            %swap3A_635 = arith.index_cast %add3A_616 : i32 to index
            %swap3A_636 = arith.constant 32 : index
            %swap3A_637 = tpu.vector_load %arg10[%swap3A_635, %swap3A_636] {strides = array<i32>} : memref<256x128xf32, #tpu.memory_space<vmem>>, vector<16xf32>,
            tpu.vector_store %arg10[%swap3A_635, %swap3A_636], %mul3A_634 {strides = array<i32>} : memref<256x128xf32, #tpu.memory_space<vmem>>, vector<16xf32>,
            %get3A_638 = arith.index_cast %add3A_616 : i32 to index
            %get3A_639 = arith.constant 48 : index
            %get3A_640 = tpu.vector_load %arg10[%get3A_638, %get3A_639] {strides = array<i32>} : memref<256x128xf32, #tpu.memory_space<vmem>>, vector<16xf32>,
            %mul3A_641 = arith.mulf %get3A_640, %broadcast_in_dim3A_612 : vector<16xf32>
            %swap3A_642 = arith.index_cast %add3A_616 : i32 to index
            %swap3A_643 = arith.constant 48 : index
            %swap3A_644 = tpu.vector_load %arg10[%swap3A_642, %swap3A_643] {strides = array<i32>} : memref<256x128xf32, #tpu.memory_space<vmem>>, vector<16xf32>,
            tpu.vector_store %arg10[%swap3A_642, %swap3A_643], %mul3A_641 {strides = array<i32>} : memref<256x128xf32, #tpu.memory_space<vmem>>, vector<16xf32>,
            %get3A_645 = arith.index_cast %add3A_616 : i32 to index
            %get3A_646 = arith.constant 64 : index
            %get3A_647 = tpu.vector_load %arg10[%get3A_645, %get3A_646] {strides = array<i32>} : memref<256x128xf32, #tpu.memory_space<vmem>>, vector<16xf32>,
            %mul3A_648 = arith.mulf %get3A_647, %broadcast_in_dim3A_612 : vector<16xf32>
            %swap3A_649 = arith.index_cast %add3A_616 : i32 to index
            %swap3A_650 = arith.constant 64 : index
            %swap3A_651 = tpu.vector_load %arg10[%swap3A_649, %swap3A_650] {strides = array<i32>} : memref<256x128xf32, #tpu.memory_space<vmem>>, vector<16xf32>,
            tpu.vector_store %arg10[%swap3A_649, %swap3A_650], %mul3A_648 {strides = array<i32>} : memref<256x128xf32, #tpu.memory_space<vmem>>, vector<16xf32>,
            %get3A_652 = arith.index_cast %add3A_616 : i32 to index
            %get3A_653 = arith.constant 80 : index
            %get3A_654 = tpu.vector_load %arg10[%get3A_652, %get3A_653] {strides = array<i32>} : memref<256x128xf32, #tpu.memory_space<vmem>>, vector<16xf32>,
            %mul3A_655 = arith.mulf %get3A_654, %broadcast_in_dim3A_612 : vector<16xf32>
            %swap3A_656 = arith.index_cast %add3A_616 : i32 to index
            %swap3A_657 = arith.constant 80 : index
            %swap3A_658 = tpu.vector_load %arg10[%swap3A_656, %swap3A_657] {strides = array<i32>} : memref<256x128xf32, #tpu.memory_space<vmem>>, vector<16xf32>,
            tpu.vector_store %arg10[%swap3A_656, %swap3A_657], %mul3A_655 {strides = array<i32>} : memref<256x128xf32, #tpu.memory_space<vmem>>, vector<16xf32>,
            %get3A_659 = arith.index_cast %add3A_616 : i32 to index
            %get3A_660 = arith.constant 96 : index
            %get3A_661 = tpu.vector_load %arg10[%get3A_659, %get3A_660] {strides = array<i32>} : memref<256x128xf32, #tpu.memory_space<vmem>>, vector<16xf32>,
            %mul3A_662 = arith.mulf %get3A_661, %broadcast_in_dim3A_612 : vector<16xf32>
            %swap3A_663 = arith.index_cast %add3A_616 : i32 to index
            %swap3A_664 = arith.constant 96 : index
            %swap3A_665 = tpu.vector_load %arg10[%swap3A_663, %swap3A_664] {strides = array<i32>} : memref<256x128xf32, #tpu.memory_space<vmem>>, vector<16xf32>,
            tpu.vector_store %arg10[%swap3A_663, %swap3A_664], %mul3A_662 {strides = array<i32>} : memref<256x128xf32, #tpu.memory_space<vmem>>, vector<16xf32>,
            %get3A_666 = arith.index_cast %add3A_616 : i32 to index
            %get3A_667 = arith.constant 112 : index
            %get3A_668 = tpu.vector_load %arg10[%get3A_666, %get3A_667] {strides = array<i32>} : memref<256x128xf32, #tpu.memory_space<vmem>>, vector<16xf32>,
            %mul3A_669 = arith.mulf %get3A_668, %broadcast_in_dim3A_612 : vector<16xf32>
            %swap3A_670 = arith.index_cast %add3A_616 : i32 to index
            %swap3A_671 = arith.constant 112 : index
            %swap3A_672 = tpu.vector_load %arg10[%swap3A_670, %swap3A_671] {strides = array<i32>} : memref<256x128xf32, #tpu.memory_space<vmem>>, vector<16xf32>,
            tpu.vector_store %arg10[%swap3A_670, %swap3A_671], %mul3A_669 {strides = array<i32>} : memref<256x128xf32, #tpu.memory_space<vmem>>, vector<16xf32>,
            %slice3A_673 = vector.extract_strided_slice %get3A_233 {offsets = [7], sizes = [1], strides = [1]} : vector<16xf32> to vector<1xf32>
            %squeeze3A_674 = vector.extract %slice3A_673[0] : f32 from vector<1xf32>
            %broadcast_in_dim3A_675 = vector.broadcast %squeeze3A_674 : f32 to vector<16xf32>
            %mul3A_676 = arith.constant 16 : i32
            %mul3A_677 = arith.muli %scan3A_228, %mul3A_676 : i32
            %add3A_678 = arith.constant 7 : i32
            %add3A_679 = arith.addi %mul3A_677, %add3A_678 : i32
            %get3A_680 = arith.index_cast %add3A_679 : i32 to index
            %get3A_681 = arith.constant 0 : index
            %get3A_682 = tpu.vector_load %arg10[%get3A_680, %get3A_681] {strides = array<i32>} : memref<256x128xf32, #tpu.memory_space<vmem>>, vector<16xf32>,
            %mul3A_683 = arith.mulf %get3A_682, %broadcast_in_dim3A_675 : vector<16xf32>
            %swap3A_684 = arith.index_cast %add3A_679 : i32 to index
            %swap3A_685 = arith.constant 0 : index
            %swap3A_686 = tpu.vector_load %arg10[%swap3A_684, %swap3A_685] {strides = array<i32>} : memref<256x128xf32, #tpu.memory_space<vmem>>, vector<16xf32>,
            tpu.vector_store %arg10[%swap3A_684, %swap3A_685], %mul3A_683 {strides = array<i32>} : memref<256x128xf32, #tpu.memory_space<vmem>>, vector<16xf32>,
            %get3A_687 = arith.index_cast %add3A_679 : i32 to index
            %get3A_688 = arith.constant 16 : index
            %get3A_689 = tpu.vector_load %arg10[%get3A_687, %get3A_688] {strides = array<i32>} : memref<256x128xf32, #tpu.memory_space<vmem>>, vector<16xf32>,
            %mul3A_690 = arith.mulf %get3A_689, %broadcast_in_dim3A_675 : vector<16xf32>
            %swap3A_691 = arith.index_cast %add3A_679 : i32 to index
            %swap3A_692 = arith.constant 16 : index
            %swap3A_693 = tpu.vector_load %arg10[%swap3A_691, %swap3A_692] {strides = array<i32>} : memref<256x128xf32, #tpu.memory_space<vmem>>, vector<16xf32>,
            tpu.vector_store %arg10[%swap3A_691, %swap3A_692], %mul3A_690 {strides = array<i32>} : memref<256x128xf32, #tpu.memory_space<vmem>>, vector<16xf32>,
            %get3A_694 = arith.index_cast %add3A_679 : i32 to index
            %get3A_695 = arith.constant 32 : index
            %get3A_696 = tpu.vector_load %arg10[%get3A_694, %get3A_695] {strides = array<i32>} : memref<256x128xf32, #tpu.memory_space<vmem>>, vector<16xf32>,
            %mul3A_697 = arith.mulf %get3A_696, %broadcast_in_dim3A_675 : vector<16xf32>
            %swap3A_698 = arith.index_cast %add3A_679 : i32 to index
            %swap3A_699 = arith.constant 32 : index
            %swap3A_700 = tpu.vector_load %arg10[%swap3A_698, %swap3A_699] {strides = array<i32>} : memref<256x128xf32, #tpu.memory_space<vmem>>, vector<16xf32>,
            tpu.vector_store %arg10[%swap3A_698, %swap3A_699], %mul3A_697 {strides = array<i32>} : memref<256x128xf32, #tpu.memory_space<vmem>>, vector<16xf32>,
            %get3A_701 = arith.index_cast %add3A_679 : i32 to index
            %get3A_702 = arith.constant 48 : index
            %get3A_703 = tpu.vector_load %arg10[%get3A_701, %get3A_702] {strides = array<i32>} : memref<256x128xf32, #tpu.memory_space<vmem>>, vector<16xf32>,
            %mul3A_704 = arith.mulf %get3A_703, %broadcast_in_dim3A_675 : vector<16xf32>
            %swap3A_705 = arith.index_cast %add3A_679 : i32 to index
            %swap3A_706 = arith.constant 48 : index
            %swap3A_707 = tpu.vector_load %arg10[%swap3A_705, %swap3A_706] {strides = array<i32>} : memref<256x128xf32, #tpu.memory_space<vmem>>, vector<16xf32>,
            tpu.vector_store %arg10[%swap3A_705, %swap3A_706], %mul3A_704 {strides = array<i32>} : memref<256x128xf32, #tpu.memory_space<vmem>>, vector<16xf32>,
            %get3A_708 = arith.index_cast %add3A_679 : i32 to index
            %get3A_709 = arith.constant 64 : index
            %get3A_710 = tpu.vector_load %arg10[%get3A_708, %get3A_709] {strides = array<i32>} : memref<256x128xf32, #tpu.memory_space<vmem>>, vector<16xf32>,
            %mul3A_711 = arith.mulf %get3A_710, %broadcast_in_dim3A_675 : vector<16xf32>
            %swap3A_712 = arith.index_cast %add3A_679 : i32 to index
            %swap3A_713 = arith.constant 64 : index
            %swap3A_714 = tpu.vector_load %arg10[%swap3A_712, %swap3A_713] {strides = array<i32>} : memref<256x128xf32, #tpu.memory_space<vmem>>, vector<16xf32>,
            tpu.vector_store %arg10[%swap3A_712, %swap3A_713], %mul3A_711 {strides = array<i32>} : memref<256x128xf32, #tpu.memory_space<vmem>>, vector<16xf32>,
            %get3A_715 = arith.index_cast %add3A_679 : i32 to index
            %get3A_716 = arith.constant 80 : index
            %get3A_717 = tpu.vector_load %arg10[%get3A_715, %get3A_716] {strides = array<i32>} : memref<256x128xf32, #tpu.memory_space<vmem>>, vector<16xf32>,
            %mul3A_718 = arith.mulf %get3A_717, %broadcast_in_dim3A_675 : vector<16xf32>
            %swap3A_719 = arith.index_cast %add3A_679 : i32 to index
            %swap3A_720 = arith.constant 80 : index
            %swap3A_721 = tpu.vector_load %arg10[%swap3A_719, %swap3A_720] {strides = array<i32>} : memref<256x128xf32, #tpu.memory_space<vmem>>, vector<16xf32>,
            tpu.vector_store %arg10[%swap3A_719, %swap3A_720], %mul3A_718 {strides = array<i32>} : memref<256x128xf32, #tpu.memory_space<vmem>>, vector<16xf32>,
            %get3A_722 = arith.index_cast %add3A_679 : i32 to index
            %get3A_723 = arith.constant 96 : index
            %get3A_724 = tpu.vector_load %arg10[%get3A_722, %get3A_723] {strides = array<i32>} : memref<256x128xf32, #tpu.memory_space<vmem>>, vector<16xf32>,
            %mul3A_725 = arith.mulf %get3A_724, %broadcast_in_dim3A_675 : vector<16xf32>
            %swap3A_726 = arith.index_cast %add3A_679 : i32 to index
            %swap3A_727 = arith.constant 96 : index
            %swap3A_728 = tpu.vector_load %arg10[%swap3A_726, %swap3A_727] {strides = array<i32>} : memref<256x128xf32, #tpu.memory_space<vmem>>, vector<16xf32>,
            tpu.vector_store %arg10[%swap3A_726, %swap3A_727], %mul3A_725 {strides = array<i32>} : memref<256x128xf32, #tpu.memory_space<vmem>>, vector<16xf32>,
            %get3A_729 = arith.index_cast %add3A_679 : i32 to index
            %get3A_730 = arith.constant 112 : index
            %get3A_731 = tpu.vector_load %arg10[%get3A_729, %get3A_730] {strides = array<i32>} : memref<256x128xf32, #tpu.memory_space<vmem>>, vector<16xf32>,
            %mul3A_732 = arith.mulf %get3A_731, %broadcast_in_dim3A_675 : vector<16xf32>
            %swap3A_733 = arith.index_cast %add3A_679 : i32 to index
            %swap3A_734 = arith.constant 112 : index
            %swap3A_735 = tpu.vector_load %arg10[%swap3A_733, %swap3A_734] {strides = array<i32>} : memref<256x128xf32, #tpu.memory_space<vmem>>, vector<16xf32>,
            tpu.vector_store %arg10[%swap3A_733, %swap3A_734], %mul3A_732 {strides = array<i32>} : memref<256x128xf32, #tpu.memory_space<vmem>>, vector<16xf32>,
            %slice3A_736 = vector.extract_strided_slice %get3A_233 {offsets = [8], sizes = [1], strides = [1]} : vector<16xf32> to vector<1xf32>
            %squeeze3A_737 = vector.extract %slice3A_736[0] : f32 from vector<1xf32>
            %broadcast_in_dim3A_738 = vector.broadcast %squeeze3A_737 : f32 to vector<16xf32>
            %mul3A_739 = arith.constant 16 : i32
            %mul3A_740 = arith.muli %scan3A_228, %mul3A_739 : i32
            %add3A_741 = arith.constant 8 : i32
            %add3A_742 = arith.addi %mul3A_740, %add3A_741 : i32
            %get3A_743 = arith.index_cast %add3A_742 : i32 to index
            %get3A_744 = arith.constant 0 : index
            %get3A_745 = tpu.vector_load %arg10[%get3A_743, %get3A_744] {strides = array<i32>} : memref<256x128xf32, #tpu.memory_space<vmem>>, vector<16xf32>,
            %mul3A_746 = arith.mulf %get3A_745, %broadcast_in_dim3A_738 : vector<16xf32>
            %swap3A_747 = arith.index_cast %add3A_742 : i32 to index
            %swap3A_748 = arith.constant 0 : index
            %swap3A_749 = tpu.vector_load %arg10[%swap3A_747, %swap3A_748] {strides = array<i32>} : memref<256x128xf32, #tpu.memory_space<vmem>>, vector<16xf32>,
            tpu.vector_store %arg10[%swap3A_747, %swap3A_748], %mul3A_746 {strides = array<i32>} : memref<256x128xf32, #tpu.memory_space<vmem>>, vector<16xf32>,
            %get3A_750 = arith.index_cast %add3A_742 : i32 to index
            %get3A_751 = arith.constant 16 : index
            %get3A_752 = tpu.vector_load %arg10[%get3A_750, %get3A_751] {strides = array<i32>} : memref<256x128xf32, #tpu.memory_space<vmem>>, vector<16xf32>,
            %mul3A_753 = arith.mulf %get3A_752, %broadcast_in_dim3A_738 : vector<16xf32>
            %swap3A_754 = arith.index_cast %add3A_742 : i32 to index
            %swap3A_755 = arith.constant 16 : index
            %swap3A_756 = tpu.vector_load %arg10[%swap3A_754, %swap3A_755] {strides = array<i32>} : memref<256x128xf32, #tpu.memory_space<vmem>>, vector<16xf32>,
            tpu.vector_store %arg10[%swap3A_754, %swap3A_755], %mul3A_753 {strides = array<i32>} : memref<256x128xf32, #tpu.memory_space<vmem>>, vector<16xf32>,
            %get3A_757 = arith.index_cast %add3A_742 : i32 to index
            %get3A_758 = arith.constant 32 : index
            %get3A_759 = tpu.vector_load %arg10[%get3A_757, %get3A_758] {strides = array<i32>} : memref<256x128xf32, #tpu.memory_space<vmem>>, vector<16xf32>,
            %mul3A_760 = arith.mulf %get3A_759, %broadcast_in_dim3A_738 : vector<16xf32>
            %swap3A_761 = arith.index_cast %add3A_742 : i32 to index
            %swap3A_762 = arith.constant 32 : index
            %swap3A_763 = tpu.vector_load %arg10[%swap3A_761, %swap3A_762] {strides = array<i32>} : memref<256x128xf32, #tpu.memory_space<vmem>>, vector<16xf32>,
            tpu.vector_store %arg10[%swap3A_761, %swap3A_762], %mul3A_760 {strides = array<i32>} : memref<256x128xf32, #tpu.memory_space<vmem>>, vector<16xf32>,
            %get3A_764 = arith.index_cast %add3A_742 : i32 to index
            %get3A_765 = arith.constant 48 : index
            %get3A_766 = tpu.vector_load %arg10[%get3A_764, %get3A_765] {strides = array<i32>} : memref<256x128xf32, #tpu.memory_space<vmem>>, vector<16xf32>,
            %mul3A_767 = arith.mulf %get3A_766, %broadcast_in_dim3A_738 : vector<16xf32>
            %swap3A_768 = arith.index_cast %add3A_742 : i32 to index
            %swap3A_769 = arith.constant 48 : index
            %swap3A_770 = tpu.vector_load %arg10[%swap3A_768, %swap3A_769] {strides = array<i32>} : memref<256x128xf32, #tpu.memory_space<vmem>>, vector<16xf32>,
            tpu.vector_store %arg10[%swap3A_768, %swap3A_769], %mul3A_767 {strides = array<i32>} : memref<256x128xf32, #tpu.memory_space<vmem>>, vector<16xf32>,
            %get3A_771 = arith.index_cast %add3A_742 : i32 to index
            %get3A_772 = arith.constant 64 : index
            %get3A_773 = tpu.vector_load %arg10[%get3A_771, %get3A_772] {strides = array<i32>} : memref<256x128xf32, #tpu.memory_space<vmem>>, vector<16xf32>,
            %mul3A_774 = arith.mulf %get3A_773, %broadcast_in_dim3A_738 : vector<16xf32>
            %swap3A_775 = arith.index_cast %add3A_742 : i32 to index
            %swap3A_776 = arith.constant 64 : index
            %swap3A_777 = tpu.vector_load %arg10[%swap3A_775, %swap3A_776] {strides = array<i32>} : memref<256x128xf32, #tpu.memory_space<vmem>>, vector<16xf32>,
            tpu.vector_store %arg10[%swap3A_775, %swap3A_776], %mul3A_774 {strides = array<i32>} : memref<256x128xf32, #tpu.memory_space<vmem>>, vector<16xf32>,
            %get3A_778 = arith.index_cast %add3A_742 : i32 to index
            %get3A_779 = arith.constant 80 : index
            %get3A_780 = tpu.vector_load %arg10[%get3A_778, %get3A_779] {strides = array<i32>} : memref<256x128xf32, #tpu.memory_space<vmem>>, vector<16xf32>,
            %mul3A_781 = arith.mulf %get3A_780, %broadcast_in_dim3A_738 : vector<16xf32>
            %swap3A_782 = arith.index_cast %add3A_742 : i32 to index
            %swap3A_783 = arith.constant 80 : index
            %swap3A_784 = tpu.vector_load %arg10[%swap3A_782, %swap3A_783] {strides = array<i32>} : memref<256x128xf32, #tpu.memory_space<vmem>>, vector<16xf32>,
            tpu.vector_store %arg10[%swap3A_782, %swap3A_783], %mul3A_781 {strides = array<i32>} : memref<256x128xf32, #tpu.memory_space<vmem>>, vector<16xf32>,
            %get3A_785 = arith.index_cast %add3A_742 : i32 to index
            %get3A_786 = arith.constant 96 : index
            %get3A_787 = tpu.vector_load %arg10[%get3A_785, %get3A_786] {strides = array<i32>} : memref<256x128xf32, #tpu.memory_space<vmem>>, vector<16xf32>,
            %mul3A_788 = arith.mulf %get3A_787, %broadcast_in_dim3A_738 : vector<16xf32>
            %swap3A_789 = arith.index_cast %add3A_742 : i32 to index
            %swap3A_790 = arith.constant 96 : index
            %swap3A_791 = tpu.vector_load %arg10[%swap3A_789, %swap3A_790] {strides = array<i32>} : memref<256x128xf32, #tpu.memory_space<vmem>>, vector<16xf32>,
            tpu.vector_store %arg10[%swap3A_789, %swap3A_790], %mul3A_788 {strides = array<i32>} : memref<256x128xf32, #tpu.memory_space<vmem>>, vector<16xf32>,
            %get3A_792 = arith.index_cast %add3A_742 : i32 to index
            %get3A_793 = arith.constant 112 : index
            %get3A_794 = tpu.vector_load %arg10[%get3A_792, %get3A_793] {strides = array<i32>} : memref<256x128xf32, #tpu.memory_space<vmem>>, vector<16xf32>,
            %mul3A_795 = arith.mulf %get3A_794, %broadcast_in_dim3A_738 : vector<16xf32>
            %swap3A_796 = arith.index_cast %add3A_742 : i32 to index
            %swap3A_797 = arith.constant 112 : index
            %swap3A_798 = tpu.vector_load %arg10[%swap3A_796, %swap3A_797] {strides = array<i32>} : memref<256x128xf32, #tpu.memory_space<vmem>>, vector<16xf32>,
            tpu.vector_store %arg10[%swap3A_796, %swap3A_797], %mul3A_795 {strides = array<i32>} : memref<256x128xf32, #tpu.memory_space<vmem>>, vector<16xf32>,
            %slice3A_799 = vector.extract_strided_slice %get3A_233 {offsets = [9], sizes = [1], strides = [1]} : vector<16xf32> to vector<1xf32>
            %squeeze3A_800 = vector.extract %slice3A_799[0] : f32 from vector<1xf32>
            %broadcast_in_dim3A_801 = vector.broadcast %squeeze3A_800 : f32 to vector<16xf32>
            %mul3A_802 = arith.constant 16 : i32
            %mul3A_803 = arith.muli %scan3A_228, %mul3A_802 : i32
            %add3A_804 = arith.constant 9 : i32
            %add3A_805 = arith.addi %mul3A_803, %add3A_804 : i32
            %get3A_806 = arith.index_cast %add3A_805 : i32 to index
            %get3A_807 = arith.constant 0 : index
            %get3A_808 = tpu.vector_load %arg10[%get3A_806, %get3A_807] {strides = array<i32>} : memref<256x128xf32, #tpu.memory_space<vmem>>, vector<16xf32>,
            %mul3A_809 = arith.mulf %get3A_808, %broadcast_in_dim3A_801 : vector<16xf32>
            %swap3A_810 = arith.index_cast %add3A_805 : i32 to index
            %swap3A_811 = arith.constant 0 : index
            %swap3A_812 = tpu.vector_load %arg10[%swap3A_810, %swap3A_811] {strides = array<i32>} : memref<256x128xf32, #tpu.memory_space<vmem>>, vector<16xf32>,
            tpu.vector_store %arg10[%swap3A_810, %swap3A_811], %mul3A_809 {strides = array<i32>} : memref<256x128xf32, #tpu.memory_space<vmem>>, vector<16xf32>,
            %get3A_813 = arith.index_cast %add3A_805 : i32 to index
            %get3A_814 = arith.constant 16 : index
            %get3A_815 = tpu.vector_load %arg10[%get3A_813, %get3A_814] {strides = array<i32>} : memref<256x128xf32, #tpu.memory_space<vmem>>, vector<16xf32>,
            %mul3A_816 = arith.mulf %get3A_815, %broadcast_in_dim3A_801 : vector<16xf32>
            %swap3A_817 = arith.index_cast %add3A_805 : i32 to index
            %swap3A_818 = arith.constant 16 : index
            %swap3A_819 = tpu.vector_load %arg10[%swap3A_817, %swap3A_818] {strides = array<i32>} : memref<256x128xf32, #tpu.memory_space<vmem>>, vector<16xf32>,
            tpu.vector_store %arg10[%swap3A_817, %swap3A_818], %mul3A_816 {strides = array<i32>} : memref<256x128xf32, #tpu.memory_space<vmem>>, vector<16xf32>,
            %get3A_820 = arith.index_cast %add3A_805 : i32 to index
            %get3A_821 = arith.constant 32 : index
            %get3A_822 = tpu.vector_load %arg10[%get3A_820, %get3A_821] {strides = array<i32>} : memref<256x128xf32, #tpu.memory_space<vmem>>, vector<16xf32>,
            %mul3A_823 = arith.mulf %get3A_822, %broadcast_in_dim3A_801 : vector<16xf32>
            %swap3A_824 = arith.index_cast %add3A_805 : i32 to index
            %swap3A_825 = arith.constant 32 : index
            %swap3A_826 = tpu.vector_load %arg10[%swap3A_824, %swap3A_825] {strides = array<i32>} : memref<256x128xf32, #tpu.memory_space<vmem>>, vector<16xf32>,
            tpu.vector_store %arg10[%swap3A_824, %swap3A_825], %mul3A_823 {strides = array<i32>} : memref<256x128xf32, #tpu.memory_space<vmem>>, vector<16xf32>,
            %get3A_827 = arith.index_cast %add3A_805 : i32 to index
            %get3A_828 = arith.constant 48 : index
            %get3A_829 = tpu.vector_load %arg10[%get3A_827, %get3A_828] {strides = array<i32>} : memref<256x128xf32, #tpu.memory_space<vmem>>, vector<16xf32>,
            %mul3A_830 = arith.mulf %get3A_829, %broadcast_in_dim3A_801 : vector<16xf32>
            %swap3A_831 = arith.index_cast %add3A_805 : i32 to index
            %swap3A_832 = arith.constant 48 : index
            %swap3A_833 = tpu.vector_load %arg10[%swap3A_831, %swap3A_832] {strides = array<i32>} : memref<256x128xf32, #tpu.memory_space<vmem>>, vector<16xf32>,
            tpu.vector_store %arg10[%swap3A_831, %swap3A_832], %mul3A_830 {strides = array<i32>} : memref<256x128xf32, #tpu.memory_space<vmem>>, vector<16xf32>,
            %get3A_834 = arith.index_cast %add3A_805 : i32 to index
            %get3A_835 = arith.constant 64 : index
            %get3A_836 = tpu.vector_load %arg10[%get3A_834, %get3A_835] {strides = array<i32>} : memref<256x128xf32, #tpu.memory_space<vmem>>, vector<16xf32>,
            %mul3A_837 = arith.mulf %get3A_836, %broadcast_in_dim3A_801 : vector<16xf32>
            %swap3A_838 = arith.index_cast %add3A_805 : i32 to index
            %swap3A_839 = arith.constant 64 : index
            %swap3A_840 = tpu.vector_load %arg10[%swap3A_838, %swap3A_839] {strides = array<i32>} : memref<256x128xf32, #tpu.memory_space<vmem>>, vector<16xf32>,
            tpu.vector_store %arg10[%swap3A_838, %swap3A_839], %mul3A_837 {strides = array<i32>} : memref<256x128xf32, #tpu.memory_space<vmem>>, vector<16xf32>,
            %get3A_841 = arith.index_cast %add3A_805 : i32 to index
            %get3A_842 = arith.constant 80 : index
            %get3A_843 = tpu.vector_load %arg10[%get3A_841, %get3A_842] {strides = array<i32>} : memref<256x128xf32, #tpu.memory_space<vmem>>, vector<16xf32>,
            %mul3A_844 = arith.mulf %get3A_843, %broadcast_in_dim3A_801 : vector<16xf32>
            %swap3A_845 = arith.index_cast %add3A_805 : i32 to index
            %swap3A_846 = arith.constant 80 : index
            %swap3A_847 = tpu.vector_load %arg10[%swap3A_845, %swap3A_846] {strides = array<i32>} : memref<256x128xf32, #tpu.memory_space<vmem>>, vector<16xf32>,
            tpu.vector_store %arg10[%swap3A_845, %swap3A_846], %mul3A_844 {strides = array<i32>} : memref<256x128xf32, #tpu.memory_space<vmem>>, vector<16xf32>,
            %get3A_848 = arith.index_cast %add3A_805 : i32 to index
            %get3A_849 = arith.constant 96 : index
            %get3A_850 = tpu.vector_load %arg10[%get3A_848, %get3A_849] {strides = array<i32>} : memref<256x128xf32, #tpu.memory_space<vmem>>, vector<16xf32>,
            %mul3A_851 = arith.mulf %get3A_850, %broadcast_in_dim3A_801 : vector<16xf32>
            %swap3A_852 = arith.index_cast %add3A_805 : i32 to index
            %swap3A_853 = arith.constant 96 : index
            %swap3A_854 = tpu.vector_load %arg10[%swap3A_852, %swap3A_853] {strides = array<i32>} : memref<256x128xf32, #tpu.memory_space<vmem>>, vector<16xf32>,
            tpu.vector_store %arg10[%swap3A_852, %swap3A_853], %mul3A_851 {strides = array<i32>} : memref<256x128xf32, #tpu.memory_space<vmem>>, vector<16xf32>,
            %get3A_855 = arith.index_cast %add3A_805 : i32 to index
            %get3A_856 = arith.constant 112 : index
            %get3A_857 = tpu.vector_load %arg10[%get3A_855, %get3A_856] {strides = array<i32>} : memref<256x128xf32, #tpu.memory_space<vmem>>, vector<16xf32>,
            %mul3A_858 = arith.mulf %get3A_857, %broadcast_in_dim3A_801 : vector<16xf32>
            %swap3A_859 = arith.index_cast %add3A_805 : i32 to index
            %swap3A_860 = arith.constant 112 : index
            %swap3A_861 = tpu.vector_load %arg10[%swap3A_859, %swap3A_860] {strides = array<i32>} : memref<256x128xf32, #tpu.memory_space<vmem>>, vector<16xf32>,
            tpu.vector_store %arg10[%swap3A_859, %swap3A_860], %mul3A_858 {strides = array<i32>} : memref<256x128xf32, #tpu.memory_space<vmem>>, vector<16xf32>,
            %slice3A_862 = vector.extract_strided_slice %get3A_233 {offsets = [10], sizes = [1], strides = [1]} : vector<16xf32> to vector<1xf32>
            %squeeze3A_863 = vector.extract %slice3A_862[0] : f32 from vector<1xf32>
            %broadcast_in_dim3A_864 = vector.broadcast %squeeze3A_863 : f32 to vector<16xf32>
            %mul3A_865 = arith.constant 16 : i32
            %mul3A_866 = arith.muli %scan3A_228, %mul3A_865 : i32
            %add3A_867 = arith.constant 10 : i32
            %add3A_868 = arith.addi %mul3A_866, %add3A_867 : i32
            %get3A_869 = arith.index_cast %add3A_868 : i32 to index
            %get3A_870 = arith.constant 0 : index
            %get3A_871 = tpu.vector_load %arg10[%get3A_869, %get3A_870] {strides = array<i32>} : memref<256x128xf32, #tpu.memory_space<vmem>>, vector<16xf32>,
            %mul3A_872 = arith.mulf %get3A_871, %broadcast_in_dim3A_864 : vector<16xf32>
            %swap3A_873 = arith.index_cast %add3A_868 : i32 to index
            %swap3A_874 = arith.constant 0 : index
            %swap3A_875 = tpu.vector_load %arg10[%swap3A_873, %swap3A_874] {strides = array<i32>} : memref<256x128xf32, #tpu.memory_space<vmem>>, vector<16xf32>,
            tpu.vector_store %arg10[%swap3A_873, %swap3A_874], %mul3A_872 {strides = array<i32>} : memref<256x128xf32, #tpu.memory_space<vmem>>, vector<16xf32>,
            %get3A_876 = arith.index_cast %add3A_868 : i32 to index
            %get3A_877 = arith.constant 16 : index
            %get3A_878 = tpu.vector_load %arg10[%get3A_876, %get3A_877] {strides = array<i32>} : memref<256x128xf32, #tpu.memory_space<vmem>>, vector<16xf32>,
            %mul3A_879 = arith.mulf %get3A_878, %broadcast_in_dim3A_864 : vector<16xf32>
            %swap3A_880 = arith.index_cast %add3A_868 : i32 to index
            %swap3A_881 = arith.constant 16 : index
            %swap3A_882 = tpu.vector_load %arg10[%swap3A_880, %swap3A_881] {strides = array<i32>} : memref<256x128xf32, #tpu.memory_space<vmem>>, vector<16xf32>,
            tpu.vector_store %arg10[%swap3A_880, %swap3A_881], %mul3A_879 {strides = array<i32>} : memref<256x128xf32, #tpu.memory_space<vmem>>, vector<16xf32>,
            %get3A_883 = arith.index_cast %add3A_868 : i32 to index
            %get3A_884 = arith.constant 32 : index
            %get3A_885 = tpu.vector_load %arg10[%get3A_883, %get3A_884] {strides = array<i32>} : memref<256x128xf32, #tpu.memory_space<vmem>>, vector<16xf32>,
            %mul3A_886 = arith.mulf %get3A_885, %broadcast_in_dim3A_864 : vector<16xf32>
            %swap3A_887 = arith.index_cast %add3A_868 : i32 to index
            %swap3A_888 = arith.constant 32 : index
            %swap3A_889 = tpu.vector_load %arg10[%swap3A_887, %swap3A_888] {strides = array<i32>} : memref<256x128xf32, #tpu.memory_space<vmem>>, vector<16xf32>,
            tpu.vector_store %arg10[%swap3A_887, %swap3A_888], %mul3A_886 {strides = array<i32>} : memref<256x128xf32, #tpu.memory_space<vmem>>, vector<16xf32>,
            %get3A_890 = arith.index_cast %add3A_868 : i32 to index
            %get3A_891 = arith.constant 48 : index
            %get3A_892 = tpu.vector_load %arg10[%get3A_890, %get3A_891] {strides = array<i32>} : memref<256x128xf32, #tpu.memory_space<vmem>>, vector<16xf32>,
            %mul3A_893 = arith.mulf %get3A_892, %broadcast_in_dim3A_864 : vector<16xf32>
            %swap3A_894 = arith.index_cast %add3A_868 : i32 to index
            %swap3A_895 = arith.constant 48 : index
            %swap3A_896 = tpu.vector_load %arg10[%swap3A_894, %swap3A_895] {strides = array<i32>} : memref<256x128xf32, #tpu.memory_space<vmem>>, vector<16xf32>,
            tpu.vector_store %arg10[%swap3A_894, %swap3A_895], %mul3A_893 {strides = array<i32>} : memref<256x128xf32, #tpu.memory_space<vmem>>, vector<16xf32>,
            %get3A_897 = arith.index_cast %add3A_868 : i32 to index
            %get3A_898 = arith.constant 64 : index
            %get3A_899 = tpu.vector_load %arg10[%get3A_897, %get3A_898] {strides = array<i32>} : memref<256x128xf32, #tpu.memory_space<vmem>>, vector<16xf32>,
            %mul3A_900 = arith.mulf %get3A_899, %broadcast_in_dim3A_864 : vector<16xf32>
            %swap3A_901 = arith.index_cast %add3A_868 : i32 to index
            %swap3A_902 = arith.constant 64 : index
            %swap3A_903 = tpu.vector_load %arg10[%swap3A_901, %swap3A_902] {strides = array<i32>} : memref<256x128xf32, #tpu.memory_space<vmem>>, vector<16xf32>,
            tpu.vector_store %arg10[%swap3A_901, %swap3A_902], %mul3A_900 {strides = array<i32>} : memref<256x128xf32, #tpu.memory_space<vmem>>, vector<16xf32>,
            %get3A_904 = arith.index_cast %add3A_868 : i32 to index
            %get3A_905 = arith.constant 80 : index
            %get3A_906 = tpu.vector_load %arg10[%get3A_904, %get3A_905] {strides = array<i32>} : memref<256x128xf32, #tpu.memory_space<vmem>>, vector<16xf32>,
            %mul3A_907 = arith.mulf %get3A_906, %broadcast_in_dim3A_864 : vector<16xf32>
            %swap3A_908 = arith.index_cast %add3A_868 : i32 to index
            %swap3A_909 = arith.constant 80 : index
            %swap3A_910 = tpu.vector_load %arg10[%swap3A_908, %swap3A_909] {strides = array<i32>} : memref<256x128xf32, #tpu.memory_space<vmem>>, vector<16xf32>,
            tpu.vector_store %arg10[%swap3A_908, %swap3A_909], %mul3A_907 {strides = array<i32>} : memref<256x128xf32, #tpu.memory_space<vmem>>, vector<16xf32>,
            %get3A_911 = arith.index_cast %add3A_868 : i32 to index
            %get3A_912 = arith.constant 96 : index
            %get3A_913 = tpu.vector_load %arg10[%get3A_911, %get3A_912] {strides = array<i32>} : memref<256x128xf32, #tpu.memory_space<vmem>>, vector<16xf32>,
            %mul3A_914 = arith.mulf %get3A_913, %broadcast_in_dim3A_864 : vector<16xf32>
            %swap3A_915 = arith.index_cast %add3A_868 : i32 to index
            %swap3A_916 = arith.constant 96 : index
            %swap3A_917 = tpu.vector_load %arg10[%swap3A_915, %swap3A_916] {strides = array<i32>} : memref<256x128xf32, #tpu.memory_space<vmem>>, vector<16xf32>,
            tpu.vector_store %arg10[%swap3A_915, %swap3A_916], %mul3A_914 {strides = array<i32>} : memref<256x128xf32, #tpu.memory_space<vmem>>, vector<16xf32>,
            %get3A_918 = arith.index_cast %add3A_868 : i32 to index
            %get3A_919 = arith.constant 112 : index
            %get3A_920 = tpu.vector_load %arg10[%get3A_918, %get3A_919] {strides = array<i32>} : memref<256x128xf32, #tpu.memory_space<vmem>>, vector<16xf32>,
            %mul3A_921 = arith.mulf %get3A_920, %broadcast_in_dim3A_864 : vector<16xf32>
            %swap3A_922 = arith.index_cast %add3A_868 : i32 to index
            %swap3A_923 = arith.constant 112 : index
            %swap3A_924 = tpu.vector_load %arg10[%swap3A_922, %swap3A_923] {strides = array<i32>} : memref<256x128xf32, #tpu.memory_space<vmem>>, vector<16xf32>,
            tpu.vector_store %arg10[%swap3A_922, %swap3A_923], %mul3A_921 {strides = array<i32>} : memref<256x128xf32, #tpu.memory_space<vmem>>, vector<16xf32>,
            %slice3A_925 = vector.extract_strided_slice %get3A_233 {offsets = [11], sizes = [1], strides = [1]} : vector<16xf32> to vector<1xf32>
            %squeeze3A_926 = vector.extract %slice3A_925[0] : f32 from vector<1xf32>
            %broadcast_in_dim3A_927 = vector.broadcast %squeeze3A_926 : f32 to vector<16xf32>
            %mul3A_928 = arith.constant 16 : i32
            %mul3A_929 = arith.muli %scan3A_228, %mul3A_928 : i32
            %add3A_930 = arith.constant 11 : i32
            %add3A_931 = arith.addi %mul3A_929, %add3A_930 : i32
            %get3A_932 = arith.index_cast %add3A_931 : i32 to index
            %get3A_933 = arith.constant 0 : index
            %get3A_934 = tpu.vector_load %arg10[%get3A_932, %get3A_933] {strides = array<i32>} : memref<256x128xf32, #tpu.memory_space<vmem>>, vector<16xf32>,
            %mul3A_935 = arith.mulf %get3A_934, %broadcast_in_dim3A_927 : vector<16xf32>
            %swap3A_936 = arith.index_cast %add3A_931 : i32 to index
            %swap3A_937 = arith.constant 0 : index
            %swap3A_938 = tpu.vector_load %arg10[%swap3A_936, %swap3A_937] {strides = array<i32>} : memref<256x128xf32, #tpu.memory_space<vmem>>, vector<16xf32>,
            tpu.vector_store %arg10[%swap3A_936, %swap3A_937], %mul3A_935 {strides = array<i32>} : memref<256x128xf32, #tpu.memory_space<vmem>>, vector<16xf32>,
            %get3A_939 = arith.index_cast %add3A_931 : i32 to index
            %get3A_940 = arith.constant 16 : index
            %get3A_941 = tpu.vector_load %arg10[%get3A_939, %get3A_940] {strides = array<i32>} : memref<256x128xf32, #tpu.memory_space<vmem>>, vector<16xf32>,
            %mul3A_942 = arith.mulf %get3A_941, %broadcast_in_dim3A_927 : vector<16xf32>
            %swap3A_943 = arith.index_cast %add3A_931 : i32 to index
            %swap3A_944 = arith.constant 16 : index
            %swap3A_945 = tpu.vector_load %arg10[%swap3A_943, %swap3A_944] {strides = array<i32>} : memref<256x128xf32, #tpu.memory_space<vmem>>, vector<16xf32>,
            tpu.vector_store %arg10[%swap3A_943, %swap3A_944], %mul3A_942 {strides = array<i32>} : memref<256x128xf32, #tpu.memory_space<vmem>>, vector<16xf32>,
            %get3A_946 = arith.index_cast %add3A_931 : i32 to index
            %get3A_947 = arith.constant 32 : index
            %get3A_948 = tpu.vector_load %arg10[%get3A_946, %get3A_947] {strides = array<i32>} : memref<256x128xf32, #tpu.memory_space<vmem>>, vector<16xf32>,
            %mul3A_949 = arith.mulf %get3A_948, %broadcast_in_dim3A_927 : vector<16xf32>
            %swap3A_950 = arith.index_cast %add3A_931 : i32 to index
            %swap3A_951 = arith.constant 32 : index
            %swap3A_952 = tpu.vector_load %arg10[%swap3A_950, %swap3A_951] {strides = array<i32>} : memref<256x128xf32, #tpu.memory_space<vmem>>, vector<16xf32>,
            tpu.vector_store %arg10[%swap3A_950, %swap3A_951], %mul3A_949 {strides = array<i32>} : memref<256x128xf32, #tpu.memory_space<vmem>>, vector<16xf32>,
            %get3A_953 = arith.index_cast %add3A_931 : i32 to index
            %get3A_954 = arith.constant 48 : index
            %get3A_955 = tpu.vector_load %arg10[%get3A_953, %get3A_954] {strides = array<i32>} : memref<256x128xf32, #tpu.memory_space<vmem>>, vector<16xf32>,
            %mul3A_956 = arith.mulf %get3A_955, %broadcast_in_dim3A_927 : vector<16xf32>
            %swap3A_957 = arith.index_cast %add3A_931 : i32 to index
            %swap3A_958 = arith.constant 48 : index
            %swap3A_959 = tpu.vector_load %arg10[%swap3A_957, %swap3A_958] {strides = array<i32>} : memref<256x128xf32, #tpu.memory_space<vmem>>, vector<16xf32>,
            tpu.vector_store %arg10[%swap3A_957, %swap3A_958], %mul3A_956 {strides = array<i32>} : memref<256x128xf32, #tpu.memory_space<vmem>>, vector<16xf32>,
            %get3A_960 = arith.index_cast %add3A_931 : i32 to index
            %get3A_961 = arith.constant 64 : index
            %get3A_962 = tpu.vector_load %arg10[%get3A_960, %get3A_961] {strides = array<i32>} : memref<256x128xf32, #tpu.memory_space<vmem>>, vector<16xf32>,
            %mul3A_963 = arith.mulf %get3A_962, %broadcast_in_dim3A_927 : vector<16xf32>
            %swap3A_964 = arith.index_cast %add3A_931 : i32 to index
            %swap3A_965 = arith.constant 64 : index
            %swap3A_966 = tpu.vector_load %arg10[%swap3A_964, %swap3A_965] {strides = array<i32>} : memref<256x128xf32, #tpu.memory_space<vmem>>, vector<16xf32>,
            tpu.vector_store %arg10[%swap3A_964, %swap3A_965], %mul3A_963 {strides = array<i32>} : memref<256x128xf32, #tpu.memory_space<vmem>>, vector<16xf32>,
            %get3A_967 = arith.index_cast %add3A_931 : i32 to index
            %get3A_968 = arith.constant 80 : index
            %get3A_969 = tpu.vector_load %arg10[%get3A_967, %get3A_968] {strides = array<i32>} : memref<256x128xf32, #tpu.memory_space<vmem>>, vector<16xf32>,
            %mul3A_970 = arith.mulf %get3A_969, %broadcast_in_dim3A_927 : vector<16xf32>
            %swap3A_971 = arith.index_cast %add3A_931 : i32 to index
            %swap3A_972 = arith.constant 80 : index
            %swap3A_973 = tpu.vector_load %arg10[%swap3A_971, %swap3A_972] {strides = array<i32>} : memref<256x128xf32, #tpu.memory_space<vmem>>, vector<16xf32>,
            tpu.vector_store %arg10[%swap3A_971, %swap3A_972], %mul3A_970 {strides = array<i32>} : memref<256x128xf32, #tpu.memory_space<vmem>>, vector<16xf32>,
            %get3A_974 = arith.index_cast %add3A_931 : i32 to index
            %get3A_975 = arith.constant 96 : index
            %get3A_976 = tpu.vector_load %arg10[%get3A_974, %get3A_975] {strides = array<i32>} : memref<256x128xf32, #tpu.memory_space<vmem>>, vector<16xf32>,
            %mul3A_977 = arith.mulf %get3A_976, %broadcast_in_dim3A_927 : vector<16xf32>
            %swap3A_978 = arith.index_cast %add3A_931 : i32 to index
            %swap3A_979 = arith.constant 96 : index
            %swap3A_980 = tpu.vector_load %arg10[%swap3A_978, %swap3A_979] {strides = array<i32>} : memref<256x128xf32, #tpu.memory_space<vmem>>, vector<16xf32>,
            tpu.vector_store %arg10[%swap3A_978, %swap3A_979], %mul3A_977 {strides = array<i32>} : memref<256x128xf32, #tpu.memory_space<vmem>>, vector<16xf32>,
            %get3A_981 = arith.index_cast %add3A_931 : i32 to index
            %get3A_982 = arith.constant 112 : index
            %get3A_983 = tpu.vector_load %arg10[%get3A_981, %get3A_982] {strides = array<i32>} : memref<256x128xf32, #tpu.memory_space<vmem>>, vector<16xf32>,
            %mul3A_984 = arith.mulf %get3A_983, %broadcast_in_dim3A_927 : vector<16xf32>
            %swap3A_985 = arith.index_cast %add3A_931 : i32 to index
            %swap3A_986 = arith.constant 112 : index
            %swap3A_987 = tpu.vector_load %arg10[%swap3A_985, %swap3A_986] {strides = array<i32>} : memref<256x128xf32, #tpu.memory_space<vmem>>, vector<16xf32>,
            tpu.vector_store %arg10[%swap3A_985, %swap3A_986], %mul3A_984 {strides = array<i32>} : memref<256x128xf32, #tpu.memory_space<vmem>>, vector<16xf32>,
            %slice3A_988 = vector.extract_strided_slice %get3A_233 {offsets = [12], sizes = [1], strides = [1]} : vector<16xf32> to vector<1xf32>
            %squeeze3A_989 = vector.extract %slice3A_988[0] : f32 from vector<1xf32>
            %broadcast_in_dim3A_990 = vector.broadcast %squeeze3A_989 : f32 to vector<16xf32>
            %mul3A_991 = arith.constant 16 : i32
            %mul3A_992 = arith.muli %scan3A_228, %mul3A_991 : i32
            %add3A_993 = arith.constant 12 : i32
            %add3A_994 = arith.addi %mul3A_992, %add3A_993 : i32
            %get3A_995 = arith.index_cast %add3A_994 : i32 to index
            %get3A_996 = arith.constant 0 : index
            %get3A_997 = tpu.vector_load %arg10[%get3A_995, %get3A_996] {strides = array<i32>} : memref<256x128xf32, #tpu.memory_space<vmem>>, vector<16xf32>,
            %mul3A_998 = arith.mulf %get3A_997, %broadcast_in_dim3A_990 : vector<16xf32>
            %swap3A_999 = arith.index_cast %add3A_994 : i32 to index
            %swap3A_1000 = arith.constant 0 : index
            %swap3A_1001 = tpu.vector_load %arg10[%swap3A_999, %swap3A_1000] {strides = array<i32>} : memref<256x128xf32, #tpu.memory_space<vmem>>, vector<16xf32>,
            tpu.vector_store %arg10[%swap3A_999, %swap3A_1000], %mul3A_998 {strides = array<i32>} : memref<256x128xf32, #tpu.memory_space<vmem>>, vector<16xf32>,
            %get3A_1002 = arith.index_cast %add3A_994 : i32 to index
            %get3A_1003 = arith.constant 16 : index
            %get3A_1004 = tpu.vector_load %arg10[%get3A_1002, %get3A_1003] {strides = array<i32>} : memref<256x128xf32, #tpu.memory_space<vmem>>, vector<16xf32>,
            %mul3A_1005 = arith.mulf %get3A_1004, %broadcast_in_dim3A_990 : vector<16xf32>
            %swap3A_1006 = arith.index_cast %add3A_994 : i32 to index
            %swap3A_1007 = arith.constant 16 : index
            %swap3A_1008 = tpu.vector_load %arg10[%swap3A_1006, %swap3A_1007] {strides = array<i32>} : memref<256x128xf32, #tpu.memory_space<vmem>>, vector<16xf32>,
            tpu.vector_store %arg10[%swap3A_1006, %swap3A_1007], %mul3A_1005 {strides = array<i32>} : memref<256x128xf32, #tpu.memory_space<vmem>>, vector<16xf32>,
            %get3A_1009 = arith.index_cast %add3A_994 : i32 to index
            %get3A_1010 = arith.constant 32 : index
            %get3A_1011 = tpu.vector_load %arg10[%get3A_1009, %get3A_1010] {strides = array<i32>} : memref<256x128xf32, #tpu.memory_space<vmem>>, vector<16xf32>,
            %mul3A_1012 = arith.mulf %get3A_1011, %broadcast_in_dim3A_990 : vector<16xf32>
            %swap3A_1013 = arith.index_cast %add3A_994 : i32 to index
            %swap3A_1014 = arith.constant 32 : index
            %swap3A_1015 = tpu.vector_load %arg10[%swap3A_1013, %swap3A_1014] {strides = array<i32>} : memref<256x128xf32, #tpu.memory_space<vmem>>, vector<16xf32>,
            tpu.vector_store %arg10[%swap3A_1013, %swap3A_1014], %mul3A_1012 {strides = array<i32>} : memref<256x128xf32, #tpu.memory_space<vmem>>, vector<16xf32>,
            %get3A_1016 = arith.index_cast %add3A_994 : i32 to index
            %get3A_1017 = arith.constant 48 : index
            %get3A_1018 = tpu.vector_load %arg10[%get3A_1016, %get3A_1017] {strides = array<i32>} : memref<256x128xf32, #tpu.memory_space<vmem>>, vector<16xf32>,
            %mul3A_1019 = arith.mulf %get3A_1018, %broadcast_in_dim3A_990 : vector<16xf32>
            %swap3A_1020 = arith.index_cast %add3A_994 : i32 to index
            %swap3A_1021 = arith.constant 48 : index
            %swap3A_1022 = tpu.vector_load %arg10[%swap3A_1020, %swap3A_1021] {strides = array<i32>} : memref<256x128xf32, #tpu.memory_space<vmem>>, vector<16xf32>,
            tpu.vector_store %arg10[%swap3A_1020, %swap3A_1021], %mul3A_1019 {strides = array<i32>} : memref<256x128xf32, #tpu.memory_space<vmem>>, vector<16xf32>,
            %get3A_1023 = arith.index_cast %add3A_994 : i32 to index
            %get3A_1024 = arith.constant 64 : index
            %get3A_1025 = tpu.vector_load %arg10[%get3A_1023, %get3A_1024] {strides = array<i32>} : memref<256x128xf32, #tpu.memory_space<vmem>>, vector<16xf32>,
            %mul3A_1026 = arith.mulf %get3A_1025, %broadcast_in_dim3A_990 : vector<16xf32>
            %swap3A_1027 = arith.index_cast %add3A_994 : i32 to index
            %swap3A_1028 = arith.constant 64 : index
            %swap3A_1029 = tpu.vector_load %arg10[%swap3A_1027, %swap3A_1028] {strides = array<i32>} : memref<256x128xf32, #tpu.memory_space<vmem>>, vector<16xf32>,
            tpu.vector_store %arg10[%swap3A_1027, %swap3A_1028], %mul3A_1026 {strides = array<i32>} : memref<256x128xf32, #tpu.memory_space<vmem>>, vector<16xf32>,
            %get3A_1030 = arith.index_cast %add3A_994 : i32 to index
            %get3A_1031 = arith.constant 80 : index
            %get3A_1032 = tpu.vector_load %arg10[%get3A_1030, %get3A_1031] {strides = array<i32>} : memref<256x128xf32, #tpu.memory_space<vmem>>, vector<16xf32>,
            %mul3A_1033 = arith.mulf %get3A_1032, %broadcast_in_dim3A_990 : vector<16xf32>
            %swap3A_1034 = arith.index_cast %add3A_994 : i32 to index
            %swap3A_1035 = arith.constant 80 : index
            %swap3A_1036 = tpu.vector_load %arg10[%swap3A_1034, %swap3A_1035] {strides = array<i32>} : memref<256x128xf32, #tpu.memory_space<vmem>>, vector<16xf32>,
            tpu.vector_store %arg10[%swap3A_1034, %swap3A_1035], %mul3A_1033 {strides = array<i32>} : memref<256x128xf32, #tpu.memory_space<vmem>>, vector<16xf32>,
            %get3A_1037 = arith.index_cast %add3A_994 : i32 to index
            %get3A_1038 = arith.constant 96 : index
            %get3A_1039 = tpu.vector_load %arg10[%get3A_1037, %get3A_1038] {strides = array<i32>} : memref<256x128xf32, #tpu.memory_space<vmem>>, vector<16xf32>,
            %mul3A_1040 = arith.mulf %get3A_1039, %broadcast_in_dim3A_990 : vector<16xf32>
            %swap3A_1041 = arith.index_cast %add3A_994 : i32 to index
            %swap3A_1042 = arith.constant 96 : index
            %swap3A_1043 = tpu.vector_load %arg10[%swap3A_1041, %swap3A_1042] {strides = array<i32>} : memref<256x128xf32, #tpu.memory_space<vmem>>, vector<16xf32>,
            tpu.vector_store %arg10[%swap3A_1041, %swap3A_1042], %mul3A_1040 {strides = array<i32>} : memref<256x128xf32, #tpu.memory_space<vmem>>, vector<16xf32>,
            %get3A_1044 = arith.index_cast %add3A_994 : i32 to index
            %get3A_1045 = arith.constant 112 : index
            %get3A_1046 = tpu.vector_load %arg10[%get3A_1044, %get3A_1045] {strides = array<i32>} : memref<256x128xf32, #tpu.memory_space<vmem>>, vector<16xf32>,
            %mul3A_1047 = arith.mulf %get3A_1046, %broadcast_in_dim3A_990 : vector<16xf32>
            %swap3A_1048 = arith.index_cast %add3A_994 : i32 to index
            %swap3A_1049 = arith.constant 112 : index
            %swap3A_1050 = tpu.vector_load %arg10[%swap3A_1048, %swap3A_1049] {strides = array<i32>} : memref<256x128xf32, #tpu.memory_space<vmem>>, vector<16xf32>,
            tpu.vector_store %arg10[%swap3A_1048, %swap3A_1049], %mul3A_1047 {strides = array<i32>} : memref<256x128xf32, #tpu.memory_space<vmem>>, vector<16xf32>,
            %slice3A_1051 = vector.extract_strided_slice %get3A_233 {offsets = [13], sizes = [1], strides = [1]} : vector<16xf32> to vector<1xf32>
            %squeeze3A_1052 = vector.extract %slice3A_1051[0] : f32 from vector<1xf32>
            %broadcast_in_dim3A_1053 = vector.broadcast %squeeze3A_1052 : f32 to vector<16xf32>
            %mul3A_1054 = arith.constant 16 : i32
            %mul3A_1055 = arith.muli %scan3A_228, %mul3A_1054 : i32
            %add3A_1056 = arith.constant 13 : i32
            %add3A_1057 = arith.addi %mul3A_1055, %add3A_1056 : i32
            %get3A_1058 = arith.index_cast %add3A_1057 : i32 to index
            %get3A_1059 = arith.constant 0 : index
            %get3A_1060 = tpu.vector_load %arg10[%get3A_1058, %get3A_1059] {strides = array<i32>} : memref<256x128xf32, #tpu.memory_space<vmem>>, vector<16xf32>,
            %mul3A_1061 = arith.mulf %get3A_1060, %broadcast_in_dim3A_1053 : vector<16xf32>
            %swap3A_1062 = arith.index_cast %add3A_1057 : i32 to index
            %swap3A_1063 = arith.constant 0 : index
            %swap3A_1064 = tpu.vector_load %arg10[%swap3A_1062, %swap3A_1063] {strides = array<i32>} : memref<256x128xf32, #tpu.memory_space<vmem>>, vector<16xf32>,
            tpu.vector_store %arg10[%swap3A_1062, %swap3A_1063], %mul3A_1061 {strides = array<i32>} : memref<256x128xf32, #tpu.memory_space<vmem>>, vector<16xf32>,
            %get3A_1065 = arith.index_cast %add3A_1057 : i32 to index
            %get3A_1066 = arith.constant 16 : index
            %get3A_1067 = tpu.vector_load %arg10[%get3A_1065, %get3A_1066] {strides = array<i32>} : memref<256x128xf32, #tpu.memory_space<vmem>>, vector<16xf32>,
            %mul3A_1068 = arith.mulf %get3A_1067, %broadcast_in_dim3A_1053 : vector<16xf32>
            %swap3A_1069 = arith.index_cast %add3A_1057 : i32 to index
            %swap3A_1070 = arith.constant 16 : index
            %swap3A_1071 = tpu.vector_load %arg10[%swap3A_1069, %swap3A_1070] {strides = array<i32>} : memref<256x128xf32, #tpu.memory_space<vmem>>, vector<16xf32>,
            tpu.vector_store %arg10[%swap3A_1069, %swap3A_1070], %mul3A_1068 {strides = array<i32>} : memref<256x128xf32, #tpu.memory_space<vmem>>, vector<16xf32>,
            %get3A_1072 = arith.index_cast %add3A_1057 : i32 to index
            %get3A_1073 = arith.constant 32 : index
            %get3A_1074 = tpu.vector_load %arg10[%get3A_1072, %get3A_1073] {strides = array<i32>} : memref<256x128xf32, #tpu.memory_space<vmem>>, vector<16xf32>,
            %mul3A_1075 = arith.mulf %get3A_1074, %broadcast_in_dim3A_1053 : vector<16xf32>
            %swap3A_1076 = arith.index_cast %add3A_1057 : i32 to index
            %swap3A_1077 = arith.constant 32 : index
            %swap3A_1078 = tpu.vector_load %arg10[%swap3A_1076, %swap3A_1077] {strides = array<i32>} : memref<256x128xf32, #tpu.memory_space<vmem>>, vector<16xf32>,
            tpu.vector_store %arg10[%swap3A_1076, %swap3A_1077], %mul3A_1075 {strides = array<i32>} : memref<256x128xf32, #tpu.memory_space<vmem>>, vector<16xf32>,
            %get3A_1079 = arith.index_cast %add3A_1057 : i32 to index
            %get3A_1080 = arith.constant 48 : index
            %get3A_1081 = tpu.vector_load %arg10[%get3A_1079, %get3A_1080] {strides = array<i32>} : memref<256x128xf32, #tpu.memory_space<vmem>>, vector<16xf32>,
            %mul3A_1082 = arith.mulf %get3A_1081, %broadcast_in_dim3A_1053 : vector<16xf32>
            %swap3A_1083 = arith.index_cast %add3A_1057 : i32 to index
            %swap3A_1084 = arith.constant 48 : index
            %swap3A_1085 = tpu.vector_load %arg10[%swap3A_1083, %swap3A_1084] {strides = array<i32>} : memref<256x128xf32, #tpu.memory_space<vmem>>, vector<16xf32>,
            tpu.vector_store %arg10[%swap3A_1083, %swap3A_1084], %mul3A_1082 {strides = array<i32>} : memref<256x128xf32, #tpu.memory_space<vmem>>, vector<16xf32>,
            %get3A_1086 = arith.index_cast %add3A_1057 : i32 to index
            %get3A_1087 = arith.constant 64 : index
            %get3A_1088 = tpu.vector_load %arg10[%get3A_1086, %get3A_1087] {strides = array<i32>} : memref<256x128xf32, #tpu.memory_space<vmem>>, vector<16xf32>,
            %mul3A_1089 = arith.mulf %get3A_1088, %broadcast_in_dim3A_1053 : vector<16xf32>
            %swap3A_1090 = arith.index_cast %add3A_1057 : i32 to index
            %swap3A_1091 = arith.constant 64 : index
            %swap3A_1092 = tpu.vector_load %arg10[%swap3A_1090, %swap3A_1091] {strides = array<i32>} : memref<256x128xf32, #tpu.memory_space<vmem>>, vector<16xf32>,
            tpu.vector_store %arg10[%swap3A_1090, %swap3A_1091], %mul3A_1089 {strides = array<i32>} : memref<256x128xf32, #tpu.memory_space<vmem>>, vector<16xf32>,
            %get3A_1093 = arith.index_cast %add3A_1057 : i32 to index
            %get3A_1094 = arith.constant 80 : index
            %get3A_1095 = tpu.vector_load %arg10[%get3A_1093, %get3A_1094] {strides = array<i32>} : memref<256x128xf32, #tpu.memory_space<vmem>>, vector<16xf32>,
            %mul3A_1096 = arith.mulf %get3A_1095, %broadcast_in_dim3A_1053 : vector<16xf32>
            %swap3A_1097 = arith.index_cast %add3A_1057 : i32 to index
            %swap3A_1098 = arith.constant 80 : index
            %swap3A_1099 = tpu.vector_load %arg10[%swap3A_1097, %swap3A_1098] {strides = array<i32>} : memref<256x128xf32, #tpu.memory_space<vmem>>, vector<16xf32>,
            tpu.vector_store %arg10[%swap3A_1097, %swap3A_1098], %mul3A_1096 {strides = array<i32>} : memref<256x128xf32, #tpu.memory_space<vmem>>, vector<16xf32>,
            %get3A_1100 = arith.index_cast %add3A_1057 : i32 to index
            %get3A_1101 = arith.constant 96 : index
            %get3A_1102 = tpu.vector_load %arg10[%get3A_1100, %get3A_1101] {strides = array<i32>} : memref<256x128xf32, #tpu.memory_space<vmem>>, vector<16xf32>,
            %mul3A_1103 = arith.mulf %get3A_1102, %broadcast_in_dim3A_1053 : vector<16xf32>
            %swap3A_1104 = arith.index_cast %add3A_1057 : i32 to index
            %swap3A_1105 = arith.constant 96 : index
            %swap3A_1106 = tpu.vector_load %arg10[%swap3A_1104, %swap3A_1105] {strides = array<i32>} : memref<256x128xf32, #tpu.memory_space<vmem>>, vector<16xf32>,
            tpu.vector_store %arg10[%swap3A_1104, %swap3A_1105], %mul3A_1103 {strides = array<i32>} : memref<256x128xf32, #tpu.memory_space<vmem>>, vector<16xf32>,
            %get3A_1107 = arith.index_cast %add3A_1057 : i32 to index
            %get3A_1108 = arith.constant 112 : index
            %get3A_1109 = tpu.vector_load %arg10[%get3A_1107, %get3A_1108] {strides = array<i32>} : memref<256x128xf32, #tpu.memory_space<vmem>>, vector<16xf32>,
            %mul3A_1110 = arith.mulf %get3A_1109, %broadcast_in_dim3A_1053 : vector<16xf32>
            %swap3A_1111 = arith.index_cast %add3A_1057 : i32 to index
            %swap3A_1112 = arith.constant 112 : index
            %swap3A_1113 = tpu.vector_load %arg10[%swap3A_1111, %swap3A_1112] {strides = array<i32>} : memref<256x128xf32, #tpu.memory_space<vmem>>, vector<16xf32>,
            tpu.vector_store %arg10[%swap3A_1111, %swap3A_1112], %mul3A_1110 {strides = array<i32>} : memref<256x128xf32, #tpu.memory_space<vmem>>, vector<16xf32>,
            %slice3A_1114 = vector.extract_strided_slice %get3A_233 {offsets = [14], sizes = [1], strides = [1]} : vector<16xf32> to vector<1xf32>
            %squeeze3A_1115 = vector.extract %slice3A_1114[0] : f32 from vector<1xf32>
            %broadcast_in_dim3A_1116 = vector.broadcast %squeeze3A_1115 : f32 to vector<16xf32>
            %mul3A_1117 = arith.constant 16 : i32
            %mul3A_1118 = arith.muli %scan3A_228, %mul3A_1117 : i32
            %add3A_1119 = arith.constant 14 : i32
            %add3A_1120 = arith.addi %mul3A_1118, %add3A_1119 : i32
            %get3A_1121 = arith.index_cast %add3A_1120 : i32 to index
            %get3A_1122 = arith.constant 0 : index
            %get3A_1123 = tpu.vector_load %arg10[%get3A_1121, %get3A_1122] {strides = array<i32>} : memref<256x128xf32, #tpu.memory_space<vmem>>, vector<16xf32>,
            %mul3A_1124 = arith.mulf %get3A_1123, %broadcast_in_dim3A_1116 : vector<16xf32>
            %swap3A_1125 = arith.index_cast %add3A_1120 : i32 to index
            %swap3A_1126 = arith.constant 0 : index
            %swap3A_1127 = tpu.vector_load %arg10[%swap3A_1125, %swap3A_1126] {strides = array<i32>} : memref<256x128xf32, #tpu.memory_space<vmem>>, vector<16xf32>,
            tpu.vector_store %arg10[%swap3A_1125, %swap3A_1126], %mul3A_1124 {strides = array<i32>} : memref<256x128xf32, #tpu.memory_space<vmem>>, vector<16xf32>,
            %get3A_1128 = arith.index_cast %add3A_1120 : i32 to index
            %get3A_1129 = arith.constant 16 : index
            %get3A_1130 = tpu.vector_load %arg10[%get3A_1128, %get3A_1129] {strides = array<i32>} : memref<256x128xf32, #tpu.memory_space<vmem>>, vector<16xf32>,
            %mul3A_1131 = arith.mulf %get3A_1130, %broadcast_in_dim3A_1116 : vector<16xf32>
            %swap3A_1132 = arith.index_cast %add3A_1120 : i32 to index
            %swap3A_1133 = arith.constant 16 : index
            %swap3A_1134 = tpu.vector_load %arg10[%swap3A_1132, %swap3A_1133] {strides = array<i32>} : memref<256x128xf32, #tpu.memory_space<vmem>>, vector<16xf32>,
            tpu.vector_store %arg10[%swap3A_1132, %swap3A_1133], %mul3A_1131 {strides = array<i32>} : memref<256x128xf32, #tpu.memory_space<vmem>>, vector<16xf32>,
            %get3A_1135 = arith.index_cast %add3A_1120 : i32 to index
            %get3A_1136 = arith.constant 32 : index
            %get3A_1137 = tpu.vector_load %arg10[%get3A_1135, %get3A_1136] {strides = array<i32>} : memref<256x128xf32, #tpu.memory_space<vmem>>, vector<16xf32>,
            %mul3A_1138 = arith.mulf %get3A_1137, %broadcast_in_dim3A_1116 : vector<16xf32>
            %swap3A_1139 = arith.index_cast %add3A_1120 : i32 to index
            %swap3A_1140 = arith.constant 32 : index
            %swap3A_1141 = tpu.vector_load %arg10[%swap3A_1139, %swap3A_1140] {strides = array<i32>} : memref<256x128xf32, #tpu.memory_space<vmem>>, vector<16xf32>,
            tpu.vector_store %arg10[%swap3A_1139, %swap3A_1140], %mul3A_1138 {strides = array<i32>} : memref<256x128xf32, #tpu.memory_space<vmem>>, vector<16xf32>,
            %get3A_1142 = arith.index_cast %add3A_1120 : i32 to index
            %get3A_1143 = arith.constant 48 : index
            %get3A_1144 = tpu.vector_load %arg10[%get3A_1142, %get3A_1143] {strides = array<i32>} : memref<256x128xf32, #tpu.memory_space<vmem>>, vector<16xf32>,
            %mul3A_1145 = arith.mulf %get3A_1144, %broadcast_in_dim3A_1116 : vector<16xf32>
            %swap3A_1146 = arith.index_cast %add3A_1120 : i32 to index
            %swap3A_1147 = arith.constant 48 : index
            %swap3A_1148 = tpu.vector_load %arg10[%swap3A_1146, %swap3A_1147] {strides = array<i32>} : memref<256x128xf32, #tpu.memory_space<vmem>>, vector<16xf32>,
            tpu.vector_store %arg10[%swap3A_1146, %swap3A_1147], %mul3A_1145 {strides = array<i32>} : memref<256x128xf32, #tpu.memory_space<vmem>>, vector<16xf32>,
            %get3A_1149 = arith.index_cast %add3A_1120 : i32 to index
            %get3A_1150 = arith.constant 64 : index
            %get3A_1151 = tpu.vector_load %arg10[%get3A_1149, %get3A_1150] {strides = array<i32>} : memref<256x128xf32, #tpu.memory_space<vmem>>, vector<16xf32>,
            %mul3A_1152 = arith.mulf %get3A_1151, %broadcast_in_dim3A_1116 : vector<16xf32>
            %swap3A_1153 = arith.index_cast %add3A_1120 : i32 to index
            %swap3A_1154 = arith.constant 64 : index
            %swap3A_1155 = tpu.vector_load %arg10[%swap3A_1153, %swap3A_1154] {strides = array<i32>} : memref<256x128xf32, #tpu.memory_space<vmem>>, vector<16xf32>,
            tpu.vector_store %arg10[%swap3A_1153, %swap3A_1154], %mul3A_1152 {strides = array<i32>} : memref<256x128xf32, #tpu.memory_space<vmem>>, vector<16xf32>,
            %get3A_1156 = arith.index_cast %add3A_1120 : i32 to index
            %get3A_1157 = arith.constant 80 : index
            %get3A_1158 = tpu.vector_load %arg10[%get3A_1156, %get3A_1157] {strides = array<i32>} : memref<256x128xf32, #tpu.memory_space<vmem>>, vector<16xf32>,
            %mul3A_1159 = arith.mulf %get3A_1158, %broadcast_in_dim3A_1116 : vector<16xf32>
            %swap3A_1160 = arith.index_cast %add3A_1120 : i32 to index
            %swap3A_1161 = arith.constant 80 : index
            %swap3A_1162 = tpu.vector_load %arg10[%swap3A_1160, %swap3A_1161] {strides = array<i32>} : memref<256x128xf32, #tpu.memory_space<vmem>>, vector<16xf32>,
            tpu.vector_store %arg10[%swap3A_1160, %swap3A_1161], %mul3A_1159 {strides = array<i32>} : memref<256x128xf32, #tpu.memory_space<vmem>>, vector<16xf32>,
            %get3A_1163 = arith.index_cast %add3A_1120 : i32 to index
            %get3A_1164 = arith.constant 96 : index
            %get3A_1165 = tpu.vector_load %arg10[%get3A_1163, %get3A_1164] {strides = array<i32>} : memref<256x128xf32, #tpu.memory_space<vmem>>, vector<16xf32>,
            %mul3A_1166 = arith.mulf %get3A_1165, %broadcast_in_dim3A_1116 : vector<16xf32>
            %swap3A_1167 = arith.index_cast %add3A_1120 : i32 to index
            %swap3A_1168 = arith.constant 96 : index
            %swap3A_1169 = tpu.vector_load %arg10[%swap3A_1167, %swap3A_1168] {strides = array<i32>} : memref<256x128xf32, #tpu.memory_space<vmem>>, vector<16xf32>,
            tpu.vector_store %arg10[%swap3A_1167, %swap3A_1168], %mul3A_1166 {strides = array<i32>} : memref<256x128xf32, #tpu.memory_space<vmem>>, vector<16xf32>,
            %get3A_1170 = arith.index_cast %add3A_1120 : i32 to index
            %get3A_1171 = arith.constant 112 : index
            %get3A_1172 = tpu.vector_load %arg10[%get3A_1170, %get3A_1171] {strides = array<i32>} : memref<256x128xf32, #tpu.memory_space<vmem>>, vector<16xf32>,
            %mul3A_1173 = arith.mulf %get3A_1172, %broadcast_in_dim3A_1116 : vector<16xf32>
            %swap3A_1174 = arith.index_cast %add3A_1120 : i32 to index
            %swap3A_1175 = arith.constant 112 : index
            %swap3A_1176 = tpu.vector_load %arg10[%swap3A_1174, %swap3A_1175] {strides = array<i32>} : memref<256x128xf32, #tpu.memory_space<vmem>>, vector<16xf32>,
            tpu.vector_store %arg10[%swap3A_1174, %swap3A_1175], %mul3A_1173 {strides = array<i32>} : memref<256x128xf32, #tpu.memory_space<vmem>>, vector<16xf32>,
            %slice3A_1177 = vector.extract_strided_slice %get3A_233 {offsets = [15], sizes = [1], strides = [1]} : vector<16xf32> to vector<1xf32>
            %squeeze3A_1178 = vector.extract %slice3A_1177[0] : f32 from vector<1xf32>
            %broadcast_in_dim3A_1179 = vector.broadcast %squeeze3A_1178 : f32 to vector<16xf32>
            %mul3A_1180 = arith.constant 16 : i32
            %mul3A_1181 = arith.muli %scan3A_228, %mul3A_1180 : i32
            %add3A_1182 = arith.constant 15 : i32
            %add3A_1183 = arith.addi %mul3A_1181, %add3A_1182 : i32
            %get3A_1184 = arith.index_cast %add3A_1183 : i32 to index
            %get3A_1185 = arith.constant 0 : index
            %get3A_1186 = tpu.vector_load %arg10[%get3A_1184, %get3A_1185] {strides = array<i32>} : memref<256x128xf32, #tpu.memory_space<vmem>>, vector<16xf32>,
            %mul3A_1187 = arith.mulf %get3A_1186, %broadcast_in_dim3A_1179 : vector<16xf32>
            %swap3A_1188 = arith.index_cast %add3A_1183 : i32 to index
            %swap3A_1189 = arith.constant 0 : index
            %swap3A_1190 = tpu.vector_load %arg10[%swap3A_1188, %swap3A_1189] {strides = array<i32>} : memref<256x128xf32, #tpu.memory_space<vmem>>, vector<16xf32>,
            tpu.vector_store %arg10[%swap3A_1188, %swap3A_1189], %mul3A_1187 {strides = array<i32>} : memref<256x128xf32, #tpu.memory_space<vmem>>, vector<16xf32>,
            %get3A_1191 = arith.index_cast %add3A_1183 : i32 to index
            %get3A_1192 = arith.constant 16 : index
            %get3A_1193 = tpu.vector_load %arg10[%get3A_1191, %get3A_1192] {strides = array<i32>} : memref<256x128xf32, #tpu.memory_space<vmem>>, vector<16xf32>,
            %mul3A_1194 = arith.mulf %get3A_1193, %broadcast_in_dim3A_1179 : vector<16xf32>
            %swap3A_1195 = arith.index_cast %add3A_1183 : i32 to index
            %swap3A_1196 = arith.constant 16 : index
            %swap3A_1197 = tpu.vector_load %arg10[%swap3A_1195, %swap3A_1196] {strides = array<i32>} : memref<256x128xf32, #tpu.memory_space<vmem>>, vector<16xf32>,
            tpu.vector_store %arg10[%swap3A_1195, %swap3A_1196], %mul3A_1194 {strides = array<i32>} : memref<256x128xf32, #tpu.memory_space<vmem>>, vector<16xf32>,
            %get3A_1198 = arith.index_cast %add3A_1183 : i32 to index
            %get3A_1199 = arith.constant 32 : index
            %get3A_1200 = tpu.vector_load %arg10[%get3A_1198, %get3A_1199] {strides = array<i32>} : memref<256x128xf32, #tpu.memory_space<vmem>>, vector<16xf32>,
            %mul3A_1201 = arith.mulf %get3A_1200, %broadcast_in_dim3A_1179 : vector<16xf32>
            %swap3A_1202 = arith.index_cast %add3A_1183 : i32 to index
            %swap3A_1203 = arith.constant 32 : index
            %swap3A_1204 = tpu.vector_load %arg10[%swap3A_1202, %swap3A_1203] {strides = array<i32>} : memref<256x128xf32, #tpu.memory_space<vmem>>, vector<16xf32>,
            tpu.vector_store %arg10[%swap3A_1202, %swap3A_1203], %mul3A_1201 {strides = array<i32>} : memref<256x128xf32, #tpu.memory_space<vmem>>, vector<16xf32>,
            %get3A_1205 = arith.index_cast %add3A_1183 : i32 to index
            %get3A_1206 = arith.constant 48 : index
            %get3A_1207 = tpu.vector_load %arg10[%get3A_1205, %get3A_1206] {strides = array<i32>} : memref<256x128xf32, #tpu.memory_space<vmem>>, vector<16xf32>,
            %mul3A_1208 = arith.mulf %get3A_1207, %broadcast_in_dim3A_1179 : vector<16xf32>
            %swap3A_1209 = arith.index_cast %add3A_1183 : i32 to index
            %swap3A_1210 = arith.constant 48 : index
            %swap3A_1211 = tpu.vector_load %arg10[%swap3A_1209, %swap3A_1210] {strides = array<i32>} : memref<256x128xf32, #tpu.memory_space<vmem>>, vector<16xf32>,
            tpu.vector_store %arg10[%swap3A_1209, %swap3A_1210], %mul3A_1208 {strides = array<i32>} : memref<256x128xf32, #tpu.memory_space<vmem>>, vector<16xf32>,
            %get3A_1212 = arith.index_cast %add3A_1183 : i32 to index
            %get3A_1213 = arith.constant 64 : index
            %get3A_1214 = tpu.vector_load %arg10[%get3A_1212, %get3A_1213] {strides = array<i32>} : memref<256x128xf32, #tpu.memory_space<vmem>>, vector<16xf32>,
            %mul3A_1215 = arith.mulf %get3A_1214, %broadcast_in_dim3A_1179 : vector<16xf32>
            %swap3A_1216 = arith.index_cast %add3A_1183 : i32 to index
            %swap3A_1217 = arith.constant 64 : index
            %swap3A_1218 = tpu.vector_load %arg10[%swap3A_1216, %swap3A_1217] {strides = array<i32>} : memref<256x128xf32, #tpu.memory_space<vmem>>, vector<16xf32>,
            tpu.vector_store %arg10[%swap3A_1216, %swap3A_1217], %mul3A_1215 {strides = array<i32>} : memref<256x128xf32, #tpu.memory_space<vmem>>, vector<16xf32>,
            %get3A_1219 = arith.index_cast %add3A_1183 : i32 to index
            %get3A_1220 = arith.constant 80 : index
            %get3A_1221 = tpu.vector_load %arg10[%get3A_1219, %get3A_1220] {strides = array<i32>} : memref<256x128xf32, #tpu.memory_space<vmem>>, vector<16xf32>,
            %mul3A_1222 = arith.mulf %get3A_1221, %broadcast_in_dim3A_1179 : vector<16xf32>
            %swap3A_1223 = arith.index_cast %add3A_1183 : i32 to index
            %swap3A_1224 = arith.constant 80 : index
            %swap3A_1225 = tpu.vector_load %arg10[%swap3A_1223, %swap3A_1224] {strides = array<i32>} : memref<256x128xf32, #tpu.memory_space<vmem>>, vector<16xf32>,
            tpu.vector_store %arg10[%swap3A_1223, %swap3A_1224], %mul3A_1222 {strides = array<i32>} : memref<256x128xf32, #tpu.memory_space<vmem>>, vector<16xf32>,
            %get3A_1226 = arith.index_cast %add3A_1183 : i32 to index
            %get3A_1227 = arith.constant 96 : index
            %get3A_1228 = tpu.vector_load %arg10[%get3A_1226, %get3A_1227] {strides = array<i32>} : memref<256x128xf32, #tpu.memory_space<vmem>>, vector<16xf32>,
            %mul3A_1229 = arith.mulf %get3A_1228, %broadcast_in_dim3A_1179 : vector<16xf32>
            %swap3A_1230 = arith.index_cast %add3A_1183 : i32 to index
            %swap3A_1231 = arith.constant 96 : index
            %swap3A_1232 = tpu.vector_load %arg10[%swap3A_1230, %swap3A_1231] {strides = array<i32>} : memref<256x128xf32, #tpu.memory_space<vmem>>, vector<16xf32>,
            tpu.vector_store %arg10[%swap3A_1230, %swap3A_1231], %mul3A_1229 {strides = array<i32>} : memref<256x128xf32, #tpu.memory_space<vmem>>, vector<16xf32>,
            %get3A_1233 = arith.index_cast %add3A_1183 : i32 to index
            %get3A_1234 = arith.constant 112 : index
            %get3A_1235 = tpu.vector_load %arg10[%get3A_1233, %get3A_1234] {strides = array<i32>} : memref<256x128xf32, #tpu.memory_space<vmem>>, vector<16xf32>,
            %mul3A_1236 = arith.mulf %get3A_1235, %broadcast_in_dim3A_1179 : vector<16xf32>
            %swap3A_1237 = arith.index_cast %add3A_1183 : i32 to index
            %swap3A_1238 = arith.constant 112 : index
            %swap3A_1239 = tpu.vector_load %arg10[%swap3A_1237, %swap3A_1238] {strides = array<i32>} : memref<256x128xf32, #tpu.memory_space<vmem>>, vector<16xf32>,
            tpu.vector_store %arg10[%swap3A_1237, %swap3A_1238], %mul3A_1236 {strides = array<i32>} : memref<256x128xf32, #tpu.memory_space<vmem>>, vector<16xf32>,
          }
          %scan3A_227 = arith.constant 16 : i32
          "tpu.region"() ({
            %run_scoped3A = tpu.sem_alloc : memref<!tpu.dma_semaphore, #tpu.memory_space<semaphore_mem>>
            %dma_start3A_228 = arith.constant 0 : i32
            %dma_start3A_229 = arith.constant 0 : i32
            %dma_start3A_230 = tpu.memref_slice %arg11[%dma_start3A_228, %dma_start3A_229] : memref<10112x128xf32, #tpu.memory_space<vmem_shared>> -> memref<10112x128xf32, #tpu.memory_space<vmem_shared>>
            tpu.enqueue_indirect_dma source(%arg10 : memref<256x128xf32, #tpu.memory_space<vmem>>) target(%dma_start3A_230 : memref<10112x128xf32, #tpu.memory_space<vmem_shared>>) offsets(%arg9 : memref<256xi32, #tpu.memory_space<vmem>>) semaphore(%run_scoped3A : memref<!tpu.dma_semaphore, #tpu.memory_space<semaphore_mem>>) {add = true}
            %dma_wait3A_231 = arith.constant 0 : i32
            %dma_wait3A_232 = arith.constant 0 : i32
            %dma_wait3A_233 = tpu.memref_slice %arg11[%dma_wait3A_231, %dma_wait3A_232] : memref<10112x128xf32, #tpu.memory_space<vmem_shared>> -> memref<10112x128xf32, #tpu.memory_space<vmem_shared>>
            tpu.wait_indirect_dma semaphore(%run_scoped3A : memref<!tpu.dma_semaphore, #tpu.memory_space<semaphore_mem>>) src(%arg10 : memref<256x128xf32, #tpu.memory_space<vmem>>) dst(%dma_wait3A_233 : memref<10112x128xf32, #tpu.memory_space<vmem_shared>>)
            tpu.yield
          }) : () -> ()
        }
        %scan3A_37 = arith.constant 21 : i32
      }
      %scan3A_26 = arith.constant 2 : i32
      %barrier3A_27 = arith.constant 0 : index
      tpu.barrier barrier_id(%barrier3A_27)
      %mul3A_28 = arith.constant 632 : i32
      %mul3A_29 = arith.muli %arg1, %mul3A_28 : i32
      %mul3A_30 = arith.constant 632 : i32
      %mul3A_31 = arith.muli %arg1, %mul3A_30 : i32
      "tpu.region"() ({
        %run_scoped3A = tpu.sem_alloc : memref<!tpu.dma_semaphore, #tpu.memory_space<semaphore_mem>>
        %dma_start3A = arith.constant 0 : i32
        %dma_start3A_32 = arith.constant 0 : i32
        %dma_start3A_33 = tpu.memref_slice %arg5[%add3A, %dma_start3A, %dma_start3A_32] : memref<6x10112x128xf32, #tpu.memory_space<hbm>> -> memref<1x10112x128xf32, #tpu.memory_space<hbm>>
        %dma_start3A_34 = tpu.memref_squeeze %dma_start3A_33 : memref<1x10112x128xf32, #tpu.memory_space<hbm>> -> memref<10112x128xf32, #tpu.memory_space<hbm>>
        %dma_start3A_35 = arith.constant 0 : i32
        %dma_start3A_36 = tpu.memref_slice %dma_start3A_34[%mul3A_31, %dma_start3A_35] : memref<10112x128xf32, #tpu.memory_space<hbm>> -> memref<632x128xf32, #tpu.memory_space<hbm>>
        %dma_start3A_37 = arith.constant 0 : i32
        %dma_start3A_38 = tpu.memref_slice %arg11[%mul3A_29, %dma_start3A_37] : memref<10112x128xf32, #tpu.memory_space<vmem_shared>> -> memref<632x128xf32, #tpu.memory_space<vmem_shared>>
        tpu.enqueue_dma source(%dma_start3A_38 : memref<632x128xf32, #tpu.memory_space<vmem_shared>>) target(%dma_start3A_36 : memref<632x128xf32, #tpu.memory_space<hbm>>) target_semaphore(%run_scoped3A : memref<!tpu.dma_semaphore, #tpu.memory_space<semaphore_mem>>)
        %dma_wait3A = arith.constant 0 : i32
        %dma_wait3A_39 = arith.constant 0 : i32
        %dma_wait3A_40 = tpu.memref_slice %arg5[%add3A, %dma_wait3A, %dma_wait3A_39] : memref<6x10112x128xf32, #tpu.memory_space<hbm>> -> memref<1x10112x128xf32, #tpu.memory_space<hbm>>
        %dma_wait3A_41 = tpu.memref_squeeze %dma_wait3A_40 : memref<1x10112x128xf32, #tpu.memory_space<hbm>> -> memref<10112x128xf32, #tpu.memory_space<hbm>>
        %dma_wait3A_42 = arith.constant 0 : i32
        %dma_wait3A_43 = tpu.memref_slice %dma_wait3A_41[%mul3A_31, %dma_wait3A_42] : memref<10112x128xf32, #tpu.memory_space<hbm>> -> memref<632x128xf32, #tpu.memory_space<hbm>>
        %dma_wait3A_44 = arith.constant 0 : i32
        %dma_wait3A_45 = tpu.memref_slice %arg11[%mul3A_29, %dma_wait3A_44] : memref<10112x128xf32, #tpu.memory_space<vmem_shared>> -> memref<632x128xf32, #tpu.memory_space<vmem_shared>>
        tpu.wait_dma2 semaphore(%run_scoped3A : memref<!tpu.dma_semaphore, #tpu.memory_space<semaphore_mem>>) src(%dma_wait3A_45 : memref<632x128xf32, #tpu.memory_space<vmem_shared>>) dst(%dma_wait3A_43 : memref<632x128xf32, #tpu.memory_space<hbm>>)
        tpu.yield
      }) : () -> ()
    }
    %scan3A_6 = arith.constant 3 : i32
    return
  }
}

module attributes {stable_mosaic.version = 14 : i64} {
  func.func @_k2_body(%arg0: i32, %arg1: memref<1000x256xf32, #tpu.memory_space<vmem>>, %arg2: memref<6x256x128xf32, #tpu.memory_space<vmem>>, %arg3: memref<6x1000x128xf32, #tpu.memory_space<vmem>>) attributes {dimension_semantics = [#tpu.dimension_semantics<arbitrary>], iteration_bounds = array<i64: 10>, scalar_prefetch = 0 : i64, scratch_operands = 0 : i64, tpu.core_type = #tpu.core_type<tc>, window_params = [{transform_indices = @transform_0, window_bounds = array<i64: 1000, 256>}, {pipeline_mode = #tpu.pipeline_mode<synchronous>, transform_indices = @transform_1, window_bounds = array<i64: 6, 256, 128>}, {transform_indices = @transform_2, window_bounds = array<i64: 6, 1000, 128>}]} {
    %get3A = arith.constant 0 : index
    %get3A_0 = arith.constant 0 : index
    %get3A_1 = vector.load %arg1[%get3A, %get3A_0] : memref<1000x256xf32, #tpu.memory_space<vmem>>, vector<1000x256xf32>
    %get3A_2 = arith.constant 0 : index
    %get3A_3 = arith.constant 0 : index
    %get3A_4 = arith.constant 0 : index
    %get3A_5 = vector.load %arg2[%get3A_2, %get3A_3, %get3A_4] : memref<6x256x128xf32, #tpu.memory_space<vmem>>, vector<1x256x128xf32>
    %get3A_6 = vector.shape_cast %get3A_5 : vector<1x256x128xf32> to vector<256x128xf32>
    %dot_general3A = arith.constant dense<0.000000e+00> : vector<1000x128xf32>
    %dot_general3A_7 = tpu.matmul %get3A_1, %get3A_6, %dot_general3A {dimension_numbers = #tpu.dot_dimension_numbers<[1], [0], [0], [1], [0, 0, 1, 1], [], []>, transpose_lhs_hint = false} : vector<1000x256xf32>, vector<256x128xf32>, vector<1000x128xf32> -> vector<1000x128xf32>
    %swap3A = arith.constant 0 : index
    %swap3A_8 = arith.constant 0 : index
    %swap3A_9 = arith.constant 0 : index
    %swap3A_10 = vector.load %arg3[%swap3A, %swap3A_8, %swap3A_9] : memref<6x1000x128xf32, #tpu.memory_space<vmem>>, vector<1x1000x128xf32>
    %swap3A_11 = vector.shape_cast %swap3A_10 : vector<1x1000x128xf32> to vector<1000x128xf32>
    %swap3A_12 = vector.shape_cast %dot_general3A_7 : vector<1000x128xf32> to vector<1x1000x128xf32>
    tpu.vector_store %arg3[%swap3A, %swap3A_8, %swap3A_9], %swap3A_12 {strides = array<i32>} : memref<6x1000x128xf32, #tpu.memory_space<vmem>>, vector<1x1000x128xf32>,
    %get3A_13 = arith.constant 1 : index
    %get3A_14 = arith.constant 0 : index
    %get3A_15 = arith.constant 0 : index
    %get3A_16 = vector.load %arg2[%get3A_13, %get3A_14, %get3A_15] : memref<6x256x128xf32, #tpu.memory_space<vmem>>, vector<1x256x128xf32>
    %get3A_17 = vector.shape_cast %get3A_16 : vector<1x256x128xf32> to vector<256x128xf32>
    %dot_general3A_18 = arith.constant dense<0.000000e+00> : vector<1000x128xf32>
    %dot_general3A_19 = tpu.matmul %get3A_1, %get3A_17, %dot_general3A_18 {dimension_numbers = #tpu.dot_dimension_numbers<[1], [0], [0], [1], [0, 0, 1, 1], [], []>, transpose_lhs_hint = false} : vector<1000x256xf32>, vector<256x128xf32>, vector<1000x128xf32> -> vector<1000x128xf32>
    %swap3A_20 = arith.constant 1 : index
    %swap3A_21 = arith.constant 0 : index
    %swap3A_22 = arith.constant 0 : index
    %swap3A_23 = vector.load %arg3[%swap3A_20, %swap3A_21, %swap3A_22] : memref<6x1000x128xf32, #tpu.memory_space<vmem>>, vector<1x1000x128xf32>
    %swap3A_24 = vector.shape_cast %swap3A_23 : vector<1x1000x128xf32> to vector<1000x128xf32>
    %swap3A_25 = vector.shape_cast %dot_general3A_19 : vector<1000x128xf32> to vector<1x1000x128xf32>
    tpu.vector_store %arg3[%swap3A_20, %swap3A_21, %swap3A_22], %swap3A_25 {strides = array<i32>} : memref<6x1000x128xf32, #tpu.memory_space<vmem>>, vector<1x1000x128xf32>,
    %get3A_26 = arith.constant 2 : index
    %get3A_27 = arith.constant 0 : index
    %get3A_28 = arith.constant 0 : index
    %get3A_29 = vector.load %arg2[%get3A_26, %get3A_27, %get3A_28] : memref<6x256x128xf32, #tpu.memory_space<vmem>>, vector<1x256x128xf32>
    %get3A_30 = vector.shape_cast %get3A_29 : vector<1x256x128xf32> to vector<256x128xf32>
    %dot_general3A_31 = arith.constant dense<0.000000e+00> : vector<1000x128xf32>
    %dot_general3A_32 = tpu.matmul %get3A_1, %get3A_30, %dot_general3A_31 {dimension_numbers = #tpu.dot_dimension_numbers<[1], [0], [0], [1], [0, 0, 1, 1], [], []>, transpose_lhs_hint = false} : vector<1000x256xf32>, vector<256x128xf32>, vector<1000x128xf32> -> vector<1000x128xf32>
    %swap3A_33 = arith.constant 2 : index
    %swap3A_34 = arith.constant 0 : index
    %swap3A_35 = arith.constant 0 : index
    %swap3A_36 = vector.load %arg3[%swap3A_33, %swap3A_34, %swap3A_35] : memref<6x1000x128xf32, #tpu.memory_space<vmem>>, vector<1x1000x128xf32>
    %swap3A_37 = vector.shape_cast %swap3A_36 : vector<1x1000x128xf32> to vector<1000x128xf32>
    %swap3A_38 = vector.shape_cast %dot_general3A_32 : vector<1000x128xf32> to vector<1x1000x128xf32>
    tpu.vector_store %arg3[%swap3A_33, %swap3A_34, %swap3A_35], %swap3A_38 {strides = array<i32>} : memref<6x1000x128xf32, #tpu.memory_space<vmem>>, vector<1x1000x128xf32>,
    %get3A_39 = arith.constant 3 : index
    %get3A_40 = arith.constant 0 : index
    %get3A_41 = arith.constant 0 : index
    %get3A_42 = vector.load %arg2[%get3A_39, %get3A_40, %get3A_41] : memref<6x256x128xf32, #tpu.memory_space<vmem>>, vector<1x256x128xf32>
    %get3A_43 = vector.shape_cast %get3A_42 : vector<1x256x128xf32> to vector<256x128xf32>
    %dot_general3A_44 = arith.constant dense<0.000000e+00> : vector<1000x128xf32>
    %dot_general3A_45 = tpu.matmul %get3A_1, %get3A_43, %dot_general3A_44 {dimension_numbers = #tpu.dot_dimension_numbers<[1], [0], [0], [1], [0, 0, 1, 1], [], []>, transpose_lhs_hint = false} : vector<1000x256xf32>, vector<256x128xf32>, vector<1000x128xf32> -> vector<1000x128xf32>
    %swap3A_46 = arith.constant 3 : index
    %swap3A_47 = arith.constant 0 : index
    %swap3A_48 = arith.constant 0 : index
    %swap3A_49 = vector.load %arg3[%swap3A_46, %swap3A_47, %swap3A_48] : memref<6x1000x128xf32, #tpu.memory_space<vmem>>, vector<1x1000x128xf32>
    %swap3A_50 = vector.shape_cast %swap3A_49 : vector<1x1000x128xf32> to vector<1000x128xf32>
    %swap3A_51 = vector.shape_cast %dot_general3A_45 : vector<1000x128xf32> to vector<1x1000x128xf32>
    tpu.vector_store %arg3[%swap3A_46, %swap3A_47, %swap3A_48], %swap3A_51 {strides = array<i32>} : memref<6x1000x128xf32, #tpu.memory_space<vmem>>, vector<1x1000x128xf32>,
    %get3A_52 = arith.constant 4 : index
    %get3A_53 = arith.constant 0 : index
    %get3A_54 = arith.constant 0 : index
    %get3A_55 = vector.load %arg2[%get3A_52, %get3A_53, %get3A_54] : memref<6x256x128xf32, #tpu.memory_space<vmem>>, vector<1x256x128xf32>
    %get3A_56 = vector.shape_cast %get3A_55 : vector<1x256x128xf32> to vector<256x128xf32>
    %dot_general3A_57 = arith.constant dense<0.000000e+00> : vector<1000x128xf32>
    %dot_general3A_58 = tpu.matmul %get3A_1, %get3A_56, %dot_general3A_57 {dimension_numbers = #tpu.dot_dimension_numbers<[1], [0], [0], [1], [0, 0, 1, 1], [], []>, transpose_lhs_hint = false} : vector<1000x256xf32>, vector<256x128xf32>, vector<1000x128xf32> -> vector<1000x128xf32>
    %swap3A_59 = arith.constant 4 : index
    %swap3A_60 = arith.constant 0 : index
    %swap3A_61 = arith.constant 0 : index
    %swap3A_62 = vector.load %arg3[%swap3A_59, %swap3A_60, %swap3A_61] : memref<6x1000x128xf32, #tpu.memory_space<vmem>>, vector<1x1000x128xf32>
    %swap3A_63 = vector.shape_cast %swap3A_62 : vector<1x1000x128xf32> to vector<1000x128xf32>
    %swap3A_64 = vector.shape_cast %dot_general3A_58 : vector<1000x128xf32> to vector<1x1000x128xf32>
    tpu.vector_store %arg3[%swap3A_59, %swap3A_60, %swap3A_61], %swap3A_64 {strides = array<i32>} : memref<6x1000x128xf32, #tpu.memory_space<vmem>>, vector<1x1000x128xf32>,
    %get3A_65 = arith.constant 5 : index
    %get3A_66 = arith.constant 0 : index
    %get3A_67 = arith.constant 0 : index
    %get3A_68 = vector.load %arg2[%get3A_65, %get3A_66, %get3A_67] : memref<6x256x128xf32, #tpu.memory_space<vmem>>, vector<1x256x128xf32>
    %get3A_69 = vector.shape_cast %get3A_68 : vector<1x256x128xf32> to vector<256x128xf32>
    %dot_general3A_70 = arith.constant dense<0.000000e+00> : vector<1000x128xf32>
    %dot_general3A_71 = tpu.matmul %get3A_1, %get3A_69, %dot_general3A_70 {dimension_numbers = #tpu.dot_dimension_numbers<[1], [0], [0], [1], [0, 0, 1, 1], [], []>, transpose_lhs_hint = false} : vector<1000x256xf32>, vector<256x128xf32>, vector<1000x128xf32> -> vector<1000x128xf32>
    %swap3A_72 = arith.constant 5 : index
    %swap3A_73 = arith.constant 0 : index
    %swap3A_74 = arith.constant 0 : index
    %swap3A_75 = vector.load %arg3[%swap3A_72, %swap3A_73, %swap3A_74] : memref<6x1000x128xf32, #tpu.memory_space<vmem>>, vector<1x1000x128xf32>
    %swap3A_76 = vector.shape_cast %swap3A_75 : vector<1x1000x128xf32> to vector<1000x128xf32>
    %swap3A_77 = vector.shape_cast %dot_general3A_71 : vector<1000x128xf32> to vector<1x1000x128xf32>
    tpu.vector_store %arg3[%swap3A_72, %swap3A_73, %swap3A_74], %swap3A_77 {strides = array<i32>} : memref<6x1000x128xf32, #tpu.memory_space<vmem>>, vector<1x1000x128xf32>,
    return
  }
  func.func @transform_0(%arg0: i32) -> (i32, i32) {
    %c0_i32 = arith.constant 0 : i32
    %c0_i32_0 = arith.constant 0 : i32
    return %arg0, %c0_i32 : i32, i32
  }
  func.func @transform_1(%arg0: i32) -> (i32, i32, i32) {
    %c0_i32 = arith.constant 0 : i32
    %c0_i32_0 = arith.constant 0 : i32
    %c0_i32_1 = arith.constant 0 : i32
    %c0_i32_2 = arith.constant 0 : i32
    return %c0_i32, %c0_i32_0, %c0_i32_1 : i32, i32, i32
  }
  func.func @transform_2(%arg0: i32) -> (i32, i32, i32) {
    %c0_i32 = arith.constant 0 : i32
    %c0_i32_0 = arith.constant 0 : i32
    %c0_i32_1 = arith.constant 0 : i32
    return %c0_i32, %arg0, %c0_i32_0 : i32, i32, i32
  }
}

module attributes {stable_mosaic.version = 14 : i64} {
  func.func @_k4_body(%arg0: i32, %arg1: memref<6x1000x128xf32, #tpu.memory_space<vmem>>, %arg2: memref<1000x1xf32, #tpu.memory_space<vmem>>, %arg3: memref<1000x256xf32, #tpu.memory_space<vmem>>, %arg4: memref<256x256xf32, #tpu.memory_space<vmem>>, %arg5: memref<256x256xf32, #tpu.memory_space<vmem>>, %arg6: memref<256x256xf32, #tpu.memory_space<vmem>>, %arg7: memref<256x256xf32, #tpu.memory_space<vmem>>, %arg8: memref<256x256xf32, #tpu.memory_space<vmem>>, %arg9: memref<256x256xf32, #tpu.memory_space<vmem>>, %arg10: memref<1x256xf32, #tpu.memory_space<vmem>>, %arg11: memref<1x256xf32, #tpu.memory_space<vmem>>, %arg12: memref<1x256xf32, #tpu.memory_space<vmem>>, %arg13: memref<1x256xf32, #tpu.memory_space<vmem>>, %arg14: memref<1x256xf32, #tpu.memory_space<vmem>>, %arg15: memref<1x256xf32, #tpu.memory_space<vmem>>, %arg16: memref<256x1xf32, #tpu.memory_space<vmem>>, %arg17: memref<1x1xf32, #tpu.memory_space<vmem>>, %arg18: memref<1000x1xf32, #tpu.memory_space<vmem>>, %arg19: memref<1000x256xf32, #tpu.memory_space<vmem>>) attributes {dimension_semantics = [#tpu.dimension_semantics<arbitrary>], iteration_bounds = array<i64: 10>, scalar_prefetch = 0 : i64, scratch_operands = 0 : i64, tpu.core_type = #tpu.core_type<tc>, window_params = [{transform_indices = @transform_0, window_bounds = array<i64: 6, 1000, 128>}, {transform_indices = @transform_1, window_bounds = array<i64: 1000, 1>}, {transform_indices = @transform_2, window_bounds = array<i64: 1000, 256>}, {pipeline_mode = #tpu.pipeline_mode<synchronous>, transform_indices = @transform_3, window_bounds = array<i64: 256, 256>}, {pipeline_mode = #tpu.pipeline_mode<synchronous>, transform_indices = @transform_4, window_bounds = array<i64: 256, 256>}, {pipeline_mode = #tpu.pipeline_mode<synchronous>, transform_indices = @transform_5, window_bounds = array<i64: 256, 256>}, {pipeline_mode = #tpu.pipeline_mode<synchronous>, transform_indices = @transform_6, window_bounds = array<i64: 256, 256>}, {pipeline_mode = #tpu.pipeline_mode<synchronous>, transform_indices = @transform_7, window_bounds = array<i64: 256, 256>}, {pipeline_mode = #tpu.pipeline_mode<synchronous>, transform_indices = @transform_8, window_bounds = array<i64: 256, 256>}, {pipeline_mode = #tpu.pipeline_mode<synchronous>, transform_indices = @transform_9, window_bounds = array<i64: 1, 256>}, {pipeline_mode = #tpu.pipeline_mode<synchronous>, transform_indices = @transform_10, window_bounds = array<i64: 1, 256>}, {pipeline_mode = #tpu.pipeline_mode<synchronous>, transform_indices = @transform_11, window_bounds = array<i64: 1, 256>}, {pipeline_mode = #tpu.pipeline_mode<synchronous>, transform_indices = @transform_12, window_bounds = array<i64: 1, 256>}, {pipeline_mode = #tpu.pipeline_mode<synchronous>, transform_indices = @transform_13, window_bounds = array<i64: 1, 256>}, {pipeline_mode = #tpu.pipeline_mode<synchronous>, transform_indices = @transform_14, window_bounds = array<i64: 1, 256>}, {pipeline_mode = #tpu.pipeline_mode<synchronous>, transform_indices = @transform_15, window_bounds = array<i64: 256, 1>}, {pipeline_mode = #tpu.pipeline_mode<synchronous>, transform_indices = @transform_16, window_bounds = array<i64: 1, 1>}, {transform_indices = @transform_17, window_bounds = array<i64: 1000, 1>}, {transform_indices = @transform_18, window_bounds = array<i64: 1000, 256>}]} {
    %get3A = arith.constant 0 : index
    %get3A_0 = arith.constant 0 : index
    %get3A_1 = vector.load %arg2[%get3A, %get3A_0] : memref<1000x1xf32, #tpu.memory_space<vmem>>, vector<1000x1xf32>
    %get3A_2 = arith.constant 0 : index
    %get3A_3 = arith.constant 0 : index
    %get3A_4 = vector.load %arg3[%get3A_2, %get3A_3] : memref<1000x256xf32, #tpu.memory_space<vmem>>, vector<1000x256xf32>
    %get3A_5 = arith.constant 0 : index
    %get3A_6 = arith.constant 0 : index
    %get3A_7 = arith.constant 0 : index
    %get3A_8 = vector.load %arg1[%get3A_5, %get3A_6, %get3A_7] : memref<6x1000x128xf32, #tpu.memory_space<vmem>>, vector<1x1000x128xf32>
    %get3A_9 = vector.shape_cast %get3A_8 : vector<1x1000x128xf32> to vector<1000x128xf32>
    %get3A_10 = arith.constant 1 : index
    %get3A_11 = arith.constant 0 : index
    %get3A_12 = arith.constant 0 : index
    %get3A_13 = vector.load %arg1[%get3A_10, %get3A_11, %get3A_12] : memref<6x1000x128xf32, #tpu.memory_space<vmem>>, vector<1x1000x128xf32>
    %get3A_14 = vector.shape_cast %get3A_13 : vector<1x1000x128xf32> to vector<1000x128xf32>
    %concatenate3A = tpu.concatenate %get3A_9, %get3A_14 in 1 : vector<1000x128xf32>, vector<1000x128xf32> -> vector<1000x256xf32>
    %mul3A = vector.broadcast %get3A_1 : vector<1000x1xf32> to vector<1000x256xf32>
    %mul3A_15 = arith.mulf %concatenate3A, %mul3A : vector<1000x256xf32>
    %get3A_16 = arith.constant 0 : index
    %get3A_17 = arith.constant 0 : index
    %get3A_18 = vector.load %arg10[%get3A_16, %get3A_17] : memref<1x256xf32, #tpu.memory_space<vmem>>, vector<1x256xf32>
    %add3A = vector.broadcast %get3A_18 : vector<1x256xf32> to vector<1000x256xf32>
    %add3A_19 = arith.addf %mul3A_15, %add3A : vector<1000x256xf32>
    %get3A_20 = arith.constant 2 : index
    %get3A_21 = arith.constant 0 : index
    %get3A_22 = arith.constant 0 : index
    %get3A_23 = vector.load %arg1[%get3A_20, %get3A_21, %get3A_22] : memref<6x1000x128xf32, #tpu.memory_space<vmem>>, vector<1x1000x128xf32>
    %get3A_24 = vector.shape_cast %get3A_23 : vector<1x1000x128xf32> to vector<1000x128xf32>
    %get3A_25 = arith.constant 3 : index
    %get3A_26 = arith.constant 0 : index
    %get3A_27 = arith.constant 0 : index
    %get3A_28 = vector.load %arg1[%get3A_25, %get3A_26, %get3A_27] : memref<6x1000x128xf32, #tpu.memory_space<vmem>>, vector<1x1000x128xf32>
    %get3A_29 = vector.shape_cast %get3A_28 : vector<1x1000x128xf32> to vector<1000x128xf32>
    %concatenate3A_30 = tpu.concatenate %get3A_24, %get3A_29 in 1 : vector<1000x128xf32>, vector<1000x128xf32> -> vector<1000x256xf32>
    %mul3A_31 = vector.broadcast %get3A_1 : vector<1000x1xf32> to vector<1000x256xf32>
    %mul3A_32 = arith.mulf %concatenate3A_30, %mul3A_31 : vector<1000x256xf32>
    %get3A_33 = arith.constant 0 : index
    %get3A_34 = arith.constant 0 : index
    %get3A_35 = vector.load %arg11[%get3A_33, %get3A_34] : memref<1x256xf32, #tpu.memory_space<vmem>>, vector<1x256xf32>
    %add3A_36 = vector.broadcast %get3A_35 : vector<1x256xf32> to vector<1000x256xf32>
    %add3A_37 = arith.addf %mul3A_32, %add3A_36 : vector<1000x256xf32>
    %get3A_38 = arith.constant 4 : index
    %get3A_39 = arith.constant 0 : index
    %get3A_40 = arith.constant 0 : index
    %get3A_41 = vector.load %arg1[%get3A_38, %get3A_39, %get3A_40] : memref<6x1000x128xf32, #tpu.memory_space<vmem>>, vector<1x1000x128xf32>
    %get3A_42 = vector.shape_cast %get3A_41 : vector<1x1000x128xf32> to vector<1000x128xf32>
    %get3A_43 = arith.constant 5 : index
    %get3A_44 = arith.constant 0 : index
    %get3A_45 = arith.constant 0 : index
    %get3A_46 = vector.load %arg1[%get3A_43, %get3A_44, %get3A_45] : memref<6x1000x128xf32, #tpu.memory_space<vmem>>, vector<1x1000x128xf32>
    %get3A_47 = vector.shape_cast %get3A_46 : vector<1x1000x128xf32> to vector<1000x128xf32>
    %concatenate3A_48 = tpu.concatenate %get3A_42, %get3A_47 in 1 : vector<1000x128xf32>, vector<1000x128xf32> -> vector<1000x256xf32>
    %mul3A_49 = vector.broadcast %get3A_1 : vector<1000x1xf32> to vector<1000x256xf32>
    %mul3A_50 = arith.mulf %concatenate3A_48, %mul3A_49 : vector<1000x256xf32>
    %get3A_51 = arith.constant 0 : index
    %get3A_52 = arith.constant 0 : index
    %get3A_53 = vector.load %arg12[%get3A_51, %get3A_52] : memref<1x256xf32, #tpu.memory_space<vmem>>, vector<1x256xf32>
    %add3A_54 = vector.broadcast %get3A_53 : vector<1x256xf32> to vector<1000x256xf32>
    %add3A_55 = arith.addf %mul3A_50, %add3A_54 : vector<1000x256xf32>
    %get3A_56 = arith.constant 0 : index
    %get3A_57 = arith.constant 0 : index
    %get3A_58 = vector.load %arg4[%get3A_56, %get3A_57] : memref<256x256xf32, #tpu.memory_space<vmem>>, vector<256x256xf32>
    %dot_general3A = arith.constant dense<0.000000e+00> : vector<1000x256xf32>
    %dot_general3A_59 = tpu.matmul %add3A_19, %get3A_58, %dot_general3A {dimension_numbers = #tpu.dot_dimension_numbers<[1], [0], [0], [1], [0, 0, 1, 1], [], []>, transpose_lhs_hint = false} : vector<1000x256xf32>, vector<256x256xf32>, vector<1000x256xf32> -> vector<1000x256xf32>
    %get3A_60 = arith.constant 0 : index
    %get3A_61 = arith.constant 0 : index
    %get3A_62 = vector.load %arg5[%get3A_60, %get3A_61] : memref<256x256xf32, #tpu.memory_space<vmem>>, vector<256x256xf32>
    %dot_general3A_63 = arith.constant dense<0.000000e+00> : vector<1000x256xf32>
    %dot_general3A_64 = tpu.matmul %get3A_4, %get3A_62, %dot_general3A_63 {dimension_numbers = #tpu.dot_dimension_numbers<[1], [0], [0], [1], [0, 0, 1, 1], [], []>, transpose_lhs_hint = false} : vector<1000x256xf32>, vector<256x256xf32>, vector<1000x256xf32> -> vector<1000x256xf32>
    %add3A_65 = arith.addf %dot_general3A_59, %dot_general3A_64 : vector<1000x256xf32>
    %get3A_66 = arith.constant 0 : index
    %get3A_67 = arith.constant 0 : index
    %get3A_68 = vector.load %arg13[%get3A_66, %get3A_67] : memref<1x256xf32, #tpu.memory_space<vmem>>, vector<1x256xf32>
    %add3A_69 = vector.broadcast %get3A_68 : vector<1x256xf32> to vector<1000x256xf32>
    %add3A_70 = arith.addf %add3A_65, %add3A_69 : vector<1000x256xf32>
    %logistic3A = arith.negf %add3A_70 : vector<1000x256xf32>
    %logistic3A_71 = math.exp %logistic3A : vector<1000x256xf32>
    %logistic3A_72 = arith.constant 1.000000e+00 : f32
    %logistic3A_73 = vector.broadcast %logistic3A_72 : f32 to vector<1000x256xf32>
    %logistic3A_74 = arith.addf %logistic3A_73, %logistic3A_71 : vector<1000x256xf32>
    %logistic3A_75 = arith.divf %logistic3A_73, %logistic3A_74 : vector<1000x256xf32>
    %get3A_76 = arith.constant 0 : index
    %get3A_77 = arith.constant 0 : index
    %get3A_78 = vector.load %arg6[%get3A_76, %get3A_77] : memref<256x256xf32, #tpu.memory_space<vmem>>, vector<256x256xf32>
    %dot_general3A_79 = arith.constant dense<0.000000e+00> : vector<1000x256xf32>
    %dot_general3A_80 = tpu.matmul %add3A_37, %get3A_78, %dot_general3A_79 {dimension_numbers = #tpu.dot_dimension_numbers<[1], [0], [0], [1], [0, 0, 1, 1], [], []>, transpose_lhs_hint = false} : vector<1000x256xf32>, vector<256x256xf32>, vector<1000x256xf32> -> vector<1000x256xf32>
    %get3A_81 = arith.constant 0 : index
    %get3A_82 = arith.constant 0 : index
    %get3A_83 = vector.load %arg7[%get3A_81, %get3A_82] : memref<256x256xf32, #tpu.memory_space<vmem>>, vector<256x256xf32>
    %dot_general3A_84 = arith.constant dense<0.000000e+00> : vector<1000x256xf32>
    %dot_general3A_85 = tpu.matmul %get3A_4, %get3A_83, %dot_general3A_84 {dimension_numbers = #tpu.dot_dimension_numbers<[1], [0], [0], [1], [0, 0, 1, 1], [], []>, transpose_lhs_hint = false} : vector<1000x256xf32>, vector<256x256xf32>, vector<1000x256xf32> -> vector<1000x256xf32>
    %add3A_86 = arith.addf %dot_general3A_80, %dot_general3A_85 : vector<1000x256xf32>
    %get3A_87 = arith.constant 0 : index
    %get3A_88 = arith.constant 0 : index
    %get3A_89 = vector.load %arg14[%get3A_87, %get3A_88] : memref<1x256xf32, #tpu.memory_space<vmem>>, vector<1x256xf32>
    %add3A_90 = vector.broadcast %get3A_89 : vector<1x256xf32> to vector<1000x256xf32>
    %add3A_91 = arith.addf %add3A_86, %add3A_90 : vector<1000x256xf32>
    %logistic3A_92 = arith.negf %add3A_91 : vector<1000x256xf32>
    %logistic3A_93 = math.exp %logistic3A_92 : vector<1000x256xf32>
    %logistic3A_94 = arith.constant 1.000000e+00 : f32
    %logistic3A_95 = vector.broadcast %logistic3A_94 : f32 to vector<1000x256xf32>
    %logistic3A_96 = arith.addf %logistic3A_95, %logistic3A_93 : vector<1000x256xf32>
    %logistic3A_97 = arith.divf %logistic3A_95, %logistic3A_96 : vector<1000x256xf32>
    %get3A_98 = arith.constant 0 : index
    %get3A_99 = arith.constant 0 : index
    %get3A_100 = vector.load %arg8[%get3A_98, %get3A_99] : memref<256x256xf32, #tpu.memory_space<vmem>>, vector<256x256xf32>
    %dot_general3A_101 = arith.constant dense<0.000000e+00> : vector<1000x256xf32>
    %dot_general3A_102 = tpu.matmul %add3A_55, %get3A_100, %dot_general3A_101 {dimension_numbers = #tpu.dot_dimension_numbers<[1], [0], [0], [1], [0, 0, 1, 1], [], []>, transpose_lhs_hint = false} : vector<1000x256xf32>, vector<256x256xf32>, vector<1000x256xf32> -> vector<1000x256xf32>
    %mul3A_103 = arith.mulf %get3A_4, %logistic3A_97 : vector<1000x256xf32>
    %get3A_104 = arith.constant 0 : index
    %get3A_105 = arith.constant 0 : index
    %get3A_106 = vector.load %arg9[%get3A_104, %get3A_105] : memref<256x256xf32, #tpu.memory_space<vmem>>, vector<256x256xf32>
    %dot_general3A_107 = arith.constant dense<0.000000e+00> : vector<1000x256xf32>
    %dot_general3A_108 = tpu.matmul %mul3A_103, %get3A_106, %dot_general3A_107 {dimension_numbers = #tpu.dot_dimension_numbers<[1], [0], [0], [1], [0, 0, 1, 1], [], []>, transpose_lhs_hint = false} : vector<1000x256xf32>, vector<256x256xf32>, vector<1000x256xf32> -> vector<1000x256xf32>
    %add3A_109 = arith.addf %dot_general3A_102, %dot_general3A_108 : vector<1000x256xf32>
    %get3A_110 = arith.constant 0 : index
    %get3A_111 = arith.constant 0 : index
    %get3A_112 = vector.load %arg15[%get3A_110, %get3A_111] : memref<1x256xf32, #tpu.memory_space<vmem>>, vector<1x256xf32>
    %add3A_113 = vector.broadcast %get3A_112 : vector<1x256xf32> to vector<1000x256xf32>
    %add3A_114 = arith.addf %add3A_109, %add3A_113 : vector<1000x256xf32>
    %tanh3A = math.tanh %add3A_114 : vector<1000x256xf32>
    %mul3A_115 = arith.mulf %logistic3A_75, %get3A_4 : vector<1000x256xf32>
    %sub3A = arith.constant 1.000000e+00 : f32
    %sub3A_116 = vector.broadcast %sub3A : f32 to vector<1000x256xf32>
    %sub3A_117 = arith.subf %sub3A_116, %logistic3A_75 : vector<1000x256xf32>
    %mul3A_118 = arith.mulf %sub3A_117, %tanh3A : vector<1000x256xf32>
    %add3A_119 = arith.addf %mul3A_115, %mul3A_118 : vector<1000x256xf32>
    %swap3A = arith.constant 0 : index
    %swap3A_120 = arith.constant 0 : index
    %swap3A_121 = vector.load %arg19[%swap3A, %swap3A_120] : memref<1000x256xf32, #tpu.memory_space<vmem>>, vector<1000x256xf32>
    tpu.vector_store %arg19[%swap3A, %swap3A_120], %add3A_119 {strides = array<i32>} : memref<1000x256xf32, #tpu.memory_space<vmem>>, vector<1000x256xf32>,
    %get3A_122 = arith.constant 0 : index
    %get3A_123 = arith.constant 0 : index
    %get3A_124 = vector.load %arg16[%get3A_122, %get3A_123] : memref<256x1xf32, #tpu.memory_space<vmem>>, vector<256x1xf32>
    %dot_general3A_125 = arith.constant dense<0.000000e+00> : vector<1000x1xf32>
    %dot_general3A_126 = tpu.matmul %add3A_119, %get3A_124, %dot_general3A_125 {dimension_numbers = #tpu.dot_dimension_numbers<[1], [0], [0], [1], [0, 0, 1, 1], [], []>, transpose_lhs_hint = false} : vector<1000x256xf32>, vector<256x1xf32>, vector<1000x1xf32> -> vector<1000x1xf32>
    %get3A_127 = arith.constant 0 : index
    %get3A_128 = arith.constant 0 : index
    %get3A_129 = vector.load %arg17[%get3A_127, %get3A_128] : memref<1x1xf32, #tpu.memory_space<vmem>>, vector<1x1xf32>
    %add3A_130 = vector.broadcast %get3A_129 : vector<1x1xf32> to vector<1000x1xf32>
    %add3A_131 = arith.addf %dot_general3A_126, %add3A_130 : vector<1000x1xf32>
    %swap3A_132 = arith.constant 0 : index
    %swap3A_133 = arith.constant 0 : index
    %swap3A_134 = vector.load %arg18[%swap3A_132, %swap3A_133] : memref<1000x1xf32, #tpu.memory_space<vmem>>, vector<1000x1xf32>
    tpu.vector_store %arg18[%swap3A_132, %swap3A_133], %add3A_131 {strides = array<i32>} : memref<1000x1xf32, #tpu.memory_space<vmem>>, vector<1000x1xf32>,
    return
  }
  func.func @transform_0(%arg0: i32) -> (i32, i32, i32) {
    %c0_i32 = arith.constant 0 : i32
    %c0_i32_0 = arith.constant 0 : i32
    %c0_i32_1 = arith.constant 0 : i32
    return %c0_i32, %arg0, %c0_i32_0 : i32, i32, i32
  }
  func.func @transform_1(%arg0: i32) -> (i32, i32) {
    %c0_i32 = arith.constant 0 : i32
    %c0_i32_0 = arith.constant 0 : i32
    return %arg0, %c0_i32 : i32, i32
  }
  func.func @transform_2(%arg0: i32) -> (i32, i32) {
    %c0_i32 = arith.constant 0 : i32
    %c0_i32_0 = arith.constant 0 : i32
    return %arg0, %c0_i32 : i32, i32
  }
  func.func @transform_3(%arg0: i32) -> (i32, i32) {
    %c0_i32 = arith.constant 0 : i32
    %c0_i32_0 = arith.constant 0 : i32
    %c0_i32_1 = arith.constant 0 : i32
    return %c0_i32, %c0_i32_0 : i32, i32
  }
  func.func @transform_4(%arg0: i32) -> (i32, i32) {
    %c0_i32 = arith.constant 0 : i32
    %c0_i32_0 = arith.constant 0 : i32
    %c0_i32_1 = arith.constant 0 : i32
    return %c0_i32, %c0_i32_0 : i32, i32
  }
  func.func @transform_5(%arg0: i32) -> (i32, i32) {
    %c0_i32 = arith.constant 0 : i32
    %c0_i32_0 = arith.constant 0 : i32
    %c0_i32_1 = arith.constant 0 : i32
    return %c0_i32, %c0_i32_0 : i32, i32
  }
  func.func @transform_6(%arg0: i32) -> (i32, i32) {
    %c0_i32 = arith.constant 0 : i32
    %c0_i32_0 = arith.constant 0 : i32
    %c0_i32_1 = arith.constant 0 : i32
    return %c0_i32, %c0_i32_0 : i32, i32
  }
  func.func @transform_7(%arg0: i32) -> (i32, i32) {
    %c0_i32 = arith.constant 0 : i32
    %c0_i32_0 = arith.constant 0 : i32
    %c0_i32_1 = arith.constant 0 : i32
    return %c0_i32, %c0_i32_0 : i32, i32
  }
  func.func @transform_8(%arg0: i32) -> (i32, i32) {
    %c0_i32 = arith.constant 0 : i32
    %c0_i32_0 = arith.constant 0 : i32
    %c0_i32_1 = arith.constant 0 : i32
    return %c0_i32, %c0_i32_0 : i32, i32
  }
  func.func @transform_9(%arg0: i32) -> (i32, i32) {
    %c0_i32 = arith.constant 0 : i32
    %c0_i32_0 = arith.constant 0 : i32
    %c0_i32_1 = arith.constant 0 : i32
    return %c0_i32, %c0_i32_0 : i32, i32
  }
  func.func @transform_10(%arg0: i32) -> (i32, i32) {
    %c0_i32 = arith.constant 0 : i32
    %c0_i32_0 = arith.constant 0 : i32
    %c0_i32_1 = arith.constant 0 : i32
    return %c0_i32, %c0_i32_0 : i32, i32
  }
  func.func @transform_11(%arg0: i32) -> (i32, i32) {
    %c0_i32 = arith.constant 0 : i32
    %c0_i32_0 = arith.constant 0 : i32
    %c0_i32_1 = arith.constant 0 : i32
    return %c0_i32, %c0_i32_0 : i32, i32
  }
  func.func @transform_12(%arg0: i32) -> (i32, i32) {
    %c0_i32 = arith.constant 0 : i32
    %c0_i32_0 = arith.constant 0 : i32
    %c0_i32_1 = arith.constant 0 : i32
    return %c0_i32, %c0_i32_0 : i32, i32
  }
  func.func @transform_13(%arg0: i32) -> (i32, i32) {
    %c0_i32 = arith.constant 0 : i32
    %c0_i32_0 = arith.constant 0 : i32
    %c0_i32_1 = arith.constant 0 : i32
    return %c0_i32, %c0_i32_0 : i32, i32
  }
  func.func @transform_14(%arg0: i32) -> (i32, i32) {
    %c0_i32 = arith.constant 0 : i32
    %c0_i32_0 = arith.constant 0 : i32
    %c0_i32_1 = arith.constant 0 : i32
    return %c0_i32, %c0_i32_0 : i32, i32
  }
  func.func @transform_15(%arg0: i32) -> (i32, i32) {
    %c0_i32 = arith.constant 0 : i32
    %c0_i32_0 = arith.constant 0 : i32
    %c0_i32_1 = arith.constant 0 : i32
    return %c0_i32, %c0_i32_0 : i32, i32
  }
  func.func @transform_16(%arg0: i32) -> (i32, i32) {
    %c0_i32 = arith.constant 0 : i32
    %c0_i32_0 = arith.constant 0 : i32
    %c0_i32_1 = arith.constant 0 : i32
    return %c0_i32, %c0_i32_0 : i32, i32
  }
  func.func @transform_17(%arg0: i32) -> (i32, i32) {
    %c0_i32 = arith.constant 0 : i32
    %c0_i32_0 = arith.constant 0 : i32
    return %arg0, %c0_i32 : i32, i32
  }
  func.func @transform_18(%arg0: i32) -> (i32, i32) {
    %c0_i32 = arith.constant 0 : i32
    %c0_i32_0 = arith.constant 0 : i32
    return %arg0, %c0_i32 : i32, i32
  }
}

</mosaic_0001>

<sc_bundles>
// kernel: kernel.6.cloned.1.call-start
scs
__scs_entry_jumppad:
0x0: {  	(pc) =	sbr.rel $0x88, $3  }
0x1: {  	(tag) =	ssettag $0x0;
	lr =	simm.s32 $0x1  }
0x2: {  	[smem:$0x3F8F] =	sst lr;
	_ =	strace $0xD0000000  }
0x3: {  	_ = 	snop  }
0x4: {  	_ = 	snop  }
0x5: {  	_ = 	snop  }
0x6: {  	_ = 	snop  }
0x7: {  	_ = 	snop  }
__scs_overlays_trampoline_lowered:
0x8: {  	[smem:$0x3F9E] =	sst s0  }
0x9: {  	[smem:$0x3F9F] =	sst s1  }
0xa: {  	[smem:$0x3FA0] =	sst s2  }
0xb: {  	[smem:$0x3FA1] =	sst s3  }
0xc: {  	[smem:$0x3FA2] =	sst s4  }
0xd: {  	[smem:$0x3FA3] =	sst s5  }
0xe: {  	[smem:$0x3FA4] =	sst s6  }
0xf: {  	[smem:$0x3FA5] =	sst s7  }
0x10: {  	[smem:$0x3FA6] =	sst s8  }
0x11: {  	[smem:$0x3FA7] =	sst s9;
	s0 =	simm.s32 @!p0 $0x0  }
0x12: {  	s1 =	sld [smem:$0x3F8D];
	s0 =	simm.s32 @p0 $0x1  }
0x13: {  	[smem:$0x3FA8] =	sst s0;
	s0 =	simm.s32 @!p1 $0x0  }
0x14: {  	s2 =	sld [smem:$0x3F8C];
	s0 =	simm.s32 @p1 $0x1  }
0x15: {  	[smem:$0x3FA9] =	sst s0;
	s0 =	simm.s32 @!p2 $0x0  }
0x16: {  	s3 =	sld [smem:$0x3FDB];
	s0 =	simm.s32 @p2 $0x1  }
0x17: {  	s4 =	simm.s32 $0x1BF5;
	[smem:$0x3FAB] =	sst s0  }
0x18: {  	s0 =	sld [smem:$0x3F8E];
	_ =	swait.ge [sflag:s4], $0x0  }
0x19: {  	s7 =	sld [smem:$0x3F8F]  }
0x1a: {  	s8 =	sadd.s32 $0xFFFFE003, lr  }
0x1b: {  	s9 =	sadd.s32 $0xFFFFFEF7, lr;
	s5 =	simm.s32 $0xFFFFFFFF;
	p2 =	slt.u32 s8, $0xFFFFF086  }
0x1c: {  	p1 =	slt.u32 s9, $0xF7A;
	s5 =	simm.s32 @!p2 $0x0  }
0x1d: {  	s5 =	simm.s32 @p1 $0x1;
	p0 =	seq.s32 s7, s2  }
0x1e: {  	s7 =	smul.u32 @!p0 $0xF7A, s2;
	p2 =	seq.s32 @!p0 s5, $0x0  }
0x1f: {  	s9 =	smul.u32 $0xF7A, s1;
	s8 =	simm.s32 @!p0 $0x1BF5;
	p2 =	por !p2, p0  }
0x20: {  	[sflag:s8] =	ssyncset.s32 @!p0 $0xFFFFF086;
	s6 =	sadd.s32 @!p0 s3, s7;
	s7 =	simm.s32 @!p0 $0x108  }
0x21: {  	s3 =	sadd.s32 s3, s9;
	s6 =	sadd.s32 @!p0 $0x88, s6;
	s7 =	simm.s32 @p2 $0x1082  }
0x22: {  	[simem:s7], [sflag:s8] =	dma.local @!p0 [hbm:s6], $0xF7A  }
0x23: {  	s9 =	sor.u32 $0xD0000000, s2;
	s6 =	simm.s32 $0x108;
	_ =	swait.ge @!p0 [sflag:s8], $0x0  }
0x24: {  	s3 =	sadd.s32 $0x88, s3;
	s6 =	simm.s32 @!p1 $0x1082;
	[sflag:s4] =	ssyncset.s32 $0xFFFFF086  }
0x25: {  	[simem:s6], [sflag:s4] =	dma.local [hbm:s3], $0xF7A  }
0x26: {  	[smem:$0x3F8F] =	sst s1;
	(tag) =	ssettag s2;
	_ =	strace s9  }
0x27: {  	s1 =	sld [smem:$0x3F9F]  }
0x28: {  	s2 =	sld [smem:$0x3FA0]  }
0x29: {  	s4 =	sld [smem:$0x3FA2]  }
0x2a: {  	p0 =	seq.s32 s5, $0x0;
	s5 =	sld [smem:$0x3FA3]  }
0x2b: {  	s6 =	sld [smem:$0x3FA4]  }
0x2c: {  	s7 =	sld [smem:$0x3FA5]  }
0x2d: {  	s3 =	simm.s32 $0x108;
	s8 =	sld [smem:$0x3FA6]  }
0x2e: {  	s3 =	simm.s32 @!p0 $0x1082;
	s9 =	sld [smem:$0x3FA7]  }
0x2f: {  	lr =	sadd.s32 s0, s3;
	s0 =	sld [smem:$0x3F9E]  }
0x30: {  	s3 =	sld [smem:$0x3FA1]  }
0x31: {  	[smem:$0x3FAA] =	sst s10  }
0x32: {  	s10 =	sld [smem:$0x3FA8];
	_ =	sdelay $0x3  }
0x33: {  	p0 =	seq.s32 s10, $0x1;
	s10 =	sld [smem:$0x3FAA];
	_ =	sdelay $0x3  }
0x34: {  	[smem:$0x3FAA] =	sst s10  }
0x35: {  	s10 =	sld [smem:$0x3FA9];
	_ =	sdelay $0x3  }
0x36: {  	p1 =	seq.s32 s10, $0x1;
	s10 =	sld [smem:$0x3FAA];
	_ =	sdelay $0x3  }
0x37: {  	[smem:$0x3FAA] =	sst s10  }
0x38: {  	s10 =	sld [smem:$0x3FAB]  }
0x39: {  	_ = 	snop;
	(pc) =	sbr.ind lr, $3  }
0x3a: {  	_ = 	snop  }
0x3b: {  	_ = 	snop  }
0x3c: {  	p2 =	seq.s32 s10, $0x1;
	s10 =	sld [smem:$0x3FAA]  }
0x3d: {  	_ =	shalt  }
0x3e: {  	_ =	shalt  }
0x3f: {  	_ =	shalt  }
0x40: {  	_ =	shalt  }
0x41: {  	_ =	shalt  }
0x42: {  	_ =	shalt  }
0x43: {  	_ =	shalt  }
0x44: {  	_ =	shalt  }
0x45: {  	_ =	shalt  }
0x46: {  	_ =	shalt  }
0x47: {  	_ =	shalt  }
0x48: {  	_ =	shalt  }
0x49: {  	_ =	shalt  }
0x4a: {  	_ =	shalt  }
0x4b: {  	_ =	shalt  }
0x4c: {  	_ =	shalt  }
0x4d: {  	_ =	shalt  }
0x4e: {  	_ =	shalt  }
0x4f: {  	_ =	shalt  }
0x50: {  	_ =	shalt  }
0x51: {  	_ =	shalt  }
0x52: {  	_ =	shalt  }
0x53: {  	_ =	shalt  }
0x54: {  	_ =	shalt  }
0x55: {  	_ =	shalt  }
0x56: {  	_ =	shalt  }
0x57: {  	_ =	shalt  }
0x58: {  	_ =	shalt  }
0x59: {  	_ =	shalt  }
0x5a: {  	_ =	shalt  }
0x5b: {  	_ =	shalt  }
0x5c: {  	_ =	shalt  }
0x5d: {  	_ =	shalt  }
0x5e: {  	_ =	shalt  }
0x5f: {  	_ =	shalt  }
0x60: {  	_ =	shalt  }
0x61: {  	_ =	shalt  }
0x62: {  	_ =	shalt  }
0x63: {  	_ =	shalt  }
0x64: {  	_ =	shalt  }
0x65: {  	_ =	shalt  }
0x66: {  	_ =	shalt  }
0x67: {  	_ =	shalt  }
0x68: {  	_ =	shalt  }
0x69: {  	_ =	shalt  }
0x6a: {  	_ =	shalt  }
0x6b: {  	_ =	shalt  }
0x6c: {  	_ =	shalt  }
0x6d: {  	_ =	shalt  }
0x6e: {  	_ =	shalt  }
0x6f: {  	_ =	shalt  }
0x70: {  	_ =	shalt  }
0x71: {  	_ =	shalt  }
0x72: {  	_ =	shalt  }
0x73: {  	_ =	shalt  }
0x74: {  	_ =	shalt  }
0x75: {  	_ =	shalt  }
0x76: {  	_ =	shalt  }
0x77: {  	_ =	shalt  }
0x78: {  	_ =	shalt  }
0x79: {  	_ =	shalt  }
0x7a: {  	_ =	shalt  }
0x7b: {  	_ =	shalt  }
0x7c: {  	_ =	shalt  }
0x7d: {  	_ =	shalt  }
0x7e: {  	_ =	shalt  }
0x7f: {  	_ =	shalt  }
0x80: {  	_ =	shalt  }
0x81: {  	_ =	shalt  }
0x82: {  	_ =	shalt  }
0x83: {  	_ =	shalt  }
0x84: {  	_ =	shalt  }
0x85: {  	_ =	shalt  }
0x86: {  	_ =	shalt  }
0x87: {  	_ =	shalt  }
.Lfunc_end0:
.L_simem_size_0:
called_computation_lowered:
.L_overlay_start_0:
0x88: {  	s2 =	sld [smem:$0x3FD9]  }
0x89: {  	s3 =	sld [smem:$0x3FFE];
	_ =	sdelay $0x1  }
0x8a: {  	s1 =	srdreg.scid  }
0x8b: {  	s0 =	sand.u32 $0x1, s1  }
0x8c: {  	s14 =	sshll.u32 s0, $0xA;
	s2 =	sadd.s32 s3, s2  }
0x8d: {  	s2 =	sadd.s32 s2, s14  }
0x8e: {  	[smem:$0x3FB6] =	sst s2  }
0x8f: {  	_ = 	snop  }
0x90: {  	s2 =	sld [smem:$0x3FD0];
	_ =	sdelay $0x2  }
0x91: {  	s15 =	simm.s32 $0xA;
	s4 =	simm.s32 $0x10  }
0x92: {  	[smem:s4], [sflag:s15] =	dma.local [hbm:s2], $0x1  }
0x93: {  	_ =	swait.eq [sflag:s15], $0x1  }
0x94: {  	[sflag:s15] =	ssyncset.done $0x0  }
0x95: {  	[sflag:s15] =	ssyncadd.s32 $0xFFFFFFFF  }
0x96: {  	s16 =	sld [smem:$0x10];
	(tm) =	ssettm $0x1  }
0x97: {  	s17 =	sld [smem:$0x3FFB];
	_ =	sdelay $0x3  }
0x98: {  	_ =	strace s17  }
0x99: {  	s3 =	sld [smem:$0x3FFC];
	_ =	sdelay $0x3  }
0x9a: {  	_ =	strace s3  }
0x9b: {  	s3 =	sld [smem:$0x3FFD];
	_ =	sdelay $0x3  }
0x9c: {  	_ =	strace s3  }
0x9d: {  	_ =	strace $0x8FFFFFFF  }
0x9e: {  	s18 =	sld [smem:$0x3FDB];
	_ =	sdelay $0x1  }
0x9f: {  	s19 =	simm.s32 $_scs_section_size  }
0xa0: {  	s5 =	simm.s32 $_size__tile_overlayer_lowered;
	s6 =	simm.s32 $_tile_overlayer_lowered  }
0xa1: {  	s22 =	simm.s32 $0x1BFF;
	s21 =	sshll.u32 s6, $0x1;
	s3 =	sadd.s32 s19, s18  }
0xa2: {  	s7 =	simm.s32 $0x0;
	s20 =	sshll.u32 s5, $0x1;
	s5 =	sadd.s32 s21, s3  }
0xa3: {  	[timem:s7], [sflag:s22] =	dma.local [hbm:s5], s20  }
0xa4: {  	_ =	swait.ge [sflag:s22], s20  }
0xa5: {  	s4 =	ssub.s32 $0x0, s20;
	[sflag:s22] =	ssyncset.done $0x0  }
0xa6: {  	[sflag:s22] =	ssyncadd.s32 s4;
	_ =	sdelay $0x1  }
0xa7: {  	s23 =	simm.s32 $0x1B8B  }
0xa8: {  	_ =	swait.ge [sflag:s23], $0x1  }
0xa9: {  	[sflag:s23] =	ssyncset.done $0x0  }
0xaa: {  	s25 =	simm.s32 $0x1B8E;
	s24 =	sld [smem:$0x3FFE];
	[sflag:s23] =	ssyncadd.s32 $0xFFFFFFFF  }
0xab: {  	s26 =	simm.s32 $execute0_lowered;
	[smem:$0x3FD2] =	sst s25  }
0xac: {  	s5 =	sshll.u32 s26, $0x1;
	_ =	strace $0x80000046;
	[dreg:$0x1] =	wrdreg $0xFFFFFFFF  }
0xad: {  	s28 =	simm.s32 $_size_execute0_lowered;
	s3 =	sadd.s32 s3, s5;
	[dreg:$0x0] =	wrdreg $0x0  }
0xae: {  	s5 =	sshll.u32 s28, $0x1;
	[dreg:$0x2] =	wrdreg s3  }
0xaf: {  	[dreg:$0x3] =	wrdreg s5  }
0xb0: {  	[dreg:$0x4] =	wrdreg $0xC0  }
0xb1: {  	_ =	task [dreg:s7], $0x5FFFF  }
0xb2: {  	[dreg:$0x1] =	wrdreg $0xFFFFFFFF  }
0xb3: {  	[dreg:$0x0] =	wrdreg $0x60  }
0xb4: {  	[dreg:$0x2] =	wrdreg s24  }
0xb5: {  	[dreg:$0x3] =	wrdreg s16  }
0xb6: {  	[dreg:$0x4] =	wrdreg $0xCF800  }
0xb7: {  	[dreg:$0x5] =	wrdreg $0xD2000  }
0xb8: {  	[dreg:$0x6] =	wrdreg $0x9  }
0xb9: {  	_ =	task.clear_ibuf [dreg:s7], $0x7FFFF;
	_ =	strace $0x90000046  }
0xba: {  	s29 =	simm.s32 $0x9;
	_ =	strace $0x80000048  }
0xbb: {  	_ =	swait.ge [sflag:s29], $0x1  }
0xbc: {  	[sflag:s29] =	ssyncadd.s32 $0xFFFFFFFF  }
0xbd: {  	_ =	strace $0x90000048  }
0xbe: {  	_ =	sfence  }
0xbf: {  	s30 =	sld [smem:$0x0];
	_ =	sdelay $0x2  }
0xc0: {  	s31 =	sshll.u32 s1, $0xD;
	s1 =	sshrl.u32 s1, $0x2  }
0xc1: {  	s3 =	sand.u32 $0x4000, s31;
	s1 =	sadd.s32 s1, s30  }
0xc2: {  	s0 =	sor.u32 s3, s0;
	s1 =	sshll.u32 s1, $0x11  }
0xc3: {  	s0 =	sor.u32 s1, s0  }
0xc4: {  	s0 =	sadd.s32 $0x8F2B, s0  }
0xc5: {  	[sflag:s0] =	ssyncadd.remote.s32 $0x1  }
0xc6: {  	_ =	sfence.sel $0xFFFF  }
0xc7: {  	[dreg:$0x0] =	wrdreg $0xFFFFFFFF;
	(pc) =	sbr.abs _section_cstart, $3  }
0xc8: {  	[dreg:$0x1] =	wrdreg $0xFFFFFFFF  }
0xc9: {  	_ =	task.clear_ibuf [dreg:s7], $0x2FFFF;
	_ =	strace $0x9FFFFFFF  }
0xca: {  	(tm) =	ssettm $0x7FFFFFFF  }
0xcb: {  	_ =	shalt  }
tec
execute0_lowered:
.L_overlay_start_1:
0x0: {  	(tag) =	ssettag $0x1  }
0x1: {  	s5 =	rddreg [dreg:$0x0]  }
0x2: {  	s9 =	rddreg [dreg:$0x1]  }
0x3: {  	s2 =	rddreg [dreg:$0x2]  }
0x4: {  	s3 =	rddreg [dreg:$0x3]  }
0x5: {  	s0 =	rddreg [dreg:$0x4]  }
0x6: {  	s1 =	stileid.u32;
	s6 =	srdreg.scid  }
0x7: {  	s4 =	simm.s32 $0x0;
	s14 =	simm.s32 $0x1;
	s15 =	simm.s32 $0x2C00  }
0x8: {  	s16 =	simm.s32 $0x5800;
	s17 =	simm.s32 $0x80;
	s19 =	simm.s32 $0x5D00  }
0x9: {  	s20 =	simm.s32 $0x5F80;
	s21 =	simm.s32 $0x8780;
	s22 =	simm.s32 $0x9F80  }
0xa: {  	s23 =	simm.s32 $0xB780;
	s24 =	simm.s32 $0x0;
	s18 =	sand.u32 $0x1, s6  }
0xb: {  	s30 =	sshll.u32 s1, $0x1;
	[smem:$0x7FF] =	sst s4;
	s7 =	smul.u32 $0x580, s1  }
0xc: {  	s11 =	smul.u32 $0x280, s1;
	s6 =	sor.u32 s18, s30;
	_ =	strace $0x80000047  }
0xd: {  	s8 =	ssub.s32 $0x2, s18;
	p0 =	sne.s32 s18, $0x0;
	s18 =	simm.s32 $0x5A80  }
0xe: {  	s6 =	smul.u32 $0x300, s6;
	s7 =	sadd.s32 s7, s5;
	s10 =	sshrl.u32 s8, $0x1  }
0xf: {  	s31 =	sshrl.u32 s11, $0x3;
	s13 =	ssub.s32 s8, s10;
	s8 =	sadd.s32 s11, s3  }
0x10: {  	s9 =	sadd.s32 s9, s31;
	s12 =	sadd.s32 s6, s5;
	s5 =	sadd.s32 $0x15000, s7  }
0x11: {  	s6 =	sadd.s32 $0x9800, s7;
	s7 =	sadd.s32 s11, s2;
	s13 =	smax.u32 s13, $0x1  }
0x12: {  	v0 =	vimm.f32 $0.0e+00;
	s10 =	sadd.s32 $0xF000, s12;
	s11 =	sadd.s32 $0x3800, s12;
	s12 =	sadd.s32 $0x1A800, s12  }
.LBB2_1:
0x13: {  	[tilespmem:s4], [sflag:$0x1] =	stream.linear.gather [hbm4b:s5+s4], $0x2A00, $0x38;
	[tilespmem:$0xD480] =	vst v63  }
0x14: {  	_ =	swait.ge [sflag:s14], $0x2A00  }
0x15: {  	[sflag:s14] =	ssyncset.done $0x0  }
0x16: {  	[sflag:s14] =	ssyncadd.s32 $0xFFFFD600  }
0x17: {  	[tilespmem:s15], [sflag:$0x1] =	stream.linear.gather [hbm4b:s6+s4], $0x2A00, $0x38;
	[tilespmem:$0xD480] =	vst v63  }
0x18: {  	_ =	swait.ge [sflag:s14], $0x2A00  }
0x19: {  	[sflag:s14] =	ssyncset.done $0x0  }
0x1a: {  	[sflag:s14] =	ssyncadd.s32 $0xFFFFD600  }
0x1b: {  	[tilespmem:$0x5800] =	vst v0  }
0x1c: {  	[tilespmem:$0x5810] =	vst v0  }
0x1d: {  	[tilespmem:$0x5820] =	vst v0  }
0x1e: {  	[tilespmem:$0x5830] =	vst v0  }
0x1f: {  	[tilespmem:$0x5840] =	vst v0  }
0x20: {  	[tilespmem:$0x5850] =	vst v0  }
0x21: {  	[tilespmem:$0x5860] =	vst v0  }
0x22: {  	[tilespmem:$0x5870] =	vst v0  }
0x23: {  	[tilespmem:$0x5880] =	vst v0  }
0x24: {  	[tilespmem:$0x5890] =	vst v0  }
0x25: {  	[tilespmem:$0x58A0] =	vst v0  }
0x26: {  	[tilespmem:$0x58B0] =	vst v0  }
0x27: {  	[tilespmem:$0x58C0] =	vst v0  }
0x28: {  	[tilespmem:$0x58D0] =	vst v0  }
0x29: {  	[tilespmem:$0x58E0] =	vst v0  }
0x2a: {  	[tilespmem:$0x58F0] =	vst v0  }
0x2b: {  	[tilespmem:$0x5900] =	vst v0  }
0x2c: {  	[tilespmem:$0x5910] =	vst v0  }
0x2d: {  	[tilespmem:$0x5920] =	vst v0  }
0x2e: {  	[tilespmem:$0x5930] =	vst v0  }
0x2f: {  	[tilespmem:$0x5940] =	vst v0  }
0x30: {  	[tilespmem:$0x5950] =	vst v0  }
0x31: {  	[tilespmem:$0x5960] =	vst v0  }
0x32: {  	[tilespmem:$0x5970] =	vst v0  }
0x33: {  	[tilespmem:$0x5980] =	vst v0  }
0x34: {  	[tilespmem:$0x5990] =	vst v0  }
0x35: {  	[tilespmem:$0x59A0] =	vst v0  }
0x36: {  	[tilespmem:$0x59B0] =	vst v0  }
0x37: {  	[tilespmem:$0x59C0] =	vst v0  }
0x38: {  	[tilespmem:$0x59D0] =	vst v0  }
0x39: {  	[tilespmem:$0x59E0] =	vst v0  }
0x3a: {  	[tilespmem:$0x59F0] =	vst v0  }
0x3b: {  	[tilespmem:$0x5A00] =	vst v0  }
0x3c: {  	[tilespmem:$0x5A10] =	vst v0  }
0x3d: {  	[tilespmem:$0x5A20] =	vst v0  }
0x3e: {  	[tilespmem:$0x5A30] =	vst v0  }
0x3f: {  	[tilespmem:$0x5A40] =	vst v0  }
0x40: {  	[tilespmem:$0x5A50] =	vst v0  }
0x41: {  	[tilespmem:$0x5A60] =	vst v0  }
0x42: {  	[tilespmem:$0x5A70] =	vst v0  }
0x43: {  	[spmem:s7] =	stream.linear.scatter [tilespmem:s16], [sflag:$0x1], $0x280, $0x38;
	[tilespmem:$0xD480] =	vst v63  }
0x44: {  	_ =	swait.ge [sflag:s14], $0x280  }
0x45: {  	[sflag:s14] =	ssyncset.done $0x0  }
0x46: {  	[sflag:s14] =	ssyncadd.s32 $0xFFFFFD80  }
0x47: {  	s25 =	simm.s32 $0x0;
	s26 =	simm.s32 $0x2C00;
	[bflag:$0x0] =	sbarrier.arrive $0xFFFF  }
0x48: {  	[spmem:s2] =	stream.indirect.scatter.add.f32 [tilespmem:s26], [sflag:$0x1], $0x1, s25, s17, $0xb8;
	[tilespmem:$0xD480] =	vst v63  }
0x49: {  	s25 =	simm.s32 $0x200;
	_ =	swait.ge [sflag:s14], $0x80  }
.LBB2_2:
0x4a: {  	s26 =	sshra.s32 s25, $0x2;
	[sflag:s14] =	ssyncset.done $0x0;
	p1 =	sne.s32 s25, $0xA600  }
.Ltmp0:
0x4b: {  	s28 =	sadd.s32 $0x2C00, s26;
	[sflag:s14] =	ssyncadd.s32 $0xFFFFFF80;
	(pc) =	sbr.rel @p1 .LBB2_2-.Ltmp0, $3  }
0x4c: {  	[spmem:s2] =	stream.indirect.scatter.add.f32 [tilespmem:s28], [sflag:$0x1], $0x1, s26, s17, $0xb8;
	[tilespmem:$0xD480] =	vst v63  }
0x4d: {  	s25 =	sadd.s32 $0x200, s25;
	_ =	sdelay $0x1  }
0x4e: {  	_ =	swait.ge [sflag:s14], $0x80  }
0x4f: {  	[sflag:s14] =	ssyncset.done $0x0  }
0x50: {  	[sflag:s14] =	ssyncadd.s32 $0xFFFFFF80  }
0x51: {  	[bflag:$0x0] =	sbarrier.arrive $0xFFFF  }
0x52: {  	[tilespmem:s18], [sflag:$0x1] =	stream.linear.gather [spmem:s7], $0x280, $0x38;
	[tilespmem:$0xD480] =	vst v63  }
0x53: {  	_ =	swait.ge [sflag:s14], $0x280  }
0x54: {  	[sflag:s14] =	ssyncset.done $0x0  }
0x55: {  	[sflag:s14] =	ssyncadd.s32 $0xFFFFFD80  }
0x56: {  	v1 =	vld [tilespmem:$0x5A80]  }
0x57: {  	v3 =	vld [tilespmem:$0x5A90]  }
0x58: {  	v5 =	vld [tilespmem:$0x5AA0]  }
0x59: {  	v9 =	vld [tilespmem:$0x5AB0]  }
0x5a: {  	v11 =	vld [tilespmem:$0x5AC0]  }
0x5b: {  	v13 =	vld [tilespmem:$0x5AD0]  }
0x5c: {  	v16 =	vld [tilespmem:$0x5AE0]  }
0x5d: {  	v17 =	vld [tilespmem:$0x5AF0];
	v2 =	vshra.s32 v1, $0x1;
	v1 =	vmul.f32 $5.000000000e-01, v1  }
0x5e: {  	v6 =	vshra.s32 v3, $0x1;
	v3 =	vmul.f32 $5.000000000e-01, v3;
	v7 =	vshra.s32 v5, $0x1  }
0x5f: {  	v5 =	vmul.f32 $5.000000000e-01, v5;
	v42 =	vshra.s32 v9, $0x1;
	v2 =	vsub.s32 $0x5F3759DF, v2  }
0x60: {  	v9 =	vmul.f32 $5.000000000e-01, v9;
	v14 =	vshra.s32 v11, $0x1;
	v4 =	vmul.f32 v2, v1  }
0x61: {  	v11 =	vmul.f32 $5.000000000e-01, v11;
	v47 =	vshra.s32 v13, $0x1;
	v13 =	vmul.f32 $5.000000000e-01, v13  }
0x62: {  	v52 =	vmul.f32 $5.000000000e-01, v16;
	v62 =	vshra.s32 v17, $0x1;
	v4 =	vmul.f32 v2, v4  }
0x63: {  	v63 =	vmul.f32 $5.000000000e-01, v17;
	v6 =	vsub.s32 $0x5F3759DF, v6;
	v7 =	vsub.s32 $0x5F3759DF, v7  }
0x64: {  	v14 =	vsub.s32 $0x5F3759DF, v14;
	v40 =	vmul.f32 v6, v3;
	v4 =	vsub.f32 $1.500000000e+00, v4  }
0x65: {  	v22 =	vsub.s32 $0x5F3759DF, v62;
	v10 =	vmul.f32 v7, v5;
	v15 =	vmul.f32 v14, v11  }
0x66: {  	v17 =	vmul.f32 v22, v63;
	v2 =	vmul.f32 v2, v4  }
0x67: {  	v10 =	vmul.f32 v7, v10;
	v4 =	vmul.f32 v6, v40  }
0x68: {  	v20 =	vld [tilespmem:$0x5B20];
	v46 =	vmul.f32 v14, v15;
	v8 =	vmul.f32 v2, v1  }
0x69: {  	v41 =	vsub.f32 $1.500000000e+00, v10;
	v10 =	vsub.s32 $0x5F3759DF, v42;
	v4 =	vsub.f32 $1.500000000e+00, v4  }
0x6a: {  	v44 =	vmul.f32 v10, v9;
	v8 =	vmul.f32 v8, v2  }
0x6b: {  	v4 =	vmul.f32 v6, v4;
	v6 =	vmul.f32 v7, v41  }
0x6c: {  	v27 =	vmul.f32 v22, v17;
	v7 =	vmul.f32 v10, v44;
	v8 =	vsub.f32 $1.500000000e+00, v8  }
0x6d: {  	v40 =	vshra.s32 v20, $0x1;
	v43 =	vmul.f32 v4, v3;
	v12 =	vmul.f32 v6, v5  }
0x6e: {  	v41 =	vmul.f32 $5.000000000e-01, v20;
	v7 =	vsub.f32 $1.500000000e+00, v7;
	v2 =	vmul.f32 v8, v2  }
0x6f: {  	v8 =	vmul.f32 v43, v4;
	v12 =	vmul.f32 v12, v6;
	v43 =	vsub.s32 $0x5F3759DF, v40  }
0x70: {  	v7 =	vmul.f32 v10, v7;
	v10 =	vsub.f32 $1.500000000e+00, v46;
	v44 =	vmul.f32 v43, v41  }
0x71: {  	v21 =	vld [tilespmem:$0x5B00];
	v1 =	vmul.f32 v2, v1;
	v8 =	vsub.f32 $1.500000000e+00, v8;
	v45 =	vsub.f32 $1.500000000e+00, v12  }
0x72: {  	v48 =	vmul.f32 v7, v9;
	v12 =	vsub.s32 $0x5F3759DF, v47;
	v10 =	vmul.f32 v14, v10  }
0x73: {  	v49 =	vmul.f32 v12, v13;
	v1 =	vmul.f32 v1, v2  }
0x74: {  	v24 =	vld [tilespmem:$0x5B10];
	v4 =	vmul.f32 v8, v4;
	v6 =	vmul.f32 v45, v6  }
0x75: {  	v39 =	vld [tilespmem:$0x5B30];
	v8 =	vmul.f32 v48, v7;
	v50 =	vmul.f32 v12, v49;
	v1 =	vsub.f32 $1.500000000e+00, v1  }
0x76: {  	v29 =	vshra.s32 v21, $0x1;
	v3 =	vmul.f32 v4, v3;
	v5 =	vmul.f32 v6, v5  }
0x77: {  	v51 =	vmul.f32 v10, v11;
	v14 =	vsub.f32 $1.500000000e+00, v50;
	v1 =	vmul.f32 v1, v2  }
0x78: {  	v2 =	vmul.f32 v3, v4;
	v3 =	vsub.f32 $1.500000000e+00, v8;
	v5 =	vmul.f32 v5, v6  }
0x79: {  	v19 =	vshra.s32 v24, $0x1;
	v8 =	vmul.f32 v51, v10;
	v12 =	vmul.f32 v12, v14  }
0x7a: {  	v14 =	vmul.f32 $5.000000000e-01, v21;
	v21 =	vshra.s32 v39, $0x1;
	v7 =	vmul.f32 v3, v7  }
0x7b: {  	v3 =	vshra.s32 v16, $0x1;
	v8 =	vsub.f32 $1.500000000e+00, v8;
	v16 =	vmul.f32 $5.000000000e-01, v39  }
0x7c: {  	v53 =	vsub.s32 $0x5F3759DF, v3;
	v55 =	vmul.f32 v12, v13;
	v3 =	vmul.f32 v7, v9  }
0x7d: {  	v21 =	vsub.s32 $0x5F3759DF, v21;
	v54 =	vmul.f32 v53, v52;
	v8 =	vmul.f32 v8, v10  }
0x7e: {  	v2 =	vsub.f32 $1.500000000e+00, v2;
	v10 =	vmul.f32 v43, v44;
	v48 =	vmul.f32 v21, v16  }
0x7f: {  	v5 =	vsub.f32 $1.500000000e+00, v5;
	v56 =	vmul.f32 v55, v12;
	v18 =	vmul.f32 v3, v7  }
0x80: {  	v30 =	vsub.s32 $0x5F3759DF, v29;
	v9 =	vmul.f32 v53, v54;
	v3 =	vmul.f32 v2, v4  }
0x81: {  	v32 =	vsub.s32 $0x5F3759DF, v19;
	v2 =	vmul.f32 v5, v6;
	v59 =	vmul.f32 v8, v11  }
0x82: {  	v5 =	vmul.f32 v30, v14;
	v47 =	vsub.f32 $1.500000000e+00, v10;
	v10 =	vmul.f32 v21, v48  }
0x83: {  	v60 =	vsub.f32 $1.500000000e+00, v56;
	v57 =	vsub.f32 $1.500000000e+00, v9;
	v6 =	vmul.f32 v59, v8  }
0x84: {  	v58 =	vsub.f32 $1.500000000e+00, v18;
	v18 =	vmul.f32 $5.000000000e-01, v24;
	v33 =	vmul.f32 v30, v5  }
0x85: {  	v10 =	vsub.f32 $1.500000000e+00, v10;
	v9 =	vmul.f32 v60, v12;
	v61 =	vmul.f32 v53, v57  }
0x86: {  	v4 =	vmul.f32 v58, v7;
	v6 =	vsub.f32 $1.500000000e+00, v6;
	v19 =	vmul.f32 v32, v18  }
0x87: {  	v56 =	vld [tilespmem:$0x5B60];
	v21 =	vmul.f32 v21, v10;
	v25 =	vmul.f32 v9, v13  }
0x88: {  	v13 =	vsub.f32 $1.500000000e+00, v27;
	v23 =	vmul.f32 v61, v52;
	v5 =	vmul.f32 v6, v8  }
0x89: {  	v36 =	vmul.f32 v32, v19;
	v54 =	vmul.f32 v21, v16  }
0x8a: {  	v28 =	vmul.f32 v25, v9;
	v31 =	vmul.f32 v22, v13  }
0x8b: {  	v13 =	vsub.f32 $1.500000000e+00, v33;
	v22 =	vld [tilespmem:$0x5B40];
	v26 =	vmul.f32 v23, v61;
	v38 =	vsub.f32 $1.500000000e+00, v36  }
0x8c: {  	v29 =	vmul.f32 $5.000000000e-01, v56;
	v34 =	vsub.f32 $1.500000000e+00, v28;
	v35 =	vmul.f32 v31, v63  }
0x8d: {  	v23 =	vld [tilespmem:$0x5B50];
	v13 =	vmul.f32 v30, v13;
	v7 =	vsub.f32 $1.500000000e+00, v26;
	v12 =	vmul.f32 v32, v38  }
0x8e: {  	v6 =	vmul.f32 v34, v9;
	v8 =	vmul.f32 v35, v31  }
0x8f: {  	v28 =	vshra.s32 v56, $0x1;
	v42 =	vmul.f32 v13, v14;
	v7 =	vmul.f32 v7, v61  }
0x90: {  	v46 =	vmul.f32 v12, v18;
	v50 =	vshra.s32 v22, $0x1;
	v51 =	vmul.f32 $5.000000000e-01, v22  }
0x91: {  	v22 =	vmul.f32 v54, v21;
	v61 =	vld [tilespmem:$0x5B70];
	v8 =	vsub.f32 $1.500000000e+00, v8;
	v45 =	vmul.f32 v42, v13  }
0x92: {  	v32 =	vsub.s32 $0x5F3759DF, v28;
	v60 =	vmul.f32 $5.000000000e-01, v23;
	v15 =	vmul.f32 v7, v52  }
0x93: {  	v20 =	vmul.f32 v46, v12;
	v8 =	vmul.f32 v8, v31;
	v17 =	vsub.f32 $1.500000000e+00, v45  }
0x94: {  	v59 =	vshra.s32 v23, $0x1;
	v23 =	vmul.f32 v32, v29;
	v37 =	vmul.f32 v15, v7  }
0x95: {  	v49 =	vsub.f32 $1.500000000e+00, v20;
	v11 =	vmul.f32 v8, v63;
	v13 =	vmul.f32 v17, v13  }
0x96: {  	v25 =	vshra.s32 v61, $0x1;
	v19 =	vmul.f32 $5.000000000e-01, v61;
	v9 =	vsub.f32 $1.500000000e+00, v37  }
0x97: {  	v12 =	vmul.f32 v49, v12;
	v25 =	vsub.s32 $0x5F3759DF, v25;
	v11 =	vmul.f32 v11, v8  }
0x98: {  	v14 =	vmul.f32 v13, v14;
	v26 =	vmul.f32 v25, v19  }
0x99: {  	v7 =	vmul.f32 v9, v7;
	v17 =	vmul.f32 v12, v18;
	v18 =	vsub.s32 $0x5F3759DF, v50  }
0x9a: {  	v9 =	vmul.f32 v43, v47;
	v53 =	vmul.f32 v18, v51  }
0x9b: {  	v58 =	vsub.f32 $1.500000000e+00, v22;
	v52 =	vmul.f32 v14, v13;
	v17 =	vmul.f32 v17, v12  }
0x9c: {  	v37 =	vld [tilespmem:$0x5B80];
	v11 =	vsub.f32 $1.500000000e+00, v11;
	v15 =	vmul.f32 v9, v41;
	v14 =	vmul.f32 v18, v53  }
0x9d: {  	v23 =	vmul.f32 v32, v23;
	v35 =	vmul.f32 v25, v26;
	v17 =	vsub.f32 $1.500000000e+00, v17  }
0x9e: {  	v28 =	vld [tilespmem:$0x5BB0];
	v10 =	vmul.f32 v11, v8;
	v15 =	vmul.f32 v15, v9;
	v55 =	vsub.f32 $1.500000000e+00, v14  }
0x9f: {  	v14 =	vmul.f32 v58, v21;
	v8 =	vmul.f32 v17, v12;
	v17 =	vsub.s32 $0x5F3759DF, v59  }
0xa0: {  	v11 =	vmul.f32 v18, v55;
	v63 =	vmul.f32 v17, v60  }
0xa1: {  	v22 =	vmul.f32 $5.000000000e-01, v37;
	v15 =	vsub.f32 $1.500000000e+00, v15;
	v16 =	vmul.f32 v14, v16  }
0xa2: {  	v34 =	vsub.f32 $1.500000000e+00, v23;
	v62 =	vmul.f32 v11, v51;
	v31 =	vmul.f32 v17, v63  }
0xa3: {  	v24 =	vsub.f32 $1.500000000e+00, v52;
	v59 =	vmul.f32 $5.000000000e-01, v28;
	v15 =	vmul.f32 v15, v9  }
0xa4: {  	v33 =	vmul.f32 v16, v14;
	v30 =	vmul.f32 v62, v11;
	v21 =	vsub.f32 $1.500000000e+00, v31  }
0xa5: {  	v16 =	vmul.f32 v32, v34;
	v57 =	vmul.f32 v15, v41  }
0xa6: {  	v9 =	vmul.f32 v24, v13;
	v13 =	vsub.f32 $1.500000000e+00, v30;
	v17 =	vmul.f32 v17, v21  }
0xa7: {  	v44 =	vld [tilespmem:$0x5B90];
	v38 =	vmul.f32 v16, v29;
	v12 =	vmul.f32 v57, v15;
	v21 =	vsub.f32 $1.500000000e+00, v35  }
0xa8: {  	v13 =	vmul.f32 v13, v11;
	v36 =	vmul.f32 v17, v60  }
0xa9: {  	v41 =	vmul.f32 v38, v16;
	v21 =	vmul.f32 v25, v21  }
0xaa: {  	v49 =	vld [tilespmem:$0x5BA0];
	v20 =	vmul.f32 v13, v51;
	v23 =	vmul.f32 v36, v17  }
0xab: {  	v32 =	vld [tilespmem:$0x5BE0];
	v12 =	vsub.f32 $1.500000000e+00, v12;
	v11 =	vsub.f32 $1.500000000e+00, v33;
	v42 =	vmul.f32 v21, v19  }
0xac: {  	v25 =	vmul.f32 $5.000000000e-01, v44;
	v20 =	vmul.f32 v20, v13;
	v39 =	vsub.f32 $1.500000000e+00, v23  }
0xad: {  	v43 =	vshra.s32 v37, $0x1;
	v12 =	vmul.f32 v12, v15;
	v23 =	vmul.f32 v42, v21  }
0xae: {  	v11 =	vmul.f32 v11, v14;
	v40 =	vsub.f32 $1.500000000e+00, v20;
	v14 =	vmul.f32 v39, v17  }
0xaf: {  	v17 =	vsub.s32 $0x5F3759DF, v43;
	v47 =	vsub.f32 $1.500000000e+00, v23;
	v23 =	vmul.f32 $5.000000000e-01, v49  }
0xb0: {  	v20 =	vsub.f32 $1.500000000e+00, v41;
	v43 =	vmul.f32 $5.000000000e-01, v32;
	v45 =	vmul.f32 v17, v22  }
0xb1: {  	v51 =	vshra.s32 v44, $0x1;
	v18 =	vmul.f32 v14, v60;
	v13 =	vmul.f32 v40, v13  }
0xb2: {  	v46 =	vmul.f32 v20, v16;
	v21 =	vmul.f32 v47, v21;
	v20 =	vsub.s32 $0x5F3759DF, v51  }
0xb3: {  	v53 =	vshra.s32 v49, $0x1;
	v48 =	vmul.f32 v17, v45;
	v52 =	vmul.f32 v20, v25  }
0xb4: {  	v26 =	vsub.s32 $0x5F3759DF, v53;
	v18 =	vmul.f32 v18, v14;
	v24 =	vmul.f32 v46, v29  }
0xb5: {  	v33 =	vld [tilespmem:$0x5BD0];
	v55 =	vmul.f32 v26, v23;
	v19 =	vmul.f32 v21, v19;
	v50 =	vsub.f32 $1.500000000e+00, v48  }
0xb6: {  	v16 =	vmul.f32 v20, v52;
	v24 =	vmul.f32 v24, v46;
	v18 =	vsub.f32 $1.500000000e+00, v18  }
0xb7: {  	v58 =	vshra.s32 v28, $0x1;
	v19 =	vmul.f32 v19, v21;
	v17 =	vmul.f32 v17, v50  }
0xb8: {  	v60 =	vld [tilespmem:$0x5BC0];
	v56 =	vmul.f32 v26, v55;
	v29 =	vsub.f32 $1.500000000e+00, v16;
	v14 =	vmul.f32 v18, v14  }
0xb9: {  	v54 =	vsub.f32 $1.500000000e+00, v24;
	v19 =	vsub.f32 $1.500000000e+00, v19;
	v27 =	vmul.f32 v17, v22  }
0xba: {  	v18 =	vsub.f32 $1.500000000e+00, v56;
	v20 =	vmul.f32 v20, v29;
	v29 =	vmul.f32 $5.000000000e-01, v33  }
0xbb: {  	v36 =	vshra.s32 v33, $0x1;
	v33 =	vld [tilespmem:$0x5BF0];
	v16 =	vmul.f32 v54, v46;
	v15 =	vmul.f32 v19, v21  }
0xbc: {  	v21 =	vsub.s32 $0x5F3759DF, v58;
	v18 =	vmul.f32 v26, v18;
	v61 =	vmul.f32 v20, v25  }
0xbd: {  	v30 =	vshra.s32 v60, $0x1;
	v58 =	vld [tilespmem:$0x5C10];
	v27 =	vmul.f32 v27, v17;
	v62 =	vmul.f32 v21, v59  }
0xbe: {  	v30 =	vsub.s32 $0x5F3759DF, v30;
	v63 =	vmul.f32 v18, v23;
	v19 =	vmul.f32 v61, v20  }
0xbf: {  	v57 =	vsub.f32 $1.500000000e+00, v27;
	v26 =	vmul.f32 v21, v62;
	v27 =	vmul.f32 $5.000000000e-01, v60  }
0xc0: {  	v28 =	vmul.f32 v63, v18;
	v50 =	vshra.s32 v33, $0x1;
	v51 =	vmul.f32 $5.000000000e-01, v33  }
0xc1: {  	v17 =	vmul.f32 v57, v17;
	v19 =	vsub.f32 $1.500000000e+00, v19;
	v26 =	vsub.f32 $1.500000000e+00, v26  }
0xc2: {  	v31 =	vmul.f32 v30, v27;
	v53 =	vsub.s32 $0x5F3759DF, v50;
	v63 =	vmul.f32 $5.000000000e-01, v58  }
0xc3: {  	v34 =	vsub.f32 $1.500000000e+00, v28;
	v55 =	vmul.f32 v53, v51;
	v22 =	vmul.f32 v17, v22  }
0xc4: {  	v28 =	vsub.s32 $0x5F3759DF, v36;
	v19 =	vmul.f32 v19, v20;
	v21 =	vmul.f32 v21, v26  }
0xc5: {  	v35 =	vmul.f32 v30, v31;
	v38 =	vmul.f32 v28, v29  }
0xc6: {  	v18 =	vmul.f32 v34, v18;
	v37 =	vmul.f32 v21, v59  }
0xc7: {  	v57 =	vmul.f32 v53, v55;
	v26 =	vsub.f32 $1.500000000e+00, v35;
	v39 =	vmul.f32 v28, v38  }
0xc8: {  	v42 =	vshra.s32 v32, $0x1;
	v25 =	vmul.f32 v19, v25;
	v20 =	vmul.f32 v37, v21  }
0xc9: {  	v22 =	vmul.f32 v22, v17;
	v26 =	vmul.f32 v30, v26;
	v30 =	vsub.f32 $1.500000000e+00, v39  }
0xca: {  	v23 =	vmul.f32 v18, v23;
	v40 =	vmul.f32 v25, v19;
	v20 =	vsub.f32 $1.500000000e+00, v20  }
0xcb: {  	v62 =	vshra.s32 v58, $0x1;
	v41 =	vmul.f32 v26, v27;
	v28 =	vmul.f32 v28, v30  }
0xcc: {  	v22 =	vsub.f32 $1.500000000e+00, v22;
	v23 =	vmul.f32 v23, v18;
	v20 =	vmul.f32 v20, v21  }
0xcd: {  	v25 =	vmul.f32 v41, v26;
	v21 =	vsub.s32 $0x5F3759DF, v42;
	v45 =	vmul.f32 v28, v29  }
0xce: {  	v17 =	vmul.f32 v22, v17;
	v22 =	vsub.f32 $1.500000000e+00, v40;
	v44 =	vmul.f32 v21, v43  }
0xcf: {  	v52 =	vld [tilespmem:$0x5C00];
	v35 =	vsub.s32 $0x5F3759DF, v62;
	v25 =	vsub.f32 $1.500000000e+00, v25;
	v46 =	vmul.f32 v45, v28  }
0xd0: {  	v23 =	vsub.f32 $1.500000000e+00, v23;
	v19 =	vmul.f32 v22, v19;
	v30 =	vmul.f32 v21, v44  }
0xd1: {  	v24 =	vmul.f32 v20, v59;
	v25 =	vmul.f32 v25, v26;
	v26 =	vsub.f32 $1.500000000e+00, v46  }
0xd2: {  	v39 =	vld [tilespmem:$0x5C20];
	v42 =	vmul.f32 v35, v63;
	v18 =	vmul.f32 v23, v18;
	v47 =	vsub.f32 $1.500000000e+00, v30  }
0xd3: {  	v24 =	vmul.f32 v24, v20;
	v26 =	vmul.f32 v26, v28  }
0xd4: {  	v59 =	vshra.s32 v52, $0x1;
	v49 =	vmul.f32 v25, v27;
	v22 =	vmul.f32 v21, v47  }
0xd5: {  	v30 =	vmul.f32 $5.000000000e-01, v52;
	v56 =	vmul.f32 v26, v29;
	v29 =	vsub.f32 $1.500000000e+00, v57  }
0xd6: {  	v50 =	vld [tilespmem:$0x5C40];
	v48 =	vsub.f32 $1.500000000e+00, v24;
	v24 =	vmul.f32 v49, v25;
	v54 =	vmul.f32 v22, v43  }
0xd7: {  	v32 =	vmul.f32 $5.000000000e-01, v39;
	v33 =	vsub.s32 $0x5F3759DF, v59;
	v28 =	vmul.f32 v53, v29  }
0xd8: {  	v60 =	vmul.f32 v33, v30;
	v24 =	vsub.f32 $1.500000000e+00, v24;
	v21 =	vmul.f32 v54, v22  }
0xd9: {  	v23 =	vmul.f32 v56, v26;
	v40 =	vmul.f32 v28, v51  }
0xda: {  	v45 =	vld [tilespmem:$0x5C30];
	v34 =	vsub.f32 $1.500000000e+00, v21;
	v21 =	vmul.f32 v24, v25;
	v24 =	vmul.f32 v33, v60  }
0xdb: {  	v20 =	vmul.f32 v48, v20;
	v57 =	vmul.f32 $5.000000000e-01, v50;
	v23 =	vsub.f32 $1.500000000e+00, v23  }
0xdc: {  	v44 =	vmul.f32 v40, v28;
	v61 =	vmul.f32 v34, v22;
	v41 =	vsub.f32 $1.500000000e+00, v24  }
0xdd: {  	v46 =	vshra.s32 v39, $0x1;
	v22 =	vmul.f32 v23, v26;
	v24 =	vmul.f32 v35, v42  }
0xde: {  	v34 =	vsub.s32 $0x5F3759DF, v46;
	v31 =	vmul.f32 v61, v43;
	v23 =	vmul.f32 v33, v41  }
0xdf: {  	v47 =	vmul.f32 v34, v32;
	v24 =	vsub.f32 $1.500000000e+00, v24;
	v33 =	vmul.f32 $5.000000000e-01, v45  }
0xe0: {  	v48 =	vshra.s32 v45, $0x1;
	v43 =	vmul.f32 v31, v61;
	v36 =	vmul.f32 v23, v30  }
0xe1: {  	v31 =	vsub.f32 $1.500000000e+00, v44;
	v24 =	vmul.f32 v35, v24;
	v35 =	vsub.s32 $0x5F3759DF, v48  }
0xe2: {  	v38 =	vmul.f32 v35, v33;
	v36 =	vmul.f32 v36, v23  }
0xe3: {  	v28 =	vmul.f32 v31, v28;
	v31 =	vmul.f32 v34, v47  }
0xe4: {  	v37 =	vmul.f32 v24, v63;
	v26 =	vsub.f32 $1.500000000e+00, v43;
	v36 =	vsub.f32 $1.500000000e+00, v36  }
0xe5: {  	v49 =	vmul.f32 v35, v38;
	v27 =	vmul.f32 v28, v51;
	v31 =	vsub.f32 $1.500000000e+00, v31  }
0xe6: {  	v47 =	vld [tilespmem:$0x5C70];
	v37 =	vmul.f32 v37, v24;
	v36 =	vmul.f32 v36, v23  }
0xe7: {  	v31 =	vmul.f32 v34, v31;
	v23 =	vmul.f32 v26, v61  }
0xe8: {  	v39 =	vld [tilespmem:$0x5C50];
	v52 =	vsub.f32 $1.500000000e+00, v37;
	v27 =	vmul.f32 v27, v28;
	v34 =	vsub.f32 $1.500000000e+00, v49  }
0xe9: {  	v56 =	vshra.s32 v50, $0x1;
	v51 =	vmul.f32 v36, v30;
	v53 =	vmul.f32 v31, v32  }
0xea: {  	v49 =	vld [tilespmem:$0x5C80];
	v24 =	vmul.f32 v52, v24;
	v55 =	vmul.f32 v35, v34;
	v34 =	vsub.s32 $0x5F3759DF, v56  }
0xeb: {  	v52 =	vmul.f32 $5.000000000e-01, v47;
	v38 =	vmul.f32 v34, v57  }
0xec: {  	v25 =	vmul.f32 v51, v36;
	v54 =	vmul.f32 v53, v31  }
0xed: {  	v62 =	vshra.s32 v39, $0x1;
	v29 =	vmul.f32 v24, v63;
	v58 =	vmul.f32 v55, v33  }
0xee: {  	v41 =	vld [tilespmem:$0x5C60];
	v30 =	vsub.s32 $0x5F3759DF, v62;
	v63 =	vmul.f32 $5.000000000e-01, v39;
	v38 =	vmul.f32 v34, v38  }
0xef: {  	v39 =	vmul.f32 $5.000000000e-01, v49;
	v26 =	vsub.f32 $1.500000000e+00, v54;
	v37 =	vmul.f32 v58, v55  }
0xf0: {  	v27 =	vsub.f32 $1.500000000e+00, v27;
	v29 =	vmul.f32 v29, v24;
	v43 =	vmul.f32 v30, v63  }
0xf1: {  	v61 =	vsub.f32 $1.500000000e+00, v38;
	v31 =	vmul.f32 v26, v31;
	v60 =	vsub.f32 $1.500000000e+00, v37  }
0xf2: {  	v29 =	vsub.f32 $1.500000000e+00, v29;
	v26 =	vmul.f32 v27, v28;
	v46 =	vmul.f32 v30, v43  }
0xf3: {  	v48 =	vshra.s32 v41, $0x1;
	v59 =	vmul.f32 v31, v32;
	v28 =	vmul.f32 v60, v55  }
0xf4: {  	v25 =	vsub.f32 $1.500000000e+00, v25;
	v24 =	vmul.f32 v29, v24;
	v29 =	vmul.f32 v34, v61  }
0xf5: {  	v53 =	vshra.s32 v49, $0x1;
	v27 =	vmul.f32 v59, v31;
	v33 =	vmul.f32 v28, v33  }
0xf6: {  	v38 =	vsub.s32 $0x5F3759DF, v48;
	v25 =	vmul.f32 v25, v36;
	v42 =	vmul.f32 v29, v57  }
0xf7: {  	v36 =	vsub.f32 $1.500000000e+00, v46;
	v27 =	vsub.f32 $1.500000000e+00, v27;
	v44 =	vmul.f32 v33, v28  }
0xf8: {  	v40 =	vld [tilespmem:$0x5C90];
	v37 =	vsub.s32 $0x5F3759DF, v53;
	v34 =	vmul.f32 $5.000000000e-01, v41;
	v45 =	vmul.f32 v42, v29  }
0xf9: {  	v30 =	vmul.f32 v30, v36;
	v27 =	vmul.f32 v27, v31;
	v31 =	vsub.f32 $1.500000000e+00, v44  }
0xfa: {  	v43 =	vmul.f32 v37, v39;
	v50 =	vmul.f32 v38, v34;
	v33 =	vsub.f32 $1.500000000e+00, v45  }
0xfb: {  	v51 =	vshra.s32 v47, $0x1;
	v41 =	vmul.f32 v30, v63;
	v28 =	vmul.f32 v31, v28  }
0xfc: {  	v29 =	vmul.f32 v33, v29;
	v31 =	vmul.f32 v38, v50;
	v33 =	vsub.s32 $0x5F3759DF, v51  }
0xfd: {  	v55 =	vshra.s32 v40, $0x1;
	v41 =	vmul.f32 v41, v30;
	v42 =	vmul.f32 v33, v52  }
0xfe: {  	v47 =	vld [tilespmem:$0x5CC0];
	v40 =	vmul.f32 $5.000000000e-01, v40;
	v54 =	vmul.f32 v37, v43;
	v31 =	vsub.f32 $1.500000000e+00, v31  }
0xff: {  	v43 =	vsub.s32 $0x5F3759DF, v55;
	v41 =	vsub.f32 $1.500000000e+00, v41;
	v42 =	vmul.f32 v33, v42  }
0x100: {  	v56 =	vmul.f32 v43, v40;
	v31 =	vmul.f32 v38, v31;
	v38 =	vsub.f32 $1.500000000e+00, v54  }
0x101: {  	v35 =	vmul.f32 v29, v57;
	v30 =	vmul.f32 v41, v30;
	v42 =	vsub.f32 $1.500000000e+00, v42  }
0x102: {  	v44 =	vmul.f32 v31, v34;
	v37 =	vmul.f32 v37, v38  }
0x103: {  	v53 =	vshra.s32 v47, $0x1;
	v33 =	vmul.f32 v33, v42;
	v42 =	vmul.f32 v43, v56  }
0x104: {  	v55 =	vsub.s32 $0x5F3759DF, v53;
	v44 =	vmul.f32 v44, v31;
	v58 =	vmul.f32 v37, v39  }
0x105: {  	v45 =	vld [tilespmem:$0x5CB0];
	v35 =	vmul.f32 v35, v29;
	v57 =	vmul.f32 v33, v52;
	v42 =	vsub.f32 $1.500000000e+00, v42  }
0x106: {  	v32 =	vmul.f32 v30, v63;
	v44 =	vsub.f32 $1.500000000e+00, v44;
	v41 =	vmul.f32 v58, v37  }
0x107: {  	v35 =	vsub.f32 $1.500000000e+00, v35;
	v38 =	vmul.f32 v57, v33;
	v42 =	vmul.f32 v43, v42  }
0x108: {  	v60 =	vld [tilespmem:$0x5CA0];
	v32 =	vmul.f32 v32, v30;
	v31 =	vmul.f32 v44, v31;
	v41 =	vsub.f32 $1.500000000e+00, v41  }
0x109: {  	v29 =	vmul.f32 v35, v29;
	v38 =	vsub.f32 $1.500000000e+00, v38;
	v59 =	vmul.f32 v42, v40  }
0x10a: {  	v49 =	vshra.s32 v45, $0x1;
	v34 =	vmul.f32 v31, v34;
	v37 =	vmul.f32 v41, v37  }
0x10b: {  	v51 =	vsub.s32 $0x5F3759DF, v49;
	v56 =	vld [tilespmem:$0x5CF0];
	v33 =	vmul.f32 v38, v33;
	v38 =	vmul.f32 v59, v42  }
0x10c: {  	v50 =	vld [tilespmem:$0x5CD0];
	v32 =	vsub.f32 $1.500000000e+00, v32;
	v34 =	vmul.f32 v34, v31;
	v63 =	vmul.f32 v37, v39  }
0x10d: {  	[tilespmem:$0x5D00] =	vst v1;
	v44 =	vshra.s32 v60, $0x1;
	v39 =	vmul.f32 $5.000000000e-01, v60;
	v36 =	vmul.f32 v33, v52  }
0x10e: {  	[tilespmem:$0x5D10] =	vst v3;
	v30 =	vmul.f32 v32, v30;
	v61 =	vsub.f32 $1.500000000e+00, v38;
	v38 =	vsub.s32 $0x5F3759DF, v44  }
0x10f: {  	[tilespmem:$0x5D20] =	vst v2;
	v34 =	vsub.f32 $1.500000000e+00, v34;
	v46 =	vmul.f32 v38, v39;
	v62 =	vmul.f32 v36, v33  }
0x110: {  	[tilespmem:$0x5D30] =	vst v4;
	v41 =	vshra.s32 v56, $0x1;
	v32 =	vmul.f32 v61, v42;
	v36 =	vmul.f32 v63, v37  }
0x111: {  	[tilespmem:$0x5D40] =	vst v5;
	v54 =	vld [tilespmem:$0x5CE0];
	v59 =	vshra.s32 v50, $0x1;
	v3 =	vmul.f32 v34, v31;
	v34 =	vmul.f32 $5.000000000e-01, v45  }
0x112: {  	[tilespmem:$0x5D50] =	vst v6;
	v2 =	vmul.f32 v38, v46;
	v35 =	vsub.f32 $1.500000000e+00, v62;
	v1 =	vmul.f32 v32, v40  }
0x113: {  	[tilespmem:$0x5D60] =	vst v7;
	v48 =	vsub.f32 $1.500000000e+00, v36;
	v36 =	vmul.f32 $5.000000000e-01, v47;
	v52 =	vmul.f32 v51, v34  }
0x114: {  	[tilespmem:$0x5D70] =	vst v10;
	v61 =	vsub.s32 $0x5F3759DF, v59;
	v31 =	vmul.f32 v35, v33;
	v1 =	vmul.f32 v1, v32  }
0x115: {  	[tilespmem:$0x5D90] =	vst v8;
	v2 =	vsub.f32 $1.500000000e+00, v2;
	v4 =	vmul.f32 v48, v37;
	v57 =	vmul.f32 v55, v36  }
0x116: {  	[tilespmem:$0x5D80] =	vst v9;
	v63 =	vshra.s32 v54, $0x1;
	v35 =	vmul.f32 $5.000000000e-01, v50;
	v37 =	vmul.f32 $5.000000000e-01, v54  }
0x117: {  	[tilespmem:$0x5DA0] =	vst v12;
	v40 =	vsub.s32 $0x5F3759DF, v63;
	v2 =	vmul.f32 v38, v2;
	v6 =	vmul.f32 v51, v52  }
0x118: {  	[tilespmem:$0x5DB0] =	vst v11;
	v1 =	vsub.f32 $1.500000000e+00, v1;
	v60 =	vmul.f32 v55, v57;
	v62 =	vmul.f32 v61, v35  }
0x119: {  	[tilespmem:$0x5DC0] =	vst v13;
	v33 =	vsub.s32 $0x5F3759DF, v41;
	v42 =	vmul.f32 v40, v37;
	v58 =	vmul.f32 v2, v39  }
0x11a: {  	[tilespmem:$0x5DD0] =	vst v14;
	v6 =	vsub.f32 $1.500000000e+00, v6;
	v1 =	vmul.f32 v1, v32;
	v32 =	vmul.f32 $5.000000000e-01, v56  }
0x11b: {  	[tilespmem:$0x5DE0] =	vst v16;
	v12 =	vmul.f32 v61, v62;
	v8 =	vsub.f32 $1.500000000e+00, v60;
	v13 =	vmul.f32 v40, v42  }
0x11c: {  	[tilespmem:$0x5DF0] =	vst v15;
	v5 =	vmul.f32 v51, v6;
	v43 =	vmul.f32 v33, v32  }
0x11d: {  	[tilespmem:$0x5E00] =	vst v17;
	v9 =	vmul.f32 v58, v2;
	v12 =	vsub.f32 $1.500000000e+00, v12;
	v7 =	vmul.f32 v55, v8  }
0x11e: {  	[tilespmem:$0x5E10] =	vst v19;
	v46 =	vsub.f32 $1.500000000e+00, v13;
	v44 =	vmul.f32 v5, v34;
	v6 =	vmul.f32 v33, v43  }
0x11f: {  	[tilespmem:$0x5E20] =	vst v18;
	v45 =	vmul.f32 v61, v12;
	v48 =	vmul.f32 v7, v36  }
0x120: {  	[tilespmem:$0x5E30] =	vst v20;
	v10 =	vmul.f32 v40, v46;
	v47 =	vmul.f32 v44, v5;
	v6 =	vsub.f32 $1.500000000e+00, v6  }
0x121: {  	[tilespmem:$0x5E40] =	vst v21;
	v9 =	vsub.f32 $1.500000000e+00, v9;
	v49 =	vmul.f32 v45, v35;
	v11 =	vmul.f32 v48, v7  }
0x122: {  	[tilespmem:$0x5E50] =	vst v22;
	v50 =	vmul.f32 v10, v37;
	v6 =	vmul.f32 v33, v6  }
0x123: {  	[tilespmem:$0x5E60] =	vst v23;
	v2 =	vmul.f32 v9, v2;
	v12 =	vsub.f32 $1.500000000e+00, v47;
	v13 =	vmul.f32 v49, v45  }
0x124: {  	[tilespmem:$0x5E70] =	vst v26;
	v14 =	vmul.f32 v50, v10;
	v11 =	vsub.f32 $1.500000000e+00, v11;
	v51 =	vmul.f32 v6, v32  }
0x125: {  	[tilespmem:$0x5E80] =	vst v25;
	v54 =	vmul.f32 v2, v39;
	v5 =	vmul.f32 v12, v5;
	v13 =	vsub.f32 $1.500000000e+00, v13  }
0x126: {  	[tilespmem:$0x5E90] =	vst v24;
	v52 =	vsub.f32 $1.500000000e+00, v14;
	v7 =	vmul.f32 v11, v7;
	v15 =	vmul.f32 v51, v6  }
0x127: {  	[tilespmem:$0x5EA0] =	vst v27;
	v55 =	vmul.f32 v5, v34;
	v8 =	vmul.f32 v13, v45  }
0x128: {  	[tilespmem:$0x5EB0] =	vst v28;
	v9 =	vmul.f32 v52, v10;
	v10 =	vmul.f32 v54, v2;
	v53 =	vsub.f32 $1.500000000e+00, v15  }
0x129: {  	[tilespmem:$0x5EC0] =	vst v29;
	v56 =	vmul.f32 v7, v36;
	v11 =	vmul.f32 v55, v5  }
0x12a: {  	[tilespmem:$0x5ED0] =	vst v30;
	v13 =	vmul.f32 v8, v35;
	v6 =	vmul.f32 v53, v6  }
0x12b: {  	[tilespmem:$0x5EE0] =	vst v3;
	v3 =	vsub.f32 $1.500000000e+00, v10;
	v57 =	vmul.f32 v56, v7;
	v58 =	vmul.f32 v9, v37  }
0x12c: {  	[tilespmem:$0x5EF0] =	vst v31;
	v11 =	vsub.f32 $1.500000000e+00, v11;
	v13 =	vmul.f32 v13, v8;
	v59 =	vmul.f32 v6, v32  }
0x12d: {  	[tilespmem:$0x5F00] =	vst v4;
	v2 =	vmul.f32 v3, v2;
	v3 =	vsub.f32 $1.500000000e+00, v57;
	v60 =	vmul.f32 v58, v9  }
0x12e: {  	[tilespmem:$0x5F10] =	vst v1;
	v1 =	vmul.f32 v11, v5;
	v61 =	vsub.f32 $1.500000000e+00, v13;
	v62 =	vmul.f32 v59, v6  }
0x12f: {  	[tilespmem:$0x5F20] =	vst v2;
	v2 =	vmul.f32 v3, v7;
	v3 =	vsub.f32 $1.500000000e+00, v60  }
0x130: {  	[tilespmem:$0x5F30] =	vst v1;
	v1 =	vmul.f32 v61, v8;
	v63 =	vsub.f32 $1.500000000e+00, v62  }
0x131: {  	[tilespmem:$0x5F40] =	vst v2;
	v2 =	vmul.f32 v3, v9  }
0x132: {  	[tilespmem:$0x5F50] =	vst v1;
	v1 =	vmul.f32 v63, v6  }
0x133: {  	[tilespmem:$0x5F60] =	vst v2  }
0x134: {  	[tilespmem:$0x5F70] =	vst v1  }
0x135: {  	[spmem:s8] =	stream.linear.scatter [tilespmem:s19], [sflag:$0x1], $0x280, $0x38;
	[tilespmem:$0xD480] =	vst v63  }
0x136: {  	_ =	swait.ge [sflag:s14], $0x280  }
0x137: {  	[sflag:s14] =	ssyncset.done $0x0  }
0x138: {  	s25 =	simm.s32 @!p0 $0x0;
	s26 =	simm.s32 @!p0 $0x5D00;
	[sflag:s14] =	ssyncadd.s32 $0xFFFFFD80  }
0x139: {  	[hbm4b:s9+s25] =	stream.linear.scatter @!p0 [tilespmem:s26], [sflag:$0x1], $0x280, $0x38;
	[tilespmem:$0xD480] =	vst v63  }
0x13a: {  	s25 =	simm.s32 @!p0 $0x1  }
0x13b: {  	_ =	swait.ge @!p0 [sflag:s25], $0x280  }
0x13c: {  	[sflag:s25] =	ssyncset.done @!p0 $0x0  }
0x13d: {  	[sflag:s25] =	ssyncadd.s32 @!p0 $0xFFFFFD80  }
0x13e: {  	[bflag:$0x0] =	sbarrier.arrive $0xFFFF  }
0x13f: {  	[tilespmem:s20], [sflag:$0x1] =	stream.linear.gather [spmem:s3], $0x2800, $0x38;
	[tilespmem:$0xD480] =	vst v63  }
0x140: {  	_ =	swait.ge [sflag:s14], $0x2800  }
0x141: {  	[sflag:s14] =	ssyncset.done $0x0  }
0x142: {  	s31 =	simm.s32 $0x0;
	[sflag:s14] =	ssyncadd.s32 $0xFFFFD800  }
0x143: {  	[tilespmem:s21], [sflag:$0x1] =	stream.linear.gather [hbm4b:s10+s31], $0x1500, $0x38;
	[tilespmem:$0xD480] =	vst v63  }
0x144: {  	_ =	swait.ge [sflag:s14], $0x1500  }
0x145: {  	[sflag:s14] =	ssyncset.done $0x0  }
0x146: {  	[sflag:s14] =	ssyncadd.s32 $0xFFFFEB00  }
0x147: {  	[tilespmem:s22], [sflag:$0x1] =	stream.linear.gather [hbm4b:s11+s31], $0x1500, $0x38;
	[tilespmem:$0xD480] =	vst v63  }
0x148: {  	_ =	swait.ge [sflag:s14], $0x1500  }
0x149: {  	[sflag:s14] =	ssyncset.done $0x0  }
0x14a: {  	s25 =	simm.s32 $0x0;
	[sflag:s14] =	ssyncadd.s32 $0xFFFFEB00  }
0x14b: {  	v1 =	vld [tilespmem:s25+$0x8780];
	_ =	sdelay $0x5  }
0x14c: {  	v2 =	vld [tilespmem:s25+$0x9F80]  }
0x14d: {  	v3 =	vld [tilespmem:s25+$0x8790]  }
0x14e: {  	v1 =	vld.idx.msk [tilespmem:v1+s20+$0x0], $0xffff;
	_ =	sdelay $0x4  }
0x14f: {  	v1 =	vmul.f32 v2, v1;
	_ =	sdelay $0x1  }
0x150: {  	[tilespmem:s25+$0xB780] =	vst v1;
	v1 =	vld [tilespmem:s25+$0x9F90]  }
0x151: {  	v2 =	vld.idx.msk [tilespmem:v3+s20+$0x0], $0xffff  }
0x152: {  	v3 =	vld [tilespmem:s25+$0x87A0];
	_ =	sdelay $0x4  }
0x153: {  	v1 =	vmul.f32 v1, v2;
	_ =	sdelay $0x1  }
0x154: {  	[tilespmem:s25+$0xB790] =	vst v1;
	v1 =	vld [tilespmem:s25+$0x9FA0]  }
0x155: {  	v2 =	vld.idx.msk [tilespmem:v3+s20+$0x0], $0xffff  }
0x156: {  	v3 =	vld [tilespmem:s25+$0x87B0];
	_ =	sdelay $0x4  }
0x157: {  	v1 =	vmul.f32 v1, v2;
	_ =	sdelay $0x1  }
0x158: {  	[tilespmem:s25+$0xB7A0] =	vst v1;
	v1 =	vld [tilespmem:s25+$0x9FB0]  }
0x159: {  	v2 =	vld.idx.msk [tilespmem:v3+s20+$0x0], $0xffff  }
0x15a: {  	v3 =	vld [tilespmem:s25+$0x87C0];
	_ =	sdelay $0x4  }
0x15b: {  	v1 =	vmul.f32 v1, v2;
	_ =	sdelay $0x1  }
0x15c: {  	[tilespmem:s25+$0xB7B0] =	vst v1;
	v1 =	vld [tilespmem:s25+$0x9FC0]  }
0x15d: {  	v2 =	vld.idx.msk [tilespmem:v3+s20+$0x0], $0xffff  }
0x15e: {  	v3 =	vld [tilespmem:s25+$0x87D0];
	_ =	sdelay $0x4  }
0x15f: {  	v1 =	vmul.f32 v1, v2;
	_ =	sdelay $0x1  }
0x160: {  	[tilespmem:s25+$0xB7C0] =	vst v1;
	v1 =	vld [tilespmem:s25+$0x9FD0]  }
0x161: {  	v2 =	vld.idx.msk [tilespmem:v3+s20+$0x0], $0xffff  }
0x162: {  	v3 =	vld [tilespmem:s25+$0x87E0];
	_ =	sdelay $0x4  }
0x163: {  	v1 =	vmul.f32 v1, v2;
	_ =	sdelay $0x1  }
0x164: {  	[tilespmem:s25+$0xB7D0] =	vst v1;
	v1 =	vld [tilespmem:s25+$0x9FE0]  }
0x165: {  	v2 =	vld.idx.msk [tilespmem:v3+s20+$0x0], $0xffff  }
0x166: {  	v3 =	vld [tilespmem:s25+$0x87F0];
	_ =	sdelay $0x4  }
0x167: {  	v1 =	vmul.f32 v1, v2;
	_ =	sdelay $0x1  }
0x168: {  	[tilespmem:s25+$0xB7E0] =	vst v1;
	v1 =	vld [tilespmem:s25+$0x9FF0]  }
0x169: {  	s28 =	simm.s32 $0x80;
	s26 =	simm.s32 $0x400;
	v2 =	vld.idx.msk [tilespmem:v3+s20+$0x0], $0xffff  }
.LBB2_4:
0x16a: {  	p1 =	sne.s32 s26, $0x5200;
	v3 =	vld [tilespmem:s28+$0x8780];
	_ =	sdelay $0x4  }
0x16b: {  	v1 =	vmul.f32 v1, v2;
	_ =	sdelay $0x1  }
0x16c: {  	v2 =	vld [tilespmem:s28+$0x9F80];
	[tilespmem:s25+$0xB7F0] =	vst v1;
	s25 =	smov.u32 s28  }
0x16d: {  	v1 =	vld.idx.msk [tilespmem:v3+s20+$0x0], $0xffff  }
0x16e: {  	v3 =	vld [tilespmem:s25+$0x8790];
	_ =	sdelay $0x4  }
0x16f: {  	v1 =	vmul.f32 v2, v1;
	_ =	sdelay $0x1  }
0x170: {  	[tilespmem:s25+$0xB780] =	vst v1;
	v1 =	vld [tilespmem:s25+$0x9F90]  }
0x171: {  	v2 =	vld.idx.msk [tilespmem:v3+s20+$0x0], $0xffff  }
0x172: {  	v3 =	vld [tilespmem:s25+$0x87A0];
	_ =	sdelay $0x4  }
0x173: {  	v1 =	vmul.f32 v1, v2;
	_ =	sdelay $0x1  }
0x174: {  	[tilespmem:s25+$0xB790] =	vst v1;
	v1 =	vld [tilespmem:s25+$0x9FA0]  }
0x175: {  	v2 =	vld.idx.msk [tilespmem:v3+s20+$0x0], $0xffff  }
0x176: {  	v3 =	vld [tilespmem:s25+$0x87B0];
	_ =	sdelay $0x4  }
0x177: {  	v1 =	vmul.f32 v1, v2;
	_ =	sdelay $0x1  }
0x178: {  	[tilespmem:s25+$0xB7A0] =	vst v1;
	v1 =	vld [tilespmem:s25+$0x9FB0]  }
0x179: {  	v2 =	vld.idx.msk [tilespmem:v3+s20+$0x0], $0xffff  }
0x17a: {  	v3 =	vld [tilespmem:s25+$0x87C0];
	_ =	sdelay $0x4  }
0x17b: {  	v1 =	vmul.f32 v1, v2;
	_ =	sdelay $0x1  }
0x17c: {  	[tilespmem:s25+$0xB7B0] =	vst v1;
	v1 =	vld [tilespmem:s25+$0x9FC0]  }
0x17d: {  	v2 =	vld.idx.msk [tilespmem:v3+s20+$0x0], $0xffff  }
0x17e: {  	v3 =	vld [tilespmem:s25+$0x87D0];
	_ =	sdelay $0x4  }
0x17f: {  	v1 =	vmul.f32 v1, v2;
	_ =	sdelay $0x1  }
0x180: {  	[tilespmem:s25+$0xB7C0] =	vst v1;
	v1 =	vld [tilespmem:s25+$0x9FD0]  }
0x181: {  	v2 =	vld.idx.msk [tilespmem:v3+s20+$0x0], $0xffff  }
0x182: {  	v3 =	vld [tilespmem:s25+$0x87E0];
	_ =	sdelay $0x4  }
0x183: {  	v1 =	vmul.f32 v1, v2;
	_ =	sdelay $0x1  }
0x184: {  	[tilespmem:s25+$0xB7D0] =	vst v1;
	v1 =	vld [tilespmem:s25+$0x9FE0]  }
0x185: {  	v2 =	vld.idx.msk [tilespmem:v3+s20+$0x0], $0xffff  }
0x186: {  	v3 =	vld [tilespmem:s25+$0x87F0];
	_ =	sdelay $0x3  }
.Ltmp1:
0x187: {  	(pc) =	sbr.rel @p1 .LBB2_4-.Ltmp1, $3  }
0x188: {  	v1 =	vmul.f32 v1, v2;
	_ =	sdelay $0x1  }
0x189: {  	[tilespmem:s25+$0xB7E0] =	vst v1;
	v1 =	vld [tilespmem:s25+$0x9FF0]  }
0x18a: {  	s28 =	sshra.s32 s26, $0x2;
	s26 =	sadd.s32 $0x200, s26;
	v2 =	vld.idx.msk [tilespmem:v3+s20+$0x0], $0xffff  }
0x18b: {  	v3 =	vld [tilespmem:s28+$0x8780];
	_ =	sdelay $0x4  }
0x18c: {  	v1 =	vmul.f32 v1, v2;
	_ =	sdelay $0x1  }
0x18d: {  	v2 =	vld [tilespmem:s28+$0x9F80];
	[tilespmem:s25+$0xB7F0] =	vst v1  }
0x18e: {  	v1 =	vld.idx.msk [tilespmem:v3+s20+$0x0], $0xffff  }
0x18f: {  	v3 =	vld [tilespmem:s28+$0x8790];
	_ =	sdelay $0x4  }
0x190: {  	v1 =	vmul.f32 v2, v1;
	_ =	sdelay $0x1  }
0x191: {  	[tilespmem:s28+$0xB780] =	vst v1;
	v1 =	vld [tilespmem:s28+$0x9F90]  }
0x192: {  	v2 =	vld.idx.msk [tilespmem:v3+s20+$0x0], $0xffff  }
0x193: {  	v3 =	vld [tilespmem:s28+$0x87A0];
	_ =	sdelay $0x4  }
0x194: {  	v1 =	vmul.f32 v1, v2;
	_ =	sdelay $0x1  }
0x195: {  	[tilespmem:s28+$0xB790] =	vst v1;
	v1 =	vld [tilespmem:s28+$0x9FA0]  }
0x196: {  	v2 =	vld.idx.msk [tilespmem:v3+s20+$0x0], $0xffff  }
0x197: {  	v3 =	vld [tilespmem:s28+$0x87B0];
	_ =	sdelay $0x4  }
0x198: {  	v1 =	vmul.f32 v1, v2;
	_ =	sdelay $0x1  }
0x199: {  	[tilespmem:s28+$0xB7A0] =	vst v1;
	v1 =	vld [tilespmem:s28+$0x9FB0]  }
0x19a: {  	v2 =	vld.idx.msk [tilespmem:v3+s20+$0x0], $0xffff  }
0x19b: {  	v3 =	vld [tilespmem:s28+$0x87C0];
	_ =	sdelay $0x4  }
0x19c: {  	v1 =	vmul.f32 v1, v2;
	_ =	sdelay $0x1  }
0x19d: {  	[tilespmem:s28+$0xB7B0] =	vst v1;
	v1 =	vld [tilespmem:s28+$0x9FC0]  }
0x19e: {  	v2 =	vld.idx.msk [tilespmem:v3+s20+$0x0], $0xffff  }
0x19f: {  	v3 =	vld [tilespmem:s28+$0x87D0];
	_ =	sdelay $0x4  }
0x1a0: {  	v1 =	vmul.f32 v1, v2;
	_ =	sdelay $0x1  }
0x1a1: {  	[tilespmem:s28+$0xB7C0] =	vst v1;
	v1 =	vld [tilespmem:s28+$0x9FD0]  }
0x1a2: {  	v2 =	vld.idx.msk [tilespmem:v3+s20+$0x0], $0xffff  }
0x1a3: {  	v3 =	vld [tilespmem:s28+$0x87E0];
	_ =	sdelay $0x4  }
0x1a4: {  	v1 =	vmul.f32 v1, v2;
	_ =	sdelay $0x1  }
0x1a5: {  	[tilespmem:s28+$0xB7D0] =	vst v1;
	v1 =	vld [tilespmem:s28+$0x9FE0]  }
0x1a6: {  	v2 =	vld.idx.msk [tilespmem:v3+s20+$0x0], $0xffff  }
0x1a7: {  	v3 =	vld [tilespmem:s28+$0x87F0];
	_ =	sdelay $0x4  }
0x1a8: {  	v1 =	vmul.f32 v1, v2;
	_ =	sdelay $0x1  }
0x1a9: {  	[tilespmem:s28+$0xB7E0] =	vst v1;
	v1 =	vld [tilespmem:s28+$0x9FF0]  }
0x1aa: {  	v2 =	vld.idx.msk [tilespmem:v3+s20+$0x0], $0xffff;
	_ =	sdelay $0x4  }
0x1ab: {  	s24 =	sadd.s32 $0x1, s24;
	v1 =	vmul.f32 v1, v2  }
0x1ac: {  	p1 =	sne.s32 s24, s13  }
.Ltmp2:
0x1ad: {  	[tilespmem:s28+$0xB7F0] =	vst v1;
	(pc) =	sbr.rel @p1 .LBB2_1-.Ltmp2, $4  }
0x1ae: {  	[hbm4b:s12+s4] =	stream.linear.scatter [tilespmem:s23], [sflag:$0x1], $0x1500, $0x38;
	[tilespmem:$0xD480] =	vst v63  }
0x1af: {  	_ =	swait.ge [sflag:s14], $0x1500  }
0x1b0: {  	[sflag:s14] =	ssyncset.done $0x0  }
0x1b1: {  	[sflag:s14] =	ssyncadd.s32 $0xFFFFEB00  }
0x1b2: {  	_ =	sfence.sel $0x180000  }
0x1b3: {  	[bflag:$0x0] =	sbarrier.arrive $0xFFFF  }
0x1b4: {  	p0 =	sne.s32 s1, $0x0;
	_ =	strace $0x90000047  }
0x1b5: {  	s0 =	sadd.s32 @!p0 $0x100000, s0;
	[bflag:$0x2] =	sbarrier.arrive $0xFFFF  }
0x1b6: {  	[sflag:s0] =	ssyncadd.tile.s32 @!p0 $0x1;
	_ =	shalt  }
.Lfunc_end2:
_tile_overlayer_lowered:
.L_overlay_start_2:
0x1b7: {  	(tag) =	ssettag $0x2  }
0x1b8: {  	s0 =	rddreg [dreg:$0x0];
	s2 =	stileid.u32  }
0x1b9: {  	s1 =	rddreg [dreg:$0x1];
	p0 =	sne.s32 s2, $0x0  }
0x1ba: {  	s3 =	rddreg [dreg:$0x2];
	[bflag:$0x3] =	sbarrier.arrive $0xFFFF;
	s2 =	simm.s32 @!p0 $0x1C01  }
0x1bb: {  	[timem:s3], [sflag:s2] =	dma.local @!p0 [hbm:s0], s1  }
0x1bc: {  	s0 =	simm.s32 @!p0 $0x1  }
0x1bd: {  	_ =	swait.ge @!p0 [sflag:s0], s1  }
0x1be: {  	s1 =	ssub.s32 @!p0 $0x0, s1;
	[sflag:s0] =	ssyncset.done @!p0 $0x0  }
0x1bf: {  	[sflag:s0] =	ssyncadd.s32 @!p0 s1  }
0x1c0: {  	[bflag:$0x3] =	sbarrier.arrive $0xFFFF  }
0x1c1: {  	_ =	shalt  }

// kernel: kernel.9.cloned.1.call-start
scs
__scs_entry_jumppad:
0x0: {  	(pc) =	sbr.rel $0x88, $3  }
0x1: {  	(tag) =	ssettag $0x0;
	lr =	simm.s32 $0x1  }
0x2: {  	[smem:$0x3F8F] =	sst lr;
	_ =	strace $0xD0000000  }
0x3: {  	_ = 	snop  }
0x4: {  	_ = 	snop  }
0x5: {  	_ = 	snop  }
0x6: {  	_ = 	snop  }
0x7: {  	_ = 	snop  }
__scs_overlays_trampoline_lowered:
0x8: {  	[smem:$0x3F9E] =	sst s0  }
0x9: {  	[smem:$0x3F9F] =	sst s1  }
0xa: {  	[smem:$0x3FA0] =	sst s2  }
0xb: {  	[smem:$0x3FA1] =	sst s3  }
0xc: {  	[smem:$0x3FA2] =	sst s4  }
0xd: {  	[smem:$0x3FA3] =	sst s5  }
0xe: {  	[smem:$0x3FA4] =	sst s6  }
0xf: {  	[smem:$0x3FA5] =	sst s7  }
0x10: {  	[smem:$0x3FA6] =	sst s8  }
0x11: {  	[smem:$0x3FA7] =	sst s9;
	s0 =	simm.s32 @!p0 $0x0  }
0x12: {  	s1 =	sld [smem:$0x3F8D];
	s0 =	simm.s32 @p0 $0x1  }
0x13: {  	[smem:$0x3FA8] =	sst s0;
	s0 =	simm.s32 @!p1 $0x0  }
0x14: {  	s2 =	sld [smem:$0x3F8C];
	s0 =	simm.s32 @p1 $0x1  }
0x15: {  	[smem:$0x3FA9] =	sst s0;
	s0 =	simm.s32 @!p2 $0x0  }
0x16: {  	s3 =	sld [smem:$0x3FDB];
	s0 =	simm.s32 @p2 $0x1  }
0x17: {  	s4 =	simm.s32 $0x1BF5;
	[smem:$0x3FAB] =	sst s0  }
0x18: {  	s0 =	sld [smem:$0x3F8E];
	_ =	swait.ge [sflag:s4], $0x0  }
0x19: {  	s7 =	sld [smem:$0x3F8F]  }
0x1a: {  	s8 =	sadd.s32 $0xFFFFE003, lr  }
0x1b: {  	s9 =	sadd.s32 $0xFFFFFEF7, lr;
	s5 =	simm.s32 $0xFFFFFFFF;
	p2 =	slt.u32 s8, $0xFFFFF086  }
0x1c: {  	p1 =	slt.u32 s9, $0xF7A;
	s5 =	simm.s32 @!p2 $0x0  }
0x1d: {  	s5 =	simm.s32 @p1 $0x1;
	p0 =	seq.s32 s7, s2  }
0x1e: {  	s7 =	smul.u32 @!p0 $0xF7A, s2;
	p2 =	seq.s32 @!p0 s5, $0x0  }
0x1f: {  	s9 =	smul.u32 $0xF7A, s1;
	s8 =	simm.s32 @!p0 $0x1BF5;
	p2 =	por !p2, p0  }
0x20: {  	[sflag:s8] =	ssyncset.s32 @!p0 $0xFFFFF086;
	s6 =	sadd.s32 @!p0 s3, s7;
	s7 =	simm.s32 @!p0 $0x108  }
0x21: {  	s3 =	sadd.s32 s3, s9;
	s6 =	sadd.s32 @!p0 $0x88, s6;
	s7 =	simm.s32 @p2 $0x1082  }
0x22: {  	[simem:s7], [sflag:s8] =	dma.local @!p0 [hbm:s6], $0xF7A  }
0x23: {  	s9 =	sor.u32 $0xD0000000, s2;
	s6 =	simm.s32 $0x108;
	_ =	swait.ge @!p0 [sflag:s8], $0x0  }
0x24: {  	s3 =	sadd.s32 $0x88, s3;
	s6 =	simm.s32 @!p1 $0x1082;
	[sflag:s4] =	ssyncset.s32 $0xFFFFF086  }
0x25: {  	[simem:s6], [sflag:s4] =	dma.local [hbm:s3], $0xF7A  }
0x26: {  	[smem:$0x3F8F] =	sst s1;
	(tag) =	ssettag s2;
	_ =	strace s9  }
0x27: {  	s1 =	sld [smem:$0x3F9F]  }
0x28: {  	s2 =	sld [smem:$0x3FA0]  }
0x29: {  	s4 =	sld [smem:$0x3FA2]  }
0x2a: {  	p0 =	seq.s32 s5, $0x0;
	s5 =	sld [smem:$0x3FA3]  }
0x2b: {  	s6 =	sld [smem:$0x3FA4]  }
0x2c: {  	s7 =	sld [smem:$0x3FA5]  }
0x2d: {  	s3 =	simm.s32 $0x108;
	s8 =	sld [smem:$0x3FA6]  }
0x2e: {  	s3 =	simm.s32 @!p0 $0x1082;
	s9 =	sld [smem:$0x3FA7]  }
0x2f: {  	lr =	sadd.s32 s0, s3;
	s0 =	sld [smem:$0x3F9E]  }
0x30: {  	s3 =	sld [smem:$0x3FA1]  }
0x31: {  	[smem:$0x3FAA] =	sst s10  }
0x32: {  	s10 =	sld [smem:$0x3FA8];
	_ =	sdelay $0x3  }
0x33: {  	p0 =	seq.s32 s10, $0x1;
	s10 =	sld [smem:$0x3FAA];
	_ =	sdelay $0x3  }
0x34: {  	[smem:$0x3FAA] =	sst s10  }
0x35: {  	s10 =	sld [smem:$0x3FA9];
	_ =	sdelay $0x3  }
0x36: {  	p1 =	seq.s32 s10, $0x1;
	s10 =	sld [smem:$0x3FAA];
	_ =	sdelay $0x3  }
0x37: {  	[smem:$0x3FAA] =	sst s10  }
0x38: {  	s10 =	sld [smem:$0x3FAB]  }
0x39: {  	_ = 	snop;
	(pc) =	sbr.ind lr, $3  }
0x3a: {  	_ = 	snop  }
0x3b: {  	_ = 	snop  }
0x3c: {  	p2 =	seq.s32 s10, $0x1;
	s10 =	sld [smem:$0x3FAA]  }
0x3d: {  	_ =	shalt  }
0x3e: {  	_ =	shalt  }
0x3f: {  	_ =	shalt  }
0x40: {  	_ =	shalt  }
0x41: {  	_ =	shalt  }
0x42: {  	_ =	shalt  }
0x43: {  	_ =	shalt  }
0x44: {  	_ =	shalt  }
0x45: {  	_ =	shalt  }
0x46: {  	_ =	shalt  }
0x47: {  	_ =	shalt  }
0x48: {  	_ =	shalt  }
0x49: {  	_ =	shalt  }
0x4a: {  	_ =	shalt  }
0x4b: {  	_ =	shalt  }
0x4c: {  	_ =	shalt  }
0x4d: {  	_ =	shalt  }
0x4e: {  	_ =	shalt  }
0x4f: {  	_ =	shalt  }
0x50: {  	_ =	shalt  }
0x51: {  	_ =	shalt  }
0x52: {  	_ =	shalt  }
0x53: {  	_ =	shalt  }
0x54: {  	_ =	shalt  }
0x55: {  	_ =	shalt  }
0x56: {  	_ =	shalt  }
0x57: {  	_ =	shalt  }
0x58: {  	_ =	shalt  }
0x59: {  	_ =	shalt  }
0x5a: {  	_ =	shalt  }
0x5b: {  	_ =	shalt  }
0x5c: {  	_ =	shalt  }
0x5d: {  	_ =	shalt  }
0x5e: {  	_ =	shalt  }
0x5f: {  	_ =	shalt  }
0x60: {  	_ =	shalt  }
0x61: {  	_ =	shalt  }
0x62: {  	_ =	shalt  }
0x63: {  	_ =	shalt  }
0x64: {  	_ =	shalt  }
0x65: {  	_ =	shalt  }
0x66: {  	_ =	shalt  }
0x67: {  	_ =	shalt  }
0x68: {  	_ =	shalt  }
0x69: {  	_ =	shalt  }
0x6a: {  	_ =	shalt  }
0x6b: {  	_ =	shalt  }
0x6c: {  	_ =	shalt  }
0x6d: {  	_ =	shalt  }
0x6e: {  	_ =	shalt  }
0x6f: {  	_ =	shalt  }
0x70: {  	_ =	shalt  }
0x71: {  	_ =	shalt  }
0x72: {  	_ =	shalt  }
0x73: {  	_ =	shalt  }
0x74: {  	_ =	shalt  }
0x75: {  	_ =	shalt  }
0x76: {  	_ =	shalt  }
0x77: {  	_ =	shalt  }
0x78: {  	_ =	shalt  }
0x79: {  	_ =	shalt  }
0x7a: {  	_ =	shalt  }
0x7b: {  	_ =	shalt  }
0x7c: {  	_ =	shalt  }
0x7d: {  	_ =	shalt  }
0x7e: {  	_ =	shalt  }
0x7f: {  	_ =	shalt  }
0x80: {  	_ =	shalt  }
0x81: {  	_ =	shalt  }
0x82: {  	_ =	shalt  }
0x83: {  	_ =	shalt  }
0x84: {  	_ =	shalt  }
0x85: {  	_ =	shalt  }
0x86: {  	_ =	shalt  }
0x87: {  	_ =	shalt  }
.Lfunc_end0:
.L_simem_size_0:
called_computation.1_lowered:
.L_overlay_start_0:
0x88: {  	s2 =	sld [smem:$0x3FD9]  }
0x89: {  	s3 =	sld [smem:$0x3FFE];
	_ =	sdelay $0x1  }
0x8a: {  	s1 =	srdreg.scid  }
0x8b: {  	s0 =	sand.u32 $0x1, s1  }
0x8c: {  	s14 =	sshll.u32 s0, $0xA;
	s2 =	sadd.s32 s3, s2  }
0x8d: {  	s2 =	sadd.s32 s2, s14  }
0x8e: {  	[smem:$0x3FB6] =	sst s2  }
0x8f: {  	_ = 	snop  }
0x90: {  	s2 =	sld [smem:$0x3FD0];
	_ =	sdelay $0x2  }
0x91: {  	s15 =	simm.s32 $0xA;
	s4 =	simm.s32 $0x10  }
0x92: {  	[smem:s4], [sflag:s15] =	dma.local [hbm:s2], $0x1  }
0x93: {  	_ =	swait.eq [sflag:s15], $0x1  }
0x94: {  	[sflag:s15] =	ssyncset.done $0x0  }
0x95: {  	[sflag:s15] =	ssyncadd.s32 $0xFFFFFFFF  }
0x96: {  	s16 =	sld [smem:$0x11];
	(tm) =	ssettm $0x1  }
0x97: {  	s17 =	sld [smem:$0x3FFB];
	_ =	sdelay $0x3  }
0x98: {  	_ =	strace s17  }
0x99: {  	s3 =	sld [smem:$0x3FFC];
	_ =	sdelay $0x3  }
0x9a: {  	_ =	strace s3  }
0x9b: {  	s3 =	sld [smem:$0x3FFD];
	_ =	sdelay $0x3  }
0x9c: {  	_ =	strace s3  }
0x9d: {  	_ =	strace $0x8FFFFFFF  }
0x9e: {  	s18 =	sld [smem:$0x3FDB];
	_ =	sdelay $0x1  }
0x9f: {  	s19 =	simm.s32 $_scs_section_size  }
0xa0: {  	s5 =	simm.s32 $_size__tile_overlayer_lowered;
	s6 =	simm.s32 $_tile_overlayer_lowered  }
0xa1: {  	s22 =	simm.s32 $0x1BFF;
	s21 =	sshll.u32 s6, $0x1;
	s3 =	sadd.s32 s19, s18  }
0xa2: {  	s7 =	simm.s32 $0x0;
	s20 =	sshll.u32 s5, $0x1;
	s5 =	sadd.s32 s21, s3  }
0xa3: {  	[timem:s7], [sflag:s22] =	dma.local [hbm:s5], s20  }
0xa4: {  	_ =	swait.ge [sflag:s22], s20  }
0xa5: {  	s4 =	ssub.s32 $0x0, s20;
	[sflag:s22] =	ssyncset.done $0x0  }
0xa6: {  	[sflag:s22] =	ssyncadd.s32 s4;
	_ =	sdelay $0x1  }
0xa7: {  	s23 =	simm.s32 $0x1B8B  }
0xa8: {  	_ =	swait.ge [sflag:s23], $0x1  }
0xa9: {  	[sflag:s23] =	ssyncset.done $0x0  }
0xaa: {  	s25 =	simm.s32 $0x1B8E;
	s24 =	sld [smem:$0x3FFE];
	[sflag:s23] =	ssyncadd.s32 $0xFFFFFFFF  }
0xab: {  	s26 =	simm.s32 $execute0_lowered;
	[smem:$0x3FD2] =	sst s25  }
0xac: {  	s5 =	sshll.u32 s26, $0x1;
	_ =	strace $0x80000049;
	[dreg:$0x1] =	wrdreg $0xFFFFFFFF  }
0xad: {  	s28 =	simm.s32 $_size_execute0_lowered;
	s3 =	sadd.s32 s3, s5;
	[dreg:$0x0] =	wrdreg $0x0  }
0xae: {  	s5 =	sshll.u32 s28, $0x1;
	[dreg:$0x2] =	wrdreg s3  }
0xaf: {  	[dreg:$0x3] =	wrdreg s5  }
0xb0: {  	[dreg:$0x4] =	wrdreg $0xC0  }
0xb1: {  	_ =	task [dreg:s7], $0x5FFFF  }
0xb2: {  	[dreg:$0x1] =	wrdreg $0xFFFFFFFF  }
0xb3: {  	[dreg:$0x0] =	wrdreg $0x60  }
0xb4: {  	[dreg:$0x2] =	wrdreg s24  }
0xb5: {  	[dreg:$0x3] =	wrdreg s16  }
0xb6: {  	[dreg:$0x4] =	wrdreg $0xB2000  }
0xb7: {  	[dreg:$0x5] =	wrdreg $0x9  }
0xb8: {  	_ =	task.clear_ibuf [dreg:s7], $0x6FFFF;
	_ =	strace $0x90000049  }
0xb9: {  	s29 =	simm.s32 $0x9;
	_ =	strace $0x8000004B  }
0xba: {  	_ =	swait.ge [sflag:s29], $0x1  }
0xbb: {  	[sflag:s29] =	ssyncadd.s32 $0xFFFFFFFF  }
0xbc: {  	_ =	strace $0x9000004B  }
0xbd: {  	_ =	sfence  }
0xbe: {  	s30 =	sld [smem:$0x0];
	_ =	sdelay $0x2  }
0xbf: {  	s31 =	sshll.u32 s1, $0xD;
	s1 =	sshrl.u32 s1, $0x2  }
0xc0: {  	s3 =	sand.u32 $0x4000, s31;
	s1 =	sadd.s32 s1, s30  }
0xc1: {  	s0 =	sor.u32 s3, s0;
	s1 =	sshll.u32 s1, $0x11  }
0xc2: {  	s0 =	sor.u32 s1, s0  }
0xc3: {  	s0 =	sadd.s32 $0x8F2B, s0  }
0xc4: {  	[sflag:s0] =	ssyncadd.remote.s32 $0x1  }
0xc5: {  	_ =	sfence.sel $0xFFFF  }
0xc6: {  	[dreg:$0x0] =	wrdreg $0xFFFFFFFF;
	(pc) =	sbr.abs _section_cstart, $3  }
0xc7: {  	[dreg:$0x1] =	wrdreg $0xFFFFFFFF  }
0xc8: {  	_ =	task.clear_ibuf [dreg:s7], $0x2FFFF;
	_ =	strace $0x9FFFFFFF  }
0xc9: {  	(tm) =	ssettm $0x7FFFFFFF  }
tec
execute0_lowered:
.L_overlay_start_1:
0x0: {  	(tag) =	ssettag $0x1  }
0x1: {  	s5 =	rddreg [dreg:$0x0]  }
0x2: {  	s10 =	rddreg [dreg:$0x1]  }
0x3: {  	s2 =	rddreg [dreg:$0x2]  }
0x4: {  	s0 =	rddreg [dreg:$0x3]  }
0x5: {  	s3 =	simm.s32 $0x0;
	s1 =	stileid.u32;
	s6 =	srdreg.scid  }
0x6: {  	s14 =	simm.s32 $0x3200;
	s15 =	simm.s32 $0x2;
	s16 =	simm.s32 $0x1800  }
0x7: {  	s17 =	simm.s32 $0x100;
	s18 =	simm.s32 $0x3000;
	s19 =	simm.s32 $0x1  }
0x8: {  	s20 =	simm.s32 $0x3100;
	[smem:$0x7FF] =	sst s3;
	s11 =	smul.u32 $0x600, s1  }
0x9: {  	s7 =	smul.u32 $0x4F000, s1;
	s4 =	sadd.s32 $0x20800, s5;
	s8 =	sand.u32 $0x1, s6  }
0xa: {  	_ =	strace $0x8000004A;
	s9 =	ssub.s32 $0x2, s8;
	s12 =	sadd.s32 s11, s5  }
0xb: {  	s30 =	sshrl.u32 s7, $0x2;
	s5 =	sadd.s32 $0x10AE00, s5;
	s31 =	sshrl.u32 s9, $0x1  }
0xc: {  	s7 =	smul.u32 $0x3, s8;
	s10 =	sadd.s32 s10, s11;
	s6 =	sadd.s32 s30, s2  }
0xd: {  	s13 =	ssub.s32 s9, s31;
	s11 =	sadd.s32 $0x3800, s12;
	s12 =	smul.u32 $0x2780, s1  }
0xe: {  	v0 =	vimm.f32 $0.0e+00;
	s8 =	sadd.s32 $0x8000, s6;
	s9 =	sadd.s32 $0x10000, s6;
	s13 =	smax.u32 s13, $0x1  }
.LBB2_1:
0xf: {  	s21 =	simm.s32 $0x0  }
.LBB2_2:
0x10: {  	s22 =	simm.s32 $0x0;
	s23 =	simm.s32 $0x200  }
.LBB2_3:
0x11: {  	p0 =	sne.s32 s23, $0x1FE00;
	[tilespmem:s22+$0x3270] =	vst v0  }
0x12: {  	[tilespmem:s22+$0x3200] =	vst v0  }
0x13: {  	[tilespmem:s22+$0x3210] =	vst v0  }
.Ltmp0:
0x14: {  	[tilespmem:s22+$0x3220] =	vst v0;
	(pc) =	sbr.rel @p0 .LBB2_3-.Ltmp0, $4  }
0x15: {  	[tilespmem:s22+$0x3230] =	vst v0  }
0x16: {  	[tilespmem:s22+$0x3240] =	vst v0  }
0x17: {  	[tilespmem:s22+$0x3250] =	vst v0  }
0x18: {  	[tilespmem:s22+$0x3260] =	vst v0;
	s22 =	sshra.s32 s23, $0x2;
	s23 =	sadd.s32 $0x200, s23  }
0x19: {  	[tilespmem:s22+$0x3270] =	vst v0  }
0x1a: {  	[tilespmem:s22+$0x3200] =	vst v0  }
0x1b: {  	[tilespmem:s22+$0x3210] =	vst v0  }
0x1c: {  	[tilespmem:s22+$0x3220] =	vst v0  }
0x1d: {  	[tilespmem:s22+$0x3230] =	vst v0  }
0x1e: {  	[tilespmem:s22+$0x3240] =	vst v0  }
0x1f: {  	[tilespmem:s22+$0x3250] =	vst v0  }
0x20: {  	[tilespmem:s22+$0x3260] =	vst v0  }
0x21: {  	[spmem:s6] =	stream.linear.scatter [tilespmem:s14], [sflag:$0x2], $0x8000, $0x38;
	[tilespmem:$0x1EE00] =	vst v63  }
0x22: {  	_ =	swait.ge [sflag:s15], $0x8000  }
0x23: {  	[sflag:s15] =	ssyncset.done $0x0  }
0x24: {  	[sflag:s15] =	ssyncadd.s32 $0xFFFF8000  }
0x25: {  	[spmem:s8] =	stream.linear.scatter [tilespmem:s14], [sflag:$0x2], $0x8000, $0x38;
	[tilespmem:$0x1EE00] =	vst v63  }
0x26: {  	_ =	swait.ge [sflag:s15], $0x8000  }
0x27: {  	[sflag:s15] =	ssyncset.done $0x0  }
0x28: {  	[sflag:s15] =	ssyncadd.s32 $0xFFFF8000  }
0x29: {  	[spmem:s9] =	stream.linear.scatter [tilespmem:s14], [sflag:$0x2], $0x3C00, $0x38;
	[tilespmem:$0x1EE00] =	vst v63  }
0x2a: {  	s22 =	sadd.s32 s7, s21;
	_ =	swait.ge [sflag:s15], $0x3C00  }
0x2b: {  	s23 =	smul.u32 $0x27100, s22;
	[sflag:s15] =	ssyncset.done $0x0  }
0x2c: {  	s24 =	simm.s32 $0x0;
	p1 =	por $0x1, $0x1;
	[sflag:s15] =	ssyncadd.s32 $0xFFFFC400  }
0x2d: {  	s25 =	simm.s32 $0x0;
	s23 =	sadd.s32 s4, s23;
	[bflag:$0x0] =	sbarrier.arrive $0xFFFF  }
.LBB2_5:
0x2e: {  	s26 =	sadd.s32 s25, s10  }
0x2f: {  	[tilespmem:s24], [sflag:$0x2] =	stream.linear.gather [hbm4b:s26+s24], $0x1800, $0x38;
	[tilespmem:$0x1EE00] =	vst v63  }
0x30: {  	_ =	swait.ge [sflag:s15], $0x1800  }
0x31: {  	[sflag:s15] =	ssyncset.done $0x0  }
0x32: {  	s31 =	sadd.s32 s25, s11;
	[sflag:s15] =	ssyncadd.s32 $0xFFFFE800  }
0x33: {  	[tilespmem:s16], [sflag:$0x2] =	stream.linear.gather [hbm4b:s31+s24], $0x1800, $0x38;
	[tilespmem:$0x1EE00] =	vst v63  }
0x34: {  	_ =	swait.ge [sflag:s15], $0x1800  }
0x35: {  	[sflag:s15] =	ssyncset.done $0x0  }
0x36: {  	p0 =	por p1, p1;
	s25 =	simm.s32 $0x0;
	[sflag:s15] =	ssyncadd.s32 $0xFFFFE800  }
.LBB2_6:
0x37: {  	s26 =	sshll.u32 s25, $0x8;
	s28 =	sshll.u32 s25, $0x7  }
0x38: {  	s26 =	sand.u32 $0x1800, s26;
	s28 =	sand.u32 $0x380, s28  }
0x39: {  	s29 =	sor.u32 s28, s26  }
0x3a: {  	v1 =	vld [tilespmem:s29+$0x0];
	_ =	sdelay $0x4  }
0x3b: {  	v2 =	vand.u32 $0x3FFF, v1  }
0x3c: {  	v1 =	vshrl.u32 v1, $0xE;
	[tilespmem:$0x3000] =	vst v2  }
0x3d: {  	[tilespmem:$0x3100] =	vst v1  }
0x3e: {  	v1 =	vld [tilespmem:s29+$0x10];
	_ =	sdelay $0x4  }
0x3f: {  	v2 =	vand.u32 $0x3FFF, v1  }
0x40: {  	v1 =	vshrl.u32 v1, $0xE;
	[tilespmem:$0x3010] =	vst v2  }
0x41: {  	[tilespmem:$0x3110] =	vst v1  }
0x42: {  	v1 =	vld [tilespmem:s29+$0x20];
	_ =	sdelay $0x4  }
0x43: {  	v2 =	vand.u32 $0x3FFF, v1  }
0x44: {  	v1 =	vshrl.u32 v1, $0xE;
	[tilespmem:$0x3020] =	vst v2  }
0x45: {  	[tilespmem:$0x3120] =	vst v1  }
0x46: {  	v1 =	vld [tilespmem:s29+$0x30];
	_ =	sdelay $0x4  }
0x47: {  	v2 =	vand.u32 $0x3FFF, v1  }
0x48: {  	v1 =	vshrl.u32 v1, $0xE;
	[tilespmem:$0x3030] =	vst v2  }
0x49: {  	[tilespmem:$0x3130] =	vst v1  }
0x4a: {  	v1 =	vld [tilespmem:s29+$0x40];
	_ =	sdelay $0x4  }
0x4b: {  	v2 =	vand.u32 $0x3FFF, v1  }
0x4c: {  	v1 =	vshrl.u32 v1, $0xE;
	[tilespmem:$0x3040] =	vst v2  }
0x4d: {  	[tilespmem:$0x3140] =	vst v1  }
0x4e: {  	v1 =	vld [tilespmem:s29+$0x50];
	_ =	sdelay $0x4  }
0x4f: {  	v2 =	vand.u32 $0x3FFF, v1  }
0x50: {  	v1 =	vshrl.u32 v1, $0xE;
	[tilespmem:$0x3050] =	vst v2  }
0x51: {  	[tilespmem:$0x3150] =	vst v1  }
0x52: {  	v1 =	vld [tilespmem:s29+$0x60];
	_ =	sdelay $0x4  }
0x53: {  	v2 =	vand.u32 $0x3FFF, v1  }
0x54: {  	v1 =	vshrl.u32 v1, $0xE;
	[tilespmem:$0x3060] =	vst v2  }
0x55: {  	[tilespmem:$0x3160] =	vst v1  }
0x56: {  	v1 =	vld [tilespmem:s29+$0x70];
	_ =	sdelay $0x4  }
0x57: {  	v2 =	vand.u32 $0x3FFF, v1  }
0x58: {  	v1 =	vshrl.u32 v1, $0xE;
	[tilespmem:$0x3070] =	vst v2  }
0x59: {  	[tilespmem:$0x3170] =	vst v1  }
0x5a: {  	v1 =	vld [tilespmem:s29+$0x400];
	_ =	sdelay $0x4  }
0x5b: {  	v2 =	vand.u32 $0x3FFF, v1  }
0x5c: {  	v1 =	vshrl.u32 v1, $0xE;
	[tilespmem:$0x3080] =	vst v2  }
0x5d: {  	[tilespmem:$0x3180] =	vst v1  }
0x5e: {  	v1 =	vld [tilespmem:s29+$0x410];
	_ =	sdelay $0x4  }
0x5f: {  	v2 =	vand.u32 $0x3FFF, v1  }
0x60: {  	v1 =	vshrl.u32 v1, $0xE;
	[tilespmem:$0x3090] =	vst v2  }
0x61: {  	[tilespmem:$0x3190] =	vst v1  }
0x62: {  	v1 =	vld [tilespmem:s29+$0x420];
	_ =	sdelay $0x4  }
0x63: {  	v2 =	vand.u32 $0x3FFF, v1  }
0x64: {  	v1 =	vshrl.u32 v1, $0xE;
	[tilespmem:$0x30A0] =	vst v2  }
0x65: {  	[tilespmem:$0x31A0] =	vst v1  }
0x66: {  	v1 =	vld [tilespmem:s29+$0x430];
	_ =	sdelay $0x4  }
0x67: {  	v2 =	vand.u32 $0x3FFF, v1  }
0x68: {  	v1 =	vshrl.u32 v1, $0xE;
	[tilespmem:$0x30B0] =	vst v2  }
0x69: {  	[tilespmem:$0x31B0] =	vst v1  }
0x6a: {  	v1 =	vld [tilespmem:s29+$0x440];
	_ =	sdelay $0x4  }
0x6b: {  	v2 =	vand.u32 $0x3FFF, v1  }
0x6c: {  	v1 =	vshrl.u32 v1, $0xE;
	[tilespmem:$0x30C0] =	vst v2  }
0x6d: {  	[tilespmem:$0x31C0] =	vst v1  }
0x6e: {  	v1 =	vld [tilespmem:s29+$0x450];
	_ =	sdelay $0x4  }
0x6f: {  	v2 =	vand.u32 $0x3FFF, v1  }
0x70: {  	v1 =	vshrl.u32 v1, $0xE;
	[tilespmem:$0x30D0] =	vst v2  }
0x71: {  	[tilespmem:$0x31D0] =	vst v1  }
0x72: {  	v1 =	vld [tilespmem:s29+$0x460];
	_ =	sdelay $0x4  }
0x73: {  	v2 =	vand.u32 $0x3FFF, v1  }
0x74: {  	v1 =	vshrl.u32 v1, $0xE;
	[tilespmem:$0x30E0] =	vst v2  }
0x75: {  	[tilespmem:$0x31E0] =	vst v1  }
0x76: {  	v1 =	vld [tilespmem:s29+$0x470];
	_ =	sdelay $0x4  }
0x77: {  	v2 =	vand.u32 $0x3FFF, v1  }
0x78: {  	v1 =	vshrl.u32 v1, $0xE;
	[tilespmem:$0x30F0] =	vst v2  }
0x79: {  	s26 =	sadd.s32 $0x1800, s26;
	[tilespmem:$0x31F0] =	vst v1;
	v1 =	vmov s28;
	s28 =	simm.s32 $0x0  }
0x7a: {  	[tilespmem:s14], [sflag:$0x1] =	stream.indirect.gather [hbm4b:s23+s17], $0x80, s18, s17, $0xb8;
	[tilespmem:$0x1EE00] =	vst v63  }
0x7b: {  	s29 =	simm.s32 $0x0;
	s28 =	sand.u32 $0x400, s28;
	_ =	swait.ge [sflag:s19], $0x8000  }
0x7c: {  	s29 =	sand.u32 $0x70, s29;
	s28 =	sadd.s32 s28, s26;
	[sflag:s19] =	ssyncset.done $0x0  }
0x7d: {  	s28 =	sadd.s32 s29, s28;
	[sflag:s19] =	ssyncadd.s32 $0xFFFF8000  }
0x7e: {  	v2 =	vld.idx.msk [tilespmem:v1+s28+$0x0 ss:$0x1], $0xffff;
	s28 =	simm.s32 $0x0  }
0x7f: {  	s28 =	sand.u32 $0x3FFFF800, s28  }
0x80: {  	v3 =	vld [tilespmem:s28+$0x3200]  }
0x81: {  	v4 =	vld [tilespmem:s28+$0x3210]  }
0x82: {  	v5 =	vld [tilespmem:s28+$0x3220]  }
0x83: {  	v7 =	vld [tilespmem:s28+$0x3230]  }
0x84: {  	v8 =	vld [tilespmem:s28+$0x3240];
	v6 =	vbroadcast v2, $0x0  }
0x85: {  	v9 =	vld [tilespmem:s28+$0x3250]  }
0x86: {  	v10 =	vld [tilespmem:s28+$0x3260];
	v3 =	vmul.f32 v6, v3  }
0x87: {  	v22 =	vld [tilespmem:s28+$0x3280];
	v4 =	vmul.f32 v4, v6  }
0x88: {  	v23 =	vld [tilespmem:s28+$0x3290];
	v5 =	vmul.f32 v5, v6;
	[tilespmem:s28+$0x3200] =	vst v3  }
0x89: {  	v24 =	vld [tilespmem:s28+$0x32A0];
	v7 =	vmul.f32 v7, v6;
	[tilespmem:s28+$0x3210] =	vst v4  }
0x8a: {  	v25 =	vld [tilespmem:s28+$0x32B0];
	v8 =	vmul.f32 v8, v6;
	[tilespmem:s28+$0x3220] =	vst v5  }
0x8b: {  	v26 =	vld [tilespmem:s28+$0x32C0];
	v11 =	vbroadcast v2, $0x1;
	v9 =	vmul.f32 v9, v6;
	[tilespmem:s28+$0x3230] =	vst v7  }
0x8c: {  	v27 =	vld [tilespmem:s28+$0x32D0];
	v10 =	vmul.f32 v10, v6;
	[tilespmem:s28+$0x3240] =	vst v8  }
0x8d: {  	v28 =	vld [tilespmem:s28+$0x32F0];
	[tilespmem:s28+$0x3250] =	vst v9;
	v4 =	vmul.f32 v22, v11  }
0x8e: {  	v29 =	vld [tilespmem:s28+$0x3300];
	[tilespmem:s28+$0x3260] =	vst v10;
	v5 =	vmul.f32 v23, v11  }
0x8f: {  	v30 =	vld [tilespmem:s28+$0x3310];
	v7 =	vmul.f32 v24, v11;
	[tilespmem:s28+$0x3280] =	vst v4  }
0x90: {  	v31 =	vld [tilespmem:s28+$0x3320];
	v8 =	vmul.f32 v25, v11;
	[tilespmem:s28+$0x3290] =	vst v5  }
0x91: {  	v32 =	vld [tilespmem:s28+$0x3330];
	v34 =	vbroadcast v2, $0x2;
	v9 =	vmul.f32 v26, v11;
	[tilespmem:s28+$0x32A0] =	vst v7  }
0x92: {  	v35 =	vld [tilespmem:s28+$0x3360];
	[tilespmem:s28+$0x32B0] =	vst v8;
	v4 =	vmul.f32 v28, v11  }
0x93: {  	v36 =	vld [tilespmem:s28+$0x3370];
	[tilespmem:s28+$0x32C0] =	vst v9;
	v5 =	vmul.f32 v29, v34  }
0x94: {  	v37 =	vld [tilespmem:s28+$0x3380];
	v7 =	vmul.f32 v30, v34;
	[tilespmem:s28+$0x32F0] =	vst v4  }
0x95: {  	v38 =	vld [tilespmem:s28+$0x3390];
	v8 =	vmul.f32 v31, v34;
	[tilespmem:s28+$0x3300] =	vst v5  }
0x96: {  	v39 =	vld [tilespmem:s28+$0x33A0];
	v9 =	vmul.f32 v32, v34;
	[tilespmem:s28+$0x3310] =	vst v7  }
0x97: {  	v41 =	vbroadcast v2, $0x3;
	v3 =	vld [tilespmem:s28+$0x3270];
	[tilespmem:s28+$0x3320] =	vst v8;
	v4 =	vmul.f32 v35, v34  }
0x98: {  	v33 =	vld [tilespmem:s28+$0x3340];
	[tilespmem:s28+$0x3330] =	vst v9;
	v5 =	vmul.f32 v36, v34  }
0x99: {  	v42 =	vld [tilespmem:s28+$0x33D0];
	v7 =	vmul.f32 v37, v41;
	[tilespmem:s28+$0x3360] =	vst v4  }
0x9a: {  	v43 =	vld [tilespmem:s28+$0x33E0];
	v8 =	vmul.f32 v38, v41;
	[tilespmem:s28+$0x3370] =	vst v5  }
0x9b: {  	v44 =	vld [tilespmem:s28+$0x33F0];
	v9 =	vmul.f32 v39, v41;
	[tilespmem:s28+$0x3380] =	vst v7  }
0x9c: {  	v45 =	vld [tilespmem:s28+$0x3400];
	v3 =	vmul.f32 v3, v6;
	[tilespmem:s28+$0x3390] =	vst v8  }
0x9d: {  	v46 =	vld [tilespmem:s28+$0x3410];
	v6 =	vmul.f32 v27, v11;
	[tilespmem:s28+$0x33A0] =	vst v9  }
0x9e: {  	v40 =	vld [tilespmem:s28+$0x33B0];
	v4 =	vmul.f32 v42, v41;
	[tilespmem:s28+$0x3270] =	vst v3  }
0x9f: {  	v48 =	vld [tilespmem:s28+$0x3440];
	v49 =	vbroadcast v2, $0x4;
	v5 =	vmul.f32 v43, v41;
	[tilespmem:s28+$0x32D0] =	vst v6  }
0xa0: {  	v50 =	vld [tilespmem:s28+$0x3450];
	v7 =	vmul.f32 v44, v41;
	[tilespmem:s28+$0x33D0] =	vst v4  }
0xa1: {  	v51 =	vld [tilespmem:s28+$0x3460];
	v8 =	vmul.f32 v45, v49;
	[tilespmem:s28+$0x33E0] =	vst v5  }
0xa2: {  	v52 =	vld [tilespmem:s28+$0x3470];
	v9 =	vmul.f32 v46, v49;
	[tilespmem:s28+$0x33F0] =	vst v7  }
0xa3: {  	v53 =	vld [tilespmem:s28+$0x3480];
	v6 =	vmul.f32 v33, v34;
	[tilespmem:s28+$0x3400] =	vst v8  }
0xa4: {  	v47 =	vld [tilespmem:s28+$0x3420];
	[tilespmem:s28+$0x3410] =	vst v9;
	v4 =	vmul.f32 v48, v49  }
0xa5: {  	v3 =	vld [tilespmem:s28+$0x32E0];
	v5 =	vmul.f32 v50, v49;
	[tilespmem:s28+$0x3340] =	vst v6  }
0xa6: {  	v55 =	vld [tilespmem:s28+$0x34B0];
	v57 =	vbroadcast v2, $0x5;
	v7 =	vmul.f32 v51, v49;
	[tilespmem:s28+$0x3440] =	vst v4  }
0xa7: {  	v56 =	vld [tilespmem:s28+$0x34C0];
	v8 =	vmul.f32 v52, v49;
	[tilespmem:s28+$0x3450] =	vst v5  }
0xa8: {  	v58 =	vld [tilespmem:s28+$0x34D0];
	v9 =	vmul.f32 v53, v57;
	[tilespmem:s28+$0x3460] =	vst v7  }
0xa9: {  	v59 =	vld [tilespmem:s28+$0x34E0];
	v6 =	vmul.f32 v40, v41;
	[tilespmem:s28+$0x3470] =	vst v8  }
0xaa: {  	v60 =	vld [tilespmem:s28+$0x34F0];
	[tilespmem:s28+$0x3480] =	vst v9;
	v3 =	vmul.f32 v3, v11  }
0xab: {  	v54 =	vld [tilespmem:s28+$0x3490];
	v4 =	vmul.f32 v55, v57;
	[tilespmem:s28+$0x33B0] =	vst v6  }
0xac: {  	v5 =	vmul.f32 v56, v57;
	[tilespmem:s28+$0x32E0] =	vst v3;
	v3 =	vld [tilespmem:s28+$0x3350]  }
0xad: {  	v62 =	vld [tilespmem:s28+$0x3520];
	v7 =	vmul.f32 v58, v57;
	[tilespmem:s28+$0x34B0] =	vst v4  }
0xae: {  	v63 =	vld [tilespmem:s28+$0x3530];
	v8 =	vmul.f32 v59, v57;
	[tilespmem:s28+$0x34C0] =	vst v5  }
0xaf: {  	v12 =	vld [tilespmem:s28+$0x3540];
	v9 =	vmul.f32 v60, v57;
	[tilespmem:s28+$0x34D0] =	vst v7  }
0xb0: {  	v14 =	vld [tilespmem:s28+$0x3550];
	v13 =	vbroadcast v2, $0x6;
	v6 =	vmul.f32 v47, v49;
	[tilespmem:s28+$0x34E0] =	vst v8  }
0xb1: {  	v15 =	vld [tilespmem:s28+$0x3560];
	[tilespmem:s28+$0x34F0] =	vst v9;
	v3 =	vmul.f32 v3, v34  }
0xb2: {  	v61 =	vld [tilespmem:s28+$0x3500];
	v4 =	vmul.f32 v62, v13;
	[tilespmem:s28+$0x3420] =	vst v6  }
0xb3: {  	v5 =	vmul.f32 v63, v13;
	[tilespmem:s28+$0x3350] =	vst v3;
	v3 =	vld [tilespmem:s28+$0x33C0]  }
0xb4: {  	v17 =	vld [tilespmem:s28+$0x3590];
	v7 =	vmul.f32 v12, v13;
	[tilespmem:s28+$0x3520] =	vst v4  }
0xb5: {  	v18 =	vld [tilespmem:s28+$0x35A0];
	v8 =	vmul.f32 v14, v13;
	[tilespmem:s28+$0x3530] =	vst v5  }
0xb6: {  	v19 =	vld [tilespmem:s28+$0x35B0];
	v9 =	vmul.f32 v15, v13;
	[tilespmem:s28+$0x3540] =	vst v7  }
0xb7: {  	v20 =	vld [tilespmem:s28+$0x35C0];
	v21 =	vbroadcast v2, $0x7;
	v6 =	vmul.f32 v54, v57;
	[tilespmem:s28+$0x3550] =	vst v8  }
0xb8: {  	v22 =	vld [tilespmem:s28+$0x35D0];
	[tilespmem:s28+$0x3560] =	vst v9;
	v3 =	vmul.f32 v3, v41  }
0xb9: {  	v16 =	vld [tilespmem:s28+$0x3570];
	v4 =	vmul.f32 v17, v21;
	[tilespmem:s28+$0x3490] =	vst v6  }
0xba: {  	v5 =	vmul.f32 v18, v21;
	[tilespmem:s28+$0x33C0] =	vst v3;
	v3 =	vld [tilespmem:s28+$0x3430]  }
0xbb: {  	v55 =	vld [tilespmem:s28+$0x3880];
	v7 =	vmul.f32 v19, v21;
	[tilespmem:s28+$0x3590] =	vst v4  }
0xbc: {  	v24 =	vld [tilespmem:s28+$0x3600];
	v8 =	vmul.f32 v20, v21;
	[tilespmem:s28+$0x35A0] =	vst v5  }
0xbd: {  	v25 =	vld [tilespmem:s28+$0x3610];
	v9 =	vmul.f32 v22, v21;
	[tilespmem:s28+$0x35B0] =	vst v7  }
0xbe: {  	v26 =	vld [tilespmem:s28+$0x3620];
	v60 =	vbroadcast v2, $0xD;
	v6 =	vmul.f32 v61, v13;
	[tilespmem:s28+$0x35C0] =	vst v8  }
0xbf: {  	v29 =	vbroadcast v2, $0x8;
	v27 =	vld [tilespmem:s28+$0x3630];
	[tilespmem:s28+$0x35D0] =	vst v9;
	v3 =	vmul.f32 v3, v49  }
0xc0: {  	v28 =	vld [tilespmem:s28+$0x3640];
	v61 =	vmul.f32 v55, v60;
	[tilespmem:s28+$0x3500] =	vst v6  }
0xc1: {  	v4 =	vmul.f32 v24, v29;
	[tilespmem:s28+$0x3430] =	vst v3;
	v3 =	vld [tilespmem:s28+$0x34A0]  }
0xc2: {  	v23 =	vld [tilespmem:s28+$0x35E0];
	v5 =	vmul.f32 v25, v29;
	[tilespmem:s28+$0x3880] =	vst v61  }
0xc3: {  	v14 =	vld [tilespmem:s28+$0x38F0];
	v7 =	vmul.f32 v26, v29;
	[tilespmem:s28+$0x3600] =	vst v4  }
0xc4: {  	v31 =	vld [tilespmem:s28+$0x3670];
	v8 =	vmul.f32 v27, v29;
	[tilespmem:s28+$0x3610] =	vst v5  }
0xc5: {  	v30 =	vld [tilespmem:s28+$0x3650];
	v9 =	vmul.f32 v28, v29;
	[tilespmem:s28+$0x3620] =	vst v7  }
0xc6: {  	v62 =	vld [tilespmem:s28+$0x3900];
	[tilespmem:s28+$0x3630] =	vst v8;
	v3 =	vmul.f32 v3, v57  }
0xc7: {  	v37 =	vld [tilespmem:s28+$0x3700];
	v6 =	vmul.f32 v16, v13;
	[tilespmem:s28+$0x3640] =	vst v9  }
0xc8: {  	v22 =	vmul.f32 v14, v60;
	[tilespmem:s28+$0x34A0] =	vst v3;
	v3 =	vld [tilespmem:s28+$0x3510]  }
0xc9: {  	v38 =	vld [tilespmem:s28+$0x3720];
	v16 =	vbroadcast v2, $0xE;
	v4 =	vmul.f32 v31, v29;
	[tilespmem:s28+$0x3570] =	vst v6  }
0xca: {  	v39 =	vld [tilespmem:s28+$0x3730];
	v6 =	vmul.f32 v23, v21;
	[tilespmem:s28+$0x38F0] =	vst v22  }
0xcb: {  	v43 =	vld [tilespmem:s28+$0x3760];
	v24 =	vmul.f32 v62, v16;
	[tilespmem:s28+$0x3670] =	vst v4  }
0xcc: {  	v44 =	vld [tilespmem:s28+$0x3770];
	v4 =	vbroadcast v2, $0xA;
	[tilespmem:s28+$0x35E0] =	vst v6;
	v6 =	vmul.f32 v30, v29  }
0xcd: {  	v46 =	vld [tilespmem:s28+$0x37A0];
	[tilespmem:s28+$0x3900] =	vst v24;
	v3 =	vmul.f32 v3, v13  }
0xce: {  	v47 =	vld [tilespmem:s28+$0x37B0];
	v10 =	vmul.f32 v38, v4;
	[tilespmem:s28+$0x3650] =	vst v6  }
0xcf: {  	v11 =	vmul.f32 v39, v4;
	[tilespmem:s28+$0x3510] =	vst v3;
	v3 =	vld [tilespmem:s28+$0x3580]  }
0xd0: {  	v48 =	vld [tilespmem:s28+$0x37C0];
	v8 =	vmul.f32 v43, v4;
	[tilespmem:s28+$0x3720] =	vst v10  }
0xd1: {  	v50 =	vld [tilespmem:s28+$0x37F0];
	v12 =	vbroadcast v2, $0xB;
	v7 =	vmul.f32 v44, v4;
	[tilespmem:s28+$0x3730] =	vst v11  }
0xd2: {  	v51 =	vld [tilespmem:s28+$0x37D0];
	v6 =	vmul.f32 v37, v4;
	[tilespmem:s28+$0x3760] =	vst v8  }
0xd3: {  	v53 =	vld [tilespmem:s28+$0x3810];
	[tilespmem:s28+$0x3770] =	vst v7;
	v10 =	vmul.f32 v47, v12  }
0xd4: {  	v58 =	vld [tilespmem:s28+$0x38C0];
	[tilespmem:s28+$0x3700] =	vst v6;
	v3 =	vmul.f32 v3, v21  }
0xd5: {  	v11 =	vmul.f32 v48, v12;
	[tilespmem:s28+$0x37B0] =	vst v10;
	v57 =	vld [tilespmem:s28+$0x38B0]  }
0xd6: {  	v8 =	vmul.f32 v50, v12;
	[tilespmem:s28+$0x3580] =	vst v3;
	v3 =	vld [tilespmem:s28+$0x35F0]  }
0xd7: {  	v20 =	vld [tilespmem:s28+$0x3940];
	v7 =	vmul.f32 v51, v12;
	[tilespmem:s28+$0x37C0] =	vst v11  }
0xd8: {  	v54 =	vld [tilespmem:s28+$0x3830];
	v6 =	vmul.f32 v46, v12;
	[tilespmem:s28+$0x37F0] =	vst v8  }
0xd9: {  	v31 =	vld [tilespmem:s28+$0x3840];
	[tilespmem:s28+$0x37D0] =	vst v7;
	v7 =	vmul.f32 v58, v60  }
0xda: {  	v37 =	vld [tilespmem:s28+$0x3850];
	[tilespmem:s28+$0x37A0] =	vst v6;
	v8 =	vmul.f32 v57, v60  }
0xdb: {  	[tilespmem:s28+$0x38C0] =	vst v7;
	v47 =	vld [tilespmem:s28+$0x38D0];
	v13 =	vbroadcast v2, $0xC;
	v3 =	vmul.f32 v3, v21  }
0xdc: {  	[tilespmem:s28+$0x38B0] =	vst v8;
	v8 =	vmul.f32 v20, v16;
	v21 =	vld [tilespmem:s28+$0x3710]  }
0xdd: {  	v6 =	vmul.f32 v53, v13;
	[tilespmem:s28+$0x35F0] =	vst v3;
	v3 =	vld [tilespmem:s28+$0x3660]  }
0xde: {  	v10 =	vmul.f32 v54, v13;
	[tilespmem:s28+$0x3940] =	vst v8  }
0xdf: {  	v32 =	vld [tilespmem:s28+$0x3690];
	v44 =	vmul.f32 v37, v13;
	[tilespmem:s28+$0x3810] =	vst v6  }
0xe0: {  	v33 =	vld [tilespmem:s28+$0x36A0];
	[tilespmem:s28+$0x3830] =	vst v10;
	v10 =	vmul.f32 v31, v13  }
0xe1: {  	v34 =	vld [tilespmem:s28+$0x36D0];
	[tilespmem:s28+$0x3850] =	vst v44;
	v6 =	vmul.f32 v47, v60;
	v30 =	vmul.f32 v21, v4  }
0xe2: {  	v35 =	vld [tilespmem:s28+$0x36F0];
	[tilespmem:s28+$0x3840] =	vst v10;
	v36 =	vmul.f32 v3, v29;
	v3 =	vbroadcast v2, $0x9  }
0xe3: {  	v15 =	vld [tilespmem:s28+$0x36B0];
	[tilespmem:s28+$0x38D0] =	vst v6  }
0xe4: {  	v23 =	vld [tilespmem:s28+$0x3790];
	[tilespmem:s28+$0x3710] =	vst v30;
	v5 =	vmul.f32 v32, v3  }
0xe5: {  	v25 =	vld [tilespmem:s28+$0x3980];
	[tilespmem:s28+$0x3660] =	vst v36;
	v40 =	vmul.f32 v33, v3  }
0xe6: {  	v27 =	vld [tilespmem:s28+$0x36E0];
	v42 =	vmul.f32 v34, v3;
	[tilespmem:s28+$0x3690] =	vst v5  }
0xe7: {  	v28 =	vld [tilespmem:s28+$0x36C0];
	v9 =	vmul.f32 v35, v3;
	[tilespmem:s28+$0x36A0] =	vst v40  }
0xe8: {  	v38 =	vld [tilespmem:s28+$0x3990];
	v2 =	vbroadcast v2, $0xF;
	v26 =	vmul.f32 v15, v3;
	[tilespmem:s28+$0x36D0] =	vst v42  }
0xe9: {  	v50 =	vld [tilespmem:s28+$0x39D0];
	v32 =	vmul.f32 v23, v12;
	[tilespmem:s28+$0x36F0] =	vst v9  }
0xea: {  	v55 =	vld [tilespmem:s28+$0x3680];
	v34 =	vmul.f32 v25, v2;
	[tilespmem:s28+$0x36B0] =	vst v26  }
0xeb: {  	v41 =	vld [tilespmem:s28+$0x3750];
	v36 =	vmul.f32 v27, v3;
	[tilespmem:s28+$0x3790] =	vst v32  }
0xec: {  	v45 =	vld [tilespmem:s28+$0x3780];
	v7 =	vmul.f32 v28, v3;
	[tilespmem:s28+$0x3980] =	vst v34  }
0xed: {  	v39 =	vld [tilespmem:s28+$0x3890];
	v46 =	vmul.f32 v38, v2;
	[tilespmem:s28+$0x36E0] =	vst v36  }
0xee: {  	v51 =	vld [tilespmem:s28+$0x3740];
	v58 =	vmul.f32 v50, v2;
	[tilespmem:s28+$0x36C0] =	vst v7  }
0xef: {  	v57 =	vld [tilespmem:s28+$0x3860];
	v3 =	vmul.f32 v55, v3;
	[tilespmem:s28+$0x3990] =	vst v46  }
0xf0: {  	v29 =	vld [tilespmem:s28+$0x3820];
	v5 =	vmul.f32 v41, v4;
	[tilespmem:s28+$0x39D0] =	vst v58  }
0xf1: {  	v49 =	vld [tilespmem:s28+$0x37E0];
	v9 =	vmul.f32 v45, v12;
	[tilespmem:s28+$0x3680] =	vst v3  }
0xf2: {  	v52 =	vld [tilespmem:s28+$0x3800];
	v7 =	vmul.f32 v39, v60;
	[tilespmem:s28+$0x3750] =	vst v5  }
0xf3: {  	v43 =	vld [tilespmem:s28+$0x39B0];
	v4 =	vmul.f32 v51, v4;
	[tilespmem:s28+$0x3780] =	vst v9  }
0xf4: {  	v35 =	vld [tilespmem:s28+$0x3970];
	v3 =	vmul.f32 v57, v13;
	[tilespmem:s28+$0x3890] =	vst v7  }
0xf5: {  	v56 =	vld [tilespmem:s28+$0x38A0];
	v11 =	vmul.f32 v29, v13;
	[tilespmem:s28+$0x3740] =	vst v4  }
0xf6: {  	v59 =	vld [tilespmem:s28+$0x38E0];
	v5 =	vmul.f32 v49, v12;
	[tilespmem:s28+$0x3860] =	vst v3  }
0xf7: {  	v53 =	vld [tilespmem:s28+$0x39E0];
	v9 =	vmul.f32 v52, v13;
	[tilespmem:s28+$0x3820] =	vst v11  }
0xf8: {  	v40 =	vld [tilespmem:s28+$0x3960];
	v52 =	vmul.f32 v43, v2;
	[tilespmem:s28+$0x37E0] =	vst v5  }
0xf9: {  	v41 =	vld [tilespmem:s28+$0x39A0];
	v42 =	vmul.f32 v35, v16;
	[tilespmem:s28+$0x3800] =	vst v9  }
0xfa: {  	v63 =	vld [tilespmem:s28+$0x3920];
	v5 =	vmul.f32 v56, v60;
	[tilespmem:s28+$0x39B0] =	vst v52  }
0xfb: {  	v45 =	vld [tilespmem:s28+$0x3870];
	v9 =	vmul.f32 v59, v60;
	[tilespmem:s28+$0x3970] =	vst v42  }
0xfc: {  	v33 =	vld [tilespmem:s28+$0x3950];
	v60 =	vmul.f32 v53, v2;
	[tilespmem:s28+$0x38A0] =	vst v5  }
0xfd: {  	v56 =	vld [tilespmem:s28+$0x3910];
	v49 =	vmul.f32 v40, v16;
	[tilespmem:s28+$0x38E0] =	vst v9  }
0xfe: {  	v59 =	vld [tilespmem:s28+$0x3930];
	v10 =	vmul.f32 v41, v2;
	[tilespmem:s28+$0x39E0] =	vst v60  }
0xff: {  	v48 =	vld [tilespmem:s28+$0x39C0];
	v5 =	vmul.f32 v63, v16;
	[tilespmem:s28+$0x3960] =	vst v49  }
0x100: {  	v54 =	vmul.f32 v45, v13;
	[tilespmem:s28+$0x39A0] =	vst v10  }
0x101: {  	v61 =	vld [tilespmem:s28+$0x39F0];
	[tilespmem:s28+$0x3920] =	vst v5;
	v5 =	vmul.f32 v33, v16  }
0x102: {  	[tilespmem:s28+$0x3870] =	vst v54;
	v62 =	vmul.f32 v56, v16  }
0x103: {  	v63 =	vmul.f32 v59, v16;
	[tilespmem:s28+$0x3950] =	vst v5  }
0x104: {  	v5 =	vmul.f32 v48, v2;
	[tilespmem:s28+$0x3910] =	vst v62  }
0x105: {  	[tilespmem:s28+$0x3930] =	vst v63  }
0x106: {  	s29 =	simm.s32 $0x1;
	v2 =	vmul.f32 v61, v2;
	[tilespmem:s28+$0x39C0] =	vst v5  }
.LBB2_7:
0x107: {  	s30 =	sshll.u32 s29, $0x7  }
0x108: {  	p1 =	sne.s32 s29, $0xF;
	[tilespmem:s28+$0x39F0] =	vst v2;
	s28 =	smov.u32 s29;
	s29 =	sadd.s32 $0x1, s29  }
0x109: {  	s31 =	sshll.u32 s28, $0x4;
	s30 =	sand.u32 $0x400, s30  }
0x10a: {  	s31 =	sand.u32 $0x70, s31;
	s30 =	sadd.s32 s30, s26  }
0x10b: {  	s30 =	sadd.s32 s31, s30  }
0x10c: {  	v2 =	vld.idx.msk [tilespmem:v1+s30+$0x0 ss:$0x1], $0xffff  }
0x10d: {  	s28 =	sshll.u32 s28, $0xB  }
0x10e: {  	s28 =	sand.u32 $0x3FFFF800, s28  }
0x10f: {  	v4 =	vld [tilespmem:s28+$0x3200]  }
0x110: {  	v5 =	vld [tilespmem:s28+$0x3210]  }
0x111: {  	v6 =	vld [tilespmem:s28+$0x3220]  }
0x112: {  	v7 =	vbroadcast v2, $0x0;
	v3 =	vbroadcast v2, $0x3;
	v8 =	vld [tilespmem:s28+$0x3230]  }
0x113: {  	v9 =	vld [tilespmem:s28+$0x3240]  }
0x114: {  	v4 =	vmul.f32 v7, v4;
	v10 =	vld [tilespmem:s28+$0x3250]  }
0x115: {  	v5 =	vmul.f32 v5, v7;
	v11 =	vld [tilespmem:s28+$0x3260]  }
0x116: {  	[tilespmem:s28+$0x3200] =	vst v4;
	v4 =	vmul.f32 v6, v7;
	v6 =	vld [tilespmem:s28+$0x3270]  }
0x117: {  	[tilespmem:s28+$0x3210] =	vst v5;
	v5 =	vmul.f32 v8, v7;
	v8 =	vld [tilespmem:s28+$0x3280]  }
0x118: {  	[tilespmem:s28+$0x3220] =	vst v4;
	v4 =	vmul.f32 v9, v7;
	v9 =	vld [tilespmem:s28+$0x3290]  }
0x119: {  	[tilespmem:s28+$0x3230] =	vst v5;
	v5 =	vmul.f32 v10, v7;
	v10 =	vld [tilespmem:s28+$0x32A0]  }
0x11a: {  	[tilespmem:s28+$0x3240] =	vst v4;
	v4 =	vmul.f32 v11, v7;
	v11 =	vbroadcast v2, $0x1;
	v12 =	vld [tilespmem:s28+$0x32B0]  }
0x11b: {  	[tilespmem:s28+$0x3250] =	vst v5;
	v5 =	vmul.f32 v6, v7;
	v6 =	vld [tilespmem:s28+$0x32C0]  }
0x11c: {  	[tilespmem:s28+$0x3260] =	vst v4;
	v4 =	vmul.f32 v8, v11;
	v7 =	vld [tilespmem:s28+$0x32D0]  }
0x11d: {  	[tilespmem:s28+$0x3270] =	vst v5;
	v5 =	vmul.f32 v9, v11;
	v8 =	vld [tilespmem:s28+$0x32E0]  }
0x11e: {  	[tilespmem:s28+$0x3280] =	vst v4;
	v4 =	vmul.f32 v10, v11;
	v9 =	vld [tilespmem:s28+$0x32F0]  }
0x11f: {  	[tilespmem:s28+$0x3290] =	vst v5;
	v5 =	vmul.f32 v12, v11;
	v10 =	vld [tilespmem:s28+$0x3300]  }
0x120: {  	[tilespmem:s28+$0x32A0] =	vst v4;
	v4 =	vmul.f32 v6, v11;
	v6 =	vld [tilespmem:s28+$0x3310]  }
0x121: {  	[tilespmem:s28+$0x32B0] =	vst v5;
	v5 =	vmul.f32 v7, v11;
	v7 =	vld [tilespmem:s28+$0x3320]  }
0x122: {  	[tilespmem:s28+$0x32C0] =	vst v4;
	v4 =	vmul.f32 v8, v11;
	v8 =	vbroadcast v2, $0x2;
	v12 =	vld [tilespmem:s28+$0x3330]  }
0x123: {  	[tilespmem:s28+$0x32D0] =	vst v5;
	v5 =	vmul.f32 v9, v11;
	v9 =	vld [tilespmem:s28+$0x3340]  }
0x124: {  	[tilespmem:s28+$0x32E0] =	vst v4;
	v4 =	vmul.f32 v10, v8;
	v10 =	vld [tilespmem:s28+$0x3350]  }
0x125: {  	[tilespmem:s28+$0x32F0] =	vst v5;
	v5 =	vmul.f32 v6, v8;
	v6 =	vld [tilespmem:s28+$0x3360]  }
0x126: {  	[tilespmem:s28+$0x3300] =	vst v4;
	v4 =	vmul.f32 v7, v8;
	v7 =	vld [tilespmem:s28+$0x3370]  }
0x127: {  	[tilespmem:s28+$0x3310] =	vst v5;
	v5 =	vmul.f32 v12, v8;
	v11 =	vld [tilespmem:s28+$0x3380]  }
0x128: {  	[tilespmem:s28+$0x3320] =	vst v4;
	v4 =	vmul.f32 v9, v8;
	v9 =	vld [tilespmem:s28+$0x3390]  }
0x129: {  	[tilespmem:s28+$0x3330] =	vst v5;
	v5 =	vmul.f32 v10, v8;
	v10 =	vld [tilespmem:s28+$0x33A0]  }
0x12a: {  	[tilespmem:s28+$0x3340] =	vst v4;
	v4 =	vmul.f32 v6, v8;
	v6 =	vld [tilespmem:s28+$0x33B0]  }
0x12b: {  	[tilespmem:s28+$0x3350] =	vst v5;
	v5 =	vmul.f32 v7, v8;
	v7 =	vld [tilespmem:s28+$0x33C0]  }
0x12c: {  	[tilespmem:s28+$0x3360] =	vst v4;
	v4 =	vmul.f32 v11, v3;
	v8 =	vld [tilespmem:s28+$0x33D0]  }
0x12d: {  	[tilespmem:s28+$0x3370] =	vst v5;
	v5 =	vmul.f32 v9, v3;
	v9 =	vld [tilespmem:s28+$0x33E0]  }
0x12e: {  	[tilespmem:s28+$0x3380] =	vst v4;
	v4 =	vmul.f32 v10, v3;
	v10 =	vld [tilespmem:s28+$0x33F0]  }
0x12f: {  	[tilespmem:s28+$0x3390] =	vst v5;
	v5 =	vmul.f32 v6, v3;
	v6 =	vld [tilespmem:s28+$0x3400]  }
0x130: {  	[tilespmem:s28+$0x33A0] =	vst v4;
	v4 =	vmul.f32 v7, v3;
	v7 =	vld [tilespmem:s28+$0x3410]  }
0x131: {  	[tilespmem:s28+$0x33B0] =	vst v5;
	v5 =	vmul.f32 v8, v3;
	v8 =	vld [tilespmem:s28+$0x3420]  }
0x132: {  	[tilespmem:s28+$0x33C0] =	vst v4;
	v4 =	vmul.f32 v9, v3;
	v9 =	vbroadcast v2, $0x4;
	v11 =	vld [tilespmem:s28+$0x3430]  }
0x133: {  	[tilespmem:s28+$0x33D0] =	vst v5;
	v3 =	vmul.f32 v10, v3;
	v5 =	vld [tilespmem:s28+$0x3440]  }
0x134: {  	[tilespmem:s28+$0x33E0] =	vst v4;
	v4 =	vmul.f32 v6, v9;
	v6 =	vld [tilespmem:s28+$0x3450]  }
0x135: {  	[tilespmem:s28+$0x33F0] =	vst v3;
	v3 =	vmul.f32 v7, v9;
	v7 =	vld [tilespmem:s28+$0x3460]  }
0x136: {  	[tilespmem:s28+$0x3400] =	vst v4;
	v4 =	vmul.f32 v8, v9;
	v8 =	vld [tilespmem:s28+$0x3470]  }
0x137: {  	[tilespmem:s28+$0x3410] =	vst v3;
	v3 =	vmul.f32 v11, v9;
	v10 =	vld [tilespmem:s28+$0x3480]  }
0x138: {  	[tilespmem:s28+$0x3420] =	vst v4;
	v4 =	vmul.f32 v5, v9;
	v5 =	vld [tilespmem:s28+$0x3490]  }
0x139: {  	[tilespmem:s28+$0x3430] =	vst v3;
	v3 =	vmul.f32 v6, v9;
	v6 =	vld [tilespmem:s28+$0x34A0]  }
0x13a: {  	[tilespmem:s28+$0x3440] =	vst v4;
	v4 =	vmul.f32 v7, v9;
	v7 =	vbroadcast v2, $0x5;
	v11 =	vld [tilespmem:s28+$0x34B0]  }
0x13b: {  	[tilespmem:s28+$0x3450] =	vst v3;
	v3 =	vmul.f32 v8, v9;
	v8 =	vld [tilespmem:s28+$0x34C0]  }
0x13c: {  	[tilespmem:s28+$0x3460] =	vst v4;
	v4 =	vmul.f32 v10, v7;
	v9 =	vld [tilespmem:s28+$0x34D0]  }
0x13d: {  	[tilespmem:s28+$0x3470] =	vst v3;
	v3 =	vmul.f32 v5, v7;
	v5 =	vld [tilespmem:s28+$0x34E0]  }
0x13e: {  	[tilespmem:s28+$0x3480] =	vst v4;
	v4 =	vmul.f32 v6, v7;
	v6 =	vld [tilespmem:s28+$0x34F0]  }
0x13f: {  	[tilespmem:s28+$0x3490] =	vst v3;
	v3 =	vmul.f32 v11, v7;
	v10 =	vld [tilespmem:s28+$0x3500]  }
0x140: {  	[tilespmem:s28+$0x34A0] =	vst v4;
	v4 =	vmul.f32 v8, v7;
	v8 =	vld [tilespmem:s28+$0x3510]  }
0x141: {  	[tilespmem:s28+$0x34B0] =	vst v3;
	v3 =	vmul.f32 v9, v7;
	v9 =	vld [tilespmem:s28+$0x3520]  }
0x142: {  	[tilespmem:s28+$0x34C0] =	vst v4;
	v4 =	vmul.f32 v5, v7;
	v5 =	vbroadcast v2, $0x6;
	v11 =	vld [tilespmem:s28+$0x3530]  }
0x143: {  	[tilespmem:s28+$0x34D0] =	vst v3;
	v3 =	vmul.f32 v6, v7;
	v6 =	vld [tilespmem:s28+$0x3540]  }
0x144: {  	[tilespmem:s28+$0x34E0] =	vst v4;
	v4 =	vmul.f32 v10, v5;
	v7 =	vld [tilespmem:s28+$0x3550]  }
0x145: {  	[tilespmem:s28+$0x34F0] =	vst v3;
	v3 =	vmul.f32 v8, v5;
	v8 =	vld [tilespmem:s28+$0x3560]  }
0x146: {  	[tilespmem:s28+$0x3500] =	vst v4;
	v4 =	vmul.f32 v9, v5;
	v9 =	vld [tilespmem:s28+$0x3570]  }
0x147: {  	[tilespmem:s28+$0x3510] =	vst v3;
	v3 =	vmul.f32 v11, v5;
	v10 =	vld [tilespmem:s28+$0x3580]  }
0x148: {  	[tilespmem:s28+$0x3520] =	vst v4;
	v4 =	vmul.f32 v6, v5;
	v6 =	vld [tilespmem:s28+$0x3590]  }
0x149: {  	[tilespmem:s28+$0x3530] =	vst v3;
	v3 =	vmul.f32 v7, v5;
	v7 =	vld [tilespmem:s28+$0x35A0]  }
0x14a: {  	[tilespmem:s28+$0x3540] =	vst v4;
	v4 =	vmul.f32 v8, v5;
	v8 =	vbroadcast v2, $0x7;
	v11 =	vld [tilespmem:s28+$0x35B0]  }
0x14b: {  	[tilespmem:s28+$0x3550] =	vst v3;
	v3 =	vmul.f32 v9, v5;
	v5 =	vld [tilespmem:s28+$0x35C0]  }
0x14c: {  	[tilespmem:s28+$0x3560] =	vst v4;
	v4 =	vmul.f32 v10, v8;
	v9 =	vld [tilespmem:s28+$0x35D0]  }
0x14d: {  	[tilespmem:s28+$0x3570] =	vst v3;
	v3 =	vmul.f32 v6, v8;
	v6 =	vld [tilespmem:s28+$0x35E0]  }
0x14e: {  	[tilespmem:s28+$0x3580] =	vst v4;
	v4 =	vmul.f32 v7, v8;
	v7 =	vld [tilespmem:s28+$0x35F0]  }
0x14f: {  	[tilespmem:s28+$0x3590] =	vst v3;
	v3 =	vmul.f32 v11, v8;
	v10 =	vld [tilespmem:s28+$0x3600]  }
0x150: {  	[tilespmem:s28+$0x35A0] =	vst v4;
	v4 =	vmul.f32 v5, v8;
	v5 =	vld [tilespmem:s28+$0x3610]  }
0x151: {  	[tilespmem:s28+$0x35B0] =	vst v3;
	v3 =	vmul.f32 v9, v8;
	v9 =	vld [tilespmem:s28+$0x3620]  }
0x152: {  	[tilespmem:s28+$0x35C0] =	vst v4;
	v4 =	vmul.f32 v6, v8;
	v6 =	vbroadcast v2, $0x8;
	v11 =	vld [tilespmem:s28+$0x3630]  }
0x153: {  	[tilespmem:s28+$0x35D0] =	vst v3;
	v3 =	vmul.f32 v7, v8;
	v7 =	vld [tilespmem:s28+$0x3640]  }
0x154: {  	[tilespmem:s28+$0x35E0] =	vst v4;
	v4 =	vmul.f32 v10, v6;
	v8 =	vld [tilespmem:s28+$0x3650]  }
0x155: {  	[tilespmem:s28+$0x35F0] =	vst v3;
	v3 =	vmul.f32 v5, v6;
	v5 =	vld [tilespmem:s28+$0x3660]  }
0x156: {  	[tilespmem:s28+$0x3600] =	vst v4;
	v4 =	vmul.f32 v9, v6;
	v9 =	vld [tilespmem:s28+$0x3670]  }
0x157: {  	[tilespmem:s28+$0x3610] =	vst v3;
	v3 =	vmul.f32 v11, v6;
	v10 =	vld [tilespmem:s28+$0x3690]  }
0x158: {  	[tilespmem:s28+$0x3620] =	vst v4;
	v4 =	vmul.f32 v7, v6;
	v7 =	vld [tilespmem:s28+$0x36A0]  }
0x159: {  	[tilespmem:s28+$0x3630] =	vst v3;
	v8 =	vmul.f32 v8, v6;
	v11 =	vld [tilespmem:s28+$0x36D0]  }
0x15a: {  	v3 =	vbroadcast v2, $0x9;
	[tilespmem:s28+$0x3640] =	vst v4;
	v4 =	vmul.f32 v5, v6;
	v5 =	vld [tilespmem:s28+$0x36F0]  }
0x15b: {  	[tilespmem:s28+$0x3650] =	vst v8;
	v6 =	vmul.f32 v9, v6;
	v8 =	vld [tilespmem:s28+$0x3700]  }
0x15c: {  	[tilespmem:s28+$0x3660] =	vst v4;
	v4 =	vmul.f32 v10, v3;
	v9 =	vld [tilespmem:s28+$0x3720]  }
0x15d: {  	[tilespmem:s28+$0x3670] =	vst v6;
	v6 =	vmul.f32 v7, v3;
	v7 =	vld [tilespmem:s28+$0x3730]  }
0x15e: {  	[tilespmem:s28+$0x3690] =	vst v4;
	v10 =	vmul.f32 v11, v3;
	v4 =	vbroadcast v2, $0xA;
	v11 =	vld [tilespmem:s28+$0x3750]  }
0x15f: {  	[tilespmem:s28+$0x36A0] =	vst v6;
	v5 =	vmul.f32 v5, v3;
	v6 =	vld [tilespmem:s28+$0x3760]  }
0x160: {  	[tilespmem:s28+$0x36D0] =	vst v10;
	v8 =	vmul.f32 v8, v4;
	v10 =	vld [tilespmem:s28+$0x3770]  }
0x161: {  	[tilespmem:s28+$0x36F0] =	vst v5;
	v5 =	vmul.f32 v9, v4;
	v9 =	vld [tilespmem:s28+$0x3780]  }
0x162: {  	[tilespmem:s28+$0x3700] =	vst v8;
	v7 =	vmul.f32 v7, v4;
	v8 =	vld [tilespmem:s28+$0x37A0]  }
0x163: {  	[tilespmem:s28+$0x3720] =	vst v5;
	v5 =	vmul.f32 v11, v4;
	v11 =	vld [tilespmem:s28+$0x37B0]  }
0x164: {  	[tilespmem:s28+$0x3730] =	vst v7;
	v6 =	vmul.f32 v6, v4;
	v7 =	vbroadcast v2, $0xB;
	v12 =	vld [tilespmem:s28+$0x37C0]  }
0x165: {  	[tilespmem:s28+$0x3750] =	vst v5;
	v5 =	vmul.f32 v10, v4;
	v10 =	vld [tilespmem:s28+$0x37E0]  }
0x166: {  	[tilespmem:s28+$0x3760] =	vst v6;
	v6 =	vmul.f32 v9, v7;
	v9 =	vld [tilespmem:s28+$0x37F0]  }
0x167: {  	[tilespmem:s28+$0x3770] =	vst v5;
	v5 =	vmul.f32 v8, v7;
	v8 =	vld [tilespmem:s28+$0x37D0]  }
0x168: {  	[tilespmem:s28+$0x3780] =	vst v6;
	v6 =	vmul.f32 v11, v7;
	v11 =	vld [tilespmem:s28+$0x3800]  }
0x169: {  	[tilespmem:s28+$0x37A0] =	vst v5;
	v5 =	vmul.f32 v12, v7;
	v12 =	vld [tilespmem:s28+$0x3810]  }
0x16a: {  	[tilespmem:s28+$0x37B0] =	vst v6;
	v6 =	vmul.f32 v10, v7;
	v10 =	vld [tilespmem:s28+$0x3830]  }
0x16b: {  	[tilespmem:s28+$0x37C0] =	vst v5;
	v9 =	vmul.f32 v9, v7;
	v5 =	vbroadcast v2, $0xC;
	v13 =	vld [tilespmem:s28+$0x3880]  }
0x16c: {  	v8 =	vmul.f32 v8, v7;
	[tilespmem:s28+$0x37E0] =	vst v6;
	v6 =	vld [tilespmem:s28+$0x38A0]  }
0x16d: {  	[tilespmem:s28+$0x37F0] =	vst v9;
	v9 =	vmul.f32 v11, v5;
	v11 =	vld [tilespmem:s28+$0x38B0]  }
0x16e: {  	[tilespmem:s28+$0x37D0] =	vst v8;
	v8 =	vmul.f32 v12, v5;
	v12 =	vbroadcast v2, $0xD;
	v14 =	vld [tilespmem:s28+$0x38C0]  }
0x16f: {  	[tilespmem:s28+$0x3800] =	vst v9;
	v9 =	vmul.f32 v10, v5;
	v10 =	vld [tilespmem:s28+$0x38E0]  }
0x170: {  	[tilespmem:s28+$0x3810] =	vst v8;
	v8 =	vmul.f32 v13, v12;
	v13 =	vld [tilespmem:s28+$0x38F0]  }
0x171: {  	[tilespmem:s28+$0x3830] =	vst v9;
	v6 =	vmul.f32 v6, v12;
	v9 =	vld [tilespmem:s28+$0x3900]  }
0x172: {  	v15 =	vld [tilespmem:s28+$0x36B0];
	[tilespmem:s28+$0x3880] =	vst v8;
	v8 =	vmul.f32 v11, v12  }
0x173: {  	[tilespmem:s28+$0x38A0] =	vst v6;
	v6 =	vmul.f32 v14, v12;
	v11 =	vld [tilespmem:s28+$0x3920]  }
0x174: {  	[tilespmem:s28+$0x38B0] =	vst v8;
	v8 =	vmul.f32 v10, v12;
	v10 =	vbroadcast v2, $0xE;
	v14 =	vld [tilespmem:s28+$0x3940]  }
0x175: {  	v16 =	vld [tilespmem:s28+$0x3710];
	[tilespmem:s28+$0x38C0] =	vst v6;
	v6 =	vmul.f32 v13, v12  }
0x176: {  	v13 =	vld [tilespmem:s28+$0x3790];
	[tilespmem:s28+$0x38E0] =	vst v8;
	v8 =	vmul.f32 v9, v10  }
0x177: {  	v9 =	vmul.f32 v15, v3;
	[tilespmem:s28+$0x38F0] =	vst v6;
	v6 =	vld [tilespmem:s28+$0x3980]  }
0x178: {  	v15 =	vld [tilespmem:s28+$0x36E0];
	[tilespmem:s28+$0x3900] =	vst v8;
	v8 =	vmul.f32 v11, v10  }
0x179: {  	[tilespmem:s28+$0x36B0] =	vst v9;
	v9 =	vld [tilespmem:s28+$0x36C0];
	v11 =	vmul.f32 v14, v10  }
0x17a: {  	v2 =	vbroadcast v2, $0xF;
	v14 =	vmul.f32 v16, v4;
	v16 =	vld [tilespmem:s28+$0x3820];
	[tilespmem:s28+$0x3920] =	vst v8  }
0x17b: {  	v7 =	vmul.f32 v13, v7;
	v8 =	vld [tilespmem:s28+$0x3840];
	[tilespmem:s28+$0x3940] =	vst v11  }
0x17c: {  	[tilespmem:s28+$0x3710] =	vst v14;
	v11 =	vld [tilespmem:s28+$0x3950];
	v6 =	vmul.f32 v6, v2  }
0x17d: {  	v13 =	vmul.f32 v15, v3;
	[tilespmem:s28+$0x3790] =	vst v7;
	v7 =	vld [tilespmem:s28+$0x3970]  }
0x17e: {  	v9 =	vmul.f32 v9, v3;
	v14 =	vld [tilespmem:s28+$0x3850];
	[tilespmem:s28+$0x3980] =	vst v6  }
0x17f: {  	[tilespmem:s28+$0x36E0] =	vst v13;
	v6 =	vmul.f32 v16, v5;
	v13 =	vld [tilespmem:s28+$0x3990]  }
0x180: {  	[tilespmem:s28+$0x36C0] =	vst v9;
	v8 =	vmul.f32 v8, v5;
	v9 =	vld [tilespmem:s28+$0x3890]  }
0x181: {  	[tilespmem:s28+$0x3820] =	vst v6;
	v6 =	vmul.f32 v11, v10;
	v11 =	vld [tilespmem:s28+$0x3960]  }
0x182: {  	[tilespmem:s28+$0x3840] =	vst v8;
	v7 =	vmul.f32 v7, v10;
	v8 =	vld [tilespmem:s28+$0x39A0]  }
0x183: {  	v14 =	vmul.f32 v14, v5;
	[tilespmem:s28+$0x3950] =	vst v6;
	v6 =	vld [tilespmem:s28+$0x39B0]  }
0x184: {  	v15 =	vld [tilespmem:s28+$0x3870];
	[tilespmem:s28+$0x3970] =	vst v7;
	v7 =	vmul.f32 v13, v2  }
0x185: {  	[tilespmem:s28+$0x3850] =	vst v14;
	v9 =	vmul.f32 v9, v12;
	v13 =	vld [tilespmem:s28+$0x38D0]  }
0x186: {  	v11 =	vmul.f32 v11, v10;
	[tilespmem:s28+$0x3990] =	vst v7;
	v7 =	vld [tilespmem:s28+$0x39C0]  }
0x187: {  	[tilespmem:s28+$0x3890] =	vst v9;
	v8 =	vmul.f32 v8, v2;
	v9 =	vld [tilespmem:s28+$0x39D0]  }
0x188: {  	v14 =	vld [tilespmem:s28+$0x3740];
	[tilespmem:s28+$0x3960] =	vst v11;
	v6 =	vmul.f32 v6, v2  }
0x189: {  	v11 =	vmul.f32 v15, v5;
	[tilespmem:s28+$0x39A0] =	vst v8;
	v8 =	vld [tilespmem:s28+$0x39E0]  }
0x18a: {  	v15 =	vld [tilespmem:s28+$0x3680];
	v12 =	vmul.f32 v13, v12;
	[tilespmem:s28+$0x39B0] =	vst v6  }
0x18b: {  	[tilespmem:s28+$0x3870] =	vst v11;
	v6 =	vld [tilespmem:s28+$0x3910];
	v7 =	vmul.f32 v7, v2  }
0x18c: {  	v11 =	vld [tilespmem:s28+$0x3860];
	[tilespmem:s28+$0x38D0] =	vst v12;
	v9 =	vmul.f32 v9, v2  }
0x18d: {  	v4 =	vmul.f32 v14, v4;
	v12 =	vld [tilespmem:s28+$0x3930];
	[tilespmem:s28+$0x39C0] =	vst v7  }
0x18e: {  	[tilespmem:s28+$0x39D0] =	vst v9;
	v7 =	vmul.f32 v8, v2;
	v8 =	vld [tilespmem:s28+$0x39F0]  }
0x18f: {  	v3 =	vmul.f32 v15, v3;
	[tilespmem:s28+$0x3740] =	vst v4  }
.Ltmp1:
0x190: {  	v4 =	vmul.f32 v6, v10;
	[tilespmem:s28+$0x39E0] =	vst v7;
	(pc) =	sbr.rel @p1 .LBB2_7-.Ltmp1, $4  }
0x191: {  	[tilespmem:s28+$0x3680] =	vst v3;
	v3 =	vmul.f32 v11, v5  }
0x192: {  	[tilespmem:s28+$0x3910] =	vst v4;
	v4 =	vmul.f32 v12, v10  }
0x193: {  	[tilespmem:s28+$0x3860] =	vst v3;
	v2 =	vmul.f32 v8, v2  }
0x194: {  	[tilespmem:s28+$0x3930] =	vst v4  }
0x195: {  	s25 =	sadd.s32 $0x1, s25  }
0x196: {  	p1 =	sne.s32 s25, $0x15  }
.Ltmp2:
0x197: {  	[tilespmem:s28+$0x39F0] =	vst v2;
	(pc) =	sbr.rel @p1 .LBB2_6-.Ltmp2, $4  }
0x198: {  	[spmem:s2] =	stream.indirect.scatter.add.f32 [tilespmem:s14], [sflag:$0x2], $0x80, s20, s17, $0xb8;
	[tilespmem:$0x1EE00] =	vst v63  }
0x199: {  	_ =	swait.ge [sflag:s15], $0x8000  }
0x19a: {  	[sflag:s15] =	ssyncset.done $0x0  }
0x19b: {  	[sflag:s15] =	ssyncadd.s32 $0xFFFF8000  }
.Ltmp3:
0x19c: {  	(pc) =	sbr.rel @p0 .LBB2_5-.Ltmp3, $2  }
0x19d: {  	_ =	sdelay $0x2  }
0x19e: {  	s25 =	simm.s32 $0x300;
	p1 =	por $0x0, $0x0  }
0x19f: {  	s22 =	smul.u32 $0x27800, s22  }
0x1a0: {  	[bflag:$0x0] =	sbarrier.arrive $0xFFFF;
	s23 =	sshll.u32 s1, $0x6;
	s21 =	sadd.s32 $0x1, s21  }
0x1a1: {  	s24 =	sshrl.u32 s6, $0x3;
	p0 =	sne.s32 s21, $0x3;
	s22 =	sadd.s32 s5, s22  }
.Ltmp4:
0x1a2: {  	s23 =	sor.u32 $0x1C02, s23;
	s22 =	sadd.s32 s12, s22;
	(pc) =	sbr.rel @p0 .LBB2_2-.Ltmp4, $4  }
0x1a3: {  	[hbm:s22], [sflag:s23] =	dma.local [spmem:s24], $0x2780  }
0x1a4: {  	_ =	swait.ge [sflag:s15], $0x2780  }
0x1a5: {  	[sflag:s15] =	ssyncset.done $0x0  }
0x1a6: {  	[sflag:s15] =	ssyncadd.s32 $0xFFFFD880  }
0x1a7: {  	s3 =	sadd.s32 $0x1, s3  }
0x1a8: {  	p0 =	sne.s32 s3, s13  }
.Ltmp5:
0x1a9: {  	_ = 	snop;
	(pc) =	sbr.rel @p0 .LBB2_1-.Ltmp5, $1  }
0x1aa: {  	_ =	sdelay $0x3  }
0x1ab: {  	_ =	sfence.sel $0x180000  }
0x1ac: {  	[bflag:$0x0] =	sbarrier.arrive $0xFFFF  }
0x1ad: {  	p0 =	sne.s32 s1, $0x0;
	_ =	strace $0x9000004A  }
0x1ae: {  	s0 =	sadd.s32 @!p0 $0x100000, s0;
	[bflag:$0x2] =	sbarrier.arrive $0xFFFF  }
0x1af: {  	[sflag:s0] =	ssyncadd.tile.s32 @!p0 $0x1;
	_ =	shalt  }
.Lfunc_end2:
_tile_overlayer_lowered:
.L_overlay_start_2:
0x1b0: {  	(tag) =	ssettag $0x2  }
0x1b1: {  	s0 =	rddreg [dreg:$0x0];
	s2 =	stileid.u32  }
0x1b2: {  	s1 =	rddreg [dreg:$0x1];
	p0 =	sne.s32 s2, $0x0  }
0x1b3: {  	s3 =	rddreg [dreg:$0x2];
	[bflag:$0x3] =	sbarrier.arrive $0xFFFF;
	s2 =	simm.s32 @!p0 $0x1C02  }
0x1b4: {  	[timem:s3], [sflag:s2] =	dma.local @!p0 [hbm:s0], s1  }
0x1b5: {  	s0 =	simm.s32 @!p0 $0x2  }
0x1b6: {  	_ =	swait.ge @!p0 [sflag:s0], s1  }
0x1b7: {  	s1 =	ssub.s32 @!p0 $0x0, s1;
	[sflag:s0] =	ssyncset.done @!p0 $0x0  }
0x1b8: {  	[sflag:s0] =	ssyncadd.s32 @!p0 s1  }
0x1b9: {  	[bflag:$0x3] =	sbarrier.arrive $0xFFFF  }
0x1ba: {  	_ =	shalt  }

</sc_bundles>
